<compile_context>
chip_gen: v7x
topology: tpu7x:2x2x1
jax: 0.10.2.dev20260603
libtpu: 0.0.44.dev20260713+nightly
codegen_flags: <defaults>
</compile_context>

<pallas_src>
import functools

import jax
import jax.numpy as jnp
from jax import lax
from jax.experimental import pallas as pl
from jax.experimental.pallas import tpu as pltpu
from jax.experimental.pallas import tpu_sc as plsc

_MAX_TRIALS = 10

_RW = [1.0]
for _i in range(1, _MAX_TRIALS + 1):
    _RW.append(_RW[-1] + 1.0 / _i + 1.0)
_W1, _W2, _W3, _W5, _W10 = _RW[1], _RW[2], _RW[3], _RW[5], _RW[10]

_B = 4096
_L = 256
_BSC = 2048
_ROWS_TC = 8
_NW = 32
_RPW = _BSC // _NW
_SG = 32
_NSG = _RPW // _SG
_JB = 8
_NEG = -3.0e38
_NEGTEST = -1.0e38


def _el(p, one):
    q = one - p
    q2 = q * q
    q3 = q2 * q
    q4 = q2 * q2
    q5 = q4 * q
    return p * (_W10 + q * _W5 + q2 * _W3 + (q3 + q4) * _W2) + q5 * _W1


def _sc_body(x_hbm, t_hbm, out_hbm, xs, ts, xcol, zcol, xp, zp, obuf):
    wid = lax.axis_index("s") * 2 + lax.axis_index("c")
    base = wid * _RPW
    pltpu.sync_copy(x_hbm.at[pl.ds(base, _RPW)], xs)
    pltpu.sync_copy(t_hbm.at[pl.ds(base, _RPW)], ts)
    iota32 = lax.iota(jnp.int32, 16) * _SG
    zero = jnp.zeros((16,), jnp.float32)
    one = jnp.ones((16,), jnp.float32)
    zero_b = jnp.zeros((2 * 16,), jnp.bfloat16)
    one_b = jnp.ones((2 * 16,), jnp.bfloat16)

    def sg_body(g, partial):
        def tr_r(r, carry):
            def tr_jb(jb, carry2):
                row = g * _SG + r
                xv = xs[row, pl.ds(jb * 16, 16)]
                tv = ts[row, pl.ds(jb * 16, 16)]
                zv = jnp.where(tv == 0, xv, _NEG)
                idx = iota32 + (jb * 16 * _SG + r)
                plsc.store_scatter(xcol, [idx], xv)
                plsc.store_scatter(zcol, [idx], zv)
                return carry2

            return lax.fori_loop(0, _L // 16, tr_jb, carry)

        lax.fori_loop(0, _SG, tr_r, 0)

        def pk_body(k, carry):
            xa = xcol[pl.ds(k * _SG, 16)]
            xb = xcol[pl.ds(k * _SG + 16, 16)]
            za = zcol[pl.ds(k * _SG, 16)]
            zb = zcol[pl.ds(k * _SG + 16, 16)]
            xp[pl.ds(k * 16, 16)] = plsc.bitcast(
                plsc.pack(xa, xb, format=plsc.PackFormat.INTERLEAVED), jnp.int32
            )
            zp[pl.ds(k * 16, 16)] = plsc.bitcast(
                plsc.pack(za, zb, format=plsc.PackFormat.INTERLEAVED), jnp.int32
            )
            return carry

        lax.fori_loop(0, _L, pk_body, 0)

        def sn_body(k, carry):
            sa, sb, na, nb = carry
            za = zcol[pl.ds(k * _SG, 16)]
            zb = zcol[pl.ds(k * _SG + 16, 16)]
            xa = xcol[pl.ds(k * _SG, 16)]
            xb = xcol[pl.ds(k * _SG + 16, 16)]
            ia = za >= _NEGTEST
            ib = zb >= _NEGTEST
            na = na + jnp.where(ia, one, zero)
            nb = nb + jnp.where(ib, one, zero)
            sa = sa + jnp.where(ia, xa, -xa)
            sb = sb + jnp.where(ib, xb, -xb)
            return sa, sb, na, nb

        fl = jnp.full((16,), float(_L), jnp.float32)
        sa, sb, na, nb = lax.fori_loop(0, _L, sn_body, (fl, fl, zero, zero))
        inv_a = one / jnp.maximum(na, one)
        inv_b = one / jnp.maximum(nb, one)

        def jb_body(jb, carry):
            elsum_a, elsum_b = carry
            xj = [
                plsc.bitcast(xp[pl.ds((jb * _JB + jj) * 16, 16)], jnp.bfloat16)
                for jj in range(_JB)
            ]
            cnt0 = tuple(zero_b for _ in range(_JB))

            def k_body(k8, cnts):
                cnts = list(cnts)
                for dk in range(8):
                    zk = plsc.bitcast(
                        zp[pl.ds((k8 * 8 + dk) * 16, 16)], jnp.bfloat16
                    )
                    for jj in range(_JB):
                        cnts[jj] = cnts[jj] + jnp.where(
                            zk >= xj[jj], one_b, zero_b
                        )
                return tuple(cnts)

            cnts = lax.fori_loop(0, _L // 8, k_body, cnt0)

            for jj in range(_JB):
                j = jb * _JB + jj
                ca, cb = plsc.unpack(cnts[jj], format=plsc.PackFormat.INTERLEAVED)
                zja = zcol[pl.ds(j * _SG, 16)]
                zjb = zcol[pl.ds(j * _SG + 16, 16)]
                ela = _el(ca.astype(jnp.float32) * inv_a, one)
                elb = _el(cb.astype(jnp.float32) * inv_b, one)
                elsum_a = elsum_a + jnp.where(zja < _NEGTEST, ela, zero)
                elsum_b = elsum_b + jnp.where(zjb < _NEGTEST, elb, zero)
            return elsum_a, elsum_b

        elsum_a, elsum_b = lax.fori_loop(0, _L // _JB, jb_body, (zero, zero))
        return partial + sa * elsum_a + sb * elsum_b

    partial = lax.fori_loop(0, _NSG, sg_body, zero)
    obuf[...] = partial
    pltpu.sync_copy(obuf, out_hbm.at[wid])


_sc_call = functools.partial(
    pl.kernel,
    out_type=jax.ShapeDtypeStruct((_NW, 16), jnp.float32),
    mesh=plsc.VectorSubcoreMesh(core_axis_name="c", subcore_axis_name="s"),
    compiler_params=pltpu.CompilerParams(needs_layout_passes=False),
    scratch_types=[
        pltpu.VMEM((_RPW, _L), jnp.float32),
        pltpu.VMEM((_RPW, _L), jnp.int32),
        pltpu.VMEM((_L * _SG,), jnp.float32),
        pltpu.VMEM((_L * _SG,), jnp.float32),
        pltpu.VMEM((_L * 16,), jnp.int32),
        pltpu.VMEM((_L * 16,), jnp.int32),
        pltpu.VMEM((16,), jnp.float32),
    ],
)(_sc_body)


def _tc_body(x_ref, t_ref, out_ref):
    i = pl.program_id(0)
    x = x_ref[...]
    t = t_ref[...]
    lsz = x.shape[1]
    neg = t == 0
    z = jnp.where(neg, x, -jnp.inf)
    nneg = jnp.sum(neg.astype(jnp.float32), axis=1, keepdims=True)
    cnt = jnp.zeros(x.shape, jnp.float32)
    for k in range(lsz):
        cnt += (z[:, k : k + 1] >= x).astype(jnp.float32)
    p = cnt / jnp.maximum(nneg, 1.0)
    el = _el(p, 1.0)
    el = jnp.where(t == 1, el, 0.0)
    s = jnp.float32(lsz) - jnp.sum(x * (2.0 * t.astype(jnp.float32) - 1.0), axis=1)
    partial = jnp.sum(s * jnp.sum(el, axis=1))

    @pl.when(i == 0)
    def _():
        out_ref[0, 0] = 0.0

    out_ref[0, 0] += partial


def _fin_body(sc_ref, tc_ref, o_ref):
    o_ref[0, 0] = jnp.sum(sc_ref[...]) + tc_ref[0, 0]


@jax.jit
def kernel(input, target):
    part_sc = _sc_call(input, target)
    blk0 = _BSC // _ROWS_TC
    part_tc = pl.pallas_call(
        _tc_body,
        grid=((_B - _BSC) // _ROWS_TC,),
        in_specs=[
            pl.BlockSpec((_ROWS_TC, _L), lambda i: (i + blk0, 0)),
            pl.BlockSpec((_ROWS_TC, _L), lambda i: (i + blk0, 0)),
        ],
        out_specs=pl.BlockSpec((1, 1), lambda i: (0, 0), memory_space=pltpu.SMEM),
        out_shape=jax.ShapeDtypeStruct((1, 1), jnp.float32),
    )(input, target)
    out = pl.pallas_call(
        _fin_body,
        in_specs=[
            pl.BlockSpec(memory_space=pltpu.VMEM),
            pl.BlockSpec(memory_space=pltpu.SMEM),
        ],
        out_shape=jax.ShapeDtypeStruct((1, 1), jnp.float32),
        out_specs=pl.BlockSpec(memory_space=pltpu.SMEM),
    )(part_sc, part_tc)
    return out.reshape(())

# --- scband reference (transcript-rebuilt; emitter-appended) ---
"""Pipeline reference for scband-warploss-29532195127619 (READ-ONLY COPY).

The authoritative reference and input builder live on the scoring server;
editing this copy changes nothing except your own understanding.
"""

import jax, jax.numpy as jnp
import numpy as np

MAX_NUM_TRIALS = 10


def _rank_weights(label_size):
    # rank_weights[0] = 1.0; rank_weights[i] = rank_weights[i-1] + (1.0/i + 1.0)
    i = jnp.arange(1, label_size, dtype=jnp.float32)
    return jnp.concatenate([jnp.array([1.0], dtype=jnp.float32),
                            1.0 + jnp.cumsum(1.0 / i + 1.0)]).astype(jnp.float32)


def _compute_L(inp, target, key):
    # Vectorized equivalent of the per-(i,j) negative-sampling loop:
    # for each (i,j) with target==1, repeatedly sample a uniform negative label
    # until score margin >= 0 or MAX_NUM_TRIALS reached; num_trials = count.
    B, Lsz = inp.shape
    rw = _rank_weights(Lsz)
    neg_logits = jnp.where(target == 0, 0.0, -jnp.inf)  # uniform over negatives
    samples = jax.random.categorical(key, neg_logits[:, None, None, :], axis=-1,
                                     shape=(B, Lsz, MAX_NUM_TRIALS))
    flat = samples.reshape(B, Lsz * MAX_NUM_TRIALS)
    gathered = jnp.take_along_axis(inp, flat, axis=1).reshape(B, Lsz, MAX_NUM_TRIALS)
    margin = gathered - inp[:, :, None]          # input[i, neg_idx] - input[i, j]
    found = margin >= 0.0                        # loop exits when margin >= 0
    any_found = jnp.any(found, axis=-1)
    first = jnp.argmax(found, axis=-1) + 1       # 1-based trial index of first success
    num_trials = jnp.where(any_found, first, MAX_NUM_TRIALS)
    r_j = (MAX_NUM_TRIALS // num_trials).astype(jnp.int32)  # floor division
    L = jnp.where(target == 1, rw[r_j], 0.0)
    return L


def setup_inputs(seed: int = 0) -> dict:
    key = jax.random.key(seed)
    k1, k2 = jax.random.split(key)
    x = jax.random.normal(k1, (4096, 256), dtype=jnp.float32)
    target = jax.random.randint(k2, (4096, 256), 0, 2).astype(jnp.int32)
    return {"input": x, "target": target}


def reference(input, target):
    key = jax.random.key(42)
    L = _compute_L(input, target, key)
    positive_indices = (target > 0).astype(jnp.float32)
    negative_indices = (target == 0).astype(jnp.float32)
    S = jnp.sum(1.0 - positive_indices * input + negative_indices * input,
                axis=1, keepdims=True)
    loss = jnp.sum(L * S, axis=1)
    return jnp.sum(loss, axis=0)

if __name__ == "__main__":
    import jax
    _d = setup_inputs()
    print(jax.jit(kernel)(*tuple(_d.values())))

</pallas_src>

<mosaic_0001>
#map = affine_map<(d0, d1) -> (0, 0)>
module attributes {stable_mosaic.version = 14 : i64} {
  func.func @_sc_body(%arg0: i32, %arg1: i32, %arg2: memref<4096x256xf32, #tpu.memory_space<hbm>>, %arg3: memref<4096x256xi32, #tpu.memory_space<hbm>>, %arg4: memref<32x16xf32, #tpu.memory_space<hbm>>, %arg5: memref<64x256xf32, #tpu.memory_space<vmem>>, %arg6: memref<64x256xi32, #tpu.memory_space<vmem>>, %arg7: memref<8192xf32, #tpu.memory_space<vmem>>, %arg8: memref<8192xf32, #tpu.memory_space<vmem>>, %arg9: memref<4096xi32, #tpu.memory_space<vmem>>, %arg10: memref<4096xi32, #tpu.memory_space<vmem>>, %arg11: memref<16xf32, #tpu.memory_space<vmem>>) attributes {dimension_semantics = [#tpu.dimension_semantics<core_parallel>, #tpu.dimension_semantics<subcore_parallel>], iteration_bounds = array<i64: 2, 16>, scalar_prefetch = 0 : i64, scratch_operands = 7 : i64, tpu.core_type = #tpu.core_type<sc_vector_subcore>, window_params = [{transform_indices = #map}, {transform_indices = #map}, {transform_indices = #map}]} {
    %mul3A = arith.constant 2 : i32
    %mul3A_0 = arith.muli %arg1, %mul3A : i32
    %add3A = arith.addi %mul3A_0, %arg0 : i32
    %mul3A_1 = arith.constant 64 : i32
    %mul3A_2 = arith.muli %add3A, %mul3A_1 : i32
    "tpu.region"() ({
      %run_scoped3A = tpu.sem_alloc : memref<!tpu.dma_semaphore, #tpu.memory_space<semaphore_mem>>
      %dma_start3A = arith.constant 0 : i32
      %dma_start3A_19 = tpu.memref_slice %arg2[%mul3A_2, %dma_start3A] : memref<4096x256xf32, #tpu.memory_space<hbm>> -> memref<64x256xf32, #tpu.memory_space<hbm>>
      %dma_start3A_20 = arith.constant 0 : i32
      %dma_start3A_21 = tpu.memref_slice %arg2[%mul3A_2, %dma_start3A_20] : memref<4096x256xf32, #tpu.memory_space<hbm>> -> memref<64x256xf32, #tpu.memory_space<hbm>>
      tpu.enqueue_dma source(%dma_start3A_21 : memref<64x256xf32, #tpu.memory_space<hbm>>) target(%arg5 : memref<64x256xf32, #tpu.memory_space<vmem>>) target_semaphore(%run_scoped3A : memref<!tpu.dma_semaphore, #tpu.memory_space<semaphore_mem>>)
      %dma_wait3A = arith.constant 0 : i32
      %dma_wait3A_22 = tpu.memref_slice %arg2[%mul3A_2, %dma_wait3A] : memref<4096x256xf32, #tpu.memory_space<hbm>> -> memref<64x256xf32, #tpu.memory_space<hbm>>
      %dma_wait3A_23 = arith.constant 0 : i32
      %dma_wait3A_24 = tpu.memref_slice %arg2[%mul3A_2, %dma_wait3A_23] : memref<4096x256xf32, #tpu.memory_space<hbm>> -> memref<64x256xf32, #tpu.memory_space<hbm>>
      tpu.wait_dma2 semaphore(%run_scoped3A : memref<!tpu.dma_semaphore, #tpu.memory_space<semaphore_mem>>) src(%dma_wait3A_24 : memref<64x256xf32, #tpu.memory_space<hbm>>) dst(%arg5 : memref<64x256xf32, #tpu.memory_space<vmem>>)
      tpu.yield
    }) : () -> ()
    "tpu.region"() ({
      %run_scoped3A = tpu.sem_alloc : memref<!tpu.dma_semaphore, #tpu.memory_space<semaphore_mem>>
      %dma_start3A = arith.constant 0 : i32
      %dma_start3A_19 = tpu.memref_slice %arg3[%mul3A_2, %dma_start3A] : memref<4096x256xi32, #tpu.memory_space<hbm>> -> memref<64x256xi32, #tpu.memory_space<hbm>>
      %dma_start3A_20 = arith.constant 0 : i32
      %dma_start3A_21 = tpu.memref_slice %arg3[%mul3A_2, %dma_start3A_20] : memref<4096x256xi32, #tpu.memory_space<hbm>> -> memref<64x256xi32, #tpu.memory_space<hbm>>
      tpu.enqueue_dma source(%dma_start3A_21 : memref<64x256xi32, #tpu.memory_space<hbm>>) target(%arg6 : memref<64x256xi32, #tpu.memory_space<vmem>>) target_semaphore(%run_scoped3A : memref<!tpu.dma_semaphore, #tpu.memory_space<semaphore_mem>>)
      %dma_wait3A = arith.constant 0 : i32
      %dma_wait3A_22 = tpu.memref_slice %arg3[%mul3A_2, %dma_wait3A] : memref<4096x256xi32, #tpu.memory_space<hbm>> -> memref<64x256xi32, #tpu.memory_space<hbm>>
      %dma_wait3A_23 = arith.constant 0 : i32
      %dma_wait3A_24 = tpu.memref_slice %arg3[%mul3A_2, %dma_wait3A_23] : memref<4096x256xi32, #tpu.memory_space<hbm>> -> memref<64x256xi32, #tpu.memory_space<hbm>>
      tpu.wait_dma2 semaphore(%run_scoped3A : memref<!tpu.dma_semaphore, #tpu.memory_space<semaphore_mem>>) src(%dma_wait3A_24 : memref<64x256xi32, #tpu.memory_space<hbm>>) dst(%arg6 : memref<64x256xi32, #tpu.memory_space<vmem>>)
      tpu.yield
    }) : () -> ()
    %iota3A = tpu.iota {dimensions = array<i32: 0>} : vector<16xi32>
    %mul3A_3 = arith.constant 32 : i32
    %mul3A_4 = vector.broadcast %mul3A_3 : i32 to vector<16xi32>
    %mul3A_5 = arith.muli %iota3A, %mul3A_4 : vector<16xi32>
    %broadcast_in_dim3A = arith.constant 0.000000e+00 : f32
    %broadcast_in_dim3A_6 = vector.broadcast %broadcast_in_dim3A : f32 to vector<16xf32>
    %broadcast_in_dim3A_7 = arith.constant 1.000000e+00 : f32
    %broadcast_in_dim3A_8 = vector.broadcast %broadcast_in_dim3A_7 : f32 to vector<16xf32>
    %broadcast_in_dim3A_9 = arith.constant 0.000000e+00 : bf16
    %broadcast_in_dim3A_10 = vector.broadcast %broadcast_in_dim3A_9 : bf16 to vector<32xbf16>
    %broadcast_in_dim3A_11 = arith.constant 1.000000e+00 : bf16
    %broadcast_in_dim3A_12 = vector.broadcast %broadcast_in_dim3A_11 : bf16 to vector<32xbf16>
    %scan3A = arith.constant 0 : i32
    %scan3A_13 = arith.constant 2 : i32
    %scan3A_14 = arith.addi %scan3A, %scan3A_13 : i32
    %scan3A_15 = arith.constant 1 : i32
    %scan3A_16 = scf.for %scan3A_19 = %scan3A to %scan3A_14 step %scan3A_15 iter_args(%scan3A_20 = %broadcast_in_dim3A_6) -> (vector<16xf32>)  : i32 {
      %scan3A_21 = arith.constant 0 : i32
      %scan3A_22 = arith.constant 0 : i32
      %scan3A_23 = arith.constant 32 : i32
      %scan3A_24 = arith.addi %scan3A_22, %scan3A_23 : i32
      %scan3A_25 = arith.constant 1 : i32
      scf.for %scan3A_53 = %scan3A_22 to %scan3A_24 step %scan3A_25  : i32 {
        %scan3A_54 = arith.constant 0 : i32
        %scan3A_55 = arith.constant 16 : i32
        %scan3A_56 = arith.addi %scan3A_54, %scan3A_55 : i32
        %scan3A_57 = arith.constant 1 : i32
        scf.for %scan3A_59 = %scan3A_54 to %scan3A_56 step %scan3A_57  : i32 {
          %mul3A_60 = arith.constant 32 : i32
          %mul3A_61 = arith.muli %scan3A_19, %mul3A_60 : i32
          %add3A_62 = arith.addi %mul3A_61, %scan3A_53 : i32
          %mul3A_63 = arith.constant 16 : i32
          %mul3A_64 = arith.muli %scan3A_59, %mul3A_63 : i32
          %get3A = arith.index_cast %add3A_62 : i32 to index
          %get3A_65 = arith.index_cast %mul3A_64 : i32 to index
          %get3A_66 = tpu.vector_load %arg5[%get3A, %get3A_65] {strides = array<i32>} : memref<64x256xf32, #tpu.memory_space<vmem>>, vector<16xf32>,
          %mul3A_67 = arith.constant 16 : i32
          %mul3A_68 = arith.muli %scan3A_59, %mul3A_67 : i32
          %get3A_69 = arith.index_cast %add3A_62 : i32 to index
          %get3A_70 = arith.index_cast %mul3A_68 : i32 to index
          %get3A_71 = tpu.vector_load %arg6[%get3A_69, %get3A_70] {strides = array<i32>} : memref<64x256xi32, #tpu.memory_space<vmem>>, vector<16xi32>,
          %eq3A = arith.constant 0 : i32
          %eq3A_72 = vector.broadcast %eq3A : i32 to vector<16xi32>
          %eq3A_73 = arith.cmpi eq, %get3A_71, %eq3A_72 : vector<16xi32>
          %jit3A = arith.constant -3.000000e+38 : f32
          %broadcast_in_dim3A_74 = vector.broadcast %jit3A : f32 to vector<16xf32>
          %select_n3A = arith.select %eq3A_73, %get3A_66, %broadcast_in_dim3A_74 : vector<16xi1>, vector<16xf32>
          %mul3A_75 = arith.constant 16 : i32
          %mul3A_76 = arith.muli %scan3A_59, %mul3A_75 : i32
          %mul3A_77 = arith.constant 32 : i32
          %mul3A_78 = arith.muli %mul3A_76, %mul3A_77 : i32
          %add3A_79 = arith.addi %mul3A_78, %scan3A_53 : i32
          %add3A_80 = vector.broadcast %add3A_79 : i32 to vector<16xi32>
          %add3A_81 = arith.addi %mul3A_5, %add3A_80 : vector<16xi32>
          tpu.vector_store_idx %arg7[%add3A_81], %get3A_66 : memref<8192xf32, #tpu.memory_space<vmem>>[vector<16xi32>], vector<16xf32>,
          tpu.vector_store_idx %arg8[%add3A_81], %select_n3A : memref<8192xf32, #tpu.memory_space<vmem>>[vector<16xi32>], vector<16xf32>,
        }
        %scan3A_58 = arith.constant 16 : i32
      }
      %scan3A_26 = arith.constant 32 : i32
      %scan3A_27 = arith.constant 0 : i32
      %scan3A_28 = arith.constant 0 : i32
      %scan3A_29 = arith.constant 256 : i32
      %scan3A_30 = arith.addi %scan3A_28, %scan3A_29 : i32
      %scan3A_31 = arith.constant 1 : i32
      scf.for %scan3A_53 = %scan3A_28 to %scan3A_30 step %scan3A_31  : i32 {
        %mul3A_54 = arith.constant 32 : i32
        %mul3A_55 = arith.muli %scan3A_53, %mul3A_54 : i32
        %get3A = arith.index_cast %mul3A_55 : i32 to index
        %get3A_56 = tpu.vector_load %arg7[%get3A] {strides = array<i32>} : memref<8192xf32, #tpu.memory_space<vmem>>, vector<16xf32>,
        %mul3A_57 = arith.constant 32 : i32
        %mul3A_58 = arith.muli %scan3A_53, %mul3A_57 : i32
        %add3A_59 = arith.constant 16 : i32
        %add3A_60 = arith.addi %mul3A_58, %add3A_59 : i32
        %get3A_61 = arith.index_cast %add3A_60 : i32 to index
        %get3A_62 = tpu.vector_load %arg7[%get3A_61] {strides = array<i32>} : memref<8192xf32, #tpu.memory_space<vmem>>, vector<16xf32>,
        %mul3A_63 = arith.constant 32 : i32
        %mul3A_64 = arith.muli %scan3A_53, %mul3A_63 : i32
        %get3A_65 = arith.index_cast %mul3A_64 : i32 to index
        %get3A_66 = tpu.vector_load %arg8[%get3A_65] {strides = array<i32>} : memref<8192xf32, #tpu.memory_space<vmem>>, vector<16xf32>,
        %mul3A_67 = arith.constant 32 : i32
        %mul3A_68 = arith.muli %scan3A_53, %mul3A_67 : i32
        %add3A_69 = arith.constant 16 : i32
        %add3A_70 = arith.addi %mul3A_68, %add3A_69 : i32
        %get3A_71 = arith.index_cast %add3A_70 : i32 to index
        %get3A_72 = tpu.vector_load %arg8[%get3A_71] {strides = array<i32>} : memref<8192xf32, #tpu.memory_space<vmem>>, vector<16xf32>,
        %pack3A = tpu.pack_subelements %get3A_56, %get3A_62 {pack_format = #tpu.pack_format<interleaved>, positions = array<i32: 0, 1>} : vector<16xf32>, vector<16xf32> -> vector<32xbf16>
        %bitcast3A = vector.bitcast %pack3A : vector<32xbf16> to vector<16xi32>
        %mul3A_73 = arith.constant 16 : i32
        %mul3A_74 = arith.muli %scan3A_53, %mul3A_73 : i32
        %swap3A_75 = arith.index_cast %mul3A_74 : i32 to index
        %swap3A_76 = tpu.vector_load %arg9[%swap3A_75] {strides = array<i32>} : memref<4096xi32, #tpu.memory_space<vmem>>, vector<16xi32>,
        tpu.vector_store %arg9[%swap3A_75], %bitcast3A {strides = array<i32>} : memref<4096xi32, #tpu.memory_space<vmem>>, vector<16xi32>,
        %pack3A_77 = tpu.pack_subelements %get3A_66, %get3A_72 {pack_format = #tpu.pack_format<interleaved>, positions = array<i32: 0, 1>} : vector<16xf32>, vector<16xf32> -> vector<32xbf16>
        %bitcast3A_78 = vector.bitcast %pack3A_77 : vector<32xbf16> to vector<16xi32>
        %mul3A_79 = arith.constant 16 : i32
        %mul3A_80 = arith.muli %scan3A_53, %mul3A_79 : i32
        %swap3A_81 = arith.index_cast %mul3A_80 : i32 to index
        %swap3A_82 = tpu.vector_load %arg10[%swap3A_81] {strides = array<i32>} : memref<4096xi32, #tpu.memory_space<vmem>>, vector<16xi32>,
        tpu.vector_store %arg10[%swap3A_81], %bitcast3A_78 {strides = array<i32>} : memref<4096xi32, #tpu.memory_space<vmem>>, vector<16xi32>,
      }
      %scan3A_32 = arith.constant 256 : i32
      %broadcast_in_dim3A_33 = arith.constant 2.560000e+02 : f32
      %broadcast_in_dim3A_34 = vector.broadcast %broadcast_in_dim3A_33 : f32 to vector<16xf32>
      %scan3A_35 = arith.constant 0 : i32
      %scan3A_36 = arith.constant 256 : i32
      %scan3A_37 = arith.addi %scan3A_35, %scan3A_36 : i32
      %scan3A_38 = arith.constant 1 : i32
      %scan3A_39:4 = scf.for %scan3A_53 = %scan3A_35 to %scan3A_37 step %scan3A_38 iter_args(%scan3A_54 = %broadcast_in_dim3A_34, %scan3A_55 = %broadcast_in_dim3A_34, %scan3A_56 = %broadcast_in_dim3A_6, %scan3A_57 = %broadcast_in_dim3A_6) -> (vector<16xf32>, vector<16xf32>, vector<16xf32>, vector<16xf32>)  : i32 {
        %mul3A_58 = arith.constant 32 : i32
        %mul3A_59 = arith.muli %scan3A_53, %mul3A_58 : i32
        %get3A = arith.index_cast %mul3A_59 : i32 to index
        %get3A_60 = tpu.vector_load %arg8[%get3A] {strides = array<i32>} : memref<8192xf32, #tpu.memory_space<vmem>>, vector<16xf32>,
        %mul3A_61 = arith.constant 32 : i32
        %mul3A_62 = arith.muli %scan3A_53, %mul3A_61 : i32
        %add3A_63 = arith.constant 16 : i32
        %add3A_64 = arith.addi %mul3A_62, %add3A_63 : i32
        %get3A_65 = arith.index_cast %add3A_64 : i32 to index
        %get3A_66 = tpu.vector_load %arg8[%get3A_65] {strides = array<i32>} : memref<8192xf32, #tpu.memory_space<vmem>>, vector<16xf32>,
        %mul3A_67 = arith.constant 32 : i32
        %mul3A_68 = arith.muli %scan3A_53, %mul3A_67 : i32
        %get3A_69 = arith.index_cast %mul3A_68 : i32 to index
        %get3A_70 = tpu.vector_load %arg7[%get3A_69] {strides = array<i32>} : memref<8192xf32, #tpu.memory_space<vmem>>, vector<16xf32>,
        %mul3A_71 = arith.constant 32 : i32
        %mul3A_72 = arith.muli %scan3A_53, %mul3A_71 : i32
        %add3A_73 = arith.constant 16 : i32
        %add3A_74 = arith.addi %mul3A_72, %add3A_73 : i32
        %get3A_75 = arith.index_cast %add3A_74 : i32 to index
        %get3A_76 = tpu.vector_load %arg7[%get3A_75] {strides = array<i32>} : memref<8192xf32, #tpu.memory_space<vmem>>, vector<16xf32>,
        %ge3A = arith.constant -9.99999968E+37 : f32
        %ge3A_77 = vector.broadcast %ge3A : f32 to vector<16xf32>
        %ge3A_78 = arith.cmpf oge, %get3A_60, %ge3A_77 : vector<16xf32>
        %ge3A_79 = arith.constant -9.99999968E+37 : f32
        %ge3A_80 = vector.broadcast %ge3A_79 : f32 to vector<16xf32>
        %ge3A_81 = arith.cmpf oge, %get3A_66, %ge3A_80 : vector<16xf32>
        %select_n3A = arith.select %ge3A_78, %broadcast_in_dim3A_8, %broadcast_in_dim3A_6 : vector<16xi1>, vector<16xf32>
        %add3A_82 = arith.addf %scan3A_56, %select_n3A : vector<16xf32>
        %select_n3A_83 = arith.select %ge3A_81, %broadcast_in_dim3A_8, %broadcast_in_dim3A_6 : vector<16xi1>, vector<16xf32>
        %add3A_84 = arith.addf %scan3A_57, %select_n3A_83 : vector<16xf32>
        %neg3A = arith.constant 0.000000e+00 : f32
        %neg3A_85 = vector.broadcast %neg3A : f32 to vector<16xf32>
        %neg3A_86 = arith.subf %neg3A_85, %get3A_70 : vector<16xf32>
        %select_n3A_87 = arith.select %ge3A_78, %get3A_70, %neg3A_86 : vector<16xi1>, vector<16xf32>
        %add3A_88 = arith.addf %scan3A_54, %select_n3A_87 : vector<16xf32>
        %neg3A_89 = arith.constant 0.000000e+00 : f32
        %neg3A_90 = vector.broadcast %neg3A_89 : f32 to vector<16xf32>
        %neg3A_91 = arith.subf %neg3A_90, %get3A_76 : vector<16xf32>
        %select_n3A_92 = arith.select %ge3A_81, %get3A_76, %neg3A_91 : vector<16xi1>, vector<16xf32>
        %add3A_93 = arith.addf %scan3A_55, %select_n3A_92 : vector<16xf32>
        scf.yield %add3A_88, %add3A_93, %add3A_82, %add3A_84 : vector<16xf32>, vector<16xf32>, vector<16xf32>, vector<16xf32>
      }
      %scan3A_40 = arith.constant 256 : i32
      %max3A = arith.maximumf %scan3A_39#2, %broadcast_in_dim3A_8 : vector<16xf32>
      %div3A = arith.divf %broadcast_in_dim3A_8, %max3A : vector<16xf32>
      %max3A_41 = arith.maximumf %scan3A_39#3, %broadcast_in_dim3A_8 : vector<16xf32>
      %div3A_42 = arith.divf %broadcast_in_dim3A_8, %max3A_41 : vector<16xf32>
      %scan3A_43 = arith.constant 0 : i32
      %scan3A_44 = arith.constant 32 : i32
      %scan3A_45 = arith.addi %scan3A_43, %scan3A_44 : i32
      %scan3A_46 = arith.constant 1 : i32
      %scan3A_47:2 = scf.for %scan3A_53 = %scan3A_43 to %scan3A_45 step %scan3A_46 iter_args(%scan3A_54 = %broadcast_in_dim3A_6, %scan3A_55 = %broadcast_in_dim3A_6) -> (vector<16xf32>, vector<16xf32>)  : i32 {
        %mul3A_56 = arith.constant 8 : i32
        %mul3A_57 = arith.muli %scan3A_53, %mul3A_56 : i32
        %add3A_58 = arith.constant 0 : i32
        %add3A_59 = arith.addi %mul3A_57, %add3A_58 : i32
        %mul3A_60 = arith.constant 16 : i32
        %mul3A_61 = arith.muli %add3A_59, %mul3A_60 : i32
        %get3A = arith.index_cast %mul3A_61 : i32 to index
        %get3A_62 = tpu.vector_load %arg9[%get3A] {strides = array<i32>} : memref<4096xi32, #tpu.memory_space<vmem>>, vector<16xi32>,
        %bitcast3A = vector.bitcast %get3A_62 : vector<16xi32> to vector<32xbf16>
        %mul3A_63 = arith.constant 8 : i32
        %mul3A_64 = arith.muli %scan3A_53, %mul3A_63 : i32
        %add3A_65 = arith.constant 1 : i32
        %add3A_66 = arith.addi %mul3A_64, %add3A_65 : i32
        %mul3A_67 = arith.constant 16 : i32
        %mul3A_68 = arith.muli %add3A_66, %mul3A_67 : i32
        %get3A_69 = arith.index_cast %mul3A_68 : i32 to index
        %get3A_70 = tpu.vector_load %arg9[%get3A_69] {strides = array<i32>} : memref<4096xi32, #tpu.memory_space<vmem>>, vector<16xi32>,
        %bitcast3A_71 = vector.bitcast %get3A_70 : vector<16xi32> to vector<32xbf16>
        %mul3A_72 = arith.constant 8 : i32
        %mul3A_73 = arith.muli %scan3A_53, %mul3A_72 : i32
        %add3A_74 = arith.constant 2 : i32
        %add3A_75 = arith.addi %mul3A_73, %add3A_74 : i32
        %mul3A_76 = arith.constant 16 : i32
        %mul3A_77 = arith.muli %add3A_75, %mul3A_76 : i32
        %get3A_78 = arith.index_cast %mul3A_77 : i32 to index
        %get3A_79 = tpu.vector_load %arg9[%get3A_78] {strides = array<i32>} : memref<4096xi32, #tpu.memory_space<vmem>>, vector<16xi32>,
        %bitcast3A_80 = vector.bitcast %get3A_79 : vector<16xi32> to vector<32xbf16>
        %mul3A_81 = arith.constant 8 : i32
        %mul3A_82 = arith.muli %scan3A_53, %mul3A_81 : i32
        %add3A_83 = arith.constant 3 : i32
        %add3A_84 = arith.addi %mul3A_82, %add3A_83 : i32
        %mul3A_85 = arith.constant 16 : i32
        %mul3A_86 = arith.muli %add3A_84, %mul3A_85 : i32
        %get3A_87 = arith.index_cast %mul3A_86 : i32 to index
        %get3A_88 = tpu.vector_load %arg9[%get3A_87] {strides = array<i32>} : memref<4096xi32, #tpu.memory_space<vmem>>, vector<16xi32>,
        %bitcast3A_89 = vector.bitcast %get3A_88 : vector<16xi32> to vector<32xbf16>
        %mul3A_90 = arith.constant 8 : i32
        %mul3A_91 = arith.muli %scan3A_53, %mul3A_90 : i32
        %add3A_92 = arith.constant 4 : i32
        %add3A_93 = arith.addi %mul3A_91, %add3A_92 : i32
        %mul3A_94 = arith.constant 16 : i32
        %mul3A_95 = arith.muli %add3A_93, %mul3A_94 : i32
        %get3A_96 = arith.index_cast %mul3A_95 : i32 to index
        %get3A_97 = tpu.vector_load %arg9[%get3A_96] {strides = array<i32>} : memref<4096xi32, #tpu.memory_space<vmem>>, vector<16xi32>,
        %bitcast3A_98 = vector.bitcast %get3A_97 : vector<16xi32> to vector<32xbf16>
        %mul3A_99 = arith.constant 8 : i32
        %mul3A_100 = arith.muli %scan3A_53, %mul3A_99 : i32
        %add3A_101 = arith.constant 5 : i32
        %add3A_102 = arith.addi %mul3A_100, %add3A_101 : i32
        %mul3A_103 = arith.constant 16 : i32
        %mul3A_104 = arith.muli %add3A_102, %mul3A_103 : i32
        %get3A_105 = arith.index_cast %mul3A_104 : i32 to index
        %get3A_106 = tpu.vector_load %arg9[%get3A_105] {strides = array<i32>} : memref<4096xi32, #tpu.memory_space<vmem>>, vector<16xi32>,
        %bitcast3A_107 = vector.bitcast %get3A_106 : vector<16xi32> to vector<32xbf16>
        %mul3A_108 = arith.constant 8 : i32
        %mul3A_109 = arith.muli %scan3A_53, %mul3A_108 : i32
        %add3A_110 = arith.constant 6 : i32
        %add3A_111 = arith.addi %mul3A_109, %add3A_110 : i32
        %mul3A_112 = arith.constant 16 : i32
        %mul3A_113 = arith.muli %add3A_111, %mul3A_112 : i32
        %get3A_114 = arith.index_cast %mul3A_113 : i32 to index
        %get3A_115 = tpu.vector_load %arg9[%get3A_114] {strides = array<i32>} : memref<4096xi32, #tpu.memory_space<vmem>>, vector<16xi32>,
        %bitcast3A_116 = vector.bitcast %get3A_115 : vector<16xi32> to vector<32xbf16>
        %mul3A_117 = arith.constant 8 : i32
        %mul3A_118 = arith.muli %scan3A_53, %mul3A_117 : i32
        %add3A_119 = arith.constant 7 : i32
        %add3A_120 = arith.addi %mul3A_118, %add3A_119 : i32
        %mul3A_121 = arith.constant 16 : i32
        %mul3A_122 = arith.muli %add3A_120, %mul3A_121 : i32
        %get3A_123 = arith.index_cast %mul3A_122 : i32 to index
        %get3A_124 = tpu.vector_load %arg9[%get3A_123] {strides = array<i32>} : memref<4096xi32, #tpu.memory_space<vmem>>, vector<16xi32>,
        %bitcast3A_125 = vector.bitcast %get3A_124 : vector<16xi32> to vector<32xbf16>
        %scan3A_126 = arith.constant 0 : i32
        %scan3A_127 = arith.constant 32 : i32
        %scan3A_128 = arith.addi %scan3A_126, %scan3A_127 : i32
        %scan3A_129 = arith.constant 1 : i32
        %scan3A_130:8 = scf.for %scan3A_752 = %scan3A_126 to %scan3A_128 step %scan3A_129 iter_args(%scan3A_753 = %broadcast_in_dim3A_10, %scan3A_754 = %broadcast_in_dim3A_10, %scan3A_755 = %broadcast_in_dim3A_10, %scan3A_756 = %broadcast_in_dim3A_10, %scan3A_757 = %broadcast_in_dim3A_10, %scan3A_758 = %broadcast_in_dim3A_10, %scan3A_759 = %broadcast_in_dim3A_10, %scan3A_760 = %broadcast_in_dim3A_10) -> (vector<32xbf16>, vector<32xbf16>, vector<32xbf16>, vector<32xbf16>, vector<32xbf16>, vector<32xbf16>, vector<32xbf16>, vector<32xbf16>)  : i32 {
          %mul3A_761 = arith.constant 8 : i32
          %mul3A_762 = arith.muli %scan3A_752, %mul3A_761 : i32
          %add3A_763 = arith.constant 0 : i32
          %add3A_764 = arith.addi %mul3A_762, %add3A_763 : i32
          %mul3A_765 = arith.constant 16 : i32
          %mul3A_766 = arith.muli %add3A_764, %mul3A_765 : i32
          %get3A_767 = arith.index_cast %mul3A_766 : i32 to index
          %get3A_768 = tpu.vector_load %arg10[%get3A_767] {strides = array<i32>} : memref<4096xi32, #tpu.memory_space<vmem>>, vector<16xi32>,
          %bitcast3A_769 = vector.bitcast %get3A_768 : vector<16xi32> to vector<32xbf16>
          %ge3A = arith.cmpf oge, %bitcast3A_769, %bitcast3A : vector<32xbf16>
          %select_n3A_770 = arith.select %ge3A, %broadcast_in_dim3A_12, %broadcast_in_dim3A_10 : vector<32xi1>, vector<32xbf16>
          %add3A_771 = arith.addf %scan3A_753, %select_n3A_770 : vector<32xbf16>
          %ge3A_772 = arith.cmpf oge, %bitcast3A_769, %bitcast3A_71 : vector<32xbf16>
          %select_n3A_773 = arith.select %ge3A_772, %broadcast_in_dim3A_12, %broadcast_in_dim3A_10 : vector<32xi1>, vector<32xbf16>
          %add3A_774 = arith.addf %scan3A_754, %select_n3A_773 : vector<32xbf16>
          %ge3A_775 = arith.cmpf oge, %bitcast3A_769, %bitcast3A_80 : vector<32xbf16>
          %select_n3A_776 = arith.select %ge3A_775, %broadcast_in_dim3A_12, %broadcast_in_dim3A_10 : vector<32xi1>, vector<32xbf16>
          %add3A_777 = arith.addf %scan3A_755, %select_n3A_776 : vector<32xbf16>
          %ge3A_778 = arith.cmpf oge, %bitcast3A_769, %bitcast3A_89 : vector<32xbf16>
          %select_n3A_779 = arith.select %ge3A_778, %broadcast_in_dim3A_12, %broadcast_in_dim3A_10 : vector<32xi1>, vector<32xbf16>
          %add3A_780 = arith.addf %scan3A_756, %select_n3A_779 : vector<32xbf16>
          %ge3A_781 = arith.cmpf oge, %bitcast3A_769, %bitcast3A_98 : vector<32xbf16>
          %select_n3A_782 = arith.select %ge3A_781, %broadcast_in_dim3A_12, %broadcast_in_dim3A_10 : vector<32xi1>, vector<32xbf16>
          %add3A_783 = arith.addf %scan3A_757, %select_n3A_782 : vector<32xbf16>
          %ge3A_784 = arith.cmpf oge, %bitcast3A_769, %bitcast3A_107 : vector<32xbf16>
          %select_n3A_785 = arith.select %ge3A_784, %broadcast_in_dim3A_12, %broadcast_in_dim3A_10 : vector<32xi1>, vector<32xbf16>
          %add3A_786 = arith.addf %scan3A_758, %select_n3A_785 : vector<32xbf16>
          %ge3A_787 = arith.cmpf oge, %bitcast3A_769, %bitcast3A_116 : vector<32xbf16>
          %select_n3A_788 = arith.select %ge3A_787, %broadcast_in_dim3A_12, %broadcast_in_dim3A_10 : vector<32xi1>, vector<32xbf16>
          %add3A_789 = arith.addf %scan3A_759, %select_n3A_788 : vector<32xbf16>
          %ge3A_790 = arith.cmpf oge, %bitcast3A_769, %bitcast3A_125 : vector<32xbf16>
          %select_n3A_791 = arith.select %ge3A_790, %broadcast_in_dim3A_12, %broadcast_in_dim3A_10 : vector<32xi1>, vector<32xbf16>
          %add3A_792 = arith.addf %scan3A_760, %select_n3A_791 : vector<32xbf16>
          %mul3A_793 = arith.constant 8 : i32
          %mul3A_794 = arith.muli %scan3A_752, %mul3A_793 : i32
          %add3A_795 = arith.constant 1 : i32
          %add3A_796 = arith.addi %mul3A_794, %add3A_795 : i32
          %mul3A_797 = arith.constant 16 : i32
          %mul3A_798 = arith.muli %add3A_796, %mul3A_797 : i32
          %get3A_799 = arith.index_cast %mul3A_798 : i32 to index
          %get3A_800 = tpu.vector_load %arg10[%get3A_799] {strides = array<i32>} : memref<4096xi32, #tpu.memory_space<vmem>>, vector<16xi32>,
          %bitcast3A_801 = vector.bitcast %get3A_800 : vector<16xi32> to vector<32xbf16>
          %ge3A_802 = arith.cmpf oge, %bitcast3A_801, %bitcast3A : vector<32xbf16>
          %select_n3A_803 = arith.select %ge3A_802, %broadcast_in_dim3A_12, %broadcast_in_dim3A_10 : vector<32xi1>, vector<32xbf16>
          %add3A_804 = arith.addf %add3A_771, %select_n3A_803 : vector<32xbf16>
          %ge3A_805 = arith.cmpf oge, %bitcast3A_801, %bitcast3A_71 : vector<32xbf16>
          %select_n3A_806 = arith.select %ge3A_805, %broadcast_in_dim3A_12, %broadcast_in_dim3A_10 : vector<32xi1>, vector<32xbf16>
          %add3A_807 = arith.addf %add3A_774, %select_n3A_806 : vector<32xbf16>
          %ge3A_808 = arith.cmpf oge, %bitcast3A_801, %bitcast3A_80 : vector<32xbf16>
          %select_n3A_809 = arith.select %ge3A_808, %broadcast_in_dim3A_12, %broadcast_in_dim3A_10 : vector<32xi1>, vector<32xbf16>
          %add3A_810 = arith.addf %add3A_777, %select_n3A_809 : vector<32xbf16>
          %ge3A_811 = arith.cmpf oge, %bitcast3A_801, %bitcast3A_89 : vector<32xbf16>
          %select_n3A_812 = arith.select %ge3A_811, %broadcast_in_dim3A_12, %broadcast_in_dim3A_10 : vector<32xi1>, vector<32xbf16>
          %add3A_813 = arith.addf %add3A_780, %select_n3A_812 : vector<32xbf16>
          %ge3A_814 = arith.cmpf oge, %bitcast3A_801, %bitcast3A_98 : vector<32xbf16>
          %select_n3A_815 = arith.select %ge3A_814, %broadcast_in_dim3A_12, %broadcast_in_dim3A_10 : vector<32xi1>, vector<32xbf16>
          %add3A_816 = arith.addf %add3A_783, %select_n3A_815 : vector<32xbf16>
          %ge3A_817 = arith.cmpf oge, %bitcast3A_801, %bitcast3A_107 : vector<32xbf16>
          %select_n3A_818 = arith.select %ge3A_817, %broadcast_in_dim3A_12, %broadcast_in_dim3A_10 : vector<32xi1>, vector<32xbf16>
          %add3A_819 = arith.addf %add3A_786, %select_n3A_818 : vector<32xbf16>
          %ge3A_820 = arith.cmpf oge, %bitcast3A_801, %bitcast3A_116 : vector<32xbf16>
          %select_n3A_821 = arith.select %ge3A_820, %broadcast_in_dim3A_12, %broadcast_in_dim3A_10 : vector<32xi1>, vector<32xbf16>
          %add3A_822 = arith.addf %add3A_789, %select_n3A_821 : vector<32xbf16>
          %ge3A_823 = arith.cmpf oge, %bitcast3A_801, %bitcast3A_125 : vector<32xbf16>
          %select_n3A_824 = arith.select %ge3A_823, %broadcast_in_dim3A_12, %broadcast_in_dim3A_10 : vector<32xi1>, vector<32xbf16>
          %add3A_825 = arith.addf %add3A_792, %select_n3A_824 : vector<32xbf16>
          %mul3A_826 = arith.constant 8 : i32
          %mul3A_827 = arith.muli %scan3A_752, %mul3A_826 : i32
          %add3A_828 = arith.constant 2 : i32
          %add3A_829 = arith.addi %mul3A_827, %add3A_828 : i32
          %mul3A_830 = arith.constant 16 : i32
          %mul3A_831 = arith.muli %add3A_829, %mul3A_830 : i32
          %get3A_832 = arith.index_cast %mul3A_831 : i32 to index
          %get3A_833 = tpu.vector_load %arg10[%get3A_832] {strides = array<i32>} : memref<4096xi32, #tpu.memory_space<vmem>>, vector<16xi32>,
          %bitcast3A_834 = vector.bitcast %get3A_833 : vector<16xi32> to vector<32xbf16>
          %ge3A_835 = arith.cmpf oge, %bitcast3A_834, %bitcast3A : vector<32xbf16>
          %select_n3A_836 = arith.select %ge3A_835, %broadcast_in_dim3A_12, %broadcast_in_dim3A_10 : vector<32xi1>, vector<32xbf16>
          %add3A_837 = arith.addf %add3A_804, %select_n3A_836 : vector<32xbf16>
          %ge3A_838 = arith.cmpf oge, %bitcast3A_834, %bitcast3A_71 : vector<32xbf16>
          %select_n3A_839 = arith.select %ge3A_838, %broadcast_in_dim3A_12, %broadcast_in_dim3A_10 : vector<32xi1>, vector<32xbf16>
          %add3A_840 = arith.addf %add3A_807, %select_n3A_839 : vector<32xbf16>
          %ge3A_841 = arith.cmpf oge, %bitcast3A_834, %bitcast3A_80 : vector<32xbf16>
          %select_n3A_842 = arith.select %ge3A_841, %broadcast_in_dim3A_12, %broadcast_in_dim3A_10 : vector<32xi1>, vector<32xbf16>
          %add3A_843 = arith.addf %add3A_810, %select_n3A_842 : vector<32xbf16>
          %ge3A_844 = arith.cmpf oge, %bitcast3A_834, %bitcast3A_89 : vector<32xbf16>
          %select_n3A_845 = arith.select %ge3A_844, %broadcast_in_dim3A_12, %broadcast_in_dim3A_10 : vector<32xi1>, vector<32xbf16>
          %add3A_846 = arith.addf %add3A_813, %select_n3A_845 : vector<32xbf16>
          %ge3A_847 = arith.cmpf oge, %bitcast3A_834, %bitcast3A_98 : vector<32xbf16>
          %select_n3A_848 = arith.select %ge3A_847, %broadcast_in_dim3A_12, %broadcast_in_dim3A_10 : vector<32xi1>, vector<32xbf16>
          %add3A_849 = arith.addf %add3A_816, %select_n3A_848 : vector<32xbf16>
          %ge3A_850 = arith.cmpf oge, %bitcast3A_834, %bitcast3A_107 : vector<32xbf16>
          %select_n3A_851 = arith.select %ge3A_850, %broadcast_in_dim3A_12, %broadcast_in_dim3A_10 : vector<32xi1>, vector<32xbf16>
          %add3A_852 = arith.addf %add3A_819, %select_n3A_851 : vector<32xbf16>
          %ge3A_853 = arith.cmpf oge, %bitcast3A_834, %bitcast3A_116 : vector<32xbf16>
          %select_n3A_854 = arith.select %ge3A_853, %broadcast_in_dim3A_12, %broadcast_in_dim3A_10 : vector<32xi1>, vector<32xbf16>
          %add3A_855 = arith.addf %add3A_822, %select_n3A_854 : vector<32xbf16>
          %ge3A_856 = arith.cmpf oge, %bitcast3A_834, %bitcast3A_125 : vector<32xbf16>
          %select_n3A_857 = arith.select %ge3A_856, %broadcast_in_dim3A_12, %broadcast_in_dim3A_10 : vector<32xi1>, vector<32xbf16>
          %add3A_858 = arith.addf %add3A_825, %select_n3A_857 : vector<32xbf16>
          %mul3A_859 = arith.constant 8 : i32
          %mul3A_860 = arith.muli %scan3A_752, %mul3A_859 : i32
          %add3A_861 = arith.constant 3 : i32
          %add3A_862 = arith.addi %mul3A_860, %add3A_861 : i32
          %mul3A_863 = arith.constant 16 : i32
          %mul3A_864 = arith.muli %add3A_862, %mul3A_863 : i32
          %get3A_865 = arith.index_cast %mul3A_864 : i32 to index
          %get3A_866 = tpu.vector_load %arg10[%get3A_865] {strides = array<i32>} : memref<4096xi32, #tpu.memory_space<vmem>>, vector<16xi32>,
          %bitcast3A_867 = vector.bitcast %get3A_866 : vector<16xi32> to vector<32xbf16>
          %ge3A_868 = arith.cmpf oge, %bitcast3A_867, %bitcast3A : vector<32xbf16>
          %select_n3A_869 = arith.select %ge3A_868, %broadcast_in_dim3A_12, %broadcast_in_dim3A_10 : vector<32xi1>, vector<32xbf16>
          %add3A_870 = arith.addf %add3A_837, %select_n3A_869 : vector<32xbf16>
          %ge3A_871 = arith.cmpf oge, %bitcast3A_867, %bitcast3A_71 : vector<32xbf16>
          %select_n3A_872 = arith.select %ge3A_871, %broadcast_in_dim3A_12, %broadcast_in_dim3A_10 : vector<32xi1>, vector<32xbf16>
          %add3A_873 = arith.addf %add3A_840, %select_n3A_872 : vector<32xbf16>
          %ge3A_874 = arith.cmpf oge, %bitcast3A_867, %bitcast3A_80 : vector<32xbf16>
          %select_n3A_875 = arith.select %ge3A_874, %broadcast_in_dim3A_12, %broadcast_in_dim3A_10 : vector<32xi1>, vector<32xbf16>
          %add3A_876 = arith.addf %add3A_843, %select_n3A_875 : vector<32xbf16>
          %ge3A_877 = arith.cmpf oge, %bitcast3A_867, %bitcast3A_89 : vector<32xbf16>
          %select_n3A_878 = arith.select %ge3A_877, %broadcast_in_dim3A_12, %broadcast_in_dim3A_10 : vector<32xi1>, vector<32xbf16>
          %add3A_879 = arith.addf %add3A_846, %select_n3A_878 : vector<32xbf16>
          %ge3A_880 = arith.cmpf oge, %bitcast3A_867, %bitcast3A_98 : vector<32xbf16>
          %select_n3A_881 = arith.select %ge3A_880, %broadcast_in_dim3A_12, %broadcast_in_dim3A_10 : vector<32xi1>, vector<32xbf16>
          %add3A_882 = arith.addf %add3A_849, %select_n3A_881 : vector<32xbf16>
          %ge3A_883 = arith.cmpf oge, %bitcast3A_867, %bitcast3A_107 : vector<32xbf16>
          %select_n3A_884 = arith.select %ge3A_883, %broadcast_in_dim3A_12, %broadcast_in_dim3A_10 : vector<32xi1>, vector<32xbf16>
          %add3A_885 = arith.addf %add3A_852, %select_n3A_884 : vector<32xbf16>
          %ge3A_886 = arith.cmpf oge, %bitcast3A_867, %bitcast3A_116 : vector<32xbf16>
          %select_n3A_887 = arith.select %ge3A_886, %broadcast_in_dim3A_12, %broadcast_in_dim3A_10 : vector<32xi1>, vector<32xbf16>
          %add3A_888 = arith.addf %add3A_855, %select_n3A_887 : vector<32xbf16>
          %ge3A_889 = arith.cmpf oge, %bitcast3A_867, %bitcast3A_125 : vector<32xbf16>
          %select_n3A_890 = arith.select %ge3A_889, %broadcast_in_dim3A_12, %broadcast_in_dim3A_10 : vector<32xi1>, vector<32xbf16>
          %add3A_891 = arith.addf %add3A_858, %select_n3A_890 : vector<32xbf16>
          %mul3A_892 = arith.constant 8 : i32
          %mul3A_893 = arith.muli %scan3A_752, %mul3A_892 : i32
          %add3A_894 = arith.constant 4 : i32
          %add3A_895 = arith.addi %mul3A_893, %add3A_894 : i32
          %mul3A_896 = arith.constant 16 : i32
          %mul3A_897 = arith.muli %add3A_895, %mul3A_896 : i32
          %get3A_898 = arith.index_cast %mul3A_897 : i32 to index
          %get3A_899 = tpu.vector_load %arg10[%get3A_898] {strides = array<i32>} : memref<4096xi32, #tpu.memory_space<vmem>>, vector<16xi32>,
          %bitcast3A_900 = vector.bitcast %get3A_899 : vector<16xi32> to vector<32xbf16>
          %ge3A_901 = arith.cmpf oge, %bitcast3A_900, %bitcast3A : vector<32xbf16>
          %select_n3A_902 = arith.select %ge3A_901, %broadcast_in_dim3A_12, %broadcast_in_dim3A_10 : vector<32xi1>, vector<32xbf16>
          %add3A_903 = arith.addf %add3A_870, %select_n3A_902 : vector<32xbf16>
          %ge3A_904 = arith.cmpf oge, %bitcast3A_900, %bitcast3A_71 : vector<32xbf16>
          %select_n3A_905 = arith.select %ge3A_904, %broadcast_in_dim3A_12, %broadcast_in_dim3A_10 : vector<32xi1>, vector<32xbf16>
          %add3A_906 = arith.addf %add3A_873, %select_n3A_905 : vector<32xbf16>
          %ge3A_907 = arith.cmpf oge, %bitcast3A_900, %bitcast3A_80 : vector<32xbf16>
          %select_n3A_908 = arith.select %ge3A_907, %broadcast_in_dim3A_12, %broadcast_in_dim3A_10 : vector<32xi1>, vector<32xbf16>
          %add3A_909 = arith.addf %add3A_876, %select_n3A_908 : vector<32xbf16>
          %ge3A_910 = arith.cmpf oge, %bitcast3A_900, %bitcast3A_89 : vector<32xbf16>
          %select_n3A_911 = arith.select %ge3A_910, %broadcast_in_dim3A_12, %broadcast_in_dim3A_10 : vector<32xi1>, vector<32xbf16>
          %add3A_912 = arith.addf %add3A_879, %select_n3A_911 : vector<32xbf16>
          %ge3A_913 = arith.cmpf oge, %bitcast3A_900, %bitcast3A_98 : vector<32xbf16>
          %select_n3A_914 = arith.select %ge3A_913, %broadcast_in_dim3A_12, %broadcast_in_dim3A_10 : vector<32xi1>, vector<32xbf16>
          %add3A_915 = arith.addf %add3A_882, %select_n3A_914 : vector<32xbf16>
          %ge3A_916 = arith.cmpf oge, %bitcast3A_900, %bitcast3A_107 : vector<32xbf16>
          %select_n3A_917 = arith.select %ge3A_916, %broadcast_in_dim3A_12, %broadcast_in_dim3A_10 : vector<32xi1>, vector<32xbf16>
          %add3A_918 = arith.addf %add3A_885, %select_n3A_917 : vector<32xbf16>
          %ge3A_919 = arith.cmpf oge, %bitcast3A_900, %bitcast3A_116 : vector<32xbf16>
          %select_n3A_920 = arith.select %ge3A_919, %broadcast_in_dim3A_12, %broadcast_in_dim3A_10 : vector<32xi1>, vector<32xbf16>
          %add3A_921 = arith.addf %add3A_888, %select_n3A_920 : vector<32xbf16>
          %ge3A_922 = arith.cmpf oge, %bitcast3A_900, %bitcast3A_125 : vector<32xbf16>
          %select_n3A_923 = arith.select %ge3A_922, %broadcast_in_dim3A_12, %broadcast_in_dim3A_10 : vector<32xi1>, vector<32xbf16>
          %add3A_924 = arith.addf %add3A_891, %select_n3A_923 : vector<32xbf16>
          %mul3A_925 = arith.constant 8 : i32
          %mul3A_926 = arith.muli %scan3A_752, %mul3A_925 : i32
          %add3A_927 = arith.constant 5 : i32
          %add3A_928 = arith.addi %mul3A_926, %add3A_927 : i32
          %mul3A_929 = arith.constant 16 : i32
          %mul3A_930 = arith.muli %add3A_928, %mul3A_929 : i32
          %get3A_931 = arith.index_cast %mul3A_930 : i32 to index
          %get3A_932 = tpu.vector_load %arg10[%get3A_931] {strides = array<i32>} : memref<4096xi32, #tpu.memory_space<vmem>>, vector<16xi32>,
          %bitcast3A_933 = vector.bitcast %get3A_932 : vector<16xi32> to vector<32xbf16>
          %ge3A_934 = arith.cmpf oge, %bitcast3A_933, %bitcast3A : vector<32xbf16>
          %select_n3A_935 = arith.select %ge3A_934, %broadcast_in_dim3A_12, %broadcast_in_dim3A_10 : vector<32xi1>, vector<32xbf16>
          %add3A_936 = arith.addf %add3A_903, %select_n3A_935 : vector<32xbf16>
          %ge3A_937 = arith.cmpf oge, %bitcast3A_933, %bitcast3A_71 : vector<32xbf16>
          %select_n3A_938 = arith.select %ge3A_937, %broadcast_in_dim3A_12, %broadcast_in_dim3A_10 : vector<32xi1>, vector<32xbf16>
          %add3A_939 = arith.addf %add3A_906, %select_n3A_938 : vector<32xbf16>
          %ge3A_940 = arith.cmpf oge, %bitcast3A_933, %bitcast3A_80 : vector<32xbf16>
          %select_n3A_941 = arith.select %ge3A_940, %broadcast_in_dim3A_12, %broadcast_in_dim3A_10 : vector<32xi1>, vector<32xbf16>
          %add3A_942 = arith.addf %add3A_909, %select_n3A_941 : vector<32xbf16>
          %ge3A_943 = arith.cmpf oge, %bitcast3A_933, %bitcast3A_89 : vector<32xbf16>
          %select_n3A_944 = arith.select %ge3A_943, %broadcast_in_dim3A_12, %broadcast_in_dim3A_10 : vector<32xi1>, vector<32xbf16>
          %add3A_945 = arith.addf %add3A_912, %select_n3A_944 : vector<32xbf16>
          %ge3A_946 = arith.cmpf oge, %bitcast3A_933, %bitcast3A_98 : vector<32xbf16>
          %select_n3A_947 = arith.select %ge3A_946, %broadcast_in_dim3A_12, %broadcast_in_dim3A_10 : vector<32xi1>, vector<32xbf16>
          %add3A_948 = arith.addf %add3A_915, %select_n3A_947 : vector<32xbf16>
          %ge3A_949 = arith.cmpf oge, %bitcast3A_933, %bitcast3A_107 : vector<32xbf16>
          %select_n3A_950 = arith.select %ge3A_949, %broadcast_in_dim3A_12, %broadcast_in_dim3A_10 : vector<32xi1>, vector<32xbf16>
          %add3A_951 = arith.addf %add3A_918, %select_n3A_950 : vector<32xbf16>
          %ge3A_952 = arith.cmpf oge, %bitcast3A_933, %bitcast3A_116 : vector<32xbf16>
          %select_n3A_953 = arith.select %ge3A_952, %broadcast_in_dim3A_12, %broadcast_in_dim3A_10 : vector<32xi1>, vector<32xbf16>
          %add3A_954 = arith.addf %add3A_921, %select_n3A_953 : vector<32xbf16>
          %ge3A_955 = arith.cmpf oge, %bitcast3A_933, %bitcast3A_125 : vector<32xbf16>
          %select_n3A_956 = arith.select %ge3A_955, %broadcast_in_dim3A_12, %broadcast_in_dim3A_10 : vector<32xi1>, vector<32xbf16>
          %add3A_957 = arith.addf %add3A_924, %select_n3A_956 : vector<32xbf16>
          %mul3A_958 = arith.constant 8 : i32
          %mul3A_959 = arith.muli %scan3A_752, %mul3A_958 : i32
          %add3A_960 = arith.constant 6 : i32
          %add3A_961 = arith.addi %mul3A_959, %add3A_960 : i32
          %mul3A_962 = arith.constant 16 : i32
          %mul3A_963 = arith.muli %add3A_961, %mul3A_962 : i32
          %get3A_964 = arith.index_cast %mul3A_963 : i32 to index
          %get3A_965 = tpu.vector_load %arg10[%get3A_964] {strides = array<i32>} : memref<4096xi32, #tpu.memory_space<vmem>>, vector<16xi32>,
          %bitcast3A_966 = vector.bitcast %get3A_965 : vector<16xi32> to vector<32xbf16>
          %ge3A_967 = arith.cmpf oge, %bitcast3A_966, %bitcast3A : vector<32xbf16>
          %select_n3A_968 = arith.select %ge3A_967, %broadcast_in_dim3A_12, %broadcast_in_dim3A_10 : vector<32xi1>, vector<32xbf16>
          %add3A_969 = arith.addf %add3A_936, %select_n3A_968 : vector<32xbf16>
          %ge3A_970 = arith.cmpf oge, %bitcast3A_966, %bitcast3A_71 : vector<32xbf16>
          %select_n3A_971 = arith.select %ge3A_970, %broadcast_in_dim3A_12, %broadcast_in_dim3A_10 : vector<32xi1>, vector<32xbf16>
          %add3A_972 = arith.addf %add3A_939, %select_n3A_971 : vector<32xbf16>
          %ge3A_973 = arith.cmpf oge, %bitcast3A_966, %bitcast3A_80 : vector<32xbf16>
          %select_n3A_974 = arith.select %ge3A_973, %broadcast_in_dim3A_12, %broadcast_in_dim3A_10 : vector<32xi1>, vector<32xbf16>
          %add3A_975 = arith.addf %add3A_942, %select_n3A_974 : vector<32xbf16>
          %ge3A_976 = arith.cmpf oge, %bitcast3A_966, %bitcast3A_89 : vector<32xbf16>
          %select_n3A_977 = arith.select %ge3A_976, %broadcast_in_dim3A_12, %broadcast_in_dim3A_10 : vector<32xi1>, vector<32xbf16>
          %add3A_978 = arith.addf %add3A_945, %select_n3A_977 : vector<32xbf16>
          %ge3A_979 = arith.cmpf oge, %bitcast3A_966, %bitcast3A_98 : vector<32xbf16>
          %select_n3A_980 = arith.select %ge3A_979, %broadcast_in_dim3A_12, %broadcast_in_dim3A_10 : vector<32xi1>, vector<32xbf16>
          %add3A_981 = arith.addf %add3A_948, %select_n3A_980 : vector<32xbf16>
          %ge3A_982 = arith.cmpf oge, %bitcast3A_966, %bitcast3A_107 : vector<32xbf16>
          %select_n3A_983 = arith.select %ge3A_982, %broadcast_in_dim3A_12, %broadcast_in_dim3A_10 : vector<32xi1>, vector<32xbf16>
          %add3A_984 = arith.addf %add3A_951, %select_n3A_983 : vector<32xbf16>
          %ge3A_985 = arith.cmpf oge, %bitcast3A_966, %bitcast3A_116 : vector<32xbf16>
          %select_n3A_986 = arith.select %ge3A_985, %broadcast_in_dim3A_12, %broadcast_in_dim3A_10 : vector<32xi1>, vector<32xbf16>
          %add3A_987 = arith.addf %add3A_954, %select_n3A_986 : vector<32xbf16>
          %ge3A_988 = arith.cmpf oge, %bitcast3A_966, %bitcast3A_125 : vector<32xbf16>
          %select_n3A_989 = arith.select %ge3A_988, %broadcast_in_dim3A_12, %broadcast_in_dim3A_10 : vector<32xi1>, vector<32xbf16>
          %add3A_990 = arith.addf %add3A_957, %select_n3A_989 : vector<32xbf16>
          %mul3A_991 = arith.constant 8 : i32
          %mul3A_992 = arith.muli %scan3A_752, %mul3A_991 : i32
          %add3A_993 = arith.constant 7 : i32
          %add3A_994 = arith.addi %mul3A_992, %add3A_993 : i32
          %mul3A_995 = arith.constant 16 : i32
          %mul3A_996 = arith.muli %add3A_994, %mul3A_995 : i32
          %get3A_997 = arith.index_cast %mul3A_996 : i32 to index
          %get3A_998 = tpu.vector_load %arg10[%get3A_997] {strides = array<i32>} : memref<4096xi32, #tpu.memory_space<vmem>>, vector<16xi32>,
          %bitcast3A_999 = vector.bitcast %get3A_998 : vector<16xi32> to vector<32xbf16>
          %ge3A_1000 = arith.cmpf oge, %bitcast3A_999, %bitcast3A : vector<32xbf16>
          %select_n3A_1001 = arith.select %ge3A_1000, %broadcast_in_dim3A_12, %broadcast_in_dim3A_10 : vector<32xi1>, vector<32xbf16>
          %add3A_1002 = arith.addf %add3A_969, %select_n3A_1001 : vector<32xbf16>
          %ge3A_1003 = arith.cmpf oge, %bitcast3A_999, %bitcast3A_71 : vector<32xbf16>
          %select_n3A_1004 = arith.select %ge3A_1003, %broadcast_in_dim3A_12, %broadcast_in_dim3A_10 : vector<32xi1>, vector<32xbf16>
          %add3A_1005 = arith.addf %add3A_972, %select_n3A_1004 : vector<32xbf16>
          %ge3A_1006 = arith.cmpf oge, %bitcast3A_999, %bitcast3A_80 : vector<32xbf16>
          %select_n3A_1007 = arith.select %ge3A_1006, %broadcast_in_dim3A_12, %broadcast_in_dim3A_10 : vector<32xi1>, vector<32xbf16>
          %add3A_1008 = arith.addf %add3A_975, %select_n3A_1007 : vector<32xbf16>
          %ge3A_1009 = arith.cmpf oge, %bitcast3A_999, %bitcast3A_89 : vector<32xbf16>
          %select_n3A_1010 = arith.select %ge3A_1009, %broadcast_in_dim3A_12, %broadcast_in_dim3A_10 : vector<32xi1>, vector<32xbf16>
          %add3A_1011 = arith.addf %add3A_978, %select_n3A_1010 : vector<32xbf16>
          %ge3A_1012 = arith.cmpf oge, %bitcast3A_999, %bitcast3A_98 : vector<32xbf16>
          %select_n3A_1013 = arith.select %ge3A_1012, %broadcast_in_dim3A_12, %broadcast_in_dim3A_10 : vector<32xi1>, vector<32xbf16>
          %add3A_1014 = arith.addf %add3A_981, %select_n3A_1013 : vector<32xbf16>
          %ge3A_1015 = arith.cmpf oge, %bitcast3A_999, %bitcast3A_107 : vector<32xbf16>
          %select_n3A_1016 = arith.select %ge3A_1015, %broadcast_in_dim3A_12, %broadcast_in_dim3A_10 : vector<32xi1>, vector<32xbf16>
          %add3A_1017 = arith.addf %add3A_984, %select_n3A_1016 : vector<32xbf16>
          %ge3A_1018 = arith.cmpf oge, %bitcast3A_999, %bitcast3A_116 : vector<32xbf16>
          %select_n3A_1019 = arith.select %ge3A_1018, %broadcast_in_dim3A_12, %broadcast_in_dim3A_10 : vector<32xi1>, vector<32xbf16>
          %add3A_1020 = arith.addf %add3A_987, %select_n3A_1019 : vector<32xbf16>
          %ge3A_1021 = arith.cmpf oge, %bitcast3A_999, %bitcast3A_125 : vector<32xbf16>
          %select_n3A_1022 = arith.select %ge3A_1021, %broadcast_in_dim3A_12, %broadcast_in_dim3A_10 : vector<32xi1>, vector<32xbf16>
          %add3A_1023 = arith.addf %add3A_990, %select_n3A_1022 : vector<32xbf16>
          scf.yield %add3A_1002, %add3A_1005, %add3A_1008, %add3A_1011, %add3A_1014, %add3A_1017, %add3A_1020, %add3A_1023 : vector<32xbf16>, vector<32xbf16>, vector<32xbf16>, vector<32xbf16>, vector<32xbf16>, vector<32xbf16>, vector<32xbf16>, vector<32xbf16>
        }
        %scan3A_131 = arith.constant 32 : i32
        %mul3A_132 = arith.constant 8 : i32
        %mul3A_133 = arith.muli %scan3A_53, %mul3A_132 : i32
        %add3A_134 = arith.constant 0 : i32
        %add3A_135 = arith.addi %mul3A_133, %add3A_134 : i32
        %unpack3A = tpu.unpack_subelements %scan3A_130#0, 0 {pack_format = #tpu.pack_format<interleaved>} : vector<32xbf16> -> vector<16xf32>
        %unpack3A_136 = tpu.unpack_subelements %scan3A_130#0, 1 {pack_format = #tpu.pack_format<interleaved>} : vector<32xbf16> -> vector<16xf32>
        %mul3A_137 = arith.constant 32 : i32
        %mul3A_138 = arith.muli %add3A_135, %mul3A_137 : i32
        %get3A_139 = arith.index_cast %mul3A_138 : i32 to index
        %get3A_140 = tpu.vector_load %arg8[%get3A_139] {strides = array<i32>} : memref<8192xf32, #tpu.memory_space<vmem>>, vector<16xf32>,
        %mul3A_141 = arith.constant 32 : i32
        %mul3A_142 = arith.muli %add3A_135, %mul3A_141 : i32
        %add3A_143 = arith.constant 16 : i32
        %add3A_144 = arith.addi %mul3A_142, %add3A_143 : i32
        %get3A_145 = arith.index_cast %add3A_144 : i32 to index
        %get3A_146 = tpu.vector_load %arg8[%get3A_145] {strides = array<i32>} : memref<8192xf32, #tpu.memory_space<vmem>>, vector<16xf32>,
        %mul3A_147 = arith.mulf %unpack3A, %div3A : vector<16xf32>
        %sub3A = arith.subf %broadcast_in_dim3A_8, %mul3A_147 : vector<16xf32>
        %mul3A_148 = arith.mulf %sub3A, %sub3A : vector<16xf32>
        %mul3A_149 = arith.mulf %mul3A_148, %sub3A : vector<16xf32>
        %mul3A_150 = arith.mulf %mul3A_148, %mul3A_148 : vector<16xf32>
        %mul3A_151 = arith.mulf %mul3A_150, %sub3A : vector<16xf32>
        %mul3A_152 = arith.constant 8.28333377 : f32
        %mul3A_153 = vector.broadcast %mul3A_152 : f32 to vector<16xf32>
        %mul3A_154 = arith.mulf %sub3A, %mul3A_153 : vector<16xf32>
        %add3A_155 = arith.constant 13.9289684 : f32
        %add3A_156 = vector.broadcast %add3A_155 : f32 to vector<16xf32>
        %add3A_157 = arith.addf %add3A_156, %mul3A_154 : vector<16xf32>
        %mul3A_158 = arith.constant 5.83333349 : f32
        %mul3A_159 = vector.broadcast %mul3A_158 : f32 to vector<16xf32>
        %mul3A_160 = arith.mulf %mul3A_148, %mul3A_159 : vector<16xf32>
        %add3A_161 = arith.addf %add3A_157, %mul3A_160 : vector<16xf32>
        %add3A_162 = arith.addf %mul3A_149, %mul3A_150 : vector<16xf32>
        %mul3A_163 = arith.constant 4.500000e+00 : f32
        %mul3A_164 = vector.broadcast %mul3A_163 : f32 to vector<16xf32>
        %mul3A_165 = arith.mulf %add3A_162, %mul3A_164 : vector<16xf32>
        %add3A_166 = arith.addf %add3A_161, %mul3A_165 : vector<16xf32>
        %mul3A_167 = arith.mulf %mul3A_147, %add3A_166 : vector<16xf32>
        %mul3A_168 = arith.constant 3.000000e+00 : f32
        %mul3A_169 = vector.broadcast %mul3A_168 : f32 to vector<16xf32>
        %mul3A_170 = arith.mulf %mul3A_151, %mul3A_169 : vector<16xf32>
        %add3A_171 = arith.addf %mul3A_167, %mul3A_170 : vector<16xf32>
        %mul3A_172 = arith.mulf %unpack3A_136, %div3A_42 : vector<16xf32>
        %sub3A_173 = arith.subf %broadcast_in_dim3A_8, %mul3A_172 : vector<16xf32>
        %mul3A_174 = arith.mulf %sub3A_173, %sub3A_173 : vector<16xf32>
        %mul3A_175 = arith.mulf %mul3A_174, %sub3A_173 : vector<16xf32>
        %mul3A_176 = arith.mulf %mul3A_174, %mul3A_174 : vector<16xf32>
        %mul3A_177 = arith.mulf %mul3A_176, %sub3A_173 : vector<16xf32>
        %mul3A_178 = arith.constant 8.28333377 : f32
        %mul3A_179 = vector.broadcast %mul3A_178 : f32 to vector<16xf32>
        %mul3A_180 = arith.mulf %sub3A_173, %mul3A_179 : vector<16xf32>
        %add3A_181 = arith.constant 13.9289684 : f32
        %add3A_182 = vector.broadcast %add3A_181 : f32 to vector<16xf32>
        %add3A_183 = arith.addf %add3A_182, %mul3A_180 : vector<16xf32>
        %mul3A_184 = arith.constant 5.83333349 : f32
        %mul3A_185 = vector.broadcast %mul3A_184 : f32 to vector<16xf32>
        %mul3A_186 = arith.mulf %mul3A_174, %mul3A_185 : vector<16xf32>
        %add3A_187 = arith.addf %add3A_183, %mul3A_186 : vector<16xf32>
        %add3A_188 = arith.addf %mul3A_175, %mul3A_176 : vector<16xf32>
        %mul3A_189 = arith.constant 4.500000e+00 : f32
        %mul3A_190 = vector.broadcast %mul3A_189 : f32 to vector<16xf32>
        %mul3A_191 = arith.mulf %add3A_188, %mul3A_190 : vector<16xf32>
        %add3A_192 = arith.addf %add3A_187, %mul3A_191 : vector<16xf32>
        %mul3A_193 = arith.mulf %mul3A_172, %add3A_192 : vector<16xf32>
        %mul3A_194 = arith.constant 3.000000e+00 : f32
        %mul3A_195 = vector.broadcast %mul3A_194 : f32 to vector<16xf32>
        %mul3A_196 = arith.mulf %mul3A_177, %mul3A_195 : vector<16xf32>
        %add3A_197 = arith.addf %mul3A_193, %mul3A_196 : vector<16xf32>
        %lt3A = arith.constant -9.99999968E+37 : f32
        %lt3A_198 = vector.broadcast %lt3A : f32 to vector<16xf32>
        %lt3A_199 = arith.cmpf olt, %get3A_140, %lt3A_198 : vector<16xf32>
        %select_n3A = arith.select %lt3A_199, %add3A_171, %broadcast_in_dim3A_6 : vector<16xi1>, vector<16xf32>
        %add3A_200 = arith.addf %scan3A_54, %select_n3A : vector<16xf32>
        %lt3A_201 = arith.constant -9.99999968E+37 : f32
        %lt3A_202 = vector.broadcast %lt3A_201 : f32 to vector<16xf32>
        %lt3A_203 = arith.cmpf olt, %get3A_146, %lt3A_202 : vector<16xf32>
        %select_n3A_204 = arith.select %lt3A_203, %add3A_197, %broadcast_in_dim3A_6 : vector<16xi1>, vector<16xf32>
        %add3A_205 = arith.addf %scan3A_55, %select_n3A_204 : vector<16xf32>
        %mul3A_206 = arith.constant 8 : i32
        %mul3A_207 = arith.muli %scan3A_53, %mul3A_206 : i32
        %add3A_208 = arith.constant 1 : i32
        %add3A_209 = arith.addi %mul3A_207, %add3A_208 : i32
        %unpack3A_210 = tpu.unpack_subelements %scan3A_130#1, 0 {pack_format = #tpu.pack_format<interleaved>} : vector<32xbf16> -> vector<16xf32>
        %unpack3A_211 = tpu.unpack_subelements %scan3A_130#1, 1 {pack_format = #tpu.pack_format<interleaved>} : vector<32xbf16> -> vector<16xf32>
        %mul3A_212 = arith.constant 32 : i32
        %mul3A_213 = arith.muli %add3A_209, %mul3A_212 : i32
        %get3A_214 = arith.index_cast %mul3A_213 : i32 to index
        %get3A_215 = tpu.vector_load %arg8[%get3A_214] {strides = array<i32>} : memref<8192xf32, #tpu.memory_space<vmem>>, vector<16xf32>,
        %mul3A_216 = arith.constant 32 : i32
        %mul3A_217 = arith.muli %add3A_209, %mul3A_216 : i32
        %add3A_218 = arith.constant 16 : i32
        %add3A_219 = arith.addi %mul3A_217, %add3A_218 : i32
        %get3A_220 = arith.index_cast %add3A_219 : i32 to index
        %get3A_221 = tpu.vector_load %arg8[%get3A_220] {strides = array<i32>} : memref<8192xf32, #tpu.memory_space<vmem>>, vector<16xf32>,
        %mul3A_222 = arith.mulf %unpack3A_210, %div3A : vector<16xf32>
        %sub3A_223 = arith.subf %broadcast_in_dim3A_8, %mul3A_222 : vector<16xf32>
        %mul3A_224 = arith.mulf %sub3A_223, %sub3A_223 : vector<16xf32>
        %mul3A_225 = arith.mulf %mul3A_224, %sub3A_223 : vector<16xf32>
        %mul3A_226 = arith.mulf %mul3A_224, %mul3A_224 : vector<16xf32>
        %mul3A_227 = arith.mulf %mul3A_226, %sub3A_223 : vector<16xf32>
        %mul3A_228 = arith.constant 8.28333377 : f32
        %mul3A_229 = vector.broadcast %mul3A_228 : f32 to vector<16xf32>
        %mul3A_230 = arith.mulf %sub3A_223, %mul3A_229 : vector<16xf32>
        %add3A_231 = arith.constant 13.9289684 : f32
        %add3A_232 = vector.broadcast %add3A_231 : f32 to vector<16xf32>
        %add3A_233 = arith.addf %add3A_232, %mul3A_230 : vector<16xf32>
        %mul3A_234 = arith.constant 5.83333349 : f32
        %mul3A_235 = vector.broadcast %mul3A_234 : f32 to vector<16xf32>
        %mul3A_236 = arith.mulf %mul3A_224, %mul3A_235 : vector<16xf32>
        %add3A_237 = arith.addf %add3A_233, %mul3A_236 : vector<16xf32>
        %add3A_238 = arith.addf %mul3A_225, %mul3A_226 : vector<16xf32>
        %mul3A_239 = arith.constant 4.500000e+00 : f32
        %mul3A_240 = vector.broadcast %mul3A_239 : f32 to vector<16xf32>
        %mul3A_241 = arith.mulf %add3A_238, %mul3A_240 : vector<16xf32>
        %add3A_242 = arith.addf %add3A_237, %mul3A_241 : vector<16xf32>
        %mul3A_243 = arith.mulf %mul3A_222, %add3A_242 : vector<16xf32>
        %mul3A_244 = arith.constant 3.000000e+00 : f32
        %mul3A_245 = vector.broadcast %mul3A_244 : f32 to vector<16xf32>
        %mul3A_246 = arith.mulf %mul3A_227, %mul3A_245 : vector<16xf32>
        %add3A_247 = arith.addf %mul3A_243, %mul3A_246 : vector<16xf32>
        %mul3A_248 = arith.mulf %unpack3A_211, %div3A_42 : vector<16xf32>
        %sub3A_249 = arith.subf %broadcast_in_dim3A_8, %mul3A_248 : vector<16xf32>
        %mul3A_250 = arith.mulf %sub3A_249, %sub3A_249 : vector<16xf32>
        %mul3A_251 = arith.mulf %mul3A_250, %sub3A_249 : vector<16xf32>
        %mul3A_252 = arith.mulf %mul3A_250, %mul3A_250 : vector<16xf32>
        %mul3A_253 = arith.mulf %mul3A_252, %sub3A_249 : vector<16xf32>
        %mul3A_254 = arith.constant 8.28333377 : f32
        %mul3A_255 = vector.broadcast %mul3A_254 : f32 to vector<16xf32>
        %mul3A_256 = arith.mulf %sub3A_249, %mul3A_255 : vector<16xf32>
        %add3A_257 = arith.constant 13.9289684 : f32
        %add3A_258 = vector.broadcast %add3A_257 : f32 to vector<16xf32>
        %add3A_259 = arith.addf %add3A_258, %mul3A_256 : vector<16xf32>
        %mul3A_260 = arith.constant 5.83333349 : f32
        %mul3A_261 = vector.broadcast %mul3A_260 : f32 to vector<16xf32>
        %mul3A_262 = arith.mulf %mul3A_250, %mul3A_261 : vector<16xf32>
        %add3A_263 = arith.addf %add3A_259, %mul3A_262 : vector<16xf32>
        %add3A_264 = arith.addf %mul3A_251, %mul3A_252 : vector<16xf32>
        %mul3A_265 = arith.constant 4.500000e+00 : f32
        %mul3A_266 = vector.broadcast %mul3A_265 : f32 to vector<16xf32>
        %mul3A_267 = arith.mulf %add3A_264, %mul3A_266 : vector<16xf32>
        %add3A_268 = arith.addf %add3A_263, %mul3A_267 : vector<16xf32>
        %mul3A_269 = arith.mulf %mul3A_248, %add3A_268 : vector<16xf32>
        %mul3A_270 = arith.constant 3.000000e+00 : f32
        %mul3A_271 = vector.broadcast %mul3A_270 : f32 to vector<16xf32>
        %mul3A_272 = arith.mulf %mul3A_253, %mul3A_271 : vector<16xf32>
        %add3A_273 = arith.addf %mul3A_269, %mul3A_272 : vector<16xf32>
        %lt3A_274 = arith.constant -9.99999968E+37 : f32
        %lt3A_275 = vector.broadcast %lt3A_274 : f32 to vector<16xf32>
        %lt3A_276 = arith.cmpf olt, %get3A_215, %lt3A_275 : vector<16xf32>
        %select_n3A_277 = arith.select %lt3A_276, %add3A_247, %broadcast_in_dim3A_6 : vector<16xi1>, vector<16xf32>
        %add3A_278 = arith.addf %add3A_200, %select_n3A_277 : vector<16xf32>
        %lt3A_279 = arith.constant -9.99999968E+37 : f32
        %lt3A_280 = vector.broadcast %lt3A_279 : f32 to vector<16xf32>
        %lt3A_281 = arith.cmpf olt, %get3A_221, %lt3A_280 : vector<16xf32>
        %select_n3A_282 = arith.select %lt3A_281, %add3A_273, %broadcast_in_dim3A_6 : vector<16xi1>, vector<16xf32>
        %add3A_283 = arith.addf %add3A_205, %select_n3A_282 : vector<16xf32>
        %mul3A_284 = arith.constant 8 : i32
        %mul3A_285 = arith.muli %scan3A_53, %mul3A_284 : i32
        %add3A_286 = arith.constant 2 : i32
        %add3A_287 = arith.addi %mul3A_285, %add3A_286 : i32
        %unpack3A_288 = tpu.unpack_subelements %scan3A_130#2, 0 {pack_format = #tpu.pack_format<interleaved>} : vector<32xbf16> -> vector<16xf32>
        %unpack3A_289 = tpu.unpack_subelements %scan3A_130#2, 1 {pack_format = #tpu.pack_format<interleaved>} : vector<32xbf16> -> vector<16xf32>
        %mul3A_290 = arith.constant 32 : i32
        %mul3A_291 = arith.muli %add3A_287, %mul3A_290 : i32
        %get3A_292 = arith.index_cast %mul3A_291 : i32 to index
        %get3A_293 = tpu.vector_load %arg8[%get3A_292] {strides = array<i32>} : memref<8192xf32, #tpu.memory_space<vmem>>, vector<16xf32>,
        %mul3A_294 = arith.constant 32 : i32
        %mul3A_295 = arith.muli %add3A_287, %mul3A_294 : i32
        %add3A_296 = arith.constant 16 : i32
        %add3A_297 = arith.addi %mul3A_295, %add3A_296 : i32
        %get3A_298 = arith.index_cast %add3A_297 : i32 to index
        %get3A_299 = tpu.vector_load %arg8[%get3A_298] {strides = array<i32>} : memref<8192xf32, #tpu.memory_space<vmem>>, vector<16xf32>,
        %mul3A_300 = arith.mulf %unpack3A_288, %div3A : vector<16xf32>
        %sub3A_301 = arith.subf %broadcast_in_dim3A_8, %mul3A_300 : vector<16xf32>
        %mul3A_302 = arith.mulf %sub3A_301, %sub3A_301 : vector<16xf32>
        %mul3A_303 = arith.mulf %mul3A_302, %sub3A_301 : vector<16xf32>
        %mul3A_304 = arith.mulf %mul3A_302, %mul3A_302 : vector<16xf32>
        %mul3A_305 = arith.mulf %mul3A_304, %sub3A_301 : vector<16xf32>
        %mul3A_306 = arith.constant 8.28333377 : f32
        %mul3A_307 = vector.broadcast %mul3A_306 : f32 to vector<16xf32>
        %mul3A_308 = arith.mulf %sub3A_301, %mul3A_307 : vector<16xf32>
        %add3A_309 = arith.constant 13.9289684 : f32
        %add3A_310 = vector.broadcast %add3A_309 : f32 to vector<16xf32>
        %add3A_311 = arith.addf %add3A_310, %mul3A_308 : vector<16xf32>
        %mul3A_312 = arith.constant 5.83333349 : f32
        %mul3A_313 = vector.broadcast %mul3A_312 : f32 to vector<16xf32>
        %mul3A_314 = arith.mulf %mul3A_302, %mul3A_313 : vector<16xf32>
        %add3A_315 = arith.addf %add3A_311, %mul3A_314 : vector<16xf32>
        %add3A_316 = arith.addf %mul3A_303, %mul3A_304 : vector<16xf32>
        %mul3A_317 = arith.constant 4.500000e+00 : f32
        %mul3A_318 = vector.broadcast %mul3A_317 : f32 to vector<16xf32>
        %mul3A_319 = arith.mulf %add3A_316, %mul3A_318 : vector<16xf32>
        %add3A_320 = arith.addf %add3A_315, %mul3A_319 : vector<16xf32>
        %mul3A_321 = arith.mulf %mul3A_300, %add3A_320 : vector<16xf32>
        %mul3A_322 = arith.constant 3.000000e+00 : f32
        %mul3A_323 = vector.broadcast %mul3A_322 : f32 to vector<16xf32>
        %mul3A_324 = arith.mulf %mul3A_305, %mul3A_323 : vector<16xf32>
        %add3A_325 = arith.addf %mul3A_321, %mul3A_324 : vector<16xf32>
        %mul3A_326 = arith.mulf %unpack3A_289, %div3A_42 : vector<16xf32>
        %sub3A_327 = arith.subf %broadcast_in_dim3A_8, %mul3A_326 : vector<16xf32>
        %mul3A_328 = arith.mulf %sub3A_327, %sub3A_327 : vector<16xf32>
        %mul3A_329 = arith.mulf %mul3A_328, %sub3A_327 : vector<16xf32>
        %mul3A_330 = arith.mulf %mul3A_328, %mul3A_328 : vector<16xf32>
        %mul3A_331 = arith.mulf %mul3A_330, %sub3A_327 : vector<16xf32>
        %mul3A_332 = arith.constant 8.28333377 : f32
        %mul3A_333 = vector.broadcast %mul3A_332 : f32 to vector<16xf32>
        %mul3A_334 = arith.mulf %sub3A_327, %mul3A_333 : vector<16xf32>
        %add3A_335 = arith.constant 13.9289684 : f32
        %add3A_336 = vector.broadcast %add3A_335 : f32 to vector<16xf32>
        %add3A_337 = arith.addf %add3A_336, %mul3A_334 : vector<16xf32>
        %mul3A_338 = arith.constant 5.83333349 : f32
        %mul3A_339 = vector.broadcast %mul3A_338 : f32 to vector<16xf32>
        %mul3A_340 = arith.mulf %mul3A_328, %mul3A_339 : vector<16xf32>
        %add3A_341 = arith.addf %add3A_337, %mul3A_340 : vector<16xf32>
        %add3A_342 = arith.addf %mul3A_329, %mul3A_330 : vector<16xf32>
        %mul3A_343 = arith.constant 4.500000e+00 : f32
        %mul3A_344 = vector.broadcast %mul3A_343 : f32 to vector<16xf32>
        %mul3A_345 = arith.mulf %add3A_342, %mul3A_344 : vector<16xf32>
        %add3A_346 = arith.addf %add3A_341, %mul3A_345 : vector<16xf32>
        %mul3A_347 = arith.mulf %mul3A_326, %add3A_346 : vector<16xf32>
        %mul3A_348 = arith.constant 3.000000e+00 : f32
        %mul3A_349 = vector.broadcast %mul3A_348 : f32 to vector<16xf32>
        %mul3A_350 = arith.mulf %mul3A_331, %mul3A_349 : vector<16xf32>
        %add3A_351 = arith.addf %mul3A_347, %mul3A_350 : vector<16xf32>
        %lt3A_352 = arith.constant -9.99999968E+37 : f32
        %lt3A_353 = vector.broadcast %lt3A_352 : f32 to vector<16xf32>
        %lt3A_354 = arith.cmpf olt, %get3A_293, %lt3A_353 : vector<16xf32>
        %select_n3A_355 = arith.select %lt3A_354, %add3A_325, %broadcast_in_dim3A_6 : vector<16xi1>, vector<16xf32>
        %add3A_356 = arith.addf %add3A_278, %select_n3A_355 : vector<16xf32>
        %lt3A_357 = arith.constant -9.99999968E+37 : f32
        %lt3A_358 = vector.broadcast %lt3A_357 : f32 to vector<16xf32>
        %lt3A_359 = arith.cmpf olt, %get3A_299, %lt3A_358 : vector<16xf32>
        %select_n3A_360 = arith.select %lt3A_359, %add3A_351, %broadcast_in_dim3A_6 : vector<16xi1>, vector<16xf32>
        %add3A_361 = arith.addf %add3A_283, %select_n3A_360 : vector<16xf32>
        %mul3A_362 = arith.constant 8 : i32
        %mul3A_363 = arith.muli %scan3A_53, %mul3A_362 : i32
        %add3A_364 = arith.constant 3 : i32
        %add3A_365 = arith.addi %mul3A_363, %add3A_364 : i32
        %unpack3A_366 = tpu.unpack_subelements %scan3A_130#3, 0 {pack_format = #tpu.pack_format<interleaved>} : vector<32xbf16> -> vector<16xf32>
        %unpack3A_367 = tpu.unpack_subelements %scan3A_130#3, 1 {pack_format = #tpu.pack_format<interleaved>} : vector<32xbf16> -> vector<16xf32>
        %mul3A_368 = arith.constant 32 : i32
        %mul3A_369 = arith.muli %add3A_365, %mul3A_368 : i32
        %get3A_370 = arith.index_cast %mul3A_369 : i32 to index
        %get3A_371 = tpu.vector_load %arg8[%get3A_370] {strides = array<i32>} : memref<8192xf32, #tpu.memory_space<vmem>>, vector<16xf32>,
        %mul3A_372 = arith.constant 32 : i32
        %mul3A_373 = arith.muli %add3A_365, %mul3A_372 : i32
        %add3A_374 = arith.constant 16 : i32
        %add3A_375 = arith.addi %mul3A_373, %add3A_374 : i32
        %get3A_376 = arith.index_cast %add3A_375 : i32 to index
        %get3A_377 = tpu.vector_load %arg8[%get3A_376] {strides = array<i32>} : memref<8192xf32, #tpu.memory_space<vmem>>, vector<16xf32>,
        %mul3A_378 = arith.mulf %unpack3A_366, %div3A : vector<16xf32>
        %sub3A_379 = arith.subf %broadcast_in_dim3A_8, %mul3A_378 : vector<16xf32>
        %mul3A_380 = arith.mulf %sub3A_379, %sub3A_379 : vector<16xf32>
        %mul3A_381 = arith.mulf %mul3A_380, %sub3A_379 : vector<16xf32>
        %mul3A_382 = arith.mulf %mul3A_380, %mul3A_380 : vector<16xf32>
        %mul3A_383 = arith.mulf %mul3A_382, %sub3A_379 : vector<16xf32>
        %mul3A_384 = arith.constant 8.28333377 : f32
        %mul3A_385 = vector.broadcast %mul3A_384 : f32 to vector<16xf32>
        %mul3A_386 = arith.mulf %sub3A_379, %mul3A_385 : vector<16xf32>
        %add3A_387 = arith.constant 13.9289684 : f32
        %add3A_388 = vector.broadcast %add3A_387 : f32 to vector<16xf32>
        %add3A_389 = arith.addf %add3A_388, %mul3A_386 : vector<16xf32>
        %mul3A_390 = arith.constant 5.83333349 : f32
        %mul3A_391 = vector.broadcast %mul3A_390 : f32 to vector<16xf32>
        %mul3A_392 = arith.mulf %mul3A_380, %mul3A_391 : vector<16xf32>
        %add3A_393 = arith.addf %add3A_389, %mul3A_392 : vector<16xf32>
        %add3A_394 = arith.addf %mul3A_381, %mul3A_382 : vector<16xf32>
        %mul3A_395 = arith.constant 4.500000e+00 : f32
        %mul3A_396 = vector.broadcast %mul3A_395 : f32 to vector<16xf32>
        %mul3A_397 = arith.mulf %add3A_394, %mul3A_396 : vector<16xf32>
        %add3A_398 = arith.addf %add3A_393, %mul3A_397 : vector<16xf32>
        %mul3A_399 = arith.mulf %mul3A_378, %add3A_398 : vector<16xf32>
        %mul3A_400 = arith.constant 3.000000e+00 : f32
        %mul3A_401 = vector.broadcast %mul3A_400 : f32 to vector<16xf32>
        %mul3A_402 = arith.mulf %mul3A_383, %mul3A_401 : vector<16xf32>
        %add3A_403 = arith.addf %mul3A_399, %mul3A_402 : vector<16xf32>
        %mul3A_404 = arith.mulf %unpack3A_367, %div3A_42 : vector<16xf32>
        %sub3A_405 = arith.subf %broadcast_in_dim3A_8, %mul3A_404 : vector<16xf32>
        %mul3A_406 = arith.mulf %sub3A_405, %sub3A_405 : vector<16xf32>
        %mul3A_407 = arith.mulf %mul3A_406, %sub3A_405 : vector<16xf32>
        %mul3A_408 = arith.mulf %mul3A_406, %mul3A_406 : vector<16xf32>
        %mul3A_409 = arith.mulf %mul3A_408, %sub3A_405 : vector<16xf32>
        %mul3A_410 = arith.constant 8.28333377 : f32
        %mul3A_411 = vector.broadcast %mul3A_410 : f32 to vector<16xf32>
        %mul3A_412 = arith.mulf %sub3A_405, %mul3A_411 : vector<16xf32>
        %add3A_413 = arith.constant 13.9289684 : f32
        %add3A_414 = vector.broadcast %add3A_413 : f32 to vector<16xf32>
        %add3A_415 = arith.addf %add3A_414, %mul3A_412 : vector<16xf32>
        %mul3A_416 = arith.constant 5.83333349 : f32
        %mul3A_417 = vector.broadcast %mul3A_416 : f32 to vector<16xf32>
        %mul3A_418 = arith.mulf %mul3A_406, %mul3A_417 : vector<16xf32>
        %add3A_419 = arith.addf %add3A_415, %mul3A_418 : vector<16xf32>
        %add3A_420 = arith.addf %mul3A_407, %mul3A_408 : vector<16xf32>
        %mul3A_421 = arith.constant 4.500000e+00 : f32
        %mul3A_422 = vector.broadcast %mul3A_421 : f32 to vector<16xf32>
        %mul3A_423 = arith.mulf %add3A_420, %mul3A_422 : vector<16xf32>
        %add3A_424 = arith.addf %add3A_419, %mul3A_423 : vector<16xf32>
        %mul3A_425 = arith.mulf %mul3A_404, %add3A_424 : vector<16xf32>
        %mul3A_426 = arith.constant 3.000000e+00 : f32
        %mul3A_427 = vector.broadcast %mul3A_426 : f32 to vector<16xf32>
        %mul3A_428 = arith.mulf %mul3A_409, %mul3A_427 : vector<16xf32>
        %add3A_429 = arith.addf %mul3A_425, %mul3A_428 : vector<16xf32>
        %lt3A_430 = arith.constant -9.99999968E+37 : f32
        %lt3A_431 = vector.broadcast %lt3A_430 : f32 to vector<16xf32>
        %lt3A_432 = arith.cmpf olt, %get3A_371, %lt3A_431 : vector<16xf32>
        %select_n3A_433 = arith.select %lt3A_432, %add3A_403, %broadcast_in_dim3A_6 : vector<16xi1>, vector<16xf32>
        %add3A_434 = arith.addf %add3A_356, %select_n3A_433 : vector<16xf32>
        %lt3A_435 = arith.constant -9.99999968E+37 : f32
        %lt3A_436 = vector.broadcast %lt3A_435 : f32 to vector<16xf32>
        %lt3A_437 = arith.cmpf olt, %get3A_377, %lt3A_436 : vector<16xf32>
        %select_n3A_438 = arith.select %lt3A_437, %add3A_429, %broadcast_in_dim3A_6 : vector<16xi1>, vector<16xf32>
        %add3A_439 = arith.addf %add3A_361, %select_n3A_438 : vector<16xf32>
        %mul3A_440 = arith.constant 8 : i32
        %mul3A_441 = arith.muli %scan3A_53, %mul3A_440 : i32
        %add3A_442 = arith.constant 4 : i32
        %add3A_443 = arith.addi %mul3A_441, %add3A_442 : i32
        %unpack3A_444 = tpu.unpack_subelements %scan3A_130#4, 0 {pack_format = #tpu.pack_format<interleaved>} : vector<32xbf16> -> vector<16xf32>
        %unpack3A_445 = tpu.unpack_subelements %scan3A_130#4, 1 {pack_format = #tpu.pack_format<interleaved>} : vector<32xbf16> -> vector<16xf32>
        %mul3A_446 = arith.constant 32 : i32
        %mul3A_447 = arith.muli %add3A_443, %mul3A_446 : i32
        %get3A_448 = arith.index_cast %mul3A_447 : i32 to index
        %get3A_449 = tpu.vector_load %arg8[%get3A_448] {strides = array<i32>} : memref<8192xf32, #tpu.memory_space<vmem>>, vector<16xf32>,
        %mul3A_450 = arith.constant 32 : i32
        %mul3A_451 = arith.muli %add3A_443, %mul3A_450 : i32
        %add3A_452 = arith.constant 16 : i32
        %add3A_453 = arith.addi %mul3A_451, %add3A_452 : i32
        %get3A_454 = arith.index_cast %add3A_453 : i32 to index
        %get3A_455 = tpu.vector_load %arg8[%get3A_454] {strides = array<i32>} : memref<8192xf32, #tpu.memory_space<vmem>>, vector<16xf32>,
        %mul3A_456 = arith.mulf %unpack3A_444, %div3A : vector<16xf32>
        %sub3A_457 = arith.subf %broadcast_in_dim3A_8, %mul3A_456 : vector<16xf32>
        %mul3A_458 = arith.mulf %sub3A_457, %sub3A_457 : vector<16xf32>
        %mul3A_459 = arith.mulf %mul3A_458, %sub3A_457 : vector<16xf32>
        %mul3A_460 = arith.mulf %mul3A_458, %mul3A_458 : vector<16xf32>
        %mul3A_461 = arith.mulf %mul3A_460, %sub3A_457 : vector<16xf32>
        %mul3A_462 = arith.constant 8.28333377 : f32
        %mul3A_463 = vector.broadcast %mul3A_462 : f32 to vector<16xf32>
        %mul3A_464 = arith.mulf %sub3A_457, %mul3A_463 : vector<16xf32>
        %add3A_465 = arith.constant 13.9289684 : f32
        %add3A_466 = vector.broadcast %add3A_465 : f32 to vector<16xf32>
        %add3A_467 = arith.addf %add3A_466, %mul3A_464 : vector<16xf32>
        %mul3A_468 = arith.constant 5.83333349 : f32
        %mul3A_469 = vector.broadcast %mul3A_468 : f32 to vector<16xf32>
        %mul3A_470 = arith.mulf %mul3A_458, %mul3A_469 : vector<16xf32>
        %add3A_471 = arith.addf %add3A_467, %mul3A_470 : vector<16xf32>
        %add3A_472 = arith.addf %mul3A_459, %mul3A_460 : vector<16xf32>
        %mul3A_473 = arith.constant 4.500000e+00 : f32
        %mul3A_474 = vector.broadcast %mul3A_473 : f32 to vector<16xf32>
        %mul3A_475 = arith.mulf %add3A_472, %mul3A_474 : vector<16xf32>
        %add3A_476 = arith.addf %add3A_471, %mul3A_475 : vector<16xf32>
        %mul3A_477 = arith.mulf %mul3A_456, %add3A_476 : vector<16xf32>
        %mul3A_478 = arith.constant 3.000000e+00 : f32
        %mul3A_479 = vector.broadcast %mul3A_478 : f32 to vector<16xf32>
        %mul3A_480 = arith.mulf %mul3A_461, %mul3A_479 : vector<16xf32>
        %add3A_481 = arith.addf %mul3A_477, %mul3A_480 : vector<16xf32>
        %mul3A_482 = arith.mulf %unpack3A_445, %div3A_42 : vector<16xf32>
        %sub3A_483 = arith.subf %broadcast_in_dim3A_8, %mul3A_482 : vector<16xf32>
        %mul3A_484 = arith.mulf %sub3A_483, %sub3A_483 : vector<16xf32>
        %mul3A_485 = arith.mulf %mul3A_484, %sub3A_483 : vector<16xf32>
        %mul3A_486 = arith.mulf %mul3A_484, %mul3A_484 : vector<16xf32>
        %mul3A_487 = arith.mulf %mul3A_486, %sub3A_483 : vector<16xf32>
        %mul3A_488 = arith.constant 8.28333377 : f32
        %mul3A_489 = vector.broadcast %mul3A_488 : f32 to vector<16xf32>
        %mul3A_490 = arith.mulf %sub3A_483, %mul3A_489 : vector<16xf32>
        %add3A_491 = arith.constant 13.9289684 : f32
        %add3A_492 = vector.broadcast %add3A_491 : f32 to vector<16xf32>
        %add3A_493 = arith.addf %add3A_492, %mul3A_490 : vector<16xf32>
        %mul3A_494 = arith.constant 5.83333349 : f32
        %mul3A_495 = vector.broadcast %mul3A_494 : f32 to vector<16xf32>
        %mul3A_496 = arith.mulf %mul3A_484, %mul3A_495 : vector<16xf32>
        %add3A_497 = arith.addf %add3A_493, %mul3A_496 : vector<16xf32>
        %add3A_498 = arith.addf %mul3A_485, %mul3A_486 : vector<16xf32>
        %mul3A_499 = arith.constant 4.500000e+00 : f32
        %mul3A_500 = vector.broadcast %mul3A_499 : f32 to vector<16xf32>
        %mul3A_501 = arith.mulf %add3A_498, %mul3A_500 : vector<16xf32>
        %add3A_502 = arith.addf %add3A_497, %mul3A_501 : vector<16xf32>
        %mul3A_503 = arith.mulf %mul3A_482, %add3A_502 : vector<16xf32>
        %mul3A_504 = arith.constant 3.000000e+00 : f32
        %mul3A_505 = vector.broadcast %mul3A_504 : f32 to vector<16xf32>
        %mul3A_506 = arith.mulf %mul3A_487, %mul3A_505 : vector<16xf32>
        %add3A_507 = arith.addf %mul3A_503, %mul3A_506 : vector<16xf32>
        %lt3A_508 = arith.constant -9.99999968E+37 : f32
        %lt3A_509 = vector.broadcast %lt3A_508 : f32 to vector<16xf32>
        %lt3A_510 = arith.cmpf olt, %get3A_449, %lt3A_509 : vector<16xf32>
        %select_n3A_511 = arith.select %lt3A_510, %add3A_481, %broadcast_in_dim3A_6 : vector<16xi1>, vector<16xf32>
        %add3A_512 = arith.addf %add3A_434, %select_n3A_511 : vector<16xf32>
        %lt3A_513 = arith.constant -9.99999968E+37 : f32
        %lt3A_514 = vector.broadcast %lt3A_513 : f32 to vector<16xf32>
        %lt3A_515 = arith.cmpf olt, %get3A_455, %lt3A_514 : vector<16xf32>
        %select_n3A_516 = arith.select %lt3A_515, %add3A_507, %broadcast_in_dim3A_6 : vector<16xi1>, vector<16xf32>
        %add3A_517 = arith.addf %add3A_439, %select_n3A_516 : vector<16xf32>
        %mul3A_518 = arith.constant 8 : i32
        %mul3A_519 = arith.muli %scan3A_53, %mul3A_518 : i32
        %add3A_520 = arith.constant 5 : i32
        %add3A_521 = arith.addi %mul3A_519, %add3A_520 : i32
        %unpack3A_522 = tpu.unpack_subelements %scan3A_130#5, 0 {pack_format = #tpu.pack_format<interleaved>} : vector<32xbf16> -> vector<16xf32>
        %unpack3A_523 = tpu.unpack_subelements %scan3A_130#5, 1 {pack_format = #tpu.pack_format<interleaved>} : vector<32xbf16> -> vector<16xf32>
        %mul3A_524 = arith.constant 32 : i32
        %mul3A_525 = arith.muli %add3A_521, %mul3A_524 : i32
        %get3A_526 = arith.index_cast %mul3A_525 : i32 to index
        %get3A_527 = tpu.vector_load %arg8[%get3A_526] {strides = array<i32>} : memref<8192xf32, #tpu.memory_space<vmem>>, vector<16xf32>,
        %mul3A_528 = arith.constant 32 : i32
        %mul3A_529 = arith.muli %add3A_521, %mul3A_528 : i32
        %add3A_530 = arith.constant 16 : i32
        %add3A_531 = arith.addi %mul3A_529, %add3A_530 : i32
        %get3A_532 = arith.index_cast %add3A_531 : i32 to index
        %get3A_533 = tpu.vector_load %arg8[%get3A_532] {strides = array<i32>} : memref<8192xf32, #tpu.memory_space<vmem>>, vector<16xf32>,
        %mul3A_534 = arith.mulf %unpack3A_522, %div3A : vector<16xf32>
        %sub3A_535 = arith.subf %broadcast_in_dim3A_8, %mul3A_534 : vector<16xf32>
        %mul3A_536 = arith.mulf %sub3A_535, %sub3A_535 : vector<16xf32>
        %mul3A_537 = arith.mulf %mul3A_536, %sub3A_535 : vector<16xf32>
        %mul3A_538 = arith.mulf %mul3A_536, %mul3A_536 : vector<16xf32>
        %mul3A_539 = arith.mulf %mul3A_538, %sub3A_535 : vector<16xf32>
        %mul3A_540 = arith.constant 8.28333377 : f32
        %mul3A_541 = vector.broadcast %mul3A_540 : f32 to vector<16xf32>
        %mul3A_542 = arith.mulf %sub3A_535, %mul3A_541 : vector<16xf32>
        %add3A_543 = arith.constant 13.9289684 : f32
        %add3A_544 = vector.broadcast %add3A_543 : f32 to vector<16xf32>
        %add3A_545 = arith.addf %add3A_544, %mul3A_542 : vector<16xf32>
        %mul3A_546 = arith.constant 5.83333349 : f32
        %mul3A_547 = vector.broadcast %mul3A_546 : f32 to vector<16xf32>
        %mul3A_548 = arith.mulf %mul3A_536, %mul3A_547 : vector<16xf32>
        %add3A_549 = arith.addf %add3A_545, %mul3A_548 : vector<16xf32>
        %add3A_550 = arith.addf %mul3A_537, %mul3A_538 : vector<16xf32>
        %mul3A_551 = arith.constant 4.500000e+00 : f32
        %mul3A_552 = vector.broadcast %mul3A_551 : f32 to vector<16xf32>
        %mul3A_553 = arith.mulf %add3A_550, %mul3A_552 : vector<16xf32>
        %add3A_554 = arith.addf %add3A_549, %mul3A_553 : vector<16xf32>
        %mul3A_555 = arith.mulf %mul3A_534, %add3A_554 : vector<16xf32>
        %mul3A_556 = arith.constant 3.000000e+00 : f32
        %mul3A_557 = vector.broadcast %mul3A_556 : f32 to vector<16xf32>
        %mul3A_558 = arith.mulf %mul3A_539, %mul3A_557 : vector<16xf32>
        %add3A_559 = arith.addf %mul3A_555, %mul3A_558 : vector<16xf32>
        %mul3A_560 = arith.mulf %unpack3A_523, %div3A_42 : vector<16xf32>
        %sub3A_561 = arith.subf %broadcast_in_dim3A_8, %mul3A_560 : vector<16xf32>
        %mul3A_562 = arith.mulf %sub3A_561, %sub3A_561 : vector<16xf32>
        %mul3A_563 = arith.mulf %mul3A_562, %sub3A_561 : vector<16xf32>
        %mul3A_564 = arith.mulf %mul3A_562, %mul3A_562 : vector<16xf32>
        %mul3A_565 = arith.mulf %mul3A_564, %sub3A_561 : vector<16xf32>
        %mul3A_566 = arith.constant 8.28333377 : f32
        %mul3A_567 = vector.broadcast %mul3A_566 : f32 to vector<16xf32>
        %mul3A_568 = arith.mulf %sub3A_561, %mul3A_567 : vector<16xf32>
        %add3A_569 = arith.constant 13.9289684 : f32
        %add3A_570 = vector.broadcast %add3A_569 : f32 to vector<16xf32>
        %add3A_571 = arith.addf %add3A_570, %mul3A_568 : vector<16xf32>
        %mul3A_572 = arith.constant 5.83333349 : f32
        %mul3A_573 = vector.broadcast %mul3A_572 : f32 to vector<16xf32>
        %mul3A_574 = arith.mulf %mul3A_562, %mul3A_573 : vector<16xf32>
        %add3A_575 = arith.addf %add3A_571, %mul3A_574 : vector<16xf32>
        %add3A_576 = arith.addf %mul3A_563, %mul3A_564 : vector<16xf32>
        %mul3A_577 = arith.constant 4.500000e+00 : f32
        %mul3A_578 = vector.broadcast %mul3A_577 : f32 to vector<16xf32>
        %mul3A_579 = arith.mulf %add3A_576, %mul3A_578 : vector<16xf32>
        %add3A_580 = arith.addf %add3A_575, %mul3A_579 : vector<16xf32>
        %mul3A_581 = arith.mulf %mul3A_560, %add3A_580 : vector<16xf32>
        %mul3A_582 = arith.constant 3.000000e+00 : f32
        %mul3A_583 = vector.broadcast %mul3A_582 : f32 to vector<16xf32>
        %mul3A_584 = arith.mulf %mul3A_565, %mul3A_583 : vector<16xf32>
        %add3A_585 = arith.addf %mul3A_581, %mul3A_584 : vector<16xf32>
        %lt3A_586 = arith.constant -9.99999968E+37 : f32
        %lt3A_587 = vector.broadcast %lt3A_586 : f32 to vector<16xf32>
        %lt3A_588 = arith.cmpf olt, %get3A_527, %lt3A_587 : vector<16xf32>
        %select_n3A_589 = arith.select %lt3A_588, %add3A_559, %broadcast_in_dim3A_6 : vector<16xi1>, vector<16xf32>
        %add3A_590 = arith.addf %add3A_512, %select_n3A_589 : vector<16xf32>
        %lt3A_591 = arith.constant -9.99999968E+37 : f32
        %lt3A_592 = vector.broadcast %lt3A_591 : f32 to vector<16xf32>
        %lt3A_593 = arith.cmpf olt, %get3A_533, %lt3A_592 : vector<16xf32>
        %select_n3A_594 = arith.select %lt3A_593, %add3A_585, %broadcast_in_dim3A_6 : vector<16xi1>, vector<16xf32>
        %add3A_595 = arith.addf %add3A_517, %select_n3A_594 : vector<16xf32>
        %mul3A_596 = arith.constant 8 : i32
        %mul3A_597 = arith.muli %scan3A_53, %mul3A_596 : i32
        %add3A_598 = arith.constant 6 : i32
        %add3A_599 = arith.addi %mul3A_597, %add3A_598 : i32
        %unpack3A_600 = tpu.unpack_subelements %scan3A_130#6, 0 {pack_format = #tpu.pack_format<interleaved>} : vector<32xbf16> -> vector<16xf32>
        %unpack3A_601 = tpu.unpack_subelements %scan3A_130#6, 1 {pack_format = #tpu.pack_format<interleaved>} : vector<32xbf16> -> vector<16xf32>
        %mul3A_602 = arith.constant 32 : i32
        %mul3A_603 = arith.muli %add3A_599, %mul3A_602 : i32
        %get3A_604 = arith.index_cast %mul3A_603 : i32 to index
        %get3A_605 = tpu.vector_load %arg8[%get3A_604] {strides = array<i32>} : memref<8192xf32, #tpu.memory_space<vmem>>, vector<16xf32>,
        %mul3A_606 = arith.constant 32 : i32
        %mul3A_607 = arith.muli %add3A_599, %mul3A_606 : i32
        %add3A_608 = arith.constant 16 : i32
        %add3A_609 = arith.addi %mul3A_607, %add3A_608 : i32
        %get3A_610 = arith.index_cast %add3A_609 : i32 to index
        %get3A_611 = tpu.vector_load %arg8[%get3A_610] {strides = array<i32>} : memref<8192xf32, #tpu.memory_space<vmem>>, vector<16xf32>,
        %mul3A_612 = arith.mulf %unpack3A_600, %div3A : vector<16xf32>
        %sub3A_613 = arith.subf %broadcast_in_dim3A_8, %mul3A_612 : vector<16xf32>
        %mul3A_614 = arith.mulf %sub3A_613, %sub3A_613 : vector<16xf32>
        %mul3A_615 = arith.mulf %mul3A_614, %sub3A_613 : vector<16xf32>
        %mul3A_616 = arith.mulf %mul3A_614, %mul3A_614 : vector<16xf32>
        %mul3A_617 = arith.mulf %mul3A_616, %sub3A_613 : vector<16xf32>
        %mul3A_618 = arith.constant 8.28333377 : f32
        %mul3A_619 = vector.broadcast %mul3A_618 : f32 to vector<16xf32>
        %mul3A_620 = arith.mulf %sub3A_613, %mul3A_619 : vector<16xf32>
        %add3A_621 = arith.constant 13.9289684 : f32
        %add3A_622 = vector.broadcast %add3A_621 : f32 to vector<16xf32>
        %add3A_623 = arith.addf %add3A_622, %mul3A_620 : vector<16xf32>
        %mul3A_624 = arith.constant 5.83333349 : f32
        %mul3A_625 = vector.broadcast %mul3A_624 : f32 to vector<16xf32>
        %mul3A_626 = arith.mulf %mul3A_614, %mul3A_625 : vector<16xf32>
        %add3A_627 = arith.addf %add3A_623, %mul3A_626 : vector<16xf32>
        %add3A_628 = arith.addf %mul3A_615, %mul3A_616 : vector<16xf32>
        %mul3A_629 = arith.constant 4.500000e+00 : f32
        %mul3A_630 = vector.broadcast %mul3A_629 : f32 to vector<16xf32>
        %mul3A_631 = arith.mulf %add3A_628, %mul3A_630 : vector<16xf32>
        %add3A_632 = arith.addf %add3A_627, %mul3A_631 : vector<16xf32>
        %mul3A_633 = arith.mulf %mul3A_612, %add3A_632 : vector<16xf32>
        %mul3A_634 = arith.constant 3.000000e+00 : f32
        %mul3A_635 = vector.broadcast %mul3A_634 : f32 to vector<16xf32>
        %mul3A_636 = arith.mulf %mul3A_617, %mul3A_635 : vector<16xf32>
        %add3A_637 = arith.addf %mul3A_633, %mul3A_636 : vector<16xf32>
        %mul3A_638 = arith.mulf %unpack3A_601, %div3A_42 : vector<16xf32>
        %sub3A_639 = arith.subf %broadcast_in_dim3A_8, %mul3A_638 : vector<16xf32>
        %mul3A_640 = arith.mulf %sub3A_639, %sub3A_639 : vector<16xf32>
        %mul3A_641 = arith.mulf %mul3A_640, %sub3A_639 : vector<16xf32>
        %mul3A_642 = arith.mulf %mul3A_640, %mul3A_640 : vector<16xf32>
        %mul3A_643 = arith.mulf %mul3A_642, %sub3A_639 : vector<16xf32>
        %mul3A_644 = arith.constant 8.28333377 : f32
        %mul3A_645 = vector.broadcast %mul3A_644 : f32 to vector<16xf32>
        %mul3A_646 = arith.mulf %sub3A_639, %mul3A_645 : vector<16xf32>
        %add3A_647 = arith.constant 13.9289684 : f32
        %add3A_648 = vector.broadcast %add3A_647 : f32 to vector<16xf32>
        %add3A_649 = arith.addf %add3A_648, %mul3A_646 : vector<16xf32>
        %mul3A_650 = arith.constant 5.83333349 : f32
        %mul3A_651 = vector.broadcast %mul3A_650 : f32 to vector<16xf32>
        %mul3A_652 = arith.mulf %mul3A_640, %mul3A_651 : vector<16xf32>
        %add3A_653 = arith.addf %add3A_649, %mul3A_652 : vector<16xf32>
        %add3A_654 = arith.addf %mul3A_641, %mul3A_642 : vector<16xf32>
        %mul3A_655 = arith.constant 4.500000e+00 : f32
        %mul3A_656 = vector.broadcast %mul3A_655 : f32 to vector<16xf32>
        %mul3A_657 = arith.mulf %add3A_654, %mul3A_656 : vector<16xf32>
        %add3A_658 = arith.addf %add3A_653, %mul3A_657 : vector<16xf32>
        %mul3A_659 = arith.mulf %mul3A_638, %add3A_658 : vector<16xf32>
        %mul3A_660 = arith.constant 3.000000e+00 : f32
        %mul3A_661 = vector.broadcast %mul3A_660 : f32 to vector<16xf32>
        %mul3A_662 = arith.mulf %mul3A_643, %mul3A_661 : vector<16xf32>
        %add3A_663 = arith.addf %mul3A_659, %mul3A_662 : vector<16xf32>
        %lt3A_664 = arith.constant -9.99999968E+37 : f32
        %lt3A_665 = vector.broadcast %lt3A_664 : f32 to vector<16xf32>
        %lt3A_666 = arith.cmpf olt, %get3A_605, %lt3A_665 : vector<16xf32>
        %select_n3A_667 = arith.select %lt3A_666, %add3A_637, %broadcast_in_dim3A_6 : vector<16xi1>, vector<16xf32>
        %add3A_668 = arith.addf %add3A_590, %select_n3A_667 : vector<16xf32>
        %lt3A_669 = arith.constant -9.99999968E+37 : f32
        %lt3A_670 = vector.broadcast %lt3A_669 : f32 to vector<16xf32>
        %lt3A_671 = arith.cmpf olt, %get3A_611, %lt3A_670 : vector<16xf32>
        %select_n3A_672 = arith.select %lt3A_671, %add3A_663, %broadcast_in_dim3A_6 : vector<16xi1>, vector<16xf32>
        %add3A_673 = arith.addf %add3A_595, %select_n3A_672 : vector<16xf32>
        %mul3A_674 = arith.constant 8 : i32
        %mul3A_675 = arith.muli %scan3A_53, %mul3A_674 : i32
        %add3A_676 = arith.constant 7 : i32
        %add3A_677 = arith.addi %mul3A_675, %add3A_676 : i32
        %unpack3A_678 = tpu.unpack_subelements %scan3A_130#7, 0 {pack_format = #tpu.pack_format<interleaved>} : vector<32xbf16> -> vector<16xf32>
        %unpack3A_679 = tpu.unpack_subelements %scan3A_130#7, 1 {pack_format = #tpu.pack_format<interleaved>} : vector<32xbf16> -> vector<16xf32>
        %mul3A_680 = arith.constant 32 : i32
        %mul3A_681 = arith.muli %add3A_677, %mul3A_680 : i32
        %get3A_682 = arith.index_cast %mul3A_681 : i32 to index
        %get3A_683 = tpu.vector_load %arg8[%get3A_682] {strides = array<i32>} : memref<8192xf32, #tpu.memory_space<vmem>>, vector<16xf32>,
        %mul3A_684 = arith.constant 32 : i32
        %mul3A_685 = arith.muli %add3A_677, %mul3A_684 : i32
        %add3A_686 = arith.constant 16 : i32
        %add3A_687 = arith.addi %mul3A_685, %add3A_686 : i32
        %get3A_688 = arith.index_cast %add3A_687 : i32 to index
        %get3A_689 = tpu.vector_load %arg8[%get3A_688] {strides = array<i32>} : memref<8192xf32, #tpu.memory_space<vmem>>, vector<16xf32>,
        %mul3A_690 = arith.mulf %unpack3A_678, %div3A : vector<16xf32>
        %sub3A_691 = arith.subf %broadcast_in_dim3A_8, %mul3A_690 : vector<16xf32>
        %mul3A_692 = arith.mulf %sub3A_691, %sub3A_691 : vector<16xf32>
        %mul3A_693 = arith.mulf %mul3A_692, %sub3A_691 : vector<16xf32>
        %mul3A_694 = arith.mulf %mul3A_692, %mul3A_692 : vector<16xf32>
        %mul3A_695 = arith.mulf %mul3A_694, %sub3A_691 : vector<16xf32>
        %mul3A_696 = arith.constant 8.28333377 : f32
        %mul3A_697 = vector.broadcast %mul3A_696 : f32 to vector<16xf32>
        %mul3A_698 = arith.mulf %sub3A_691, %mul3A_697 : vector<16xf32>
        %add3A_699 = arith.constant 13.9289684 : f32
        %add3A_700 = vector.broadcast %add3A_699 : f32 to vector<16xf32>
        %add3A_701 = arith.addf %add3A_700, %mul3A_698 : vector<16xf32>
        %mul3A_702 = arith.constant 5.83333349 : f32
        %mul3A_703 = vector.broadcast %mul3A_702 : f32 to vector<16xf32>
        %mul3A_704 = arith.mulf %mul3A_692, %mul3A_703 : vector<16xf32>
        %add3A_705 = arith.addf %add3A_701, %mul3A_704 : vector<16xf32>
        %add3A_706 = arith.addf %mul3A_693, %mul3A_694 : vector<16xf32>
        %mul3A_707 = arith.constant 4.500000e+00 : f32
        %mul3A_708 = vector.broadcast %mul3A_707 : f32 to vector<16xf32>
        %mul3A_709 = arith.mulf %add3A_706, %mul3A_708 : vector<16xf32>
        %add3A_710 = arith.addf %add3A_705, %mul3A_709 : vector<16xf32>
        %mul3A_711 = arith.mulf %mul3A_690, %add3A_710 : vector<16xf32>
        %mul3A_712 = arith.constant 3.000000e+00 : f32
        %mul3A_713 = vector.broadcast %mul3A_712 : f32 to vector<16xf32>
        %mul3A_714 = arith.mulf %mul3A_695, %mul3A_713 : vector<16xf32>
        %add3A_715 = arith.addf %mul3A_711, %mul3A_714 : vector<16xf32>
        %mul3A_716 = arith.mulf %unpack3A_679, %div3A_42 : vector<16xf32>
        %sub3A_717 = arith.subf %broadcast_in_dim3A_8, %mul3A_716 : vector<16xf32>
        %mul3A_718 = arith.mulf %sub3A_717, %sub3A_717 : vector<16xf32>
        %mul3A_719 = arith.mulf %mul3A_718, %sub3A_717 : vector<16xf32>
        %mul3A_720 = arith.mulf %mul3A_718, %mul3A_718 : vector<16xf32>
        %mul3A_721 = arith.mulf %mul3A_720, %sub3A_717 : vector<16xf32>
        %mul3A_722 = arith.constant 8.28333377 : f32
        %mul3A_723 = vector.broadcast %mul3A_722 : f32 to vector<16xf32>
        %mul3A_724 = arith.mulf %sub3A_717, %mul3A_723 : vector<16xf32>
        %add3A_725 = arith.constant 13.9289684 : f32
        %add3A_726 = vector.broadcast %add3A_725 : f32 to vector<16xf32>
        %add3A_727 = arith.addf %add3A_726, %mul3A_724 : vector<16xf32>
        %mul3A_728 = arith.constant 5.83333349 : f32
        %mul3A_729 = vector.broadcast %mul3A_728 : f32 to vector<16xf32>
        %mul3A_730 = arith.mulf %mul3A_718, %mul3A_729 : vector<16xf32>
        %add3A_731 = arith.addf %add3A_727, %mul3A_730 : vector<16xf32>
        %add3A_732 = arith.addf %mul3A_719, %mul3A_720 : vector<16xf32>
        %mul3A_733 = arith.constant 4.500000e+00 : f32
        %mul3A_734 = vector.broadcast %mul3A_733 : f32 to vector<16xf32>
        %mul3A_735 = arith.mulf %add3A_732, %mul3A_734 : vector<16xf32>
        %add3A_736 = arith.addf %add3A_731, %mul3A_735 : vector<16xf32>
        %mul3A_737 = arith.mulf %mul3A_716, %add3A_736 : vector<16xf32>
        %mul3A_738 = arith.constant 3.000000e+00 : f32
        %mul3A_739 = vector.broadcast %mul3A_738 : f32 to vector<16xf32>
        %mul3A_740 = arith.mulf %mul3A_721, %mul3A_739 : vector<16xf32>
        %add3A_741 = arith.addf %mul3A_737, %mul3A_740 : vector<16xf32>
        %lt3A_742 = arith.constant -9.99999968E+37 : f32
        %lt3A_743 = vector.broadcast %lt3A_742 : f32 to vector<16xf32>
        %lt3A_744 = arith.cmpf olt, %get3A_683, %lt3A_743 : vector<16xf32>
        %select_n3A_745 = arith.select %lt3A_744, %add3A_715, %broadcast_in_dim3A_6 : vector<16xi1>, vector<16xf32>
        %add3A_746 = arith.addf %add3A_668, %select_n3A_745 : vector<16xf32>
        %lt3A_747 = arith.constant -9.99999968E+37 : f32
        %lt3A_748 = vector.broadcast %lt3A_747 : f32 to vector<16xf32>
        %lt3A_749 = arith.cmpf olt, %get3A_689, %lt3A_748 : vector<16xf32>
        %select_n3A_750 = arith.select %lt3A_749, %add3A_741, %broadcast_in_dim3A_6 : vector<16xi1>, vector<16xf32>
        %add3A_751 = arith.addf %add3A_673, %select_n3A_750 : vector<16xf32>
        scf.yield %add3A_746, %add3A_751 : vector<16xf32>, vector<16xf32>
      }
      %scan3A_48 = arith.constant 32 : i32
      %mul3A_49 = arith.mulf %scan3A_39#0, %scan3A_47#0 : vector<16xf32>
      %add3A_50 = arith.addf %scan3A_20, %mul3A_49 : vector<16xf32>
      %mul3A_51 = arith.mulf %scan3A_39#1, %scan3A_47#1 : vector<16xf32>
      %add3A_52 = arith.addf %add3A_50, %mul3A_51 : vector<16xf32>
      scf.yield %add3A_52 : vector<16xf32>
    }
    %scan3A_17 = arith.constant 2 : i32
    %swap3A = arith.constant 0 : index
    %swap3A_18 = tpu.vector_load %arg11[%swap3A] {strides = array<i32>} : memref<16xf32, #tpu.memory_space<vmem>>, vector<16xf32>,
    tpu.vector_store %arg11[%swap3A], %scan3A_16 {strides = array<i32>} : memref<16xf32, #tpu.memory_space<vmem>>, vector<16xf32>,
    "tpu.region"() ({
      %run_scoped3A = tpu.sem_alloc : memref<!tpu.dma_semaphore, #tpu.memory_space<semaphore_mem>>
      %dma_start3A = arith.constant 0 : i32
      %dma_start3A_19 = tpu.memref_slice %arg4[%add3A, %dma_start3A] : memref<32x16xf32, #tpu.memory_space<hbm>> -> memref<1x16xf32, #tpu.memory_space<hbm>>
      %dma_start3A_20 = tpu.memref_squeeze %dma_start3A_19 : memref<1x16xf32, #tpu.memory_space<hbm>> -> memref<16xf32, #tpu.memory_space<hbm>>
      %dma_start3A_21 = arith.constant 0 : i32
      %dma_start3A_22 = tpu.memref_slice %arg4[%add3A, %dma_start3A_21] : memref<32x16xf32, #tpu.memory_space<hbm>> -> memref<1x16xf32, #tpu.memory_space<hbm>>
      %dma_start3A_23 = tpu.memref_squeeze %dma_start3A_22 : memref<1x16xf32, #tpu.memory_space<hbm>> -> memref<16xf32, #tpu.memory_space<hbm>>
      tpu.enqueue_dma source(%arg11 : memref<16xf32, #tpu.memory_space<vmem>>) target(%dma_start3A_23 : memref<16xf32, #tpu.memory_space<hbm>>) target_semaphore(%run_scoped3A : memref<!tpu.dma_semaphore, #tpu.memory_space<semaphore_mem>>)
      %dma_wait3A = arith.constant 0 : i32
      %dma_wait3A_24 = tpu.memref_slice %arg4[%add3A, %dma_wait3A] : memref<32x16xf32, #tpu.memory_space<hbm>> -> memref<1x16xf32, #tpu.memory_space<hbm>>
      %dma_wait3A_25 = tpu.memref_squeeze %dma_wait3A_24 : memref<1x16xf32, #tpu.memory_space<hbm>> -> memref<16xf32, #tpu.memory_space<hbm>>
      %dma_wait3A_26 = arith.constant 0 : i32
      %dma_wait3A_27 = tpu.memref_slice %arg4[%add3A, %dma_wait3A_26] : memref<32x16xf32, #tpu.memory_space<hbm>> -> memref<1x16xf32, #tpu.memory_space<hbm>>
      %dma_wait3A_28 = tpu.memref_squeeze %dma_wait3A_27 : memref<1x16xf32, #tpu.memory_space<hbm>> -> memref<16xf32, #tpu.memory_space<hbm>>
      tpu.wait_dma2 semaphore(%run_scoped3A : memref<!tpu.dma_semaphore, #tpu.memory_space<semaphore_mem>>) src(%arg11 : memref<16xf32, #tpu.memory_space<vmem>>) dst(%dma_wait3A_28 : memref<16xf32, #tpu.memory_space<hbm>>)
      tpu.yield
    }) : () -> ()
    return
  }
}

module attributes {stable_mosaic.version = 14 : i64} {
  func.func @_fin_body(%arg0: memref<32x16xf32, #tpu.memory_space<vmem>>, %arg1: memref<1x1xf32, #tpu.memory_space<smem>>, %arg2: memref<1x1xf32, #tpu.memory_space<smem>>) attributes {dimension_semantics = [], scalar_prefetch = 0 : i64, scratch_operands = 0 : i64, tpu.core_type = #tpu.core_type<tc>} {
    %get3A = arith.constant 0 : index
    %get3A_0 = arith.constant 0 : index
    %get3A_1 = vector.load %arg0[%get3A, %get3A_0] : memref<32x16xf32, #tpu.memory_space<vmem>>, vector<32x16xf32>
    %reduce_sum3A = vector.shape_cast %get3A_1 : vector<32x16xf32> to vector<1x32x16xf32>
    %reduce_sum3A_2 = arith.constant dense<0.000000e+00> : vector<1xf32>
    %reduce_sum3A_3 = vector.multi_reduction <add>, %reduce_sum3A, %reduce_sum3A_2 [1, 2] : vector<1x32x16xf32> to vector<1xf32>
    %reduce_sum3A_4 = vector.shape_cast %reduce_sum3A_3 : vector<1xf32> to vector<1x1x1xf32>
    %reduce_sum3A_5 = vector.extract %reduce_sum3A_4[0, 0, 0] : f32 from vector<1x1x1xf32>
    %get3A_6 = arith.constant 0 : index
    %get3A_7 = arith.constant 0 : index
    %get3A_8 = memref.load %arg1[%get3A_6, %get3A_7] : memref<1x1xf32, #tpu.memory_space<smem>>
    %add3A = arith.addf %reduce_sum3A_5, %get3A_8 : f32
    %swap3A = arith.constant 0 : index
    %swap3A_9 = arith.constant 0 : index
    %swap3A_10 = memref.load %arg2[%swap3A, %swap3A_9] : memref<1x1xf32, #tpu.memory_space<smem>>
    memref.store %add3A, %arg2[%swap3A, %swap3A_9] : memref<1x1xf32, #tpu.memory_space<smem>>
    return
  }
}

module attributes {stable_mosaic.version = 14 : i64} {
  func.func @_tc_body(%arg0: i32, %arg1: memref<8x256xf32, #tpu.memory_space<vmem>>, %arg2: memref<8x256xi32, #tpu.memory_space<vmem>>, %arg3: memref<1x1xf32, #tpu.memory_space<smem>>) attributes {dimension_semantics = [#tpu.dimension_semantics<arbitrary>], iteration_bounds = array<i64: 256>, scalar_prefetch = 0 : i64, scratch_operands = 0 : i64, tpu.core_type = #tpu.core_type<tc>, window_params = [{transform_indices = @transform_0, window_bounds = array<i64: 8, 256>}, {transform_indices = @transform_1, window_bounds = array<i64: 8, 256>}, {transform_indices = @transform_2, window_bounds = array<i64: 1, 1>}]} {
    %get3A = arith.constant 0 : index
    %get3A_0 = arith.constant 0 : index
    %get3A_1 = vector.load %arg1[%get3A, %get3A_0] : memref<8x256xf32, #tpu.memory_space<vmem>>, vector<8x256xf32>
    %get3A_2 = arith.constant 0 : index
    %get3A_3 = arith.constant 0 : index
    %get3A_4 = vector.load %arg2[%get3A_2, %get3A_3] : memref<8x256xi32, #tpu.memory_space<vmem>>, vector<8x256xi32>
    %eq3A = arith.constant 0 : i32
    %eq3A_5 = vector.broadcast %eq3A : i32 to vector<8x256xi32>
    %eq3A_6 = arith.cmpi eq, %get3A_4, %eq3A_5 : vector<8x256xi32>
    %jit3A = arith.constant 0xFF800000 : f32
    %broadcast_in_dim3A = vector.broadcast %jit3A : f32 to vector<8x256xf32>
    %select_n3A = arith.select %eq3A_6, %get3A_1, %broadcast_in_dim3A : vector<8x256xi1>, vector<8x256xf32>
    %convert_element_type3A = arith.extui %eq3A_6 : vector<8x256xi1> to vector<8x256xi32>
    %convert_element_type3A_7 = arith.sitofp %convert_element_type3A : vector<8x256xi32> to vector<8x256xf32>
    %reduce_sum3A = arith.constant dense<0.000000e+00> : vector<8xf32>
    %reduce_sum3A_8 = vector.multi_reduction <add>, %convert_element_type3A_7, %reduce_sum3A [1] : vector<8x256xf32> to vector<8xf32>
    %broadcast_in_dim3A_9 = vector.shape_cast %reduce_sum3A_8 : vector<8xf32> to vector<8x1xf32>
    %broadcast_in_dim3A_10 = arith.constant 0.000000e+00 : f32
    %broadcast_in_dim3A_11 = vector.broadcast %broadcast_in_dim3A_10 : f32 to vector<8x256xf32>
    %slice3A = vector.extract_strided_slice %select_n3A {offsets = [0, 0], sizes = [8, 1], strides = [1, 1]} : vector<8x256xf32> to vector<8x1xf32>
    %ge3A = vector.broadcast %slice3A : vector<8x1xf32> to vector<8x256xf32>
    %ge3A_12 = arith.cmpf oge, %ge3A, %get3A_1 : vector<8x256xf32>
    %convert_element_type3A_13 = arith.extui %ge3A_12 : vector<8x256xi1> to vector<8x256xi32>
    %convert_element_type3A_14 = arith.sitofp %convert_element_type3A_13 : vector<8x256xi32> to vector<8x256xf32>
    %add3A = arith.addf %broadcast_in_dim3A_11, %convert_element_type3A_14 : vector<8x256xf32>
    %slice3A_15 = vector.extract_strided_slice %select_n3A {offsets = [0, 1], sizes = [8, 1], strides = [1, 1]} : vector<8x256xf32> to vector<8x1xf32>
    %ge3A_16 = vector.broadcast %slice3A_15 : vector<8x1xf32> to vector<8x256xf32>
    %ge3A_17 = arith.cmpf oge, %ge3A_16, %get3A_1 : vector<8x256xf32>
    %convert_element_type3A_18 = arith.extui %ge3A_17 : vector<8x256xi1> to vector<8x256xi32>
    %convert_element_type3A_19 = arith.sitofp %convert_element_type3A_18 : vector<8x256xi32> to vector<8x256xf32>
    %add3A_20 = arith.addf %add3A, %convert_element_type3A_19 : vector<8x256xf32>
    %slice3A_21 = vector.extract_strided_slice %select_n3A {offsets = [0, 2], sizes = [8, 1], strides = [1, 1]} : vector<8x256xf32> to vector<8x1xf32>
    %ge3A_22 = vector.broadcast %slice3A_21 : vector<8x1xf32> to vector<8x256xf32>
    %ge3A_23 = arith.cmpf oge, %ge3A_22, %get3A_1 : vector<8x256xf32>
    %convert_element_type3A_24 = arith.extui %ge3A_23 : vector<8x256xi1> to vector<8x256xi32>
    %convert_element_type3A_25 = arith.sitofp %convert_element_type3A_24 : vector<8x256xi32> to vector<8x256xf32>
    %add3A_26 = arith.addf %add3A_20, %convert_element_type3A_25 : vector<8x256xf32>
    %slice3A_27 = vector.extract_strided_slice %select_n3A {offsets = [0, 3], sizes = [8, 1], strides = [1, 1]} : vector<8x256xf32> to vector<8x1xf32>
    %ge3A_28 = vector.broadcast %slice3A_27 : vector<8x1xf32> to vector<8x256xf32>
    %ge3A_29 = arith.cmpf oge, %ge3A_28, %get3A_1 : vector<8x256xf32>
    %convert_element_type3A_30 = arith.extui %ge3A_29 : vector<8x256xi1> to vector<8x256xi32>
    %convert_element_type3A_31 = arith.sitofp %convert_element_type3A_30 : vector<8x256xi32> to vector<8x256xf32>
    %add3A_32 = arith.addf %add3A_26, %convert_element_type3A_31 : vector<8x256xf32>
    %slice3A_33 = vector.extract_strided_slice %select_n3A {offsets = [0, 4], sizes = [8, 1], strides = [1, 1]} : vector<8x256xf32> to vector<8x1xf32>
    %ge3A_34 = vector.broadcast %slice3A_33 : vector<8x1xf32> to vector<8x256xf32>
    %ge3A_35 = arith.cmpf oge, %ge3A_34, %get3A_1 : vector<8x256xf32>
    %convert_element_type3A_36 = arith.extui %ge3A_35 : vector<8x256xi1> to vector<8x256xi32>
    %convert_element_type3A_37 = arith.sitofp %convert_element_type3A_36 : vector<8x256xi32> to vector<8x256xf32>
    %add3A_38 = arith.addf %add3A_32, %convert_element_type3A_37 : vector<8x256xf32>
    %slice3A_39 = vector.extract_strided_slice %select_n3A {offsets = [0, 5], sizes = [8, 1], strides = [1, 1]} : vector<8x256xf32> to vector<8x1xf32>
    %ge3A_40 = vector.broadcast %slice3A_39 : vector<8x1xf32> to vector<8x256xf32>
    %ge3A_41 = arith.cmpf oge, %ge3A_40, %get3A_1 : vector<8x256xf32>
    %convert_element_type3A_42 = arith.extui %ge3A_41 : vector<8x256xi1> to vector<8x256xi32>
    %convert_element_type3A_43 = arith.sitofp %convert_element_type3A_42 : vector<8x256xi32> to vector<8x256xf32>
    %add3A_44 = arith.addf %add3A_38, %convert_element_type3A_43 : vector<8x256xf32>
    %slice3A_45 = vector.extract_strided_slice %select_n3A {offsets = [0, 6], sizes = [8, 1], strides = [1, 1]} : vector<8x256xf32> to vector<8x1xf32>
    %ge3A_46 = vector.broadcast %slice3A_45 : vector<8x1xf32> to vector<8x256xf32>
    %ge3A_47 = arith.cmpf oge, %ge3A_46, %get3A_1 : vector<8x256xf32>
    %convert_element_type3A_48 = arith.extui %ge3A_47 : vector<8x256xi1> to vector<8x256xi32>
    %convert_element_type3A_49 = arith.sitofp %convert_element_type3A_48 : vector<8x256xi32> to vector<8x256xf32>
    %add3A_50 = arith.addf %add3A_44, %convert_element_type3A_49 : vector<8x256xf32>
    %slice3A_51 = vector.extract_strided_slice %select_n3A {offsets = [0, 7], sizes = [8, 1], strides = [1, 1]} : vector<8x256xf32> to vector<8x1xf32>
    %ge3A_52 = vector.broadcast %slice3A_51 : vector<8x1xf32> to vector<8x256xf32>
    %ge3A_53 = arith.cmpf oge, %ge3A_52, %get3A_1 : vector<8x256xf32>
    %convert_element_type3A_54 = arith.extui %ge3A_53 : vector<8x256xi1> to vector<8x256xi32>
    %convert_element_type3A_55 = arith.sitofp %convert_element_type3A_54 : vector<8x256xi32> to vector<8x256xf32>
    %add3A_56 = arith.addf %add3A_50, %convert_element_type3A_55 : vector<8x256xf32>
    %slice3A_57 = vector.extract_strided_slice %select_n3A {offsets = [0, 8], sizes = [8, 1], strides = [1, 1]} : vector<8x256xf32> to vector<8x1xf32>
    %ge3A_58 = vector.broadcast %slice3A_57 : vector<8x1xf32> to vector<8x256xf32>
    %ge3A_59 = arith.cmpf oge, %ge3A_58, %get3A_1 : vector<8x256xf32>
    %convert_element_type3A_60 = arith.extui %ge3A_59 : vector<8x256xi1> to vector<8x256xi32>
    %convert_element_type3A_61 = arith.sitofp %convert_element_type3A_60 : vector<8x256xi32> to vector<8x256xf32>
    %add3A_62 = arith.addf %add3A_56, %convert_element_type3A_61 : vector<8x256xf32>
    %slice3A_63 = vector.extract_strided_slice %select_n3A {offsets = [0, 9], sizes = [8, 1], strides = [1, 1]} : vector<8x256xf32> to vector<8x1xf32>
    %ge3A_64 = vector.broadcast %slice3A_63 : vector<8x1xf32> to vector<8x256xf32>
    %ge3A_65 = arith.cmpf oge, %ge3A_64, %get3A_1 : vector<8x256xf32>
    %convert_element_type3A_66 = arith.extui %ge3A_65 : vector<8x256xi1> to vector<8x256xi32>
    %convert_element_type3A_67 = arith.sitofp %convert_element_type3A_66 : vector<8x256xi32> to vector<8x256xf32>
    %add3A_68 = arith.addf %add3A_62, %convert_element_type3A_67 : vector<8x256xf32>
    %slice3A_69 = vector.extract_strided_slice %select_n3A {offsets = [0, 10], sizes = [8, 1], strides = [1, 1]} : vector<8x256xf32> to vector<8x1xf32>
    %ge3A_70 = vector.broadcast %slice3A_69 : vector<8x1xf32> to vector<8x256xf32>
    %ge3A_71 = arith.cmpf oge, %ge3A_70, %get3A_1 : vector<8x256xf32>
    %convert_element_type3A_72 = arith.extui %ge3A_71 : vector<8x256xi1> to vector<8x256xi32>
    %convert_element_type3A_73 = arith.sitofp %convert_element_type3A_72 : vector<8x256xi32> to vector<8x256xf32>
    %add3A_74 = arith.addf %add3A_68, %convert_element_type3A_73 : vector<8x256xf32>
    %slice3A_75 = vector.extract_strided_slice %select_n3A {offsets = [0, 11], sizes = [8, 1], strides = [1, 1]} : vector<8x256xf32> to vector<8x1xf32>
    %ge3A_76 = vector.broadcast %slice3A_75 : vector<8x1xf32> to vector<8x256xf32>
    %ge3A_77 = arith.cmpf oge, %ge3A_76, %get3A_1 : vector<8x256xf32>
    %convert_element_type3A_78 = arith.extui %ge3A_77 : vector<8x256xi1> to vector<8x256xi32>
    %convert_element_type3A_79 = arith.sitofp %convert_element_type3A_78 : vector<8x256xi32> to vector<8x256xf32>
    %add3A_80 = arith.addf %add3A_74, %convert_element_type3A_79 : vector<8x256xf32>
    %slice3A_81 = vector.extract_strided_slice %select_n3A {offsets = [0, 12], sizes = [8, 1], strides = [1, 1]} : vector<8x256xf32> to vector<8x1xf32>
    %ge3A_82 = vector.broadcast %slice3A_81 : vector<8x1xf32> to vector<8x256xf32>
    %ge3A_83 = arith.cmpf oge, %ge3A_82, %get3A_1 : vector<8x256xf32>
    %convert_element_type3A_84 = arith.extui %ge3A_83 : vector<8x256xi1> to vector<8x256xi32>
    %convert_element_type3A_85 = arith.sitofp %convert_element_type3A_84 : vector<8x256xi32> to vector<8x256xf32>
    %add3A_86 = arith.addf %add3A_80, %convert_element_type3A_85 : vector<8x256xf32>
    %slice3A_87 = vector.extract_strided_slice %select_n3A {offsets = [0, 13], sizes = [8, 1], strides = [1, 1]} : vector<8x256xf32> to vector<8x1xf32>
    %ge3A_88 = vector.broadcast %slice3A_87 : vector<8x1xf32> to vector<8x256xf32>
    %ge3A_89 = arith.cmpf oge, %ge3A_88, %get3A_1 : vector<8x256xf32>
    %convert_element_type3A_90 = arith.extui %ge3A_89 : vector<8x256xi1> to vector<8x256xi32>
    %convert_element_type3A_91 = arith.sitofp %convert_element_type3A_90 : vector<8x256xi32> to vector<8x256xf32>
    %add3A_92 = arith.addf %add3A_86, %convert_element_type3A_91 : vector<8x256xf32>
    %slice3A_93 = vector.extract_strided_slice %select_n3A {offsets = [0, 14], sizes = [8, 1], strides = [1, 1]} : vector<8x256xf32> to vector<8x1xf32>
    %ge3A_94 = vector.broadcast %slice3A_93 : vector<8x1xf32> to vector<8x256xf32>
    %ge3A_95 = arith.cmpf oge, %ge3A_94, %get3A_1 : vector<8x256xf32>
    %convert_element_type3A_96 = arith.extui %ge3A_95 : vector<8x256xi1> to vector<8x256xi32>
    %convert_element_type3A_97 = arith.sitofp %convert_element_type3A_96 : vector<8x256xi32> to vector<8x256xf32>
    %add3A_98 = arith.addf %add3A_92, %convert_element_type3A_97 : vector<8x256xf32>
    %slice3A_99 = vector.extract_strided_slice %select_n3A {offsets = [0, 15], sizes = [8, 1], strides = [1, 1]} : vector<8x256xf32> to vector<8x1xf32>
    %ge3A_100 = vector.broadcast %slice3A_99 : vector<8x1xf32> to vector<8x256xf32>
    %ge3A_101 = arith.cmpf oge, %ge3A_100, %get3A_1 : vector<8x256xf32>
    %convert_element_type3A_102 = arith.extui %ge3A_101 : vector<8x256xi1> to vector<8x256xi32>
    %convert_element_type3A_103 = arith.sitofp %convert_element_type3A_102 : vector<8x256xi32> to vector<8x256xf32>
    %add3A_104 = arith.addf %add3A_98, %convert_element_type3A_103 : vector<8x256xf32>
    %slice3A_105 = vector.extract_strided_slice %select_n3A {offsets = [0, 16], sizes = [8, 1], strides = [1, 1]} : vector<8x256xf32> to vector<8x1xf32>
    %ge3A_106 = vector.broadcast %slice3A_105 : vector<8x1xf32> to vector<8x256xf32>
    %ge3A_107 = arith.cmpf oge, %ge3A_106, %get3A_1 : vector<8x256xf32>
    %convert_element_type3A_108 = arith.extui %ge3A_107 : vector<8x256xi1> to vector<8x256xi32>
    %convert_element_type3A_109 = arith.sitofp %convert_element_type3A_108 : vector<8x256xi32> to vector<8x256xf32>
    %add3A_110 = arith.addf %add3A_104, %convert_element_type3A_109 : vector<8x256xf32>
    %slice3A_111 = vector.extract_strided_slice %select_n3A {offsets = [0, 17], sizes = [8, 1], strides = [1, 1]} : vector<8x256xf32> to vector<8x1xf32>
    %ge3A_112 = vector.broadcast %slice3A_111 : vector<8x1xf32> to vector<8x256xf32>
    %ge3A_113 = arith.cmpf oge, %ge3A_112, %get3A_1 : vector<8x256xf32>
    %convert_element_type3A_114 = arith.extui %ge3A_113 : vector<8x256xi1> to vector<8x256xi32>
    %convert_element_type3A_115 = arith.sitofp %convert_element_type3A_114 : vector<8x256xi32> to vector<8x256xf32>
    %add3A_116 = arith.addf %add3A_110, %convert_element_type3A_115 : vector<8x256xf32>
    %slice3A_117 = vector.extract_strided_slice %select_n3A {offsets = [0, 18], sizes = [8, 1], strides = [1, 1]} : vector<8x256xf32> to vector<8x1xf32>
    %ge3A_118 = vector.broadcast %slice3A_117 : vector<8x1xf32> to vector<8x256xf32>
    %ge3A_119 = arith.cmpf oge, %ge3A_118, %get3A_1 : vector<8x256xf32>
    %convert_element_type3A_120 = arith.extui %ge3A_119 : vector<8x256xi1> to vector<8x256xi32>
    %convert_element_type3A_121 = arith.sitofp %convert_element_type3A_120 : vector<8x256xi32> to vector<8x256xf32>
    %add3A_122 = arith.addf %add3A_116, %convert_element_type3A_121 : vector<8x256xf32>
    %slice3A_123 = vector.extract_strided_slice %select_n3A {offsets = [0, 19], sizes = [8, 1], strides = [1, 1]} : vector<8x256xf32> to vector<8x1xf32>
    %ge3A_124 = vector.broadcast %slice3A_123 : vector<8x1xf32> to vector<8x256xf32>
    %ge3A_125 = arith.cmpf oge, %ge3A_124, %get3A_1 : vector<8x256xf32>
    %convert_element_type3A_126 = arith.extui %ge3A_125 : vector<8x256xi1> to vector<8x256xi32>
    %convert_element_type3A_127 = arith.sitofp %convert_element_type3A_126 : vector<8x256xi32> to vector<8x256xf32>
    %add3A_128 = arith.addf %add3A_122, %convert_element_type3A_127 : vector<8x256xf32>
    %slice3A_129 = vector.extract_strided_slice %select_n3A {offsets = [0, 20], sizes = [8, 1], strides = [1, 1]} : vector<8x256xf32> to vector<8x1xf32>
    %ge3A_130 = vector.broadcast %slice3A_129 : vector<8x1xf32> to vector<8x256xf32>
    %ge3A_131 = arith.cmpf oge, %ge3A_130, %get3A_1 : vector<8x256xf32>
    %convert_element_type3A_132 = arith.extui %ge3A_131 : vector<8x256xi1> to vector<8x256xi32>
    %convert_element_type3A_133 = arith.sitofp %convert_element_type3A_132 : vector<8x256xi32> to vector<8x256xf32>
    %add3A_134 = arith.addf %add3A_128, %convert_element_type3A_133 : vector<8x256xf32>
    %slice3A_135 = vector.extract_strided_slice %select_n3A {offsets = [0, 21], sizes = [8, 1], strides = [1, 1]} : vector<8x256xf32> to vector<8x1xf32>
    %ge3A_136 = vector.broadcast %slice3A_135 : vector<8x1xf32> to vector<8x256xf32>
    %ge3A_137 = arith.cmpf oge, %ge3A_136, %get3A_1 : vector<8x256xf32>
    %convert_element_type3A_138 = arith.extui %ge3A_137 : vector<8x256xi1> to vector<8x256xi32>
    %convert_element_type3A_139 = arith.sitofp %convert_element_type3A_138 : vector<8x256xi32> to vector<8x256xf32>
    %add3A_140 = arith.addf %add3A_134, %convert_element_type3A_139 : vector<8x256xf32>
    %slice3A_141 = vector.extract_strided_slice %select_n3A {offsets = [0, 22], sizes = [8, 1], strides = [1, 1]} : vector<8x256xf32> to vector<8x1xf32>
    %ge3A_142 = vector.broadcast %slice3A_141 : vector<8x1xf32> to vector<8x256xf32>
    %ge3A_143 = arith.cmpf oge, %ge3A_142, %get3A_1 : vector<8x256xf32>
    %convert_element_type3A_144 = arith.extui %ge3A_143 : vector<8x256xi1> to vector<8x256xi32>
    %convert_element_type3A_145 = arith.sitofp %convert_element_type3A_144 : vector<8x256xi32> to vector<8x256xf32>
    %add3A_146 = arith.addf %add3A_140, %convert_element_type3A_145 : vector<8x256xf32>
    %slice3A_147 = vector.extract_strided_slice %select_n3A {offsets = [0, 23], sizes = [8, 1], strides = [1, 1]} : vector<8x256xf32> to vector<8x1xf32>
    %ge3A_148 = vector.broadcast %slice3A_147 : vector<8x1xf32> to vector<8x256xf32>
    %ge3A_149 = arith.cmpf oge, %ge3A_148, %get3A_1 : vector<8x256xf32>
    %convert_element_type3A_150 = arith.extui %ge3A_149 : vector<8x256xi1> to vector<8x256xi32>
    %convert_element_type3A_151 = arith.sitofp %convert_element_type3A_150 : vector<8x256xi32> to vector<8x256xf32>
    %add3A_152 = arith.addf %add3A_146, %convert_element_type3A_151 : vector<8x256xf32>
    %slice3A_153 = vector.extract_strided_slice %select_n3A {offsets = [0, 24], sizes = [8, 1], strides = [1, 1]} : vector<8x256xf32> to vector<8x1xf32>
    %ge3A_154 = vector.broadcast %slice3A_153 : vector<8x1xf32> to vector<8x256xf32>
    %ge3A_155 = arith.cmpf oge, %ge3A_154, %get3A_1 : vector<8x256xf32>
    %convert_element_type3A_156 = arith.extui %ge3A_155 : vector<8x256xi1> to vector<8x256xi32>
    %convert_element_type3A_157 = arith.sitofp %convert_element_type3A_156 : vector<8x256xi32> to vector<8x256xf32>
    %add3A_158 = arith.addf %add3A_152, %convert_element_type3A_157 : vector<8x256xf32>
    %slice3A_159 = vector.extract_strided_slice %select_n3A {offsets = [0, 25], sizes = [8, 1], strides = [1, 1]} : vector<8x256xf32> to vector<8x1xf32>
    %ge3A_160 = vector.broadcast %slice3A_159 : vector<8x1xf32> to vector<8x256xf32>
    %ge3A_161 = arith.cmpf oge, %ge3A_160, %get3A_1 : vector<8x256xf32>
    %convert_element_type3A_162 = arith.extui %ge3A_161 : vector<8x256xi1> to vector<8x256xi32>
    %convert_element_type3A_163 = arith.sitofp %convert_element_type3A_162 : vector<8x256xi32> to vector<8x256xf32>
    %add3A_164 = arith.addf %add3A_158, %convert_element_type3A_163 : vector<8x256xf32>
    %slice3A_165 = vector.extract_strided_slice %select_n3A {offsets = [0, 26], sizes = [8, 1], strides = [1, 1]} : vector<8x256xf32> to vector<8x1xf32>
    %ge3A_166 = vector.broadcast %slice3A_165 : vector<8x1xf32> to vector<8x256xf32>
    %ge3A_167 = arith.cmpf oge, %ge3A_166, %get3A_1 : vector<8x256xf32>
    %convert_element_type3A_168 = arith.extui %ge3A_167 : vector<8x256xi1> to vector<8x256xi32>
    %convert_element_type3A_169 = arith.sitofp %convert_element_type3A_168 : vector<8x256xi32> to vector<8x256xf32>
    %add3A_170 = arith.addf %add3A_164, %convert_element_type3A_169 : vector<8x256xf32>
    %slice3A_171 = vector.extract_strided_slice %select_n3A {offsets = [0, 27], sizes = [8, 1], strides = [1, 1]} : vector<8x256xf32> to vector<8x1xf32>
    %ge3A_172 = vector.broadcast %slice3A_171 : vector<8x1xf32> to vector<8x256xf32>
    %ge3A_173 = arith.cmpf oge, %ge3A_172, %get3A_1 : vector<8x256xf32>
    %convert_element_type3A_174 = arith.extui %ge3A_173 : vector<8x256xi1> to vector<8x256xi32>
    %convert_element_type3A_175 = arith.sitofp %convert_element_type3A_174 : vector<8x256xi32> to vector<8x256xf32>
    %add3A_176 = arith.addf %add3A_170, %convert_element_type3A_175 : vector<8x256xf32>
    %slice3A_177 = vector.extract_strided_slice %select_n3A {offsets = [0, 28], sizes = [8, 1], strides = [1, 1]} : vector<8x256xf32> to vector<8x1xf32>
    %ge3A_178 = vector.broadcast %slice3A_177 : vector<8x1xf32> to vector<8x256xf32>
    %ge3A_179 = arith.cmpf oge, %ge3A_178, %get3A_1 : vector<8x256xf32>
    %convert_element_type3A_180 = arith.extui %ge3A_179 : vector<8x256xi1> to vector<8x256xi32>
    %convert_element_type3A_181 = arith.sitofp %convert_element_type3A_180 : vector<8x256xi32> to vector<8x256xf32>
    %add3A_182 = arith.addf %add3A_176, %convert_element_type3A_181 : vector<8x256xf32>
    %slice3A_183 = vector.extract_strided_slice %select_n3A {offsets = [0, 29], sizes = [8, 1], strides = [1, 1]} : vector<8x256xf32> to vector<8x1xf32>
    %ge3A_184 = vector.broadcast %slice3A_183 : vector<8x1xf32> to vector<8x256xf32>
    %ge3A_185 = arith.cmpf oge, %ge3A_184, %get3A_1 : vector<8x256xf32>
    %convert_element_type3A_186 = arith.extui %ge3A_185 : vector<8x256xi1> to vector<8x256xi32>
    %convert_element_type3A_187 = arith.sitofp %convert_element_type3A_186 : vector<8x256xi32> to vector<8x256xf32>
    %add3A_188 = arith.addf %add3A_182, %convert_element_type3A_187 : vector<8x256xf32>
    %slice3A_189 = vector.extract_strided_slice %select_n3A {offsets = [0, 30], sizes = [8, 1], strides = [1, 1]} : vector<8x256xf32> to vector<8x1xf32>
    %ge3A_190 = vector.broadcast %slice3A_189 : vector<8x1xf32> to vector<8x256xf32>
    %ge3A_191 = arith.cmpf oge, %ge3A_190, %get3A_1 : vector<8x256xf32>
    %convert_element_type3A_192 = arith.extui %ge3A_191 : vector<8x256xi1> to vector<8x256xi32>
    %convert_element_type3A_193 = arith.sitofp %convert_element_type3A_192 : vector<8x256xi32> to vector<8x256xf32>
    %add3A_194 = arith.addf %add3A_188, %convert_element_type3A_193 : vector<8x256xf32>
    %slice3A_195 = vector.extract_strided_slice %select_n3A {offsets = [0, 31], sizes = [8, 1], strides = [1, 1]} : vector<8x256xf32> to vector<8x1xf32>
    %ge3A_196 = vector.broadcast %slice3A_195 : vector<8x1xf32> to vector<8x256xf32>
    %ge3A_197 = arith.cmpf oge, %ge3A_196, %get3A_1 : vector<8x256xf32>
    %convert_element_type3A_198 = arith.extui %ge3A_197 : vector<8x256xi1> to vector<8x256xi32>
    %convert_element_type3A_199 = arith.sitofp %convert_element_type3A_198 : vector<8x256xi32> to vector<8x256xf32>
    %add3A_200 = arith.addf %add3A_194, %convert_element_type3A_199 : vector<8x256xf32>
    %slice3A_201 = vector.extract_strided_slice %select_n3A {offsets = [0, 32], sizes = [8, 1], strides = [1, 1]} : vector<8x256xf32> to vector<8x1xf32>
    %ge3A_202 = vector.broadcast %slice3A_201 : vector<8x1xf32> to vector<8x256xf32>
    %ge3A_203 = arith.cmpf oge, %ge3A_202, %get3A_1 : vector<8x256xf32>
    %convert_element_type3A_204 = arith.extui %ge3A_203 : vector<8x256xi1> to vector<8x256xi32>
    %convert_element_type3A_205 = arith.sitofp %convert_element_type3A_204 : vector<8x256xi32> to vector<8x256xf32>
    %add3A_206 = arith.addf %add3A_200, %convert_element_type3A_205 : vector<8x256xf32>
    %slice3A_207 = vector.extract_strided_slice %select_n3A {offsets = [0, 33], sizes = [8, 1], strides = [1, 1]} : vector<8x256xf32> to vector<8x1xf32>
    %ge3A_208 = vector.broadcast %slice3A_207 : vector<8x1xf32> to vector<8x256xf32>
    %ge3A_209 = arith.cmpf oge, %ge3A_208, %get3A_1 : vector<8x256xf32>
    %convert_element_type3A_210 = arith.extui %ge3A_209 : vector<8x256xi1> to vector<8x256xi32>
    %convert_element_type3A_211 = arith.sitofp %convert_element_type3A_210 : vector<8x256xi32> to vector<8x256xf32>
    %add3A_212 = arith.addf %add3A_206, %convert_element_type3A_211 : vector<8x256xf32>
    %slice3A_213 = vector.extract_strided_slice %select_n3A {offsets = [0, 34], sizes = [8, 1], strides = [1, 1]} : vector<8x256xf32> to vector<8x1xf32>
    %ge3A_214 = vector.broadcast %slice3A_213 : vector<8x1xf32> to vector<8x256xf32>
    %ge3A_215 = arith.cmpf oge, %ge3A_214, %get3A_1 : vector<8x256xf32>
    %convert_element_type3A_216 = arith.extui %ge3A_215 : vector<8x256xi1> to vector<8x256xi32>
    %convert_element_type3A_217 = arith.sitofp %convert_element_type3A_216 : vector<8x256xi32> to vector<8x256xf32>
    %add3A_218 = arith.addf %add3A_212, %convert_element_type3A_217 : vector<8x256xf32>
    %slice3A_219 = vector.extract_strided_slice %select_n3A {offsets = [0, 35], sizes = [8, 1], strides = [1, 1]} : vector<8x256xf32> to vector<8x1xf32>
    %ge3A_220 = vector.broadcast %slice3A_219 : vector<8x1xf32> to vector<8x256xf32>
    %ge3A_221 = arith.cmpf oge, %ge3A_220, %get3A_1 : vector<8x256xf32>
    %convert_element_type3A_222 = arith.extui %ge3A_221 : vector<8x256xi1> to vector<8x256xi32>
    %convert_element_type3A_223 = arith.sitofp %convert_element_type3A_222 : vector<8x256xi32> to vector<8x256xf32>
    %add3A_224 = arith.addf %add3A_218, %convert_element_type3A_223 : vector<8x256xf32>
    %slice3A_225 = vector.extract_strided_slice %select_n3A {offsets = [0, 36], sizes = [8, 1], strides = [1, 1]} : vector<8x256xf32> to vector<8x1xf32>
    %ge3A_226 = vector.broadcast %slice3A_225 : vector<8x1xf32> to vector<8x256xf32>
    %ge3A_227 = arith.cmpf oge, %ge3A_226, %get3A_1 : vector<8x256xf32>
    %convert_element_type3A_228 = arith.extui %ge3A_227 : vector<8x256xi1> to vector<8x256xi32>
    %convert_element_type3A_229 = arith.sitofp %convert_element_type3A_228 : vector<8x256xi32> to vector<8x256xf32>
    %add3A_230 = arith.addf %add3A_224, %convert_element_type3A_229 : vector<8x256xf32>
    %slice3A_231 = vector.extract_strided_slice %select_n3A {offsets = [0, 37], sizes = [8, 1], strides = [1, 1]} : vector<8x256xf32> to vector<8x1xf32>
    %ge3A_232 = vector.broadcast %slice3A_231 : vector<8x1xf32> to vector<8x256xf32>
    %ge3A_233 = arith.cmpf oge, %ge3A_232, %get3A_1 : vector<8x256xf32>
    %convert_element_type3A_234 = arith.extui %ge3A_233 : vector<8x256xi1> to vector<8x256xi32>
    %convert_element_type3A_235 = arith.sitofp %convert_element_type3A_234 : vector<8x256xi32> to vector<8x256xf32>
    %add3A_236 = arith.addf %add3A_230, %convert_element_type3A_235 : vector<8x256xf32>
    %slice3A_237 = vector.extract_strided_slice %select_n3A {offsets = [0, 38], sizes = [8, 1], strides = [1, 1]} : vector<8x256xf32> to vector<8x1xf32>
    %ge3A_238 = vector.broadcast %slice3A_237 : vector<8x1xf32> to vector<8x256xf32>
    %ge3A_239 = arith.cmpf oge, %ge3A_238, %get3A_1 : vector<8x256xf32>
    %convert_element_type3A_240 = arith.extui %ge3A_239 : vector<8x256xi1> to vector<8x256xi32>
    %convert_element_type3A_241 = arith.sitofp %convert_element_type3A_240 : vector<8x256xi32> to vector<8x256xf32>
    %add3A_242 = arith.addf %add3A_236, %convert_element_type3A_241 : vector<8x256xf32>
    %slice3A_243 = vector.extract_strided_slice %select_n3A {offsets = [0, 39], sizes = [8, 1], strides = [1, 1]} : vector<8x256xf32> to vector<8x1xf32>
    %ge3A_244 = vector.broadcast %slice3A_243 : vector<8x1xf32> to vector<8x256xf32>
    %ge3A_245 = arith.cmpf oge, %ge3A_244, %get3A_1 : vector<8x256xf32>
    %convert_element_type3A_246 = arith.extui %ge3A_245 : vector<8x256xi1> to vector<8x256xi32>
    %convert_element_type3A_247 = arith.sitofp %convert_element_type3A_246 : vector<8x256xi32> to vector<8x256xf32>
    %add3A_248 = arith.addf %add3A_242, %convert_element_type3A_247 : vector<8x256xf32>
    %slice3A_249 = vector.extract_strided_slice %select_n3A {offsets = [0, 40], sizes = [8, 1], strides = [1, 1]} : vector<8x256xf32> to vector<8x1xf32>
    %ge3A_250 = vector.broadcast %slice3A_249 : vector<8x1xf32> to vector<8x256xf32>
    %ge3A_251 = arith.cmpf oge, %ge3A_250, %get3A_1 : vector<8x256xf32>
    %convert_element_type3A_252 = arith.extui %ge3A_251 : vector<8x256xi1> to vector<8x256xi32>
    %convert_element_type3A_253 = arith.sitofp %convert_element_type3A_252 : vector<8x256xi32> to vector<8x256xf32>
    %add3A_254 = arith.addf %add3A_248, %convert_element_type3A_253 : vector<8x256xf32>
    %slice3A_255 = vector.extract_strided_slice %select_n3A {offsets = [0, 41], sizes = [8, 1], strides = [1, 1]} : vector<8x256xf32> to vector<8x1xf32>
    %ge3A_256 = vector.broadcast %slice3A_255 : vector<8x1xf32> to vector<8x256xf32>
    %ge3A_257 = arith.cmpf oge, %ge3A_256, %get3A_1 : vector<8x256xf32>
    %convert_element_type3A_258 = arith.extui %ge3A_257 : vector<8x256xi1> to vector<8x256xi32>
    %convert_element_type3A_259 = arith.sitofp %convert_element_type3A_258 : vector<8x256xi32> to vector<8x256xf32>
    %add3A_260 = arith.addf %add3A_254, %convert_element_type3A_259 : vector<8x256xf32>
    %slice3A_261 = vector.extract_strided_slice %select_n3A {offsets = [0, 42], sizes = [8, 1], strides = [1, 1]} : vector<8x256xf32> to vector<8x1xf32>
    %ge3A_262 = vector.broadcast %slice3A_261 : vector<8x1xf32> to vector<8x256xf32>
    %ge3A_263 = arith.cmpf oge, %ge3A_262, %get3A_1 : vector<8x256xf32>
    %convert_element_type3A_264 = arith.extui %ge3A_263 : vector<8x256xi1> to vector<8x256xi32>
    %convert_element_type3A_265 = arith.sitofp %convert_element_type3A_264 : vector<8x256xi32> to vector<8x256xf32>
    %add3A_266 = arith.addf %add3A_260, %convert_element_type3A_265 : vector<8x256xf32>
    %slice3A_267 = vector.extract_strided_slice %select_n3A {offsets = [0, 43], sizes = [8, 1], strides = [1, 1]} : vector<8x256xf32> to vector<8x1xf32>
    %ge3A_268 = vector.broadcast %slice3A_267 : vector<8x1xf32> to vector<8x256xf32>
    %ge3A_269 = arith.cmpf oge, %ge3A_268, %get3A_1 : vector<8x256xf32>
    %convert_element_type3A_270 = arith.extui %ge3A_269 : vector<8x256xi1> to vector<8x256xi32>
    %convert_element_type3A_271 = arith.sitofp %convert_element_type3A_270 : vector<8x256xi32> to vector<8x256xf32>
    %add3A_272 = arith.addf %add3A_266, %convert_element_type3A_271 : vector<8x256xf32>
    %slice3A_273 = vector.extract_strided_slice %select_n3A {offsets = [0, 44], sizes = [8, 1], strides = [1, 1]} : vector<8x256xf32> to vector<8x1xf32>
    %ge3A_274 = vector.broadcast %slice3A_273 : vector<8x1xf32> to vector<8x256xf32>
    %ge3A_275 = arith.cmpf oge, %ge3A_274, %get3A_1 : vector<8x256xf32>
    %convert_element_type3A_276 = arith.extui %ge3A_275 : vector<8x256xi1> to vector<8x256xi32>
    %convert_element_type3A_277 = arith.sitofp %convert_element_type3A_276 : vector<8x256xi32> to vector<8x256xf32>
    %add3A_278 = arith.addf %add3A_272, %convert_element_type3A_277 : vector<8x256xf32>
    %slice3A_279 = vector.extract_strided_slice %select_n3A {offsets = [0, 45], sizes = [8, 1], strides = [1, 1]} : vector<8x256xf32> to vector<8x1xf32>
    %ge3A_280 = vector.broadcast %slice3A_279 : vector<8x1xf32> to vector<8x256xf32>
    %ge3A_281 = arith.cmpf oge, %ge3A_280, %get3A_1 : vector<8x256xf32>
    %convert_element_type3A_282 = arith.extui %ge3A_281 : vector<8x256xi1> to vector<8x256xi32>
    %convert_element_type3A_283 = arith.sitofp %convert_element_type3A_282 : vector<8x256xi32> to vector<8x256xf32>
    %add3A_284 = arith.addf %add3A_278, %convert_element_type3A_283 : vector<8x256xf32>
    %slice3A_285 = vector.extract_strided_slice %select_n3A {offsets = [0, 46], sizes = [8, 1], strides = [1, 1]} : vector<8x256xf32> to vector<8x1xf32>
    %ge3A_286 = vector.broadcast %slice3A_285 : vector<8x1xf32> to vector<8x256xf32>
    %ge3A_287 = arith.cmpf oge, %ge3A_286, %get3A_1 : vector<8x256xf32>
    %convert_element_type3A_288 = arith.extui %ge3A_287 : vector<8x256xi1> to vector<8x256xi32>
    %convert_element_type3A_289 = arith.sitofp %convert_element_type3A_288 : vector<8x256xi32> to vector<8x256xf32>
    %add3A_290 = arith.addf %add3A_284, %convert_element_type3A_289 : vector<8x256xf32>
    %slice3A_291 = vector.extract_strided_slice %select_n3A {offsets = [0, 47], sizes = [8, 1], strides = [1, 1]} : vector<8x256xf32> to vector<8x1xf32>
    %ge3A_292 = vector.broadcast %slice3A_291 : vector<8x1xf32> to vector<8x256xf32>
    %ge3A_293 = arith.cmpf oge, %ge3A_292, %get3A_1 : vector<8x256xf32>
    %convert_element_type3A_294 = arith.extui %ge3A_293 : vector<8x256xi1> to vector<8x256xi32>
    %convert_element_type3A_295 = arith.sitofp %convert_element_type3A_294 : vector<8x256xi32> to vector<8x256xf32>
    %add3A_296 = arith.addf %add3A_290, %convert_element_type3A_295 : vector<8x256xf32>
    %slice3A_297 = vector.extract_strided_slice %select_n3A {offsets = [0, 48], sizes = [8, 1], strides = [1, 1]} : vector<8x256xf32> to vector<8x1xf32>
    %ge3A_298 = vector.broadcast %slice3A_297 : vector<8x1xf32> to vector<8x256xf32>
    %ge3A_299 = arith.cmpf oge, %ge3A_298, %get3A_1 : vector<8x256xf32>
    %convert_element_type3A_300 = arith.extui %ge3A_299 : vector<8x256xi1> to vector<8x256xi32>
    %convert_element_type3A_301 = arith.sitofp %convert_element_type3A_300 : vector<8x256xi32> to vector<8x256xf32>
    %add3A_302 = arith.addf %add3A_296, %convert_element_type3A_301 : vector<8x256xf32>
    %slice3A_303 = vector.extract_strided_slice %select_n3A {offsets = [0, 49], sizes = [8, 1], strides = [1, 1]} : vector<8x256xf32> to vector<8x1xf32>
    %ge3A_304 = vector.broadcast %slice3A_303 : vector<8x1xf32> to vector<8x256xf32>
    %ge3A_305 = arith.cmpf oge, %ge3A_304, %get3A_1 : vector<8x256xf32>
    %convert_element_type3A_306 = arith.extui %ge3A_305 : vector<8x256xi1> to vector<8x256xi32>
    %convert_element_type3A_307 = arith.sitofp %convert_element_type3A_306 : vector<8x256xi32> to vector<8x256xf32>
    %add3A_308 = arith.addf %add3A_302, %convert_element_type3A_307 : vector<8x256xf32>
    %slice3A_309 = vector.extract_strided_slice %select_n3A {offsets = [0, 50], sizes = [8, 1], strides = [1, 1]} : vector<8x256xf32> to vector<8x1xf32>
    %ge3A_310 = vector.broadcast %slice3A_309 : vector<8x1xf32> to vector<8x256xf32>
    %ge3A_311 = arith.cmpf oge, %ge3A_310, %get3A_1 : vector<8x256xf32>
    %convert_element_type3A_312 = arith.extui %ge3A_311 : vector<8x256xi1> to vector<8x256xi32>
    %convert_element_type3A_313 = arith.sitofp %convert_element_type3A_312 : vector<8x256xi32> to vector<8x256xf32>
    %add3A_314 = arith.addf %add3A_308, %convert_element_type3A_313 : vector<8x256xf32>
    %slice3A_315 = vector.extract_strided_slice %select_n3A {offsets = [0, 51], sizes = [8, 1], strides = [1, 1]} : vector<8x256xf32> to vector<8x1xf32>
    %ge3A_316 = vector.broadcast %slice3A_315 : vector<8x1xf32> to vector<8x256xf32>
    %ge3A_317 = arith.cmpf oge, %ge3A_316, %get3A_1 : vector<8x256xf32>
    %convert_element_type3A_318 = arith.extui %ge3A_317 : vector<8x256xi1> to vector<8x256xi32>
    %convert_element_type3A_319 = arith.sitofp %convert_element_type3A_318 : vector<8x256xi32> to vector<8x256xf32>
    %add3A_320 = arith.addf %add3A_314, %convert_element_type3A_319 : vector<8x256xf32>
    %slice3A_321 = vector.extract_strided_slice %select_n3A {offsets = [0, 52], sizes = [8, 1], strides = [1, 1]} : vector<8x256xf32> to vector<8x1xf32>
    %ge3A_322 = vector.broadcast %slice3A_321 : vector<8x1xf32> to vector<8x256xf32>
    %ge3A_323 = arith.cmpf oge, %ge3A_322, %get3A_1 : vector<8x256xf32>
    %convert_element_type3A_324 = arith.extui %ge3A_323 : vector<8x256xi1> to vector<8x256xi32>
    %convert_element_type3A_325 = arith.sitofp %convert_element_type3A_324 : vector<8x256xi32> to vector<8x256xf32>
    %add3A_326 = arith.addf %add3A_320, %convert_element_type3A_325 : vector<8x256xf32>
    %slice3A_327 = vector.extract_strided_slice %select_n3A {offsets = [0, 53], sizes = [8, 1], strides = [1, 1]} : vector<8x256xf32> to vector<8x1xf32>
    %ge3A_328 = vector.broadcast %slice3A_327 : vector<8x1xf32> to vector<8x256xf32>
    %ge3A_329 = arith.cmpf oge, %ge3A_328, %get3A_1 : vector<8x256xf32>
    %convert_element_type3A_330 = arith.extui %ge3A_329 : vector<8x256xi1> to vector<8x256xi32>
    %convert_element_type3A_331 = arith.sitofp %convert_element_type3A_330 : vector<8x256xi32> to vector<8x256xf32>
    %add3A_332 = arith.addf %add3A_326, %convert_element_type3A_331 : vector<8x256xf32>
    %slice3A_333 = vector.extract_strided_slice %select_n3A {offsets = [0, 54], sizes = [8, 1], strides = [1, 1]} : vector<8x256xf32> to vector<8x1xf32>
    %ge3A_334 = vector.broadcast %slice3A_333 : vector<8x1xf32> to vector<8x256xf32>
    %ge3A_335 = arith.cmpf oge, %ge3A_334, %get3A_1 : vector<8x256xf32>
    %convert_element_type3A_336 = arith.extui %ge3A_335 : vector<8x256xi1> to vector<8x256xi32>
    %convert_element_type3A_337 = arith.sitofp %convert_element_type3A_336 : vector<8x256xi32> to vector<8x256xf32>
    %add3A_338 = arith.addf %add3A_332, %convert_element_type3A_337 : vector<8x256xf32>
    %slice3A_339 = vector.extract_strided_slice %select_n3A {offsets = [0, 55], sizes = [8, 1], strides = [1, 1]} : vector<8x256xf32> to vector<8x1xf32>
    %ge3A_340 = vector.broadcast %slice3A_339 : vector<8x1xf32> to vector<8x256xf32>
    %ge3A_341 = arith.cmpf oge, %ge3A_340, %get3A_1 : vector<8x256xf32>
    %convert_element_type3A_342 = arith.extui %ge3A_341 : vector<8x256xi1> to vector<8x256xi32>
    %convert_element_type3A_343 = arith.sitofp %convert_element_type3A_342 : vector<8x256xi32> to vector<8x256xf32>
    %add3A_344 = arith.addf %add3A_338, %convert_element_type3A_343 : vector<8x256xf32>
    %slice3A_345 = vector.extract_strided_slice %select_n3A {offsets = [0, 56], sizes = [8, 1], strides = [1, 1]} : vector<8x256xf32> to vector<8x1xf32>
    %ge3A_346 = vector.broadcast %slice3A_345 : vector<8x1xf32> to vector<8x256xf32>
    %ge3A_347 = arith.cmpf oge, %ge3A_346, %get3A_1 : vector<8x256xf32>
    %convert_element_type3A_348 = arith.extui %ge3A_347 : vector<8x256xi1> to vector<8x256xi32>
    %convert_element_type3A_349 = arith.sitofp %convert_element_type3A_348 : vector<8x256xi32> to vector<8x256xf32>
    %add3A_350 = arith.addf %add3A_344, %convert_element_type3A_349 : vector<8x256xf32>
    %slice3A_351 = vector.extract_strided_slice %select_n3A {offsets = [0, 57], sizes = [8, 1], strides = [1, 1]} : vector<8x256xf32> to vector<8x1xf32>
    %ge3A_352 = vector.broadcast %slice3A_351 : vector<8x1xf32> to vector<8x256xf32>
    %ge3A_353 = arith.cmpf oge, %ge3A_352, %get3A_1 : vector<8x256xf32>
    %convert_element_type3A_354 = arith.extui %ge3A_353 : vector<8x256xi1> to vector<8x256xi32>
    %convert_element_type3A_355 = arith.sitofp %convert_element_type3A_354 : vector<8x256xi32> to vector<8x256xf32>
    %add3A_356 = arith.addf %add3A_350, %convert_element_type3A_355 : vector<8x256xf32>
    %slice3A_357 = vector.extract_strided_slice %select_n3A {offsets = [0, 58], sizes = [8, 1], strides = [1, 1]} : vector<8x256xf32> to vector<8x1xf32>
    %ge3A_358 = vector.broadcast %slice3A_357 : vector<8x1xf32> to vector<8x256xf32>
    %ge3A_359 = arith.cmpf oge, %ge3A_358, %get3A_1 : vector<8x256xf32>
    %convert_element_type3A_360 = arith.extui %ge3A_359 : vector<8x256xi1> to vector<8x256xi32>
    %convert_element_type3A_361 = arith.sitofp %convert_element_type3A_360 : vector<8x256xi32> to vector<8x256xf32>
    %add3A_362 = arith.addf %add3A_356, %convert_element_type3A_361 : vector<8x256xf32>
    %slice3A_363 = vector.extract_strided_slice %select_n3A {offsets = [0, 59], sizes = [8, 1], strides = [1, 1]} : vector<8x256xf32> to vector<8x1xf32>
    %ge3A_364 = vector.broadcast %slice3A_363 : vector<8x1xf32> to vector<8x256xf32>
    %ge3A_365 = arith.cmpf oge, %ge3A_364, %get3A_1 : vector<8x256xf32>
    %convert_element_type3A_366 = arith.extui %ge3A_365 : vector<8x256xi1> to vector<8x256xi32>
    %convert_element_type3A_367 = arith.sitofp %convert_element_type3A_366 : vector<8x256xi32> to vector<8x256xf32>
    %add3A_368 = arith.addf %add3A_362, %convert_element_type3A_367 : vector<8x256xf32>
    %slice3A_369 = vector.extract_strided_slice %select_n3A {offsets = [0, 60], sizes = [8, 1], strides = [1, 1]} : vector<8x256xf32> to vector<8x1xf32>
    %ge3A_370 = vector.broadcast %slice3A_369 : vector<8x1xf32> to vector<8x256xf32>
    %ge3A_371 = arith.cmpf oge, %ge3A_370, %get3A_1 : vector<8x256xf32>
    %convert_element_type3A_372 = arith.extui %ge3A_371 : vector<8x256xi1> to vector<8x256xi32>
    %convert_element_type3A_373 = arith.sitofp %convert_element_type3A_372 : vector<8x256xi32> to vector<8x256xf32>
    %add3A_374 = arith.addf %add3A_368, %convert_element_type3A_373 : vector<8x256xf32>
    %slice3A_375 = vector.extract_strided_slice %select_n3A {offsets = [0, 61], sizes = [8, 1], strides = [1, 1]} : vector<8x256xf32> to vector<8x1xf32>
    %ge3A_376 = vector.broadcast %slice3A_375 : vector<8x1xf32> to vector<8x256xf32>
    %ge3A_377 = arith.cmpf oge, %ge3A_376, %get3A_1 : vector<8x256xf32>
    %convert_element_type3A_378 = arith.extui %ge3A_377 : vector<8x256xi1> to vector<8x256xi32>
    %convert_element_type3A_379 = arith.sitofp %convert_element_type3A_378 : vector<8x256xi32> to vector<8x256xf32>
    %add3A_380 = arith.addf %add3A_374, %convert_element_type3A_379 : vector<8x256xf32>
    %slice3A_381 = vector.extract_strided_slice %select_n3A {offsets = [0, 62], sizes = [8, 1], strides = [1, 1]} : vector<8x256xf32> to vector<8x1xf32>
    %ge3A_382 = vector.broadcast %slice3A_381 : vector<8x1xf32> to vector<8x256xf32>
    %ge3A_383 = arith.cmpf oge, %ge3A_382, %get3A_1 : vector<8x256xf32>
    %convert_element_type3A_384 = arith.extui %ge3A_383 : vector<8x256xi1> to vector<8x256xi32>
    %convert_element_type3A_385 = arith.sitofp %convert_element_type3A_384 : vector<8x256xi32> to vector<8x256xf32>
    %add3A_386 = arith.addf %add3A_380, %convert_element_type3A_385 : vector<8x256xf32>
    %slice3A_387 = vector.extract_strided_slice %select_n3A {offsets = [0, 63], sizes = [8, 1], strides = [1, 1]} : vector<8x256xf32> to vector<8x1xf32>
    %ge3A_388 = vector.broadcast %slice3A_387 : vector<8x1xf32> to vector<8x256xf32>
    %ge3A_389 = arith.cmpf oge, %ge3A_388, %get3A_1 : vector<8x256xf32>
    %convert_element_type3A_390 = arith.extui %ge3A_389 : vector<8x256xi1> to vector<8x256xi32>
    %convert_element_type3A_391 = arith.sitofp %convert_element_type3A_390 : vector<8x256xi32> to vector<8x256xf32>
    %add3A_392 = arith.addf %add3A_386, %convert_element_type3A_391 : vector<8x256xf32>
    %slice3A_393 = vector.extract_strided_slice %select_n3A {offsets = [0, 64], sizes = [8, 1], strides = [1, 1]} : vector<8x256xf32> to vector<8x1xf32>
    %ge3A_394 = vector.broadcast %slice3A_393 : vector<8x1xf32> to vector<8x256xf32>
    %ge3A_395 = arith.cmpf oge, %ge3A_394, %get3A_1 : vector<8x256xf32>
    %convert_element_type3A_396 = arith.extui %ge3A_395 : vector<8x256xi1> to vector<8x256xi32>
    %convert_element_type3A_397 = arith.sitofp %convert_element_type3A_396 : vector<8x256xi32> to vector<8x256xf32>
    %add3A_398 = arith.addf %add3A_392, %convert_element_type3A_397 : vector<8x256xf32>
    %slice3A_399 = vector.extract_strided_slice %select_n3A {offsets = [0, 65], sizes = [8, 1], strides = [1, 1]} : vector<8x256xf32> to vector<8x1xf32>
    %ge3A_400 = vector.broadcast %slice3A_399 : vector<8x1xf32> to vector<8x256xf32>
    %ge3A_401 = arith.cmpf oge, %ge3A_400, %get3A_1 : vector<8x256xf32>
    %convert_element_type3A_402 = arith.extui %ge3A_401 : vector<8x256xi1> to vector<8x256xi32>
    %convert_element_type3A_403 = arith.sitofp %convert_element_type3A_402 : vector<8x256xi32> to vector<8x256xf32>
    %add3A_404 = arith.addf %add3A_398, %convert_element_type3A_403 : vector<8x256xf32>
    %slice3A_405 = vector.extract_strided_slice %select_n3A {offsets = [0, 66], sizes = [8, 1], strides = [1, 1]} : vector<8x256xf32> to vector<8x1xf32>
    %ge3A_406 = vector.broadcast %slice3A_405 : vector<8x1xf32> to vector<8x256xf32>
    %ge3A_407 = arith.cmpf oge, %ge3A_406, %get3A_1 : vector<8x256xf32>
    %convert_element_type3A_408 = arith.extui %ge3A_407 : vector<8x256xi1> to vector<8x256xi32>
    %convert_element_type3A_409 = arith.sitofp %convert_element_type3A_408 : vector<8x256xi32> to vector<8x256xf32>
    %add3A_410 = arith.addf %add3A_404, %convert_element_type3A_409 : vector<8x256xf32>
    %slice3A_411 = vector.extract_strided_slice %select_n3A {offsets = [0, 67], sizes = [8, 1], strides = [1, 1]} : vector<8x256xf32> to vector<8x1xf32>
    %ge3A_412 = vector.broadcast %slice3A_411 : vector<8x1xf32> to vector<8x256xf32>
    %ge3A_413 = arith.cmpf oge, %ge3A_412, %get3A_1 : vector<8x256xf32>
    %convert_element_type3A_414 = arith.extui %ge3A_413 : vector<8x256xi1> to vector<8x256xi32>
    %convert_element_type3A_415 = arith.sitofp %convert_element_type3A_414 : vector<8x256xi32> to vector<8x256xf32>
    %add3A_416 = arith.addf %add3A_410, %convert_element_type3A_415 : vector<8x256xf32>
    %slice3A_417 = vector.extract_strided_slice %select_n3A {offsets = [0, 68], sizes = [8, 1], strides = [1, 1]} : vector<8x256xf32> to vector<8x1xf32>
    %ge3A_418 = vector.broadcast %slice3A_417 : vector<8x1xf32> to vector<8x256xf32>
    %ge3A_419 = arith.cmpf oge, %ge3A_418, %get3A_1 : vector<8x256xf32>
    %convert_element_type3A_420 = arith.extui %ge3A_419 : vector<8x256xi1> to vector<8x256xi32>
    %convert_element_type3A_421 = arith.sitofp %convert_element_type3A_420 : vector<8x256xi32> to vector<8x256xf32>
    %add3A_422 = arith.addf %add3A_416, %convert_element_type3A_421 : vector<8x256xf32>
    %slice3A_423 = vector.extract_strided_slice %select_n3A {offsets = [0, 69], sizes = [8, 1], strides = [1, 1]} : vector<8x256xf32> to vector<8x1xf32>
    %ge3A_424 = vector.broadcast %slice3A_423 : vector<8x1xf32> to vector<8x256xf32>
    %ge3A_425 = arith.cmpf oge, %ge3A_424, %get3A_1 : vector<8x256xf32>
    %convert_element_type3A_426 = arith.extui %ge3A_425 : vector<8x256xi1> to vector<8x256xi32>
    %convert_element_type3A_427 = arith.sitofp %convert_element_type3A_426 : vector<8x256xi32> to vector<8x256xf32>
    %add3A_428 = arith.addf %add3A_422, %convert_element_type3A_427 : vector<8x256xf32>
    %slice3A_429 = vector.extract_strided_slice %select_n3A {offsets = [0, 70], sizes = [8, 1], strides = [1, 1]} : vector<8x256xf32> to vector<8x1xf32>
    %ge3A_430 = vector.broadcast %slice3A_429 : vector<8x1xf32> to vector<8x256xf32>
    %ge3A_431 = arith.cmpf oge, %ge3A_430, %get3A_1 : vector<8x256xf32>
    %convert_element_type3A_432 = arith.extui %ge3A_431 : vector<8x256xi1> to vector<8x256xi32>
    %convert_element_type3A_433 = arith.sitofp %convert_element_type3A_432 : vector<8x256xi32> to vector<8x256xf32>
    %add3A_434 = arith.addf %add3A_428, %convert_element_type3A_433 : vector<8x256xf32>
    %slice3A_435 = vector.extract_strided_slice %select_n3A {offsets = [0, 71], sizes = [8, 1], strides = [1, 1]} : vector<8x256xf32> to vector<8x1xf32>
    %ge3A_436 = vector.broadcast %slice3A_435 : vector<8x1xf32> to vector<8x256xf32>
    %ge3A_437 = arith.cmpf oge, %ge3A_436, %get3A_1 : vector<8x256xf32>
    %convert_element_type3A_438 = arith.extui %ge3A_437 : vector<8x256xi1> to vector<8x256xi32>
    %convert_element_type3A_439 = arith.sitofp %convert_element_type3A_438 : vector<8x256xi32> to vector<8x256xf32>
    %add3A_440 = arith.addf %add3A_434, %convert_element_type3A_439 : vector<8x256xf32>
    %slice3A_441 = vector.extract_strided_slice %select_n3A {offsets = [0, 72], sizes = [8, 1], strides = [1, 1]} : vector<8x256xf32> to vector<8x1xf32>
    %ge3A_442 = vector.broadcast %slice3A_441 : vector<8x1xf32> to vector<8x256xf32>
    %ge3A_443 = arith.cmpf oge, %ge3A_442, %get3A_1 : vector<8x256xf32>
    %convert_element_type3A_444 = arith.extui %ge3A_443 : vector<8x256xi1> to vector<8x256xi32>
    %convert_element_type3A_445 = arith.sitofp %convert_element_type3A_444 : vector<8x256xi32> to vector<8x256xf32>
    %add3A_446 = arith.addf %add3A_440, %convert_element_type3A_445 : vector<8x256xf32>
    %slice3A_447 = vector.extract_strided_slice %select_n3A {offsets = [0, 73], sizes = [8, 1], strides = [1, 1]} : vector<8x256xf32> to vector<8x1xf32>
    %ge3A_448 = vector.broadcast %slice3A_447 : vector<8x1xf32> to vector<8x256xf32>
    %ge3A_449 = arith.cmpf oge, %ge3A_448, %get3A_1 : vector<8x256xf32>
    %convert_element_type3A_450 = arith.extui %ge3A_449 : vector<8x256xi1> to vector<8x256xi32>
    %convert_element_type3A_451 = arith.sitofp %convert_element_type3A_450 : vector<8x256xi32> to vector<8x256xf32>
    %add3A_452 = arith.addf %add3A_446, %convert_element_type3A_451 : vector<8x256xf32>
    %slice3A_453 = vector.extract_strided_slice %select_n3A {offsets = [0, 74], sizes = [8, 1], strides = [1, 1]} : vector<8x256xf32> to vector<8x1xf32>
    %ge3A_454 = vector.broadcast %slice3A_453 : vector<8x1xf32> to vector<8x256xf32>
    %ge3A_455 = arith.cmpf oge, %ge3A_454, %get3A_1 : vector<8x256xf32>
    %convert_element_type3A_456 = arith.extui %ge3A_455 : vector<8x256xi1> to vector<8x256xi32>
    %convert_element_type3A_457 = arith.sitofp %convert_element_type3A_456 : vector<8x256xi32> to vector<8x256xf32>
    %add3A_458 = arith.addf %add3A_452, %convert_element_type3A_457 : vector<8x256xf32>
    %slice3A_459 = vector.extract_strided_slice %select_n3A {offsets = [0, 75], sizes = [8, 1], strides = [1, 1]} : vector<8x256xf32> to vector<8x1xf32>
    %ge3A_460 = vector.broadcast %slice3A_459 : vector<8x1xf32> to vector<8x256xf32>
    %ge3A_461 = arith.cmpf oge, %ge3A_460, %get3A_1 : vector<8x256xf32>
    %convert_element_type3A_462 = arith.extui %ge3A_461 : vector<8x256xi1> to vector<8x256xi32>
    %convert_element_type3A_463 = arith.sitofp %convert_element_type3A_462 : vector<8x256xi32> to vector<8x256xf32>
    %add3A_464 = arith.addf %add3A_458, %convert_element_type3A_463 : vector<8x256xf32>
    %slice3A_465 = vector.extract_strided_slice %select_n3A {offsets = [0, 76], sizes = [8, 1], strides = [1, 1]} : vector<8x256xf32> to vector<8x1xf32>
    %ge3A_466 = vector.broadcast %slice3A_465 : vector<8x1xf32> to vector<8x256xf32>
    %ge3A_467 = arith.cmpf oge, %ge3A_466, %get3A_1 : vector<8x256xf32>
    %convert_element_type3A_468 = arith.extui %ge3A_467 : vector<8x256xi1> to vector<8x256xi32>
    %convert_element_type3A_469 = arith.sitofp %convert_element_type3A_468 : vector<8x256xi32> to vector<8x256xf32>
    %add3A_470 = arith.addf %add3A_464, %convert_element_type3A_469 : vector<8x256xf32>
    %slice3A_471 = vector.extract_strided_slice %select_n3A {offsets = [0, 77], sizes = [8, 1], strides = [1, 1]} : vector<8x256xf32> to vector<8x1xf32>
    %ge3A_472 = vector.broadcast %slice3A_471 : vector<8x1xf32> to vector<8x256xf32>
    %ge3A_473 = arith.cmpf oge, %ge3A_472, %get3A_1 : vector<8x256xf32>
    %convert_element_type3A_474 = arith.extui %ge3A_473 : vector<8x256xi1> to vector<8x256xi32>
    %convert_element_type3A_475 = arith.sitofp %convert_element_type3A_474 : vector<8x256xi32> to vector<8x256xf32>
    %add3A_476 = arith.addf %add3A_470, %convert_element_type3A_475 : vector<8x256xf32>
    %slice3A_477 = vector.extract_strided_slice %select_n3A {offsets = [0, 78], sizes = [8, 1], strides = [1, 1]} : vector<8x256xf32> to vector<8x1xf32>
    %ge3A_478 = vector.broadcast %slice3A_477 : vector<8x1xf32> to vector<8x256xf32>
    %ge3A_479 = arith.cmpf oge, %ge3A_478, %get3A_1 : vector<8x256xf32>
    %convert_element_type3A_480 = arith.extui %ge3A_479 : vector<8x256xi1> to vector<8x256xi32>
    %convert_element_type3A_481 = arith.sitofp %convert_element_type3A_480 : vector<8x256xi32> to vector<8x256xf32>
    %add3A_482 = arith.addf %add3A_476, %convert_element_type3A_481 : vector<8x256xf32>
    %slice3A_483 = vector.extract_strided_slice %select_n3A {offsets = [0, 79], sizes = [8, 1], strides = [1, 1]} : vector<8x256xf32> to vector<8x1xf32>
    %ge3A_484 = vector.broadcast %slice3A_483 : vector<8x1xf32> to vector<8x256xf32>
    %ge3A_485 = arith.cmpf oge, %ge3A_484, %get3A_1 : vector<8x256xf32>
    %convert_element_type3A_486 = arith.extui %ge3A_485 : vector<8x256xi1> to vector<8x256xi32>
    %convert_element_type3A_487 = arith.sitofp %convert_element_type3A_486 : vector<8x256xi32> to vector<8x256xf32>
    %add3A_488 = arith.addf %add3A_482, %convert_element_type3A_487 : vector<8x256xf32>
    %slice3A_489 = vector.extract_strided_slice %select_n3A {offsets = [0, 80], sizes = [8, 1], strides = [1, 1]} : vector<8x256xf32> to vector<8x1xf32>
    %ge3A_490 = vector.broadcast %slice3A_489 : vector<8x1xf32> to vector<8x256xf32>
    %ge3A_491 = arith.cmpf oge, %ge3A_490, %get3A_1 : vector<8x256xf32>
    %convert_element_type3A_492 = arith.extui %ge3A_491 : vector<8x256xi1> to vector<8x256xi32>
    %convert_element_type3A_493 = arith.sitofp %convert_element_type3A_492 : vector<8x256xi32> to vector<8x256xf32>
    %add3A_494 = arith.addf %add3A_488, %convert_element_type3A_493 : vector<8x256xf32>
    %slice3A_495 = vector.extract_strided_slice %select_n3A {offsets = [0, 81], sizes = [8, 1], strides = [1, 1]} : vector<8x256xf32> to vector<8x1xf32>
    %ge3A_496 = vector.broadcast %slice3A_495 : vector<8x1xf32> to vector<8x256xf32>
    %ge3A_497 = arith.cmpf oge, %ge3A_496, %get3A_1 : vector<8x256xf32>
    %convert_element_type3A_498 = arith.extui %ge3A_497 : vector<8x256xi1> to vector<8x256xi32>
    %convert_element_type3A_499 = arith.sitofp %convert_element_type3A_498 : vector<8x256xi32> to vector<8x256xf32>
    %add3A_500 = arith.addf %add3A_494, %convert_element_type3A_499 : vector<8x256xf32>
    %slice3A_501 = vector.extract_strided_slice %select_n3A {offsets = [0, 82], sizes = [8, 1], strides = [1, 1]} : vector<8x256xf32> to vector<8x1xf32>
    %ge3A_502 = vector.broadcast %slice3A_501 : vector<8x1xf32> to vector<8x256xf32>
    %ge3A_503 = arith.cmpf oge, %ge3A_502, %get3A_1 : vector<8x256xf32>
    %convert_element_type3A_504 = arith.extui %ge3A_503 : vector<8x256xi1> to vector<8x256xi32>
    %convert_element_type3A_505 = arith.sitofp %convert_element_type3A_504 : vector<8x256xi32> to vector<8x256xf32>
    %add3A_506 = arith.addf %add3A_500, %convert_element_type3A_505 : vector<8x256xf32>
    %slice3A_507 = vector.extract_strided_slice %select_n3A {offsets = [0, 83], sizes = [8, 1], strides = [1, 1]} : vector<8x256xf32> to vector<8x1xf32>
    %ge3A_508 = vector.broadcast %slice3A_507 : vector<8x1xf32> to vector<8x256xf32>
    %ge3A_509 = arith.cmpf oge, %ge3A_508, %get3A_1 : vector<8x256xf32>
    %convert_element_type3A_510 = arith.extui %ge3A_509 : vector<8x256xi1> to vector<8x256xi32>
    %convert_element_type3A_511 = arith.sitofp %convert_element_type3A_510 : vector<8x256xi32> to vector<8x256xf32>
    %add3A_512 = arith.addf %add3A_506, %convert_element_type3A_511 : vector<8x256xf32>
    %slice3A_513 = vector.extract_strided_slice %select_n3A {offsets = [0, 84], sizes = [8, 1], strides = [1, 1]} : vector<8x256xf32> to vector<8x1xf32>
    %ge3A_514 = vector.broadcast %slice3A_513 : vector<8x1xf32> to vector<8x256xf32>
    %ge3A_515 = arith.cmpf oge, %ge3A_514, %get3A_1 : vector<8x256xf32>
    %convert_element_type3A_516 = arith.extui %ge3A_515 : vector<8x256xi1> to vector<8x256xi32>
    %convert_element_type3A_517 = arith.sitofp %convert_element_type3A_516 : vector<8x256xi32> to vector<8x256xf32>
    %add3A_518 = arith.addf %add3A_512, %convert_element_type3A_517 : vector<8x256xf32>
    %slice3A_519 = vector.extract_strided_slice %select_n3A {offsets = [0, 85], sizes = [8, 1], strides = [1, 1]} : vector<8x256xf32> to vector<8x1xf32>
    %ge3A_520 = vector.broadcast %slice3A_519 : vector<8x1xf32> to vector<8x256xf32>
    %ge3A_521 = arith.cmpf oge, %ge3A_520, %get3A_1 : vector<8x256xf32>
    %convert_element_type3A_522 = arith.extui %ge3A_521 : vector<8x256xi1> to vector<8x256xi32>
    %convert_element_type3A_523 = arith.sitofp %convert_element_type3A_522 : vector<8x256xi32> to vector<8x256xf32>
    %add3A_524 = arith.addf %add3A_518, %convert_element_type3A_523 : vector<8x256xf32>
    %slice3A_525 = vector.extract_strided_slice %select_n3A {offsets = [0, 86], sizes = [8, 1], strides = [1, 1]} : vector<8x256xf32> to vector<8x1xf32>
    %ge3A_526 = vector.broadcast %slice3A_525 : vector<8x1xf32> to vector<8x256xf32>
    %ge3A_527 = arith.cmpf oge, %ge3A_526, %get3A_1 : vector<8x256xf32>
    %convert_element_type3A_528 = arith.extui %ge3A_527 : vector<8x256xi1> to vector<8x256xi32>
    %convert_element_type3A_529 = arith.sitofp %convert_element_type3A_528 : vector<8x256xi32> to vector<8x256xf32>
    %add3A_530 = arith.addf %add3A_524, %convert_element_type3A_529 : vector<8x256xf32>
    %slice3A_531 = vector.extract_strided_slice %select_n3A {offsets = [0, 87], sizes = [8, 1], strides = [1, 1]} : vector<8x256xf32> to vector<8x1xf32>
    %ge3A_532 = vector.broadcast %slice3A_531 : vector<8x1xf32> to vector<8x256xf32>
    %ge3A_533 = arith.cmpf oge, %ge3A_532, %get3A_1 : vector<8x256xf32>
    %convert_element_type3A_534 = arith.extui %ge3A_533 : vector<8x256xi1> to vector<8x256xi32>
    %convert_element_type3A_535 = arith.sitofp %convert_element_type3A_534 : vector<8x256xi32> to vector<8x256xf32>
    %add3A_536 = arith.addf %add3A_530, %convert_element_type3A_535 : vector<8x256xf32>
    %slice3A_537 = vector.extract_strided_slice %select_n3A {offsets = [0, 88], sizes = [8, 1], strides = [1, 1]} : vector<8x256xf32> to vector<8x1xf32>
    %ge3A_538 = vector.broadcast %slice3A_537 : vector<8x1xf32> to vector<8x256xf32>
    %ge3A_539 = arith.cmpf oge, %ge3A_538, %get3A_1 : vector<8x256xf32>
    %convert_element_type3A_540 = arith.extui %ge3A_539 : vector<8x256xi1> to vector<8x256xi32>
    %convert_element_type3A_541 = arith.sitofp %convert_element_type3A_540 : vector<8x256xi32> to vector<8x256xf32>
    %add3A_542 = arith.addf %add3A_536, %convert_element_type3A_541 : vector<8x256xf32>
    %slice3A_543 = vector.extract_strided_slice %select_n3A {offsets = [0, 89], sizes = [8, 1], strides = [1, 1]} : vector<8x256xf32> to vector<8x1xf32>
    %ge3A_544 = vector.broadcast %slice3A_543 : vector<8x1xf32> to vector<8x256xf32>
    %ge3A_545 = arith.cmpf oge, %ge3A_544, %get3A_1 : vector<8x256xf32>
    %convert_element_type3A_546 = arith.extui %ge3A_545 : vector<8x256xi1> to vector<8x256xi32>
    %convert_element_type3A_547 = arith.sitofp %convert_element_type3A_546 : vector<8x256xi32> to vector<8x256xf32>
    %add3A_548 = arith.addf %add3A_542, %convert_element_type3A_547 : vector<8x256xf32>
    %slice3A_549 = vector.extract_strided_slice %select_n3A {offsets = [0, 90], sizes = [8, 1], strides = [1, 1]} : vector<8x256xf32> to vector<8x1xf32>
    %ge3A_550 = vector.broadcast %slice3A_549 : vector<8x1xf32> to vector<8x256xf32>
    %ge3A_551 = arith.cmpf oge, %ge3A_550, %get3A_1 : vector<8x256xf32>
    %convert_element_type3A_552 = arith.extui %ge3A_551 : vector<8x256xi1> to vector<8x256xi32>
    %convert_element_type3A_553 = arith.sitofp %convert_element_type3A_552 : vector<8x256xi32> to vector<8x256xf32>
    %add3A_554 = arith.addf %add3A_548, %convert_element_type3A_553 : vector<8x256xf32>
    %slice3A_555 = vector.extract_strided_slice %select_n3A {offsets = [0, 91], sizes = [8, 1], strides = [1, 1]} : vector<8x256xf32> to vector<8x1xf32>
    %ge3A_556 = vector.broadcast %slice3A_555 : vector<8x1xf32> to vector<8x256xf32>
    %ge3A_557 = arith.cmpf oge, %ge3A_556, %get3A_1 : vector<8x256xf32>
    %convert_element_type3A_558 = arith.extui %ge3A_557 : vector<8x256xi1> to vector<8x256xi32>
    %convert_element_type3A_559 = arith.sitofp %convert_element_type3A_558 : vector<8x256xi32> to vector<8x256xf32>
    %add3A_560 = arith.addf %add3A_554, %convert_element_type3A_559 : vector<8x256xf32>
    %slice3A_561 = vector.extract_strided_slice %select_n3A {offsets = [0, 92], sizes = [8, 1], strides = [1, 1]} : vector<8x256xf32> to vector<8x1xf32>
    %ge3A_562 = vector.broadcast %slice3A_561 : vector<8x1xf32> to vector<8x256xf32>
    %ge3A_563 = arith.cmpf oge, %ge3A_562, %get3A_1 : vector<8x256xf32>
    %convert_element_type3A_564 = arith.extui %ge3A_563 : vector<8x256xi1> to vector<8x256xi32>
    %convert_element_type3A_565 = arith.sitofp %convert_element_type3A_564 : vector<8x256xi32> to vector<8x256xf32>
    %add3A_566 = arith.addf %add3A_560, %convert_element_type3A_565 : vector<8x256xf32>
    %slice3A_567 = vector.extract_strided_slice %select_n3A {offsets = [0, 93], sizes = [8, 1], strides = [1, 1]} : vector<8x256xf32> to vector<8x1xf32>
    %ge3A_568 = vector.broadcast %slice3A_567 : vector<8x1xf32> to vector<8x256xf32>
    %ge3A_569 = arith.cmpf oge, %ge3A_568, %get3A_1 : vector<8x256xf32>
    %convert_element_type3A_570 = arith.extui %ge3A_569 : vector<8x256xi1> to vector<8x256xi32>
    %convert_element_type3A_571 = arith.sitofp %convert_element_type3A_570 : vector<8x256xi32> to vector<8x256xf32>
    %add3A_572 = arith.addf %add3A_566, %convert_element_type3A_571 : vector<8x256xf32>
    %slice3A_573 = vector.extract_strided_slice %select_n3A {offsets = [0, 94], sizes = [8, 1], strides = [1, 1]} : vector<8x256xf32> to vector<8x1xf32>
    %ge3A_574 = vector.broadcast %slice3A_573 : vector<8x1xf32> to vector<8x256xf32>
    %ge3A_575 = arith.cmpf oge, %ge3A_574, %get3A_1 : vector<8x256xf32>
    %convert_element_type3A_576 = arith.extui %ge3A_575 : vector<8x256xi1> to vector<8x256xi32>
    %convert_element_type3A_577 = arith.sitofp %convert_element_type3A_576 : vector<8x256xi32> to vector<8x256xf32>
    %add3A_578 = arith.addf %add3A_572, %convert_element_type3A_577 : vector<8x256xf32>
    %slice3A_579 = vector.extract_strided_slice %select_n3A {offsets = [0, 95], sizes = [8, 1], strides = [1, 1]} : vector<8x256xf32> to vector<8x1xf32>
    %ge3A_580 = vector.broadcast %slice3A_579 : vector<8x1xf32> to vector<8x256xf32>
    %ge3A_581 = arith.cmpf oge, %ge3A_580, %get3A_1 : vector<8x256xf32>
    %convert_element_type3A_582 = arith.extui %ge3A_581 : vector<8x256xi1> to vector<8x256xi32>
    %convert_element_type3A_583 = arith.sitofp %convert_element_type3A_582 : vector<8x256xi32> to vector<8x256xf32>
    %add3A_584 = arith.addf %add3A_578, %convert_element_type3A_583 : vector<8x256xf32>
    %slice3A_585 = vector.extract_strided_slice %select_n3A {offsets = [0, 96], sizes = [8, 1], strides = [1, 1]} : vector<8x256xf32> to vector<8x1xf32>
    %ge3A_586 = vector.broadcast %slice3A_585 : vector<8x1xf32> to vector<8x256xf32>
    %ge3A_587 = arith.cmpf oge, %ge3A_586, %get3A_1 : vector<8x256xf32>
    %convert_element_type3A_588 = arith.extui %ge3A_587 : vector<8x256xi1> to vector<8x256xi32>
    %convert_element_type3A_589 = arith.sitofp %convert_element_type3A_588 : vector<8x256xi32> to vector<8x256xf32>
    %add3A_590 = arith.addf %add3A_584, %convert_element_type3A_589 : vector<8x256xf32>
    %slice3A_591 = vector.extract_strided_slice %select_n3A {offsets = [0, 97], sizes = [8, 1], strides = [1, 1]} : vector<8x256xf32> to vector<8x1xf32>
    %ge3A_592 = vector.broadcast %slice3A_591 : vector<8x1xf32> to vector<8x256xf32>
    %ge3A_593 = arith.cmpf oge, %ge3A_592, %get3A_1 : vector<8x256xf32>
    %convert_element_type3A_594 = arith.extui %ge3A_593 : vector<8x256xi1> to vector<8x256xi32>
    %convert_element_type3A_595 = arith.sitofp %convert_element_type3A_594 : vector<8x256xi32> to vector<8x256xf32>
    %add3A_596 = arith.addf %add3A_590, %convert_element_type3A_595 : vector<8x256xf32>
    %slice3A_597 = vector.extract_strided_slice %select_n3A {offsets = [0, 98], sizes = [8, 1], strides = [1, 1]} : vector<8x256xf32> to vector<8x1xf32>
    %ge3A_598 = vector.broadcast %slice3A_597 : vector<8x1xf32> to vector<8x256xf32>
    %ge3A_599 = arith.cmpf oge, %ge3A_598, %get3A_1 : vector<8x256xf32>
    %convert_element_type3A_600 = arith.extui %ge3A_599 : vector<8x256xi1> to vector<8x256xi32>
    %convert_element_type3A_601 = arith.sitofp %convert_element_type3A_600 : vector<8x256xi32> to vector<8x256xf32>
    %add3A_602 = arith.addf %add3A_596, %convert_element_type3A_601 : vector<8x256xf32>
    %slice3A_603 = vector.extract_strided_slice %select_n3A {offsets = [0, 99], sizes = [8, 1], strides = [1, 1]} : vector<8x256xf32> to vector<8x1xf32>
    %ge3A_604 = vector.broadcast %slice3A_603 : vector<8x1xf32> to vector<8x256xf32>
    %ge3A_605 = arith.cmpf oge, %ge3A_604, %get3A_1 : vector<8x256xf32>
    %convert_element_type3A_606 = arith.extui %ge3A_605 : vector<8x256xi1> to vector<8x256xi32>
    %convert_element_type3A_607 = arith.sitofp %convert_element_type3A_606 : vector<8x256xi32> to vector<8x256xf32>
    %add3A_608 = arith.addf %add3A_602, %convert_element_type3A_607 : vector<8x256xf32>
    %slice3A_609 = vector.extract_strided_slice %select_n3A {offsets = [0, 100], sizes = [8, 1], strides = [1, 1]} : vector<8x256xf32> to vector<8x1xf32>
    %ge3A_610 = vector.broadcast %slice3A_609 : vector<8x1xf32> to vector<8x256xf32>
    %ge3A_611 = arith.cmpf oge, %ge3A_610, %get3A_1 : vector<8x256xf32>
    %convert_element_type3A_612 = arith.extui %ge3A_611 : vector<8x256xi1> to vector<8x256xi32>
    %convert_element_type3A_613 = arith.sitofp %convert_element_type3A_612 : vector<8x256xi32> to vector<8x256xf32>
    %add3A_614 = arith.addf %add3A_608, %convert_element_type3A_613 : vector<8x256xf32>
    %slice3A_615 = vector.extract_strided_slice %select_n3A {offsets = [0, 101], sizes = [8, 1], strides = [1, 1]} : vector<8x256xf32> to vector<8x1xf32>
    %ge3A_616 = vector.broadcast %slice3A_615 : vector<8x1xf32> to vector<8x256xf32>
    %ge3A_617 = arith.cmpf oge, %ge3A_616, %get3A_1 : vector<8x256xf32>
    %convert_element_type3A_618 = arith.extui %ge3A_617 : vector<8x256xi1> to vector<8x256xi32>
    %convert_element_type3A_619 = arith.sitofp %convert_element_type3A_618 : vector<8x256xi32> to vector<8x256xf32>
    %add3A_620 = arith.addf %add3A_614, %convert_element_type3A_619 : vector<8x256xf32>
    %slice3A_621 = vector.extract_strided_slice %select_n3A {offsets = [0, 102], sizes = [8, 1], strides = [1, 1]} : vector<8x256xf32> to vector<8x1xf32>
    %ge3A_622 = vector.broadcast %slice3A_621 : vector<8x1xf32> to vector<8x256xf32>
    %ge3A_623 = arith.cmpf oge, %ge3A_622, %get3A_1 : vector<8x256xf32>
    %convert_element_type3A_624 = arith.extui %ge3A_623 : vector<8x256xi1> to vector<8x256xi32>
    %convert_element_type3A_625 = arith.sitofp %convert_element_type3A_624 : vector<8x256xi32> to vector<8x256xf32>
    %add3A_626 = arith.addf %add3A_620, %convert_element_type3A_625 : vector<8x256xf32>
    %slice3A_627 = vector.extract_strided_slice %select_n3A {offsets = [0, 103], sizes = [8, 1], strides = [1, 1]} : vector<8x256xf32> to vector<8x1xf32>
    %ge3A_628 = vector.broadcast %slice3A_627 : vector<8x1xf32> to vector<8x256xf32>
    %ge3A_629 = arith.cmpf oge, %ge3A_628, %get3A_1 : vector<8x256xf32>
    %convert_element_type3A_630 = arith.extui %ge3A_629 : vector<8x256xi1> to vector<8x256xi32>
    %convert_element_type3A_631 = arith.sitofp %convert_element_type3A_630 : vector<8x256xi32> to vector<8x256xf32>
    %add3A_632 = arith.addf %add3A_626, %convert_element_type3A_631 : vector<8x256xf32>
    %slice3A_633 = vector.extract_strided_slice %select_n3A {offsets = [0, 104], sizes = [8, 1], strides = [1, 1]} : vector<8x256xf32> to vector<8x1xf32>
    %ge3A_634 = vector.broadcast %slice3A_633 : vector<8x1xf32> to vector<8x256xf32>
    %ge3A_635 = arith.cmpf oge, %ge3A_634, %get3A_1 : vector<8x256xf32>
    %convert_element_type3A_636 = arith.extui %ge3A_635 : vector<8x256xi1> to vector<8x256xi32>
    %convert_element_type3A_637 = arith.sitofp %convert_element_type3A_636 : vector<8x256xi32> to vector<8x256xf32>
    %add3A_638 = arith.addf %add3A_632, %convert_element_type3A_637 : vector<8x256xf32>
    %slice3A_639 = vector.extract_strided_slice %select_n3A {offsets = [0, 105], sizes = [8, 1], strides = [1, 1]} : vector<8x256xf32> to vector<8x1xf32>
    %ge3A_640 = vector.broadcast %slice3A_639 : vector<8x1xf32> to vector<8x256xf32>
    %ge3A_641 = arith.cmpf oge, %ge3A_640, %get3A_1 : vector<8x256xf32>
    %convert_element_type3A_642 = arith.extui %ge3A_641 : vector<8x256xi1> to vector<8x256xi32>
    %convert_element_type3A_643 = arith.sitofp %convert_element_type3A_642 : vector<8x256xi32> to vector<8x256xf32>
    %add3A_644 = arith.addf %add3A_638, %convert_element_type3A_643 : vector<8x256xf32>
    %slice3A_645 = vector.extract_strided_slice %select_n3A {offsets = [0, 106], sizes = [8, 1], strides = [1, 1]} : vector<8x256xf32> to vector<8x1xf32>
    %ge3A_646 = vector.broadcast %slice3A_645 : vector<8x1xf32> to vector<8x256xf32>
    %ge3A_647 = arith.cmpf oge, %ge3A_646, %get3A_1 : vector<8x256xf32>
    %convert_element_type3A_648 = arith.extui %ge3A_647 : vector<8x256xi1> to vector<8x256xi32>
    %convert_element_type3A_649 = arith.sitofp %convert_element_type3A_648 : vector<8x256xi32> to vector<8x256xf32>
    %add3A_650 = arith.addf %add3A_644, %convert_element_type3A_649 : vector<8x256xf32>
    %slice3A_651 = vector.extract_strided_slice %select_n3A {offsets = [0, 107], sizes = [8, 1], strides = [1, 1]} : vector<8x256xf32> to vector<8x1xf32>
    %ge3A_652 = vector.broadcast %slice3A_651 : vector<8x1xf32> to vector<8x256xf32>
    %ge3A_653 = arith.cmpf oge, %ge3A_652, %get3A_1 : vector<8x256xf32>
    %convert_element_type3A_654 = arith.extui %ge3A_653 : vector<8x256xi1> to vector<8x256xi32>
    %convert_element_type3A_655 = arith.sitofp %convert_element_type3A_654 : vector<8x256xi32> to vector<8x256xf32>
    %add3A_656 = arith.addf %add3A_650, %convert_element_type3A_655 : vector<8x256xf32>
    %slice3A_657 = vector.extract_strided_slice %select_n3A {offsets = [0, 108], sizes = [8, 1], strides = [1, 1]} : vector<8x256xf32> to vector<8x1xf32>
    %ge3A_658 = vector.broadcast %slice3A_657 : vector<8x1xf32> to vector<8x256xf32>
    %ge3A_659 = arith.cmpf oge, %ge3A_658, %get3A_1 : vector<8x256xf32>
    %convert_element_type3A_660 = arith.extui %ge3A_659 : vector<8x256xi1> to vector<8x256xi32>
    %convert_element_type3A_661 = arith.sitofp %convert_element_type3A_660 : vector<8x256xi32> to vector<8x256xf32>
    %add3A_662 = arith.addf %add3A_656, %convert_element_type3A_661 : vector<8x256xf32>
    %slice3A_663 = vector.extract_strided_slice %select_n3A {offsets = [0, 109], sizes = [8, 1], strides = [1, 1]} : vector<8x256xf32> to vector<8x1xf32>
    %ge3A_664 = vector.broadcast %slice3A_663 : vector<8x1xf32> to vector<8x256xf32>
    %ge3A_665 = arith.cmpf oge, %ge3A_664, %get3A_1 : vector<8x256xf32>
    %convert_element_type3A_666 = arith.extui %ge3A_665 : vector<8x256xi1> to vector<8x256xi32>
    %convert_element_type3A_667 = arith.sitofp %convert_element_type3A_666 : vector<8x256xi32> to vector<8x256xf32>
    %add3A_668 = arith.addf %add3A_662, %convert_element_type3A_667 : vector<8x256xf32>
    %slice3A_669 = vector.extract_strided_slice %select_n3A {offsets = [0, 110], sizes = [8, 1], strides = [1, 1]} : vector<8x256xf32> to vector<8x1xf32>
    %ge3A_670 = vector.broadcast %slice3A_669 : vector<8x1xf32> to vector<8x256xf32>
    %ge3A_671 = arith.cmpf oge, %ge3A_670, %get3A_1 : vector<8x256xf32>
    %convert_element_type3A_672 = arith.extui %ge3A_671 : vector<8x256xi1> to vector<8x256xi32>
    %convert_element_type3A_673 = arith.sitofp %convert_element_type3A_672 : vector<8x256xi32> to vector<8x256xf32>
    %add3A_674 = arith.addf %add3A_668, %convert_element_type3A_673 : vector<8x256xf32>
    %slice3A_675 = vector.extract_strided_slice %select_n3A {offsets = [0, 111], sizes = [8, 1], strides = [1, 1]} : vector<8x256xf32> to vector<8x1xf32>
    %ge3A_676 = vector.broadcast %slice3A_675 : vector<8x1xf32> to vector<8x256xf32>
    %ge3A_677 = arith.cmpf oge, %ge3A_676, %get3A_1 : vector<8x256xf32>
    %convert_element_type3A_678 = arith.extui %ge3A_677 : vector<8x256xi1> to vector<8x256xi32>
    %convert_element_type3A_679 = arith.sitofp %convert_element_type3A_678 : vector<8x256xi32> to vector<8x256xf32>
    %add3A_680 = arith.addf %add3A_674, %convert_element_type3A_679 : vector<8x256xf32>
    %slice3A_681 = vector.extract_strided_slice %select_n3A {offsets = [0, 112], sizes = [8, 1], strides = [1, 1]} : vector<8x256xf32> to vector<8x1xf32>
    %ge3A_682 = vector.broadcast %slice3A_681 : vector<8x1xf32> to vector<8x256xf32>
    %ge3A_683 = arith.cmpf oge, %ge3A_682, %get3A_1 : vector<8x256xf32>
    %convert_element_type3A_684 = arith.extui %ge3A_683 : vector<8x256xi1> to vector<8x256xi32>
    %convert_element_type3A_685 = arith.sitofp %convert_element_type3A_684 : vector<8x256xi32> to vector<8x256xf32>
    %add3A_686 = arith.addf %add3A_680, %convert_element_type3A_685 : vector<8x256xf32>
    %slice3A_687 = vector.extract_strided_slice %select_n3A {offsets = [0, 113], sizes = [8, 1], strides = [1, 1]} : vector<8x256xf32> to vector<8x1xf32>
    %ge3A_688 = vector.broadcast %slice3A_687 : vector<8x1xf32> to vector<8x256xf32>
    %ge3A_689 = arith.cmpf oge, %ge3A_688, %get3A_1 : vector<8x256xf32>
    %convert_element_type3A_690 = arith.extui %ge3A_689 : vector<8x256xi1> to vector<8x256xi32>
    %convert_element_type3A_691 = arith.sitofp %convert_element_type3A_690 : vector<8x256xi32> to vector<8x256xf32>
    %add3A_692 = arith.addf %add3A_686, %convert_element_type3A_691 : vector<8x256xf32>
    %slice3A_693 = vector.extract_strided_slice %select_n3A {offsets = [0, 114], sizes = [8, 1], strides = [1, 1]} : vector<8x256xf32> to vector<8x1xf32>
    %ge3A_694 = vector.broadcast %slice3A_693 : vector<8x1xf32> to vector<8x256xf32>
    %ge3A_695 = arith.cmpf oge, %ge3A_694, %get3A_1 : vector<8x256xf32>
    %convert_element_type3A_696 = arith.extui %ge3A_695 : vector<8x256xi1> to vector<8x256xi32>
    %convert_element_type3A_697 = arith.sitofp %convert_element_type3A_696 : vector<8x256xi32> to vector<8x256xf32>
    %add3A_698 = arith.addf %add3A_692, %convert_element_type3A_697 : vector<8x256xf32>
    %slice3A_699 = vector.extract_strided_slice %select_n3A {offsets = [0, 115], sizes = [8, 1], strides = [1, 1]} : vector<8x256xf32> to vector<8x1xf32>
    %ge3A_700 = vector.broadcast %slice3A_699 : vector<8x1xf32> to vector<8x256xf32>
    %ge3A_701 = arith.cmpf oge, %ge3A_700, %get3A_1 : vector<8x256xf32>
    %convert_element_type3A_702 = arith.extui %ge3A_701 : vector<8x256xi1> to vector<8x256xi32>
    %convert_element_type3A_703 = arith.sitofp %convert_element_type3A_702 : vector<8x256xi32> to vector<8x256xf32>
    %add3A_704 = arith.addf %add3A_698, %convert_element_type3A_703 : vector<8x256xf32>
    %slice3A_705 = vector.extract_strided_slice %select_n3A {offsets = [0, 116], sizes = [8, 1], strides = [1, 1]} : vector<8x256xf32> to vector<8x1xf32>
    %ge3A_706 = vector.broadcast %slice3A_705 : vector<8x1xf32> to vector<8x256xf32>
    %ge3A_707 = arith.cmpf oge, %ge3A_706, %get3A_1 : vector<8x256xf32>
    %convert_element_type3A_708 = arith.extui %ge3A_707 : vector<8x256xi1> to vector<8x256xi32>
    %convert_element_type3A_709 = arith.sitofp %convert_element_type3A_708 : vector<8x256xi32> to vector<8x256xf32>
    %add3A_710 = arith.addf %add3A_704, %convert_element_type3A_709 : vector<8x256xf32>
    %slice3A_711 = vector.extract_strided_slice %select_n3A {offsets = [0, 117], sizes = [8, 1], strides = [1, 1]} : vector<8x256xf32> to vector<8x1xf32>
    %ge3A_712 = vector.broadcast %slice3A_711 : vector<8x1xf32> to vector<8x256xf32>
    %ge3A_713 = arith.cmpf oge, %ge3A_712, %get3A_1 : vector<8x256xf32>
    %convert_element_type3A_714 = arith.extui %ge3A_713 : vector<8x256xi1> to vector<8x256xi32>
    %convert_element_type3A_715 = arith.sitofp %convert_element_type3A_714 : vector<8x256xi32> to vector<8x256xf32>
    %add3A_716 = arith.addf %add3A_710, %convert_element_type3A_715 : vector<8x256xf32>
    %slice3A_717 = vector.extract_strided_slice %select_n3A {offsets = [0, 118], sizes = [8, 1], strides = [1, 1]} : vector<8x256xf32> to vector<8x1xf32>
    %ge3A_718 = vector.broadcast %slice3A_717 : vector<8x1xf32> to vector<8x256xf32>
    %ge3A_719 = arith.cmpf oge, %ge3A_718, %get3A_1 : vector<8x256xf32>
    %convert_element_type3A_720 = arith.extui %ge3A_719 : vector<8x256xi1> to vector<8x256xi32>
    %convert_element_type3A_721 = arith.sitofp %convert_element_type3A_720 : vector<8x256xi32> to vector<8x256xf32>
    %add3A_722 = arith.addf %add3A_716, %convert_element_type3A_721 : vector<8x256xf32>
    %slice3A_723 = vector.extract_strided_slice %select_n3A {offsets = [0, 119], sizes = [8, 1], strides = [1, 1]} : vector<8x256xf32> to vector<8x1xf32>
    %ge3A_724 = vector.broadcast %slice3A_723 : vector<8x1xf32> to vector<8x256xf32>
    %ge3A_725 = arith.cmpf oge, %ge3A_724, %get3A_1 : vector<8x256xf32>
    %convert_element_type3A_726 = arith.extui %ge3A_725 : vector<8x256xi1> to vector<8x256xi32>
    %convert_element_type3A_727 = arith.sitofp %convert_element_type3A_726 : vector<8x256xi32> to vector<8x256xf32>
    %add3A_728 = arith.addf %add3A_722, %convert_element_type3A_727 : vector<8x256xf32>
    %slice3A_729 = vector.extract_strided_slice %select_n3A {offsets = [0, 120], sizes = [8, 1], strides = [1, 1]} : vector<8x256xf32> to vector<8x1xf32>
    %ge3A_730 = vector.broadcast %slice3A_729 : vector<8x1xf32> to vector<8x256xf32>
    %ge3A_731 = arith.cmpf oge, %ge3A_730, %get3A_1 : vector<8x256xf32>
    %convert_element_type3A_732 = arith.extui %ge3A_731 : vector<8x256xi1> to vector<8x256xi32>
    %convert_element_type3A_733 = arith.sitofp %convert_element_type3A_732 : vector<8x256xi32> to vector<8x256xf32>
    %add3A_734 = arith.addf %add3A_728, %convert_element_type3A_733 : vector<8x256xf32>
    %slice3A_735 = vector.extract_strided_slice %select_n3A {offsets = [0, 121], sizes = [8, 1], strides = [1, 1]} : vector<8x256xf32> to vector<8x1xf32>
    %ge3A_736 = vector.broadcast %slice3A_735 : vector<8x1xf32> to vector<8x256xf32>
    %ge3A_737 = arith.cmpf oge, %ge3A_736, %get3A_1 : vector<8x256xf32>
    %convert_element_type3A_738 = arith.extui %ge3A_737 : vector<8x256xi1> to vector<8x256xi32>
    %convert_element_type3A_739 = arith.sitofp %convert_element_type3A_738 : vector<8x256xi32> to vector<8x256xf32>
    %add3A_740 = arith.addf %add3A_734, %convert_element_type3A_739 : vector<8x256xf32>
    %slice3A_741 = vector.extract_strided_slice %select_n3A {offsets = [0, 122], sizes = [8, 1], strides = [1, 1]} : vector<8x256xf32> to vector<8x1xf32>
    %ge3A_742 = vector.broadcast %slice3A_741 : vector<8x1xf32> to vector<8x256xf32>
    %ge3A_743 = arith.cmpf oge, %ge3A_742, %get3A_1 : vector<8x256xf32>
    %convert_element_type3A_744 = arith.extui %ge3A_743 : vector<8x256xi1> to vector<8x256xi32>
    %convert_element_type3A_745 = arith.sitofp %convert_element_type3A_744 : vector<8x256xi32> to vector<8x256xf32>
    %add3A_746 = arith.addf %add3A_740, %convert_element_type3A_745 : vector<8x256xf32>
    %slice3A_747 = vector.extract_strided_slice %select_n3A {offsets = [0, 123], sizes = [8, 1], strides = [1, 1]} : vector<8x256xf32> to vector<8x1xf32>
    %ge3A_748 = vector.broadcast %slice3A_747 : vector<8x1xf32> to vector<8x256xf32>
    %ge3A_749 = arith.cmpf oge, %ge3A_748, %get3A_1 : vector<8x256xf32>
    %convert_element_type3A_750 = arith.extui %ge3A_749 : vector<8x256xi1> to vector<8x256xi32>
    %convert_element_type3A_751 = arith.sitofp %convert_element_type3A_750 : vector<8x256xi32> to vector<8x256xf32>
    %add3A_752 = arith.addf %add3A_746, %convert_element_type3A_751 : vector<8x256xf32>
    %slice3A_753 = vector.extract_strided_slice %select_n3A {offsets = [0, 124], sizes = [8, 1], strides = [1, 1]} : vector<8x256xf32> to vector<8x1xf32>
    %ge3A_754 = vector.broadcast %slice3A_753 : vector<8x1xf32> to vector<8x256xf32>
    %ge3A_755 = arith.cmpf oge, %ge3A_754, %get3A_1 : vector<8x256xf32>
    %convert_element_type3A_756 = arith.extui %ge3A_755 : vector<8x256xi1> to vector<8x256xi32>
    %convert_element_type3A_757 = arith.sitofp %convert_element_type3A_756 : vector<8x256xi32> to vector<8x256xf32>
    %add3A_758 = arith.addf %add3A_752, %convert_element_type3A_757 : vector<8x256xf32>
    %slice3A_759 = vector.extract_strided_slice %select_n3A {offsets = [0, 125], sizes = [8, 1], strides = [1, 1]} : vector<8x256xf32> to vector<8x1xf32>
    %ge3A_760 = vector.broadcast %slice3A_759 : vector<8x1xf32> to vector<8x256xf32>
    %ge3A_761 = arith.cmpf oge, %ge3A_760, %get3A_1 : vector<8x256xf32>
    %convert_element_type3A_762 = arith.extui %ge3A_761 : vector<8x256xi1> to vector<8x256xi32>
    %convert_element_type3A_763 = arith.sitofp %convert_element_type3A_762 : vector<8x256xi32> to vector<8x256xf32>
    %add3A_764 = arith.addf %add3A_758, %convert_element_type3A_763 : vector<8x256xf32>
    %slice3A_765 = vector.extract_strided_slice %select_n3A {offsets = [0, 126], sizes = [8, 1], strides = [1, 1]} : vector<8x256xf32> to vector<8x1xf32>
    %ge3A_766 = vector.broadcast %slice3A_765 : vector<8x1xf32> to vector<8x256xf32>
    %ge3A_767 = arith.cmpf oge, %ge3A_766, %get3A_1 : vector<8x256xf32>
    %convert_element_type3A_768 = arith.extui %ge3A_767 : vector<8x256xi1> to vector<8x256xi32>
    %convert_element_type3A_769 = arith.sitofp %convert_element_type3A_768 : vector<8x256xi32> to vector<8x256xf32>
    %add3A_770 = arith.addf %add3A_764, %convert_element_type3A_769 : vector<8x256xf32>
    %slice3A_771 = vector.extract_strided_slice %select_n3A {offsets = [0, 127], sizes = [8, 1], strides = [1, 1]} : vector<8x256xf32> to vector<8x1xf32>
    %ge3A_772 = vector.broadcast %slice3A_771 : vector<8x1xf32> to vector<8x256xf32>
    %ge3A_773 = arith.cmpf oge, %ge3A_772, %get3A_1 : vector<8x256xf32>
    %convert_element_type3A_774 = arith.extui %ge3A_773 : vector<8x256xi1> to vector<8x256xi32>
    %convert_element_type3A_775 = arith.sitofp %convert_element_type3A_774 : vector<8x256xi32> to vector<8x256xf32>
    %add3A_776 = arith.addf %add3A_770, %convert_element_type3A_775 : vector<8x256xf32>
    %slice3A_777 = vector.extract_strided_slice %select_n3A {offsets = [0, 128], sizes = [8, 1], strides = [1, 1]} : vector<8x256xf32> to vector<8x1xf32>
    %ge3A_778 = vector.broadcast %slice3A_777 : vector<8x1xf32> to vector<8x256xf32>
    %ge3A_779 = arith.cmpf oge, %ge3A_778, %get3A_1 : vector<8x256xf32>
    %convert_element_type3A_780 = arith.extui %ge3A_779 : vector<8x256xi1> to vector<8x256xi32>
    %convert_element_type3A_781 = arith.sitofp %convert_element_type3A_780 : vector<8x256xi32> to vector<8x256xf32>
    %add3A_782 = arith.addf %add3A_776, %convert_element_type3A_781 : vector<8x256xf32>
    %slice3A_783 = vector.extract_strided_slice %select_n3A {offsets = [0, 129], sizes = [8, 1], strides = [1, 1]} : vector<8x256xf32> to vector<8x1xf32>
    %ge3A_784 = vector.broadcast %slice3A_783 : vector<8x1xf32> to vector<8x256xf32>
    %ge3A_785 = arith.cmpf oge, %ge3A_784, %get3A_1 : vector<8x256xf32>
    %convert_element_type3A_786 = arith.extui %ge3A_785 : vector<8x256xi1> to vector<8x256xi32>
    %convert_element_type3A_787 = arith.sitofp %convert_element_type3A_786 : vector<8x256xi32> to vector<8x256xf32>
    %add3A_788 = arith.addf %add3A_782, %convert_element_type3A_787 : vector<8x256xf32>
    %slice3A_789 = vector.extract_strided_slice %select_n3A {offsets = [0, 130], sizes = [8, 1], strides = [1, 1]} : vector<8x256xf32> to vector<8x1xf32>
    %ge3A_790 = vector.broadcast %slice3A_789 : vector<8x1xf32> to vector<8x256xf32>
    %ge3A_791 = arith.cmpf oge, %ge3A_790, %get3A_1 : vector<8x256xf32>
    %convert_element_type3A_792 = arith.extui %ge3A_791 : vector<8x256xi1> to vector<8x256xi32>
    %convert_element_type3A_793 = arith.sitofp %convert_element_type3A_792 : vector<8x256xi32> to vector<8x256xf32>
    %add3A_794 = arith.addf %add3A_788, %convert_element_type3A_793 : vector<8x256xf32>
    %slice3A_795 = vector.extract_strided_slice %select_n3A {offsets = [0, 131], sizes = [8, 1], strides = [1, 1]} : vector<8x256xf32> to vector<8x1xf32>
    %ge3A_796 = vector.broadcast %slice3A_795 : vector<8x1xf32> to vector<8x256xf32>
    %ge3A_797 = arith.cmpf oge, %ge3A_796, %get3A_1 : vector<8x256xf32>
    %convert_element_type3A_798 = arith.extui %ge3A_797 : vector<8x256xi1> to vector<8x256xi32>
    %convert_element_type3A_799 = arith.sitofp %convert_element_type3A_798 : vector<8x256xi32> to vector<8x256xf32>
    %add3A_800 = arith.addf %add3A_794, %convert_element_type3A_799 : vector<8x256xf32>
    %slice3A_801 = vector.extract_strided_slice %select_n3A {offsets = [0, 132], sizes = [8, 1], strides = [1, 1]} : vector<8x256xf32> to vector<8x1xf32>
    %ge3A_802 = vector.broadcast %slice3A_801 : vector<8x1xf32> to vector<8x256xf32>
    %ge3A_803 = arith.cmpf oge, %ge3A_802, %get3A_1 : vector<8x256xf32>
    %convert_element_type3A_804 = arith.extui %ge3A_803 : vector<8x256xi1> to vector<8x256xi32>
    %convert_element_type3A_805 = arith.sitofp %convert_element_type3A_804 : vector<8x256xi32> to vector<8x256xf32>
    %add3A_806 = arith.addf %add3A_800, %convert_element_type3A_805 : vector<8x256xf32>
    %slice3A_807 = vector.extract_strided_slice %select_n3A {offsets = [0, 133], sizes = [8, 1], strides = [1, 1]} : vector<8x256xf32> to vector<8x1xf32>
    %ge3A_808 = vector.broadcast %slice3A_807 : vector<8x1xf32> to vector<8x256xf32>
    %ge3A_809 = arith.cmpf oge, %ge3A_808, %get3A_1 : vector<8x256xf32>
    %convert_element_type3A_810 = arith.extui %ge3A_809 : vector<8x256xi1> to vector<8x256xi32>
    %convert_element_type3A_811 = arith.sitofp %convert_element_type3A_810 : vector<8x256xi32> to vector<8x256xf32>
    %add3A_812 = arith.addf %add3A_806, %convert_element_type3A_811 : vector<8x256xf32>
    %slice3A_813 = vector.extract_strided_slice %select_n3A {offsets = [0, 134], sizes = [8, 1], strides = [1, 1]} : vector<8x256xf32> to vector<8x1xf32>
    %ge3A_814 = vector.broadcast %slice3A_813 : vector<8x1xf32> to vector<8x256xf32>
    %ge3A_815 = arith.cmpf oge, %ge3A_814, %get3A_1 : vector<8x256xf32>
    %convert_element_type3A_816 = arith.extui %ge3A_815 : vector<8x256xi1> to vector<8x256xi32>
    %convert_element_type3A_817 = arith.sitofp %convert_element_type3A_816 : vector<8x256xi32> to vector<8x256xf32>
    %add3A_818 = arith.addf %add3A_812, %convert_element_type3A_817 : vector<8x256xf32>
    %slice3A_819 = vector.extract_strided_slice %select_n3A {offsets = [0, 135], sizes = [8, 1], strides = [1, 1]} : vector<8x256xf32> to vector<8x1xf32>
    %ge3A_820 = vector.broadcast %slice3A_819 : vector<8x1xf32> to vector<8x256xf32>
    %ge3A_821 = arith.cmpf oge, %ge3A_820, %get3A_1 : vector<8x256xf32>
    %convert_element_type3A_822 = arith.extui %ge3A_821 : vector<8x256xi1> to vector<8x256xi32>
    %convert_element_type3A_823 = arith.sitofp %convert_element_type3A_822 : vector<8x256xi32> to vector<8x256xf32>
    %add3A_824 = arith.addf %add3A_818, %convert_element_type3A_823 : vector<8x256xf32>
    %slice3A_825 = vector.extract_strided_slice %select_n3A {offsets = [0, 136], sizes = [8, 1], strides = [1, 1]} : vector<8x256xf32> to vector<8x1xf32>
    %ge3A_826 = vector.broadcast %slice3A_825 : vector<8x1xf32> to vector<8x256xf32>
    %ge3A_827 = arith.cmpf oge, %ge3A_826, %get3A_1 : vector<8x256xf32>
    %convert_element_type3A_828 = arith.extui %ge3A_827 : vector<8x256xi1> to vector<8x256xi32>
    %convert_element_type3A_829 = arith.sitofp %convert_element_type3A_828 : vector<8x256xi32> to vector<8x256xf32>
    %add3A_830 = arith.addf %add3A_824, %convert_element_type3A_829 : vector<8x256xf32>
    %slice3A_831 = vector.extract_strided_slice %select_n3A {offsets = [0, 137], sizes = [8, 1], strides = [1, 1]} : vector<8x256xf32> to vector<8x1xf32>
    %ge3A_832 = vector.broadcast %slice3A_831 : vector<8x1xf32> to vector<8x256xf32>
    %ge3A_833 = arith.cmpf oge, %ge3A_832, %get3A_1 : vector<8x256xf32>
    %convert_element_type3A_834 = arith.extui %ge3A_833 : vector<8x256xi1> to vector<8x256xi32>
    %convert_element_type3A_835 = arith.sitofp %convert_element_type3A_834 : vector<8x256xi32> to vector<8x256xf32>
    %add3A_836 = arith.addf %add3A_830, %convert_element_type3A_835 : vector<8x256xf32>
    %slice3A_837 = vector.extract_strided_slice %select_n3A {offsets = [0, 138], sizes = [8, 1], strides = [1, 1]} : vector<8x256xf32> to vector<8x1xf32>
    %ge3A_838 = vector.broadcast %slice3A_837 : vector<8x1xf32> to vector<8x256xf32>
    %ge3A_839 = arith.cmpf oge, %ge3A_838, %get3A_1 : vector<8x256xf32>
    %convert_element_type3A_840 = arith.extui %ge3A_839 : vector<8x256xi1> to vector<8x256xi32>
    %convert_element_type3A_841 = arith.sitofp %convert_element_type3A_840 : vector<8x256xi32> to vector<8x256xf32>
    %add3A_842 = arith.addf %add3A_836, %convert_element_type3A_841 : vector<8x256xf32>
    %slice3A_843 = vector.extract_strided_slice %select_n3A {offsets = [0, 139], sizes = [8, 1], strides = [1, 1]} : vector<8x256xf32> to vector<8x1xf32>
    %ge3A_844 = vector.broadcast %slice3A_843 : vector<8x1xf32> to vector<8x256xf32>
    %ge3A_845 = arith.cmpf oge, %ge3A_844, %get3A_1 : vector<8x256xf32>
    %convert_element_type3A_846 = arith.extui %ge3A_845 : vector<8x256xi1> to vector<8x256xi32>
    %convert_element_type3A_847 = arith.sitofp %convert_element_type3A_846 : vector<8x256xi32> to vector<8x256xf32>
    %add3A_848 = arith.addf %add3A_842, %convert_element_type3A_847 : vector<8x256xf32>
    %slice3A_849 = vector.extract_strided_slice %select_n3A {offsets = [0, 140], sizes = [8, 1], strides = [1, 1]} : vector<8x256xf32> to vector<8x1xf32>
    %ge3A_850 = vector.broadcast %slice3A_849 : vector<8x1xf32> to vector<8x256xf32>
    %ge3A_851 = arith.cmpf oge, %ge3A_850, %get3A_1 : vector<8x256xf32>
    %convert_element_type3A_852 = arith.extui %ge3A_851 : vector<8x256xi1> to vector<8x256xi32>
    %convert_element_type3A_853 = arith.sitofp %convert_element_type3A_852 : vector<8x256xi32> to vector<8x256xf32>
    %add3A_854 = arith.addf %add3A_848, %convert_element_type3A_853 : vector<8x256xf32>
    %slice3A_855 = vector.extract_strided_slice %select_n3A {offsets = [0, 141], sizes = [8, 1], strides = [1, 1]} : vector<8x256xf32> to vector<8x1xf32>
    %ge3A_856 = vector.broadcast %slice3A_855 : vector<8x1xf32> to vector<8x256xf32>
    %ge3A_857 = arith.cmpf oge, %ge3A_856, %get3A_1 : vector<8x256xf32>
    %convert_element_type3A_858 = arith.extui %ge3A_857 : vector<8x256xi1> to vector<8x256xi32>
    %convert_element_type3A_859 = arith.sitofp %convert_element_type3A_858 : vector<8x256xi32> to vector<8x256xf32>
    %add3A_860 = arith.addf %add3A_854, %convert_element_type3A_859 : vector<8x256xf32>
    %slice3A_861 = vector.extract_strided_slice %select_n3A {offsets = [0, 142], sizes = [8, 1], strides = [1, 1]} : vector<8x256xf32> to vector<8x1xf32>
    %ge3A_862 = vector.broadcast %slice3A_861 : vector<8x1xf32> to vector<8x256xf32>
    %ge3A_863 = arith.cmpf oge, %ge3A_862, %get3A_1 : vector<8x256xf32>
    %convert_element_type3A_864 = arith.extui %ge3A_863 : vector<8x256xi1> to vector<8x256xi32>
    %convert_element_type3A_865 = arith.sitofp %convert_element_type3A_864 : vector<8x256xi32> to vector<8x256xf32>
    %add3A_866 = arith.addf %add3A_860, %convert_element_type3A_865 : vector<8x256xf32>
    %slice3A_867 = vector.extract_strided_slice %select_n3A {offsets = [0, 143], sizes = [8, 1], strides = [1, 1]} : vector<8x256xf32> to vector<8x1xf32>
    %ge3A_868 = vector.broadcast %slice3A_867 : vector<8x1xf32> to vector<8x256xf32>
    %ge3A_869 = arith.cmpf oge, %ge3A_868, %get3A_1 : vector<8x256xf32>
    %convert_element_type3A_870 = arith.extui %ge3A_869 : vector<8x256xi1> to vector<8x256xi32>
    %convert_element_type3A_871 = arith.sitofp %convert_element_type3A_870 : vector<8x256xi32> to vector<8x256xf32>
    %add3A_872 = arith.addf %add3A_866, %convert_element_type3A_871 : vector<8x256xf32>
    %slice3A_873 = vector.extract_strided_slice %select_n3A {offsets = [0, 144], sizes = [8, 1], strides = [1, 1]} : vector<8x256xf32> to vector<8x1xf32>
    %ge3A_874 = vector.broadcast %slice3A_873 : vector<8x1xf32> to vector<8x256xf32>
    %ge3A_875 = arith.cmpf oge, %ge3A_874, %get3A_1 : vector<8x256xf32>
    %convert_element_type3A_876 = arith.extui %ge3A_875 : vector<8x256xi1> to vector<8x256xi32>
    %convert_element_type3A_877 = arith.sitofp %convert_element_type3A_876 : vector<8x256xi32> to vector<8x256xf32>
    %add3A_878 = arith.addf %add3A_872, %convert_element_type3A_877 : vector<8x256xf32>
    %slice3A_879 = vector.extract_strided_slice %select_n3A {offsets = [0, 145], sizes = [8, 1], strides = [1, 1]} : vector<8x256xf32> to vector<8x1xf32>
    %ge3A_880 = vector.broadcast %slice3A_879 : vector<8x1xf32> to vector<8x256xf32>
    %ge3A_881 = arith.cmpf oge, %ge3A_880, %get3A_1 : vector<8x256xf32>
    %convert_element_type3A_882 = arith.extui %ge3A_881 : vector<8x256xi1> to vector<8x256xi32>
    %convert_element_type3A_883 = arith.sitofp %convert_element_type3A_882 : vector<8x256xi32> to vector<8x256xf32>
    %add3A_884 = arith.addf %add3A_878, %convert_element_type3A_883 : vector<8x256xf32>
    %slice3A_885 = vector.extract_strided_slice %select_n3A {offsets = [0, 146], sizes = [8, 1], strides = [1, 1]} : vector<8x256xf32> to vector<8x1xf32>
    %ge3A_886 = vector.broadcast %slice3A_885 : vector<8x1xf32> to vector<8x256xf32>
    %ge3A_887 = arith.cmpf oge, %ge3A_886, %get3A_1 : vector<8x256xf32>
    %convert_element_type3A_888 = arith.extui %ge3A_887 : vector<8x256xi1> to vector<8x256xi32>
    %convert_element_type3A_889 = arith.sitofp %convert_element_type3A_888 : vector<8x256xi32> to vector<8x256xf32>
    %add3A_890 = arith.addf %add3A_884, %convert_element_type3A_889 : vector<8x256xf32>
    %slice3A_891 = vector.extract_strided_slice %select_n3A {offsets = [0, 147], sizes = [8, 1], strides = [1, 1]} : vector<8x256xf32> to vector<8x1xf32>
    %ge3A_892 = vector.broadcast %slice3A_891 : vector<8x1xf32> to vector<8x256xf32>
    %ge3A_893 = arith.cmpf oge, %ge3A_892, %get3A_1 : vector<8x256xf32>
    %convert_element_type3A_894 = arith.extui %ge3A_893 : vector<8x256xi1> to vector<8x256xi32>
    %convert_element_type3A_895 = arith.sitofp %convert_element_type3A_894 : vector<8x256xi32> to vector<8x256xf32>
    %add3A_896 = arith.addf %add3A_890, %convert_element_type3A_895 : vector<8x256xf32>
    %slice3A_897 = vector.extract_strided_slice %select_n3A {offsets = [0, 148], sizes = [8, 1], strides = [1, 1]} : vector<8x256xf32> to vector<8x1xf32>
    %ge3A_898 = vector.broadcast %slice3A_897 : vector<8x1xf32> to vector<8x256xf32>
    %ge3A_899 = arith.cmpf oge, %ge3A_898, %get3A_1 : vector<8x256xf32>
    %convert_element_type3A_900 = arith.extui %ge3A_899 : vector<8x256xi1> to vector<8x256xi32>
    %convert_element_type3A_901 = arith.sitofp %convert_element_type3A_900 : vector<8x256xi32> to vector<8x256xf32>
    %add3A_902 = arith.addf %add3A_896, %convert_element_type3A_901 : vector<8x256xf32>
    %slice3A_903 = vector.extract_strided_slice %select_n3A {offsets = [0, 149], sizes = [8, 1], strides = [1, 1]} : vector<8x256xf32> to vector<8x1xf32>
    %ge3A_904 = vector.broadcast %slice3A_903 : vector<8x1xf32> to vector<8x256xf32>
    %ge3A_905 = arith.cmpf oge, %ge3A_904, %get3A_1 : vector<8x256xf32>
    %convert_element_type3A_906 = arith.extui %ge3A_905 : vector<8x256xi1> to vector<8x256xi32>
    %convert_element_type3A_907 = arith.sitofp %convert_element_type3A_906 : vector<8x256xi32> to vector<8x256xf32>
    %add3A_908 = arith.addf %add3A_902, %convert_element_type3A_907 : vector<8x256xf32>
    %slice3A_909 = vector.extract_strided_slice %select_n3A {offsets = [0, 150], sizes = [8, 1], strides = [1, 1]} : vector<8x256xf32> to vector<8x1xf32>
    %ge3A_910 = vector.broadcast %slice3A_909 : vector<8x1xf32> to vector<8x256xf32>
    %ge3A_911 = arith.cmpf oge, %ge3A_910, %get3A_1 : vector<8x256xf32>
    %convert_element_type3A_912 = arith.extui %ge3A_911 : vector<8x256xi1> to vector<8x256xi32>
    %convert_element_type3A_913 = arith.sitofp %convert_element_type3A_912 : vector<8x256xi32> to vector<8x256xf32>
    %add3A_914 = arith.addf %add3A_908, %convert_element_type3A_913 : vector<8x256xf32>
    %slice3A_915 = vector.extract_strided_slice %select_n3A {offsets = [0, 151], sizes = [8, 1], strides = [1, 1]} : vector<8x256xf32> to vector<8x1xf32>
    %ge3A_916 = vector.broadcast %slice3A_915 : vector<8x1xf32> to vector<8x256xf32>
    %ge3A_917 = arith.cmpf oge, %ge3A_916, %get3A_1 : vector<8x256xf32>
    %convert_element_type3A_918 = arith.extui %ge3A_917 : vector<8x256xi1> to vector<8x256xi32>
    %convert_element_type3A_919 = arith.sitofp %convert_element_type3A_918 : vector<8x256xi32> to vector<8x256xf32>
    %add3A_920 = arith.addf %add3A_914, %convert_element_type3A_919 : vector<8x256xf32>
    %slice3A_921 = vector.extract_strided_slice %select_n3A {offsets = [0, 152], sizes = [8, 1], strides = [1, 1]} : vector<8x256xf32> to vector<8x1xf32>
    %ge3A_922 = vector.broadcast %slice3A_921 : vector<8x1xf32> to vector<8x256xf32>
    %ge3A_923 = arith.cmpf oge, %ge3A_922, %get3A_1 : vector<8x256xf32>
    %convert_element_type3A_924 = arith.extui %ge3A_923 : vector<8x256xi1> to vector<8x256xi32>
    %convert_element_type3A_925 = arith.sitofp %convert_element_type3A_924 : vector<8x256xi32> to vector<8x256xf32>
    %add3A_926 = arith.addf %add3A_920, %convert_element_type3A_925 : vector<8x256xf32>
    %slice3A_927 = vector.extract_strided_slice %select_n3A {offsets = [0, 153], sizes = [8, 1], strides = [1, 1]} : vector<8x256xf32> to vector<8x1xf32>
    %ge3A_928 = vector.broadcast %slice3A_927 : vector<8x1xf32> to vector<8x256xf32>
    %ge3A_929 = arith.cmpf oge, %ge3A_928, %get3A_1 : vector<8x256xf32>
    %convert_element_type3A_930 = arith.extui %ge3A_929 : vector<8x256xi1> to vector<8x256xi32>
    %convert_element_type3A_931 = arith.sitofp %convert_element_type3A_930 : vector<8x256xi32> to vector<8x256xf32>
    %add3A_932 = arith.addf %add3A_926, %convert_element_type3A_931 : vector<8x256xf32>
    %slice3A_933 = vector.extract_strided_slice %select_n3A {offsets = [0, 154], sizes = [8, 1], strides = [1, 1]} : vector<8x256xf32> to vector<8x1xf32>
    %ge3A_934 = vector.broadcast %slice3A_933 : vector<8x1xf32> to vector<8x256xf32>
    %ge3A_935 = arith.cmpf oge, %ge3A_934, %get3A_1 : vector<8x256xf32>
    %convert_element_type3A_936 = arith.extui %ge3A_935 : vector<8x256xi1> to vector<8x256xi32>
    %convert_element_type3A_937 = arith.sitofp %convert_element_type3A_936 : vector<8x256xi32> to vector<8x256xf32>
    %add3A_938 = arith.addf %add3A_932, %convert_element_type3A_937 : vector<8x256xf32>
    %slice3A_939 = vector.extract_strided_slice %select_n3A {offsets = [0, 155], sizes = [8, 1], strides = [1, 1]} : vector<8x256xf32> to vector<8x1xf32>
    %ge3A_940 = vector.broadcast %slice3A_939 : vector<8x1xf32> to vector<8x256xf32>
    %ge3A_941 = arith.cmpf oge, %ge3A_940, %get3A_1 : vector<8x256xf32>
    %convert_element_type3A_942 = arith.extui %ge3A_941 : vector<8x256xi1> to vector<8x256xi32>
    %convert_element_type3A_943 = arith.sitofp %convert_element_type3A_942 : vector<8x256xi32> to vector<8x256xf32>
    %add3A_944 = arith.addf %add3A_938, %convert_element_type3A_943 : vector<8x256xf32>
    %slice3A_945 = vector.extract_strided_slice %select_n3A {offsets = [0, 156], sizes = [8, 1], strides = [1, 1]} : vector<8x256xf32> to vector<8x1xf32>
    %ge3A_946 = vector.broadcast %slice3A_945 : vector<8x1xf32> to vector<8x256xf32>
    %ge3A_947 = arith.cmpf oge, %ge3A_946, %get3A_1 : vector<8x256xf32>
    %convert_element_type3A_948 = arith.extui %ge3A_947 : vector<8x256xi1> to vector<8x256xi32>
    %convert_element_type3A_949 = arith.sitofp %convert_element_type3A_948 : vector<8x256xi32> to vector<8x256xf32>
    %add3A_950 = arith.addf %add3A_944, %convert_element_type3A_949 : vector<8x256xf32>
    %slice3A_951 = vector.extract_strided_slice %select_n3A {offsets = [0, 157], sizes = [8, 1], strides = [1, 1]} : vector<8x256xf32> to vector<8x1xf32>
    %ge3A_952 = vector.broadcast %slice3A_951 : vector<8x1xf32> to vector<8x256xf32>
    %ge3A_953 = arith.cmpf oge, %ge3A_952, %get3A_1 : vector<8x256xf32>
    %convert_element_type3A_954 = arith.extui %ge3A_953 : vector<8x256xi1> to vector<8x256xi32>
    %convert_element_type3A_955 = arith.sitofp %convert_element_type3A_954 : vector<8x256xi32> to vector<8x256xf32>
    %add3A_956 = arith.addf %add3A_950, %convert_element_type3A_955 : vector<8x256xf32>
    %slice3A_957 = vector.extract_strided_slice %select_n3A {offsets = [0, 158], sizes = [8, 1], strides = [1, 1]} : vector<8x256xf32> to vector<8x1xf32>
    %ge3A_958 = vector.broadcast %slice3A_957 : vector<8x1xf32> to vector<8x256xf32>
    %ge3A_959 = arith.cmpf oge, %ge3A_958, %get3A_1 : vector<8x256xf32>
    %convert_element_type3A_960 = arith.extui %ge3A_959 : vector<8x256xi1> to vector<8x256xi32>
    %convert_element_type3A_961 = arith.sitofp %convert_element_type3A_960 : vector<8x256xi32> to vector<8x256xf32>
    %add3A_962 = arith.addf %add3A_956, %convert_element_type3A_961 : vector<8x256xf32>
    %slice3A_963 = vector.extract_strided_slice %select_n3A {offsets = [0, 159], sizes = [8, 1], strides = [1, 1]} : vector<8x256xf32> to vector<8x1xf32>
    %ge3A_964 = vector.broadcast %slice3A_963 : vector<8x1xf32> to vector<8x256xf32>
    %ge3A_965 = arith.cmpf oge, %ge3A_964, %get3A_1 : vector<8x256xf32>
    %convert_element_type3A_966 = arith.extui %ge3A_965 : vector<8x256xi1> to vector<8x256xi32>
    %convert_element_type3A_967 = arith.sitofp %convert_element_type3A_966 : vector<8x256xi32> to vector<8x256xf32>
    %add3A_968 = arith.addf %add3A_962, %convert_element_type3A_967 : vector<8x256xf32>
    %slice3A_969 = vector.extract_strided_slice %select_n3A {offsets = [0, 160], sizes = [8, 1], strides = [1, 1]} : vector<8x256xf32> to vector<8x1xf32>
    %ge3A_970 = vector.broadcast %slice3A_969 : vector<8x1xf32> to vector<8x256xf32>
    %ge3A_971 = arith.cmpf oge, %ge3A_970, %get3A_1 : vector<8x256xf32>
    %convert_element_type3A_972 = arith.extui %ge3A_971 : vector<8x256xi1> to vector<8x256xi32>
    %convert_element_type3A_973 = arith.sitofp %convert_element_type3A_972 : vector<8x256xi32> to vector<8x256xf32>
    %add3A_974 = arith.addf %add3A_968, %convert_element_type3A_973 : vector<8x256xf32>
    %slice3A_975 = vector.extract_strided_slice %select_n3A {offsets = [0, 161], sizes = [8, 1], strides = [1, 1]} : vector<8x256xf32> to vector<8x1xf32>
    %ge3A_976 = vector.broadcast %slice3A_975 : vector<8x1xf32> to vector<8x256xf32>
    %ge3A_977 = arith.cmpf oge, %ge3A_976, %get3A_1 : vector<8x256xf32>
    %convert_element_type3A_978 = arith.extui %ge3A_977 : vector<8x256xi1> to vector<8x256xi32>
    %convert_element_type3A_979 = arith.sitofp %convert_element_type3A_978 : vector<8x256xi32> to vector<8x256xf32>
    %add3A_980 = arith.addf %add3A_974, %convert_element_type3A_979 : vector<8x256xf32>
    %slice3A_981 = vector.extract_strided_slice %select_n3A {offsets = [0, 162], sizes = [8, 1], strides = [1, 1]} : vector<8x256xf32> to vector<8x1xf32>
    %ge3A_982 = vector.broadcast %slice3A_981 : vector<8x1xf32> to vector<8x256xf32>
    %ge3A_983 = arith.cmpf oge, %ge3A_982, %get3A_1 : vector<8x256xf32>
    %convert_element_type3A_984 = arith.extui %ge3A_983 : vector<8x256xi1> to vector<8x256xi32>
    %convert_element_type3A_985 = arith.sitofp %convert_element_type3A_984 : vector<8x256xi32> to vector<8x256xf32>
    %add3A_986 = arith.addf %add3A_980, %convert_element_type3A_985 : vector<8x256xf32>
    %slice3A_987 = vector.extract_strided_slice %select_n3A {offsets = [0, 163], sizes = [8, 1], strides = [1, 1]} : vector<8x256xf32> to vector<8x1xf32>
    %ge3A_988 = vector.broadcast %slice3A_987 : vector<8x1xf32> to vector<8x256xf32>
    %ge3A_989 = arith.cmpf oge, %ge3A_988, %get3A_1 : vector<8x256xf32>
    %convert_element_type3A_990 = arith.extui %ge3A_989 : vector<8x256xi1> to vector<8x256xi32>
    %convert_element_type3A_991 = arith.sitofp %convert_element_type3A_990 : vector<8x256xi32> to vector<8x256xf32>
    %add3A_992 = arith.addf %add3A_986, %convert_element_type3A_991 : vector<8x256xf32>
    %slice3A_993 = vector.extract_strided_slice %select_n3A {offsets = [0, 164], sizes = [8, 1], strides = [1, 1]} : vector<8x256xf32> to vector<8x1xf32>
    %ge3A_994 = vector.broadcast %slice3A_993 : vector<8x1xf32> to vector<8x256xf32>
    %ge3A_995 = arith.cmpf oge, %ge3A_994, %get3A_1 : vector<8x256xf32>
    %convert_element_type3A_996 = arith.extui %ge3A_995 : vector<8x256xi1> to vector<8x256xi32>
    %convert_element_type3A_997 = arith.sitofp %convert_element_type3A_996 : vector<8x256xi32> to vector<8x256xf32>
    %add3A_998 = arith.addf %add3A_992, %convert_element_type3A_997 : vector<8x256xf32>
    %slice3A_999 = vector.extract_strided_slice %select_n3A {offsets = [0, 165], sizes = [8, 1], strides = [1, 1]} : vector<8x256xf32> to vector<8x1xf32>
    %ge3A_1000 = vector.broadcast %slice3A_999 : vector<8x1xf32> to vector<8x256xf32>
    %ge3A_1001 = arith.cmpf oge, %ge3A_1000, %get3A_1 : vector<8x256xf32>
    %convert_element_type3A_1002 = arith.extui %ge3A_1001 : vector<8x256xi1> to vector<8x256xi32>
    %convert_element_type3A_1003 = arith.sitofp %convert_element_type3A_1002 : vector<8x256xi32> to vector<8x256xf32>
    %add3A_1004 = arith.addf %add3A_998, %convert_element_type3A_1003 : vector<8x256xf32>
    %slice3A_1005 = vector.extract_strided_slice %select_n3A {offsets = [0, 166], sizes = [8, 1], strides = [1, 1]} : vector<8x256xf32> to vector<8x1xf32>
    %ge3A_1006 = vector.broadcast %slice3A_1005 : vector<8x1xf32> to vector<8x256xf32>
    %ge3A_1007 = arith.cmpf oge, %ge3A_1006, %get3A_1 : vector<8x256xf32>
    %convert_element_type3A_1008 = arith.extui %ge3A_1007 : vector<8x256xi1> to vector<8x256xi32>
    %convert_element_type3A_1009 = arith.sitofp %convert_element_type3A_1008 : vector<8x256xi32> to vector<8x256xf32>
    %add3A_1010 = arith.addf %add3A_1004, %convert_element_type3A_1009 : vector<8x256xf32>
    %slice3A_1011 = vector.extract_strided_slice %select_n3A {offsets = [0, 167], sizes = [8, 1], strides = [1, 1]} : vector<8x256xf32> to vector<8x1xf32>
    %ge3A_1012 = vector.broadcast %slice3A_1011 : vector<8x1xf32> to vector<8x256xf32>
    %ge3A_1013 = arith.cmpf oge, %ge3A_1012, %get3A_1 : vector<8x256xf32>
    %convert_element_type3A_1014 = arith.extui %ge3A_1013 : vector<8x256xi1> to vector<8x256xi32>
    %convert_element_type3A_1015 = arith.sitofp %convert_element_type3A_1014 : vector<8x256xi32> to vector<8x256xf32>
    %add3A_1016 = arith.addf %add3A_1010, %convert_element_type3A_1015 : vector<8x256xf32>
    %slice3A_1017 = vector.extract_strided_slice %select_n3A {offsets = [0, 168], sizes = [8, 1], strides = [1, 1]} : vector<8x256xf32> to vector<8x1xf32>
    %ge3A_1018 = vector.broadcast %slice3A_1017 : vector<8x1xf32> to vector<8x256xf32>
    %ge3A_1019 = arith.cmpf oge, %ge3A_1018, %get3A_1 : vector<8x256xf32>
    %convert_element_type3A_1020 = arith.extui %ge3A_1019 : vector<8x256xi1> to vector<8x256xi32>
    %convert_element_type3A_1021 = arith.sitofp %convert_element_type3A_1020 : vector<8x256xi32> to vector<8x256xf32>
    %add3A_1022 = arith.addf %add3A_1016, %convert_element_type3A_1021 : vector<8x256xf32>
    %slice3A_1023 = vector.extract_strided_slice %select_n3A {offsets = [0, 169], sizes = [8, 1], strides = [1, 1]} : vector<8x256xf32> to vector<8x1xf32>
    %ge3A_1024 = vector.broadcast %slice3A_1023 : vector<8x1xf32> to vector<8x256xf32>
    %ge3A_1025 = arith.cmpf oge, %ge3A_1024, %get3A_1 : vector<8x256xf32>
    %convert_element_type3A_1026 = arith.extui %ge3A_1025 : vector<8x256xi1> to vector<8x256xi32>
    %convert_element_type3A_1027 = arith.sitofp %convert_element_type3A_1026 : vector<8x256xi32> to vector<8x256xf32>
    %add3A_1028 = arith.addf %add3A_1022, %convert_element_type3A_1027 : vector<8x256xf32>
    %slice3A_1029 = vector.extract_strided_slice %select_n3A {offsets = [0, 170], sizes = [8, 1], strides = [1, 1]} : vector<8x256xf32> to vector<8x1xf32>
    %ge3A_1030 = vector.broadcast %slice3A_1029 : vector<8x1xf32> to vector<8x256xf32>
    %ge3A_1031 = arith.cmpf oge, %ge3A_1030, %get3A_1 : vector<8x256xf32>
    %convert_element_type3A_1032 = arith.extui %ge3A_1031 : vector<8x256xi1> to vector<8x256xi32>
    %convert_element_type3A_1033 = arith.sitofp %convert_element_type3A_1032 : vector<8x256xi32> to vector<8x256xf32>
    %add3A_1034 = arith.addf %add3A_1028, %convert_element_type3A_1033 : vector<8x256xf32>
    %slice3A_1035 = vector.extract_strided_slice %select_n3A {offsets = [0, 171], sizes = [8, 1], strides = [1, 1]} : vector<8x256xf32> to vector<8x1xf32>
    %ge3A_1036 = vector.broadcast %slice3A_1035 : vector<8x1xf32> to vector<8x256xf32>
    %ge3A_1037 = arith.cmpf oge, %ge3A_1036, %get3A_1 : vector<8x256xf32>
    %convert_element_type3A_1038 = arith.extui %ge3A_1037 : vector<8x256xi1> to vector<8x256xi32>
    %convert_element_type3A_1039 = arith.sitofp %convert_element_type3A_1038 : vector<8x256xi32> to vector<8x256xf32>
    %add3A_1040 = arith.addf %add3A_1034, %convert_element_type3A_1039 : vector<8x256xf32>
    %slice3A_1041 = vector.extract_strided_slice %select_n3A {offsets = [0, 172], sizes = [8, 1], strides = [1, 1]} : vector<8x256xf32> to vector<8x1xf32>
    %ge3A_1042 = vector.broadcast %slice3A_1041 : vector<8x1xf32> to vector<8x256xf32>
    %ge3A_1043 = arith.cmpf oge, %ge3A_1042, %get3A_1 : vector<8x256xf32>
    %convert_element_type3A_1044 = arith.extui %ge3A_1043 : vector<8x256xi1> to vector<8x256xi32>
    %convert_element_type3A_1045 = arith.sitofp %convert_element_type3A_1044 : vector<8x256xi32> to vector<8x256xf32>
    %add3A_1046 = arith.addf %add3A_1040, %convert_element_type3A_1045 : vector<8x256xf32>
    %slice3A_1047 = vector.extract_strided_slice %select_n3A {offsets = [0, 173], sizes = [8, 1], strides = [1, 1]} : vector<8x256xf32> to vector<8x1xf32>
    %ge3A_1048 = vector.broadcast %slice3A_1047 : vector<8x1xf32> to vector<8x256xf32>
    %ge3A_1049 = arith.cmpf oge, %ge3A_1048, %get3A_1 : vector<8x256xf32>
    %convert_element_type3A_1050 = arith.extui %ge3A_1049 : vector<8x256xi1> to vector<8x256xi32>
    %convert_element_type3A_1051 = arith.sitofp %convert_element_type3A_1050 : vector<8x256xi32> to vector<8x256xf32>
    %add3A_1052 = arith.addf %add3A_1046, %convert_element_type3A_1051 : vector<8x256xf32>
    %slice3A_1053 = vector.extract_strided_slice %select_n3A {offsets = [0, 174], sizes = [8, 1], strides = [1, 1]} : vector<8x256xf32> to vector<8x1xf32>
    %ge3A_1054 = vector.broadcast %slice3A_1053 : vector<8x1xf32> to vector<8x256xf32>
    %ge3A_1055 = arith.cmpf oge, %ge3A_1054, %get3A_1 : vector<8x256xf32>
    %convert_element_type3A_1056 = arith.extui %ge3A_1055 : vector<8x256xi1> to vector<8x256xi32>
    %convert_element_type3A_1057 = arith.sitofp %convert_element_type3A_1056 : vector<8x256xi32> to vector<8x256xf32>
    %add3A_1058 = arith.addf %add3A_1052, %convert_element_type3A_1057 : vector<8x256xf32>
    %slice3A_1059 = vector.extract_strided_slice %select_n3A {offsets = [0, 175], sizes = [8, 1], strides = [1, 1]} : vector<8x256xf32> to vector<8x1xf32>
    %ge3A_1060 = vector.broadcast %slice3A_1059 : vector<8x1xf32> to vector<8x256xf32>
    %ge3A_1061 = arith.cmpf oge, %ge3A_1060, %get3A_1 : vector<8x256xf32>
    %convert_element_type3A_1062 = arith.extui %ge3A_1061 : vector<8x256xi1> to vector<8x256xi32>
    %convert_element_type3A_1063 = arith.sitofp %convert_element_type3A_1062 : vector<8x256xi32> to vector<8x256xf32>
    %add3A_1064 = arith.addf %add3A_1058, %convert_element_type3A_1063 : vector<8x256xf32>
    %slice3A_1065 = vector.extract_strided_slice %select_n3A {offsets = [0, 176], sizes = [8, 1], strides = [1, 1]} : vector<8x256xf32> to vector<8x1xf32>
    %ge3A_1066 = vector.broadcast %slice3A_1065 : vector<8x1xf32> to vector<8x256xf32>
    %ge3A_1067 = arith.cmpf oge, %ge3A_1066, %get3A_1 : vector<8x256xf32>
    %convert_element_type3A_1068 = arith.extui %ge3A_1067 : vector<8x256xi1> to vector<8x256xi32>
    %convert_element_type3A_1069 = arith.sitofp %convert_element_type3A_1068 : vector<8x256xi32> to vector<8x256xf32>
    %add3A_1070 = arith.addf %add3A_1064, %convert_element_type3A_1069 : vector<8x256xf32>
    %slice3A_1071 = vector.extract_strided_slice %select_n3A {offsets = [0, 177], sizes = [8, 1], strides = [1, 1]} : vector<8x256xf32> to vector<8x1xf32>
    %ge3A_1072 = vector.broadcast %slice3A_1071 : vector<8x1xf32> to vector<8x256xf32>
    %ge3A_1073 = arith.cmpf oge, %ge3A_1072, %get3A_1 : vector<8x256xf32>
    %convert_element_type3A_1074 = arith.extui %ge3A_1073 : vector<8x256xi1> to vector<8x256xi32>
    %convert_element_type3A_1075 = arith.sitofp %convert_element_type3A_1074 : vector<8x256xi32> to vector<8x256xf32>
    %add3A_1076 = arith.addf %add3A_1070, %convert_element_type3A_1075 : vector<8x256xf32>
    %slice3A_1077 = vector.extract_strided_slice %select_n3A {offsets = [0, 178], sizes = [8, 1], strides = [1, 1]} : vector<8x256xf32> to vector<8x1xf32>
    %ge3A_1078 = vector.broadcast %slice3A_1077 : vector<8x1xf32> to vector<8x256xf32>
    %ge3A_1079 = arith.cmpf oge, %ge3A_1078, %get3A_1 : vector<8x256xf32>
    %convert_element_type3A_1080 = arith.extui %ge3A_1079 : vector<8x256xi1> to vector<8x256xi32>
    %convert_element_type3A_1081 = arith.sitofp %convert_element_type3A_1080 : vector<8x256xi32> to vector<8x256xf32>
    %add3A_1082 = arith.addf %add3A_1076, %convert_element_type3A_1081 : vector<8x256xf32>
    %slice3A_1083 = vector.extract_strided_slice %select_n3A {offsets = [0, 179], sizes = [8, 1], strides = [1, 1]} : vector<8x256xf32> to vector<8x1xf32>
    %ge3A_1084 = vector.broadcast %slice3A_1083 : vector<8x1xf32> to vector<8x256xf32>
    %ge3A_1085 = arith.cmpf oge, %ge3A_1084, %get3A_1 : vector<8x256xf32>
    %convert_element_type3A_1086 = arith.extui %ge3A_1085 : vector<8x256xi1> to vector<8x256xi32>
    %convert_element_type3A_1087 = arith.sitofp %convert_element_type3A_1086 : vector<8x256xi32> to vector<8x256xf32>
    %add3A_1088 = arith.addf %add3A_1082, %convert_element_type3A_1087 : vector<8x256xf32>
    %slice3A_1089 = vector.extract_strided_slice %select_n3A {offsets = [0, 180], sizes = [8, 1], strides = [1, 1]} : vector<8x256xf32> to vector<8x1xf32>
    %ge3A_1090 = vector.broadcast %slice3A_1089 : vector<8x1xf32> to vector<8x256xf32>
    %ge3A_1091 = arith.cmpf oge, %ge3A_1090, %get3A_1 : vector<8x256xf32>
    %convert_element_type3A_1092 = arith.extui %ge3A_1091 : vector<8x256xi1> to vector<8x256xi32>
    %convert_element_type3A_1093 = arith.sitofp %convert_element_type3A_1092 : vector<8x256xi32> to vector<8x256xf32>
    %add3A_1094 = arith.addf %add3A_1088, %convert_element_type3A_1093 : vector<8x256xf32>
    %slice3A_1095 = vector.extract_strided_slice %select_n3A {offsets = [0, 181], sizes = [8, 1], strides = [1, 1]} : vector<8x256xf32> to vector<8x1xf32>
    %ge3A_1096 = vector.broadcast %slice3A_1095 : vector<8x1xf32> to vector<8x256xf32>
    %ge3A_1097 = arith.cmpf oge, %ge3A_1096, %get3A_1 : vector<8x256xf32>
    %convert_element_type3A_1098 = arith.extui %ge3A_1097 : vector<8x256xi1> to vector<8x256xi32>
    %convert_element_type3A_1099 = arith.sitofp %convert_element_type3A_1098 : vector<8x256xi32> to vector<8x256xf32>
    %add3A_1100 = arith.addf %add3A_1094, %convert_element_type3A_1099 : vector<8x256xf32>
    %slice3A_1101 = vector.extract_strided_slice %select_n3A {offsets = [0, 182], sizes = [8, 1], strides = [1, 1]} : vector<8x256xf32> to vector<8x1xf32>
    %ge3A_1102 = vector.broadcast %slice3A_1101 : vector<8x1xf32> to vector<8x256xf32>
    %ge3A_1103 = arith.cmpf oge, %ge3A_1102, %get3A_1 : vector<8x256xf32>
    %convert_element_type3A_1104 = arith.extui %ge3A_1103 : vector<8x256xi1> to vector<8x256xi32>
    %convert_element_type3A_1105 = arith.sitofp %convert_element_type3A_1104 : vector<8x256xi32> to vector<8x256xf32>
    %add3A_1106 = arith.addf %add3A_1100, %convert_element_type3A_1105 : vector<8x256xf32>
    %slice3A_1107 = vector.extract_strided_slice %select_n3A {offsets = [0, 183], sizes = [8, 1], strides = [1, 1]} : vector<8x256xf32> to vector<8x1xf32>
    %ge3A_1108 = vector.broadcast %slice3A_1107 : vector<8x1xf32> to vector<8x256xf32>
    %ge3A_1109 = arith.cmpf oge, %ge3A_1108, %get3A_1 : vector<8x256xf32>
    %convert_element_type3A_1110 = arith.extui %ge3A_1109 : vector<8x256xi1> to vector<8x256xi32>
    %convert_element_type3A_1111 = arith.sitofp %convert_element_type3A_1110 : vector<8x256xi32> to vector<8x256xf32>
    %add3A_1112 = arith.addf %add3A_1106, %convert_element_type3A_1111 : vector<8x256xf32>
    %slice3A_1113 = vector.extract_strided_slice %select_n3A {offsets = [0, 184], sizes = [8, 1], strides = [1, 1]} : vector<8x256xf32> to vector<8x1xf32>
    %ge3A_1114 = vector.broadcast %slice3A_1113 : vector<8x1xf32> to vector<8x256xf32>
    %ge3A_1115 = arith.cmpf oge, %ge3A_1114, %get3A_1 : vector<8x256xf32>
    %convert_element_type3A_1116 = arith.extui %ge3A_1115 : vector<8x256xi1> to vector<8x256xi32>
    %convert_element_type3A_1117 = arith.sitofp %convert_element_type3A_1116 : vector<8x256xi32> to vector<8x256xf32>
    %add3A_1118 = arith.addf %add3A_1112, %convert_element_type3A_1117 : vector<8x256xf32>
    %slice3A_1119 = vector.extract_strided_slice %select_n3A {offsets = [0, 185], sizes = [8, 1], strides = [1, 1]} : vector<8x256xf32> to vector<8x1xf32>
    %ge3A_1120 = vector.broadcast %slice3A_1119 : vector<8x1xf32> to vector<8x256xf32>
    %ge3A_1121 = arith.cmpf oge, %ge3A_1120, %get3A_1 : vector<8x256xf32>
    %convert_element_type3A_1122 = arith.extui %ge3A_1121 : vector<8x256xi1> to vector<8x256xi32>
    %convert_element_type3A_1123 = arith.sitofp %convert_element_type3A_1122 : vector<8x256xi32> to vector<8x256xf32>
    %add3A_1124 = arith.addf %add3A_1118, %convert_element_type3A_1123 : vector<8x256xf32>
    %slice3A_1125 = vector.extract_strided_slice %select_n3A {offsets = [0, 186], sizes = [8, 1], strides = [1, 1]} : vector<8x256xf32> to vector<8x1xf32>
    %ge3A_1126 = vector.broadcast %slice3A_1125 : vector<8x1xf32> to vector<8x256xf32>
    %ge3A_1127 = arith.cmpf oge, %ge3A_1126, %get3A_1 : vector<8x256xf32>
    %convert_element_type3A_1128 = arith.extui %ge3A_1127 : vector<8x256xi1> to vector<8x256xi32>
    %convert_element_type3A_1129 = arith.sitofp %convert_element_type3A_1128 : vector<8x256xi32> to vector<8x256xf32>
    %add3A_1130 = arith.addf %add3A_1124, %convert_element_type3A_1129 : vector<8x256xf32>
    %slice3A_1131 = vector.extract_strided_slice %select_n3A {offsets = [0, 187], sizes = [8, 1], strides = [1, 1]} : vector<8x256xf32> to vector<8x1xf32>
    %ge3A_1132 = vector.broadcast %slice3A_1131 : vector<8x1xf32> to vector<8x256xf32>
    %ge3A_1133 = arith.cmpf oge, %ge3A_1132, %get3A_1 : vector<8x256xf32>
    %convert_element_type3A_1134 = arith.extui %ge3A_1133 : vector<8x256xi1> to vector<8x256xi32>
    %convert_element_type3A_1135 = arith.sitofp %convert_element_type3A_1134 : vector<8x256xi32> to vector<8x256xf32>
    %add3A_1136 = arith.addf %add3A_1130, %convert_element_type3A_1135 : vector<8x256xf32>
    %slice3A_1137 = vector.extract_strided_slice %select_n3A {offsets = [0, 188], sizes = [8, 1], strides = [1, 1]} : vector<8x256xf32> to vector<8x1xf32>
    %ge3A_1138 = vector.broadcast %slice3A_1137 : vector<8x1xf32> to vector<8x256xf32>
    %ge3A_1139 = arith.cmpf oge, %ge3A_1138, %get3A_1 : vector<8x256xf32>
    %convert_element_type3A_1140 = arith.extui %ge3A_1139 : vector<8x256xi1> to vector<8x256xi32>
    %convert_element_type3A_1141 = arith.sitofp %convert_element_type3A_1140 : vector<8x256xi32> to vector<8x256xf32>
    %add3A_1142 = arith.addf %add3A_1136, %convert_element_type3A_1141 : vector<8x256xf32>
    %slice3A_1143 = vector.extract_strided_slice %select_n3A {offsets = [0, 189], sizes = [8, 1], strides = [1, 1]} : vector<8x256xf32> to vector<8x1xf32>
    %ge3A_1144 = vector.broadcast %slice3A_1143 : vector<8x1xf32> to vector<8x256xf32>
    %ge3A_1145 = arith.cmpf oge, %ge3A_1144, %get3A_1 : vector<8x256xf32>
    %convert_element_type3A_1146 = arith.extui %ge3A_1145 : vector<8x256xi1> to vector<8x256xi32>
    %convert_element_type3A_1147 = arith.sitofp %convert_element_type3A_1146 : vector<8x256xi32> to vector<8x256xf32>
    %add3A_1148 = arith.addf %add3A_1142, %convert_element_type3A_1147 : vector<8x256xf32>
    %slice3A_1149 = vector.extract_strided_slice %select_n3A {offsets = [0, 190], sizes = [8, 1], strides = [1, 1]} : vector<8x256xf32> to vector<8x1xf32>
    %ge3A_1150 = vector.broadcast %slice3A_1149 : vector<8x1xf32> to vector<8x256xf32>
    %ge3A_1151 = arith.cmpf oge, %ge3A_1150, %get3A_1 : vector<8x256xf32>
    %convert_element_type3A_1152 = arith.extui %ge3A_1151 : vector<8x256xi1> to vector<8x256xi32>
    %convert_element_type3A_1153 = arith.sitofp %convert_element_type3A_1152 : vector<8x256xi32> to vector<8x256xf32>
    %add3A_1154 = arith.addf %add3A_1148, %convert_element_type3A_1153 : vector<8x256xf32>
    %slice3A_1155 = vector.extract_strided_slice %select_n3A {offsets = [0, 191], sizes = [8, 1], strides = [1, 1]} : vector<8x256xf32> to vector<8x1xf32>
    %ge3A_1156 = vector.broadcast %slice3A_1155 : vector<8x1xf32> to vector<8x256xf32>
    %ge3A_1157 = arith.cmpf oge, %ge3A_1156, %get3A_1 : vector<8x256xf32>
    %convert_element_type3A_1158 = arith.extui %ge3A_1157 : vector<8x256xi1> to vector<8x256xi32>
    %convert_element_type3A_1159 = arith.sitofp %convert_element_type3A_1158 : vector<8x256xi32> to vector<8x256xf32>
    %add3A_1160 = arith.addf %add3A_1154, %convert_element_type3A_1159 : vector<8x256xf32>
    %slice3A_1161 = vector.extract_strided_slice %select_n3A {offsets = [0, 192], sizes = [8, 1], strides = [1, 1]} : vector<8x256xf32> to vector<8x1xf32>
    %ge3A_1162 = vector.broadcast %slice3A_1161 : vector<8x1xf32> to vector<8x256xf32>
    %ge3A_1163 = arith.cmpf oge, %ge3A_1162, %get3A_1 : vector<8x256xf32>
    %convert_element_type3A_1164 = arith.extui %ge3A_1163 : vector<8x256xi1> to vector<8x256xi32>
    %convert_element_type3A_1165 = arith.sitofp %convert_element_type3A_1164 : vector<8x256xi32> to vector<8x256xf32>
    %add3A_1166 = arith.addf %add3A_1160, %convert_element_type3A_1165 : vector<8x256xf32>
    %slice3A_1167 = vector.extract_strided_slice %select_n3A {offsets = [0, 193], sizes = [8, 1], strides = [1, 1]} : vector<8x256xf32> to vector<8x1xf32>
    %ge3A_1168 = vector.broadcast %slice3A_1167 : vector<8x1xf32> to vector<8x256xf32>
    %ge3A_1169 = arith.cmpf oge, %ge3A_1168, %get3A_1 : vector<8x256xf32>
    %convert_element_type3A_1170 = arith.extui %ge3A_1169 : vector<8x256xi1> to vector<8x256xi32>
    %convert_element_type3A_1171 = arith.sitofp %convert_element_type3A_1170 : vector<8x256xi32> to vector<8x256xf32>
    %add3A_1172 = arith.addf %add3A_1166, %convert_element_type3A_1171 : vector<8x256xf32>
    %slice3A_1173 = vector.extract_strided_slice %select_n3A {offsets = [0, 194], sizes = [8, 1], strides = [1, 1]} : vector<8x256xf32> to vector<8x1xf32>
    %ge3A_1174 = vector.broadcast %slice3A_1173 : vector<8x1xf32> to vector<8x256xf32>
    %ge3A_1175 = arith.cmpf oge, %ge3A_1174, %get3A_1 : vector<8x256xf32>
    %convert_element_type3A_1176 = arith.extui %ge3A_1175 : vector<8x256xi1> to vector<8x256xi32>
    %convert_element_type3A_1177 = arith.sitofp %convert_element_type3A_1176 : vector<8x256xi32> to vector<8x256xf32>
    %add3A_1178 = arith.addf %add3A_1172, %convert_element_type3A_1177 : vector<8x256xf32>
    %slice3A_1179 = vector.extract_strided_slice %select_n3A {offsets = [0, 195], sizes = [8, 1], strides = [1, 1]} : vector<8x256xf32> to vector<8x1xf32>
    %ge3A_1180 = vector.broadcast %slice3A_1179 : vector<8x1xf32> to vector<8x256xf32>
    %ge3A_1181 = arith.cmpf oge, %ge3A_1180, %get3A_1 : vector<8x256xf32>
    %convert_element_type3A_1182 = arith.extui %ge3A_1181 : vector<8x256xi1> to vector<8x256xi32>
    %convert_element_type3A_1183 = arith.sitofp %convert_element_type3A_1182 : vector<8x256xi32> to vector<8x256xf32>
    %add3A_1184 = arith.addf %add3A_1178, %convert_element_type3A_1183 : vector<8x256xf32>
    %slice3A_1185 = vector.extract_strided_slice %select_n3A {offsets = [0, 196], sizes = [8, 1], strides = [1, 1]} : vector<8x256xf32> to vector<8x1xf32>
    %ge3A_1186 = vector.broadcast %slice3A_1185 : vector<8x1xf32> to vector<8x256xf32>
    %ge3A_1187 = arith.cmpf oge, %ge3A_1186, %get3A_1 : vector<8x256xf32>
    %convert_element_type3A_1188 = arith.extui %ge3A_1187 : vector<8x256xi1> to vector<8x256xi32>
    %convert_element_type3A_1189 = arith.sitofp %convert_element_type3A_1188 : vector<8x256xi32> to vector<8x256xf32>
    %add3A_1190 = arith.addf %add3A_1184, %convert_element_type3A_1189 : vector<8x256xf32>
    %slice3A_1191 = vector.extract_strided_slice %select_n3A {offsets = [0, 197], sizes = [8, 1], strides = [1, 1]} : vector<8x256xf32> to vector<8x1xf32>
    %ge3A_1192 = vector.broadcast %slice3A_1191 : vector<8x1xf32> to vector<8x256xf32>
    %ge3A_1193 = arith.cmpf oge, %ge3A_1192, %get3A_1 : vector<8x256xf32>
    %convert_element_type3A_1194 = arith.extui %ge3A_1193 : vector<8x256xi1> to vector<8x256xi32>
    %convert_element_type3A_1195 = arith.sitofp %convert_element_type3A_1194 : vector<8x256xi32> to vector<8x256xf32>
    %add3A_1196 = arith.addf %add3A_1190, %convert_element_type3A_1195 : vector<8x256xf32>
    %slice3A_1197 = vector.extract_strided_slice %select_n3A {offsets = [0, 198], sizes = [8, 1], strides = [1, 1]} : vector<8x256xf32> to vector<8x1xf32>
    %ge3A_1198 = vector.broadcast %slice3A_1197 : vector<8x1xf32> to vector<8x256xf32>
    %ge3A_1199 = arith.cmpf oge, %ge3A_1198, %get3A_1 : vector<8x256xf32>
    %convert_element_type3A_1200 = arith.extui %ge3A_1199 : vector<8x256xi1> to vector<8x256xi32>
    %convert_element_type3A_1201 = arith.sitofp %convert_element_type3A_1200 : vector<8x256xi32> to vector<8x256xf32>
    %add3A_1202 = arith.addf %add3A_1196, %convert_element_type3A_1201 : vector<8x256xf32>
    %slice3A_1203 = vector.extract_strided_slice %select_n3A {offsets = [0, 199], sizes = [8, 1], strides = [1, 1]} : vector<8x256xf32> to vector<8x1xf32>
    %ge3A_1204 = vector.broadcast %slice3A_1203 : vector<8x1xf32> to vector<8x256xf32>
    %ge3A_1205 = arith.cmpf oge, %ge3A_1204, %get3A_1 : vector<8x256xf32>
    %convert_element_type3A_1206 = arith.extui %ge3A_1205 : vector<8x256xi1> to vector<8x256xi32>
    %convert_element_type3A_1207 = arith.sitofp %convert_element_type3A_1206 : vector<8x256xi32> to vector<8x256xf32>
    %add3A_1208 = arith.addf %add3A_1202, %convert_element_type3A_1207 : vector<8x256xf32>
    %slice3A_1209 = vector.extract_strided_slice %select_n3A {offsets = [0, 200], sizes = [8, 1], strides = [1, 1]} : vector<8x256xf32> to vector<8x1xf32>
    %ge3A_1210 = vector.broadcast %slice3A_1209 : vector<8x1xf32> to vector<8x256xf32>
    %ge3A_1211 = arith.cmpf oge, %ge3A_1210, %get3A_1 : vector<8x256xf32>
    %convert_element_type3A_1212 = arith.extui %ge3A_1211 : vector<8x256xi1> to vector<8x256xi32>
    %convert_element_type3A_1213 = arith.sitofp %convert_element_type3A_1212 : vector<8x256xi32> to vector<8x256xf32>
    %add3A_1214 = arith.addf %add3A_1208, %convert_element_type3A_1213 : vector<8x256xf32>
    %slice3A_1215 = vector.extract_strided_slice %select_n3A {offsets = [0, 201], sizes = [8, 1], strides = [1, 1]} : vector<8x256xf32> to vector<8x1xf32>
    %ge3A_1216 = vector.broadcast %slice3A_1215 : vector<8x1xf32> to vector<8x256xf32>
    %ge3A_1217 = arith.cmpf oge, %ge3A_1216, %get3A_1 : vector<8x256xf32>
    %convert_element_type3A_1218 = arith.extui %ge3A_1217 : vector<8x256xi1> to vector<8x256xi32>
    %convert_element_type3A_1219 = arith.sitofp %convert_element_type3A_1218 : vector<8x256xi32> to vector<8x256xf32>
    %add3A_1220 = arith.addf %add3A_1214, %convert_element_type3A_1219 : vector<8x256xf32>
    %slice3A_1221 = vector.extract_strided_slice %select_n3A {offsets = [0, 202], sizes = [8, 1], strides = [1, 1]} : vector<8x256xf32> to vector<8x1xf32>
    %ge3A_1222 = vector.broadcast %slice3A_1221 : vector<8x1xf32> to vector<8x256xf32>
    %ge3A_1223 = arith.cmpf oge, %ge3A_1222, %get3A_1 : vector<8x256xf32>
    %convert_element_type3A_1224 = arith.extui %ge3A_1223 : vector<8x256xi1> to vector<8x256xi32>
    %convert_element_type3A_1225 = arith.sitofp %convert_element_type3A_1224 : vector<8x256xi32> to vector<8x256xf32>
    %add3A_1226 = arith.addf %add3A_1220, %convert_element_type3A_1225 : vector<8x256xf32>
    %slice3A_1227 = vector.extract_strided_slice %select_n3A {offsets = [0, 203], sizes = [8, 1], strides = [1, 1]} : vector<8x256xf32> to vector<8x1xf32>
    %ge3A_1228 = vector.broadcast %slice3A_1227 : vector<8x1xf32> to vector<8x256xf32>
    %ge3A_1229 = arith.cmpf oge, %ge3A_1228, %get3A_1 : vector<8x256xf32>
    %convert_element_type3A_1230 = arith.extui %ge3A_1229 : vector<8x256xi1> to vector<8x256xi32>
    %convert_element_type3A_1231 = arith.sitofp %convert_element_type3A_1230 : vector<8x256xi32> to vector<8x256xf32>
    %add3A_1232 = arith.addf %add3A_1226, %convert_element_type3A_1231 : vector<8x256xf32>
    %slice3A_1233 = vector.extract_strided_slice %select_n3A {offsets = [0, 204], sizes = [8, 1], strides = [1, 1]} : vector<8x256xf32> to vector<8x1xf32>
    %ge3A_1234 = vector.broadcast %slice3A_1233 : vector<8x1xf32> to vector<8x256xf32>
    %ge3A_1235 = arith.cmpf oge, %ge3A_1234, %get3A_1 : vector<8x256xf32>
    %convert_element_type3A_1236 = arith.extui %ge3A_1235 : vector<8x256xi1> to vector<8x256xi32>
    %convert_element_type3A_1237 = arith.sitofp %convert_element_type3A_1236 : vector<8x256xi32> to vector<8x256xf32>
    %add3A_1238 = arith.addf %add3A_1232, %convert_element_type3A_1237 : vector<8x256xf32>
    %slice3A_1239 = vector.extract_strided_slice %select_n3A {offsets = [0, 205], sizes = [8, 1], strides = [1, 1]} : vector<8x256xf32> to vector<8x1xf32>
    %ge3A_1240 = vector.broadcast %slice3A_1239 : vector<8x1xf32> to vector<8x256xf32>
    %ge3A_1241 = arith.cmpf oge, %ge3A_1240, %get3A_1 : vector<8x256xf32>
    %convert_element_type3A_1242 = arith.extui %ge3A_1241 : vector<8x256xi1> to vector<8x256xi32>
    %convert_element_type3A_1243 = arith.sitofp %convert_element_type3A_1242 : vector<8x256xi32> to vector<8x256xf32>
    %add3A_1244 = arith.addf %add3A_1238, %convert_element_type3A_1243 : vector<8x256xf32>
    %slice3A_1245 = vector.extract_strided_slice %select_n3A {offsets = [0, 206], sizes = [8, 1], strides = [1, 1]} : vector<8x256xf32> to vector<8x1xf32>
    %ge3A_1246 = vector.broadcast %slice3A_1245 : vector<8x1xf32> to vector<8x256xf32>
    %ge3A_1247 = arith.cmpf oge, %ge3A_1246, %get3A_1 : vector<8x256xf32>
    %convert_element_type3A_1248 = arith.extui %ge3A_1247 : vector<8x256xi1> to vector<8x256xi32>
    %convert_element_type3A_1249 = arith.sitofp %convert_element_type3A_1248 : vector<8x256xi32> to vector<8x256xf32>
    %add3A_1250 = arith.addf %add3A_1244, %convert_element_type3A_1249 : vector<8x256xf32>
    %slice3A_1251 = vector.extract_strided_slice %select_n3A {offsets = [0, 207], sizes = [8, 1], strides = [1, 1]} : vector<8x256xf32> to vector<8x1xf32>
    %ge3A_1252 = vector.broadcast %slice3A_1251 : vector<8x1xf32> to vector<8x256xf32>
    %ge3A_1253 = arith.cmpf oge, %ge3A_1252, %get3A_1 : vector<8x256xf32>
    %convert_element_type3A_1254 = arith.extui %ge3A_1253 : vector<8x256xi1> to vector<8x256xi32>
    %convert_element_type3A_1255 = arith.sitofp %convert_element_type3A_1254 : vector<8x256xi32> to vector<8x256xf32>
    %add3A_1256 = arith.addf %add3A_1250, %convert_element_type3A_1255 : vector<8x256xf32>
    %slice3A_1257 = vector.extract_strided_slice %select_n3A {offsets = [0, 208], sizes = [8, 1], strides = [1, 1]} : vector<8x256xf32> to vector<8x1xf32>
    %ge3A_1258 = vector.broadcast %slice3A_1257 : vector<8x1xf32> to vector<8x256xf32>
    %ge3A_1259 = arith.cmpf oge, %ge3A_1258, %get3A_1 : vector<8x256xf32>
    %convert_element_type3A_1260 = arith.extui %ge3A_1259 : vector<8x256xi1> to vector<8x256xi32>
    %convert_element_type3A_1261 = arith.sitofp %convert_element_type3A_1260 : vector<8x256xi32> to vector<8x256xf32>
    %add3A_1262 = arith.addf %add3A_1256, %convert_element_type3A_1261 : vector<8x256xf32>
    %slice3A_1263 = vector.extract_strided_slice %select_n3A {offsets = [0, 209], sizes = [8, 1], strides = [1, 1]} : vector<8x256xf32> to vector<8x1xf32>
    %ge3A_1264 = vector.broadcast %slice3A_1263 : vector<8x1xf32> to vector<8x256xf32>
    %ge3A_1265 = arith.cmpf oge, %ge3A_1264, %get3A_1 : vector<8x256xf32>
    %convert_element_type3A_1266 = arith.extui %ge3A_1265 : vector<8x256xi1> to vector<8x256xi32>
    %convert_element_type3A_1267 = arith.sitofp %convert_element_type3A_1266 : vector<8x256xi32> to vector<8x256xf32>
    %add3A_1268 = arith.addf %add3A_1262, %convert_element_type3A_1267 : vector<8x256xf32>
    %slice3A_1269 = vector.extract_strided_slice %select_n3A {offsets = [0, 210], sizes = [8, 1], strides = [1, 1]} : vector<8x256xf32> to vector<8x1xf32>
    %ge3A_1270 = vector.broadcast %slice3A_1269 : vector<8x1xf32> to vector<8x256xf32>
    %ge3A_1271 = arith.cmpf oge, %ge3A_1270, %get3A_1 : vector<8x256xf32>
    %convert_element_type3A_1272 = arith.extui %ge3A_1271 : vector<8x256xi1> to vector<8x256xi32>
    %convert_element_type3A_1273 = arith.sitofp %convert_element_type3A_1272 : vector<8x256xi32> to vector<8x256xf32>
    %add3A_1274 = arith.addf %add3A_1268, %convert_element_type3A_1273 : vector<8x256xf32>
    %slice3A_1275 = vector.extract_strided_slice %select_n3A {offsets = [0, 211], sizes = [8, 1], strides = [1, 1]} : vector<8x256xf32> to vector<8x1xf32>
    %ge3A_1276 = vector.broadcast %slice3A_1275 : vector<8x1xf32> to vector<8x256xf32>
    %ge3A_1277 = arith.cmpf oge, %ge3A_1276, %get3A_1 : vector<8x256xf32>
    %convert_element_type3A_1278 = arith.extui %ge3A_1277 : vector<8x256xi1> to vector<8x256xi32>
    %convert_element_type3A_1279 = arith.sitofp %convert_element_type3A_1278 : vector<8x256xi32> to vector<8x256xf32>
    %add3A_1280 = arith.addf %add3A_1274, %convert_element_type3A_1279 : vector<8x256xf32>
    %slice3A_1281 = vector.extract_strided_slice %select_n3A {offsets = [0, 212], sizes = [8, 1], strides = [1, 1]} : vector<8x256xf32> to vector<8x1xf32>
    %ge3A_1282 = vector.broadcast %slice3A_1281 : vector<8x1xf32> to vector<8x256xf32>
    %ge3A_1283 = arith.cmpf oge, %ge3A_1282, %get3A_1 : vector<8x256xf32>
    %convert_element_type3A_1284 = arith.extui %ge3A_1283 : vector<8x256xi1> to vector<8x256xi32>
    %convert_element_type3A_1285 = arith.sitofp %convert_element_type3A_1284 : vector<8x256xi32> to vector<8x256xf32>
    %add3A_1286 = arith.addf %add3A_1280, %convert_element_type3A_1285 : vector<8x256xf32>
    %slice3A_1287 = vector.extract_strided_slice %select_n3A {offsets = [0, 213], sizes = [8, 1], strides = [1, 1]} : vector<8x256xf32> to vector<8x1xf32>
    %ge3A_1288 = vector.broadcast %slice3A_1287 : vector<8x1xf32> to vector<8x256xf32>
    %ge3A_1289 = arith.cmpf oge, %ge3A_1288, %get3A_1 : vector<8x256xf32>
    %convert_element_type3A_1290 = arith.extui %ge3A_1289 : vector<8x256xi1> to vector<8x256xi32>
    %convert_element_type3A_1291 = arith.sitofp %convert_element_type3A_1290 : vector<8x256xi32> to vector<8x256xf32>
    %add3A_1292 = arith.addf %add3A_1286, %convert_element_type3A_1291 : vector<8x256xf32>
    %slice3A_1293 = vector.extract_strided_slice %select_n3A {offsets = [0, 214], sizes = [8, 1], strides = [1, 1]} : vector<8x256xf32> to vector<8x1xf32>
    %ge3A_1294 = vector.broadcast %slice3A_1293 : vector<8x1xf32> to vector<8x256xf32>
    %ge3A_1295 = arith.cmpf oge, %ge3A_1294, %get3A_1 : vector<8x256xf32>
    %convert_element_type3A_1296 = arith.extui %ge3A_1295 : vector<8x256xi1> to vector<8x256xi32>
    %convert_element_type3A_1297 = arith.sitofp %convert_element_type3A_1296 : vector<8x256xi32> to vector<8x256xf32>
    %add3A_1298 = arith.addf %add3A_1292, %convert_element_type3A_1297 : vector<8x256xf32>
    %slice3A_1299 = vector.extract_strided_slice %select_n3A {offsets = [0, 215], sizes = [8, 1], strides = [1, 1]} : vector<8x256xf32> to vector<8x1xf32>
    %ge3A_1300 = vector.broadcast %slice3A_1299 : vector<8x1xf32> to vector<8x256xf32>
    %ge3A_1301 = arith.cmpf oge, %ge3A_1300, %get3A_1 : vector<8x256xf32>
    %convert_element_type3A_1302 = arith.extui %ge3A_1301 : vector<8x256xi1> to vector<8x256xi32>
    %convert_element_type3A_1303 = arith.sitofp %convert_element_type3A_1302 : vector<8x256xi32> to vector<8x256xf32>
    %add3A_1304 = arith.addf %add3A_1298, %convert_element_type3A_1303 : vector<8x256xf32>
    %slice3A_1305 = vector.extract_strided_slice %select_n3A {offsets = [0, 216], sizes = [8, 1], strides = [1, 1]} : vector<8x256xf32> to vector<8x1xf32>
    %ge3A_1306 = vector.broadcast %slice3A_1305 : vector<8x1xf32> to vector<8x256xf32>
    %ge3A_1307 = arith.cmpf oge, %ge3A_1306, %get3A_1 : vector<8x256xf32>
    %convert_element_type3A_1308 = arith.extui %ge3A_1307 : vector<8x256xi1> to vector<8x256xi32>
    %convert_element_type3A_1309 = arith.sitofp %convert_element_type3A_1308 : vector<8x256xi32> to vector<8x256xf32>
    %add3A_1310 = arith.addf %add3A_1304, %convert_element_type3A_1309 : vector<8x256xf32>
    %slice3A_1311 = vector.extract_strided_slice %select_n3A {offsets = [0, 217], sizes = [8, 1], strides = [1, 1]} : vector<8x256xf32> to vector<8x1xf32>
    %ge3A_1312 = vector.broadcast %slice3A_1311 : vector<8x1xf32> to vector<8x256xf32>
    %ge3A_1313 = arith.cmpf oge, %ge3A_1312, %get3A_1 : vector<8x256xf32>
    %convert_element_type3A_1314 = arith.extui %ge3A_1313 : vector<8x256xi1> to vector<8x256xi32>
    %convert_element_type3A_1315 = arith.sitofp %convert_element_type3A_1314 : vector<8x256xi32> to vector<8x256xf32>
    %add3A_1316 = arith.addf %add3A_1310, %convert_element_type3A_1315 : vector<8x256xf32>
    %slice3A_1317 = vector.extract_strided_slice %select_n3A {offsets = [0, 218], sizes = [8, 1], strides = [1, 1]} : vector<8x256xf32> to vector<8x1xf32>
    %ge3A_1318 = vector.broadcast %slice3A_1317 : vector<8x1xf32> to vector<8x256xf32>
    %ge3A_1319 = arith.cmpf oge, %ge3A_1318, %get3A_1 : vector<8x256xf32>
    %convert_element_type3A_1320 = arith.extui %ge3A_1319 : vector<8x256xi1> to vector<8x256xi32>
    %convert_element_type3A_1321 = arith.sitofp %convert_element_type3A_1320 : vector<8x256xi32> to vector<8x256xf32>
    %add3A_1322 = arith.addf %add3A_1316, %convert_element_type3A_1321 : vector<8x256xf32>
    %slice3A_1323 = vector.extract_strided_slice %select_n3A {offsets = [0, 219], sizes = [8, 1], strides = [1, 1]} : vector<8x256xf32> to vector<8x1xf32>
    %ge3A_1324 = vector.broadcast %slice3A_1323 : vector<8x1xf32> to vector<8x256xf32>
    %ge3A_1325 = arith.cmpf oge, %ge3A_1324, %get3A_1 : vector<8x256xf32>
    %convert_element_type3A_1326 = arith.extui %ge3A_1325 : vector<8x256xi1> to vector<8x256xi32>
    %convert_element_type3A_1327 = arith.sitofp %convert_element_type3A_1326 : vector<8x256xi32> to vector<8x256xf32>
    %add3A_1328 = arith.addf %add3A_1322, %convert_element_type3A_1327 : vector<8x256xf32>
    %slice3A_1329 = vector.extract_strided_slice %select_n3A {offsets = [0, 220], sizes = [8, 1], strides = [1, 1]} : vector<8x256xf32> to vector<8x1xf32>
    %ge3A_1330 = vector.broadcast %slice3A_1329 : vector<8x1xf32> to vector<8x256xf32>
    %ge3A_1331 = arith.cmpf oge, %ge3A_1330, %get3A_1 : vector<8x256xf32>
    %convert_element_type3A_1332 = arith.extui %ge3A_1331 : vector<8x256xi1> to vector<8x256xi32>
    %convert_element_type3A_1333 = arith.sitofp %convert_element_type3A_1332 : vector<8x256xi32> to vector<8x256xf32>
    %add3A_1334 = arith.addf %add3A_1328, %convert_element_type3A_1333 : vector<8x256xf32>
    %slice3A_1335 = vector.extract_strided_slice %select_n3A {offsets = [0, 221], sizes = [8, 1], strides = [1, 1]} : vector<8x256xf32> to vector<8x1xf32>
    %ge3A_1336 = vector.broadcast %slice3A_1335 : vector<8x1xf32> to vector<8x256xf32>
    %ge3A_1337 = arith.cmpf oge, %ge3A_1336, %get3A_1 : vector<8x256xf32>
    %convert_element_type3A_1338 = arith.extui %ge3A_1337 : vector<8x256xi1> to vector<8x256xi32>
    %convert_element_type3A_1339 = arith.sitofp %convert_element_type3A_1338 : vector<8x256xi32> to vector<8x256xf32>
    %add3A_1340 = arith.addf %add3A_1334, %convert_element_type3A_1339 : vector<8x256xf32>
    %slice3A_1341 = vector.extract_strided_slice %select_n3A {offsets = [0, 222], sizes = [8, 1], strides = [1, 1]} : vector<8x256xf32> to vector<8x1xf32>
    %ge3A_1342 = vector.broadcast %slice3A_1341 : vector<8x1xf32> to vector<8x256xf32>
    %ge3A_1343 = arith.cmpf oge, %ge3A_1342, %get3A_1 : vector<8x256xf32>
    %convert_element_type3A_1344 = arith.extui %ge3A_1343 : vector<8x256xi1> to vector<8x256xi32>
    %convert_element_type3A_1345 = arith.sitofp %convert_element_type3A_1344 : vector<8x256xi32> to vector<8x256xf32>
    %add3A_1346 = arith.addf %add3A_1340, %convert_element_type3A_1345 : vector<8x256xf32>
    %slice3A_1347 = vector.extract_strided_slice %select_n3A {offsets = [0, 223], sizes = [8, 1], strides = [1, 1]} : vector<8x256xf32> to vector<8x1xf32>
    %ge3A_1348 = vector.broadcast %slice3A_1347 : vector<8x1xf32> to vector<8x256xf32>
    %ge3A_1349 = arith.cmpf oge, %ge3A_1348, %get3A_1 : vector<8x256xf32>
    %convert_element_type3A_1350 = arith.extui %ge3A_1349 : vector<8x256xi1> to vector<8x256xi32>
    %convert_element_type3A_1351 = arith.sitofp %convert_element_type3A_1350 : vector<8x256xi32> to vector<8x256xf32>
    %add3A_1352 = arith.addf %add3A_1346, %convert_element_type3A_1351 : vector<8x256xf32>
    %slice3A_1353 = vector.extract_strided_slice %select_n3A {offsets = [0, 224], sizes = [8, 1], strides = [1, 1]} : vector<8x256xf32> to vector<8x1xf32>
    %ge3A_1354 = vector.broadcast %slice3A_1353 : vector<8x1xf32> to vector<8x256xf32>
    %ge3A_1355 = arith.cmpf oge, %ge3A_1354, %get3A_1 : vector<8x256xf32>
    %convert_element_type3A_1356 = arith.extui %ge3A_1355 : vector<8x256xi1> to vector<8x256xi32>
    %convert_element_type3A_1357 = arith.sitofp %convert_element_type3A_1356 : vector<8x256xi32> to vector<8x256xf32>
    %add3A_1358 = arith.addf %add3A_1352, %convert_element_type3A_1357 : vector<8x256xf32>
    %slice3A_1359 = vector.extract_strided_slice %select_n3A {offsets = [0, 225], sizes = [8, 1], strides = [1, 1]} : vector<8x256xf32> to vector<8x1xf32>
    %ge3A_1360 = vector.broadcast %slice3A_1359 : vector<8x1xf32> to vector<8x256xf32>
    %ge3A_1361 = arith.cmpf oge, %ge3A_1360, %get3A_1 : vector<8x256xf32>
    %convert_element_type3A_1362 = arith.extui %ge3A_1361 : vector<8x256xi1> to vector<8x256xi32>
    %convert_element_type3A_1363 = arith.sitofp %convert_element_type3A_1362 : vector<8x256xi32> to vector<8x256xf32>
    %add3A_1364 = arith.addf %add3A_1358, %convert_element_type3A_1363 : vector<8x256xf32>
    %slice3A_1365 = vector.extract_strided_slice %select_n3A {offsets = [0, 226], sizes = [8, 1], strides = [1, 1]} : vector<8x256xf32> to vector<8x1xf32>
    %ge3A_1366 = vector.broadcast %slice3A_1365 : vector<8x1xf32> to vector<8x256xf32>
    %ge3A_1367 = arith.cmpf oge, %ge3A_1366, %get3A_1 : vector<8x256xf32>
    %convert_element_type3A_1368 = arith.extui %ge3A_1367 : vector<8x256xi1> to vector<8x256xi32>
    %convert_element_type3A_1369 = arith.sitofp %convert_element_type3A_1368 : vector<8x256xi32> to vector<8x256xf32>
    %add3A_1370 = arith.addf %add3A_1364, %convert_element_type3A_1369 : vector<8x256xf32>
    %slice3A_1371 = vector.extract_strided_slice %select_n3A {offsets = [0, 227], sizes = [8, 1], strides = [1, 1]} : vector<8x256xf32> to vector<8x1xf32>
    %ge3A_1372 = vector.broadcast %slice3A_1371 : vector<8x1xf32> to vector<8x256xf32>
    %ge3A_1373 = arith.cmpf oge, %ge3A_1372, %get3A_1 : vector<8x256xf32>
    %convert_element_type3A_1374 = arith.extui %ge3A_1373 : vector<8x256xi1> to vector<8x256xi32>
    %convert_element_type3A_1375 = arith.sitofp %convert_element_type3A_1374 : vector<8x256xi32> to vector<8x256xf32>
    %add3A_1376 = arith.addf %add3A_1370, %convert_element_type3A_1375 : vector<8x256xf32>
    %slice3A_1377 = vector.extract_strided_slice %select_n3A {offsets = [0, 228], sizes = [8, 1], strides = [1, 1]} : vector<8x256xf32> to vector<8x1xf32>
    %ge3A_1378 = vector.broadcast %slice3A_1377 : vector<8x1xf32> to vector<8x256xf32>
    %ge3A_1379 = arith.cmpf oge, %ge3A_1378, %get3A_1 : vector<8x256xf32>
    %convert_element_type3A_1380 = arith.extui %ge3A_1379 : vector<8x256xi1> to vector<8x256xi32>
    %convert_element_type3A_1381 = arith.sitofp %convert_element_type3A_1380 : vector<8x256xi32> to vector<8x256xf32>
    %add3A_1382 = arith.addf %add3A_1376, %convert_element_type3A_1381 : vector<8x256xf32>
    %slice3A_1383 = vector.extract_strided_slice %select_n3A {offsets = [0, 229], sizes = [8, 1], strides = [1, 1]} : vector<8x256xf32> to vector<8x1xf32>
    %ge3A_1384 = vector.broadcast %slice3A_1383 : vector<8x1xf32> to vector<8x256xf32>
    %ge3A_1385 = arith.cmpf oge, %ge3A_1384, %get3A_1 : vector<8x256xf32>
    %convert_element_type3A_1386 = arith.extui %ge3A_1385 : vector<8x256xi1> to vector<8x256xi32>
    %convert_element_type3A_1387 = arith.sitofp %convert_element_type3A_1386 : vector<8x256xi32> to vector<8x256xf32>
    %add3A_1388 = arith.addf %add3A_1382, %convert_element_type3A_1387 : vector<8x256xf32>
    %slice3A_1389 = vector.extract_strided_slice %select_n3A {offsets = [0, 230], sizes = [8, 1], strides = [1, 1]} : vector<8x256xf32> to vector<8x1xf32>
    %ge3A_1390 = vector.broadcast %slice3A_1389 : vector<8x1xf32> to vector<8x256xf32>
    %ge3A_1391 = arith.cmpf oge, %ge3A_1390, %get3A_1 : vector<8x256xf32>
    %convert_element_type3A_1392 = arith.extui %ge3A_1391 : vector<8x256xi1> to vector<8x256xi32>
    %convert_element_type3A_1393 = arith.sitofp %convert_element_type3A_1392 : vector<8x256xi32> to vector<8x256xf32>
    %add3A_1394 = arith.addf %add3A_1388, %convert_element_type3A_1393 : vector<8x256xf32>
    %slice3A_1395 = vector.extract_strided_slice %select_n3A {offsets = [0, 231], sizes = [8, 1], strides = [1, 1]} : vector<8x256xf32> to vector<8x1xf32>
    %ge3A_1396 = vector.broadcast %slice3A_1395 : vector<8x1xf32> to vector<8x256xf32>
    %ge3A_1397 = arith.cmpf oge, %ge3A_1396, %get3A_1 : vector<8x256xf32>
    %convert_element_type3A_1398 = arith.extui %ge3A_1397 : vector<8x256xi1> to vector<8x256xi32>
    %convert_element_type3A_1399 = arith.sitofp %convert_element_type3A_1398 : vector<8x256xi32> to vector<8x256xf32>
    %add3A_1400 = arith.addf %add3A_1394, %convert_element_type3A_1399 : vector<8x256xf32>
    %slice3A_1401 = vector.extract_strided_slice %select_n3A {offsets = [0, 232], sizes = [8, 1], strides = [1, 1]} : vector<8x256xf32> to vector<8x1xf32>
    %ge3A_1402 = vector.broadcast %slice3A_1401 : vector<8x1xf32> to vector<8x256xf32>
    %ge3A_1403 = arith.cmpf oge, %ge3A_1402, %get3A_1 : vector<8x256xf32>
    %convert_element_type3A_1404 = arith.extui %ge3A_1403 : vector<8x256xi1> to vector<8x256xi32>
    %convert_element_type3A_1405 = arith.sitofp %convert_element_type3A_1404 : vector<8x256xi32> to vector<8x256xf32>
    %add3A_1406 = arith.addf %add3A_1400, %convert_element_type3A_1405 : vector<8x256xf32>
    %slice3A_1407 = vector.extract_strided_slice %select_n3A {offsets = [0, 233], sizes = [8, 1], strides = [1, 1]} : vector<8x256xf32> to vector<8x1xf32>
    %ge3A_1408 = vector.broadcast %slice3A_1407 : vector<8x1xf32> to vector<8x256xf32>
    %ge3A_1409 = arith.cmpf oge, %ge3A_1408, %get3A_1 : vector<8x256xf32>
    %convert_element_type3A_1410 = arith.extui %ge3A_1409 : vector<8x256xi1> to vector<8x256xi32>
    %convert_element_type3A_1411 = arith.sitofp %convert_element_type3A_1410 : vector<8x256xi32> to vector<8x256xf32>
    %add3A_1412 = arith.addf %add3A_1406, %convert_element_type3A_1411 : vector<8x256xf32>
    %slice3A_1413 = vector.extract_strided_slice %select_n3A {offsets = [0, 234], sizes = [8, 1], strides = [1, 1]} : vector<8x256xf32> to vector<8x1xf32>
    %ge3A_1414 = vector.broadcast %slice3A_1413 : vector<8x1xf32> to vector<8x256xf32>
    %ge3A_1415 = arith.cmpf oge, %ge3A_1414, %get3A_1 : vector<8x256xf32>
    %convert_element_type3A_1416 = arith.extui %ge3A_1415 : vector<8x256xi1> to vector<8x256xi32>
    %convert_element_type3A_1417 = arith.sitofp %convert_element_type3A_1416 : vector<8x256xi32> to vector<8x256xf32>
    %add3A_1418 = arith.addf %add3A_1412, %convert_element_type3A_1417 : vector<8x256xf32>
    %slice3A_1419 = vector.extract_strided_slice %select_n3A {offsets = [0, 235], sizes = [8, 1], strides = [1, 1]} : vector<8x256xf32> to vector<8x1xf32>
    %ge3A_1420 = vector.broadcast %slice3A_1419 : vector<8x1xf32> to vector<8x256xf32>
    %ge3A_1421 = arith.cmpf oge, %ge3A_1420, %get3A_1 : vector<8x256xf32>
    %convert_element_type3A_1422 = arith.extui %ge3A_1421 : vector<8x256xi1> to vector<8x256xi32>
    %convert_element_type3A_1423 = arith.sitofp %convert_element_type3A_1422 : vector<8x256xi32> to vector<8x256xf32>
    %add3A_1424 = arith.addf %add3A_1418, %convert_element_type3A_1423 : vector<8x256xf32>
    %slice3A_1425 = vector.extract_strided_slice %select_n3A {offsets = [0, 236], sizes = [8, 1], strides = [1, 1]} : vector<8x256xf32> to vector<8x1xf32>
    %ge3A_1426 = vector.broadcast %slice3A_1425 : vector<8x1xf32> to vector<8x256xf32>
    %ge3A_1427 = arith.cmpf oge, %ge3A_1426, %get3A_1 : vector<8x256xf32>
    %convert_element_type3A_1428 = arith.extui %ge3A_1427 : vector<8x256xi1> to vector<8x256xi32>
    %convert_element_type3A_1429 = arith.sitofp %convert_element_type3A_1428 : vector<8x256xi32> to vector<8x256xf32>
    %add3A_1430 = arith.addf %add3A_1424, %convert_element_type3A_1429 : vector<8x256xf32>
    %slice3A_1431 = vector.extract_strided_slice %select_n3A {offsets = [0, 237], sizes = [8, 1], strides = [1, 1]} : vector<8x256xf32> to vector<8x1xf32>
    %ge3A_1432 = vector.broadcast %slice3A_1431 : vector<8x1xf32> to vector<8x256xf32>
    %ge3A_1433 = arith.cmpf oge, %ge3A_1432, %get3A_1 : vector<8x256xf32>
    %convert_element_type3A_1434 = arith.extui %ge3A_1433 : vector<8x256xi1> to vector<8x256xi32>
    %convert_element_type3A_1435 = arith.sitofp %convert_element_type3A_1434 : vector<8x256xi32> to vector<8x256xf32>
    %add3A_1436 = arith.addf %add3A_1430, %convert_element_type3A_1435 : vector<8x256xf32>
    %slice3A_1437 = vector.extract_strided_slice %select_n3A {offsets = [0, 238], sizes = [8, 1], strides = [1, 1]} : vector<8x256xf32> to vector<8x1xf32>
    %ge3A_1438 = vector.broadcast %slice3A_1437 : vector<8x1xf32> to vector<8x256xf32>
    %ge3A_1439 = arith.cmpf oge, %ge3A_1438, %get3A_1 : vector<8x256xf32>
    %convert_element_type3A_1440 = arith.extui %ge3A_1439 : vector<8x256xi1> to vector<8x256xi32>
    %convert_element_type3A_1441 = arith.sitofp %convert_element_type3A_1440 : vector<8x256xi32> to vector<8x256xf32>
    %add3A_1442 = arith.addf %add3A_1436, %convert_element_type3A_1441 : vector<8x256xf32>
    %slice3A_1443 = vector.extract_strided_slice %select_n3A {offsets = [0, 239], sizes = [8, 1], strides = [1, 1]} : vector<8x256xf32> to vector<8x1xf32>
    %ge3A_1444 = vector.broadcast %slice3A_1443 : vector<8x1xf32> to vector<8x256xf32>
    %ge3A_1445 = arith.cmpf oge, %ge3A_1444, %get3A_1 : vector<8x256xf32>
    %convert_element_type3A_1446 = arith.extui %ge3A_1445 : vector<8x256xi1> to vector<8x256xi32>
    %convert_element_type3A_1447 = arith.sitofp %convert_element_type3A_1446 : vector<8x256xi32> to vector<8x256xf32>
    %add3A_1448 = arith.addf %add3A_1442, %convert_element_type3A_1447 : vector<8x256xf32>
    %slice3A_1449 = vector.extract_strided_slice %select_n3A {offsets = [0, 240], sizes = [8, 1], strides = [1, 1]} : vector<8x256xf32> to vector<8x1xf32>
    %ge3A_1450 = vector.broadcast %slice3A_1449 : vector<8x1xf32> to vector<8x256xf32>
    %ge3A_1451 = arith.cmpf oge, %ge3A_1450, %get3A_1 : vector<8x256xf32>
    %convert_element_type3A_1452 = arith.extui %ge3A_1451 : vector<8x256xi1> to vector<8x256xi32>
    %convert_element_type3A_1453 = arith.sitofp %convert_element_type3A_1452 : vector<8x256xi32> to vector<8x256xf32>
    %add3A_1454 = arith.addf %add3A_1448, %convert_element_type3A_1453 : vector<8x256xf32>
    %slice3A_1455 = vector.extract_strided_slice %select_n3A {offsets = [0, 241], sizes = [8, 1], strides = [1, 1]} : vector<8x256xf32> to vector<8x1xf32>
    %ge3A_1456 = vector.broadcast %slice3A_1455 : vector<8x1xf32> to vector<8x256xf32>
    %ge3A_1457 = arith.cmpf oge, %ge3A_1456, %get3A_1 : vector<8x256xf32>
    %convert_element_type3A_1458 = arith.extui %ge3A_1457 : vector<8x256xi1> to vector<8x256xi32>
    %convert_element_type3A_1459 = arith.sitofp %convert_element_type3A_1458 : vector<8x256xi32> to vector<8x256xf32>
    %add3A_1460 = arith.addf %add3A_1454, %convert_element_type3A_1459 : vector<8x256xf32>
    %slice3A_1461 = vector.extract_strided_slice %select_n3A {offsets = [0, 242], sizes = [8, 1], strides = [1, 1]} : vector<8x256xf32> to vector<8x1xf32>
    %ge3A_1462 = vector.broadcast %slice3A_1461 : vector<8x1xf32> to vector<8x256xf32>
    %ge3A_1463 = arith.cmpf oge, %ge3A_1462, %get3A_1 : vector<8x256xf32>
    %convert_element_type3A_1464 = arith.extui %ge3A_1463 : vector<8x256xi1> to vector<8x256xi32>
    %convert_element_type3A_1465 = arith.sitofp %convert_element_type3A_1464 : vector<8x256xi32> to vector<8x256xf32>
    %add3A_1466 = arith.addf %add3A_1460, %convert_element_type3A_1465 : vector<8x256xf32>
    %slice3A_1467 = vector.extract_strided_slice %select_n3A {offsets = [0, 243], sizes = [8, 1], strides = [1, 1]} : vector<8x256xf32> to vector<8x1xf32>
    %ge3A_1468 = vector.broadcast %slice3A_1467 : vector<8x1xf32> to vector<8x256xf32>
    %ge3A_1469 = arith.cmpf oge, %ge3A_1468, %get3A_1 : vector<8x256xf32>
    %convert_element_type3A_1470 = arith.extui %ge3A_1469 : vector<8x256xi1> to vector<8x256xi32>
    %convert_element_type3A_1471 = arith.sitofp %convert_element_type3A_1470 : vector<8x256xi32> to vector<8x256xf32>
    %add3A_1472 = arith.addf %add3A_1466, %convert_element_type3A_1471 : vector<8x256xf32>
    %slice3A_1473 = vector.extract_strided_slice %select_n3A {offsets = [0, 244], sizes = [8, 1], strides = [1, 1]} : vector<8x256xf32> to vector<8x1xf32>
    %ge3A_1474 = vector.broadcast %slice3A_1473 : vector<8x1xf32> to vector<8x256xf32>
    %ge3A_1475 = arith.cmpf oge, %ge3A_1474, %get3A_1 : vector<8x256xf32>
    %convert_element_type3A_1476 = arith.extui %ge3A_1475 : vector<8x256xi1> to vector<8x256xi32>
    %convert_element_type3A_1477 = arith.sitofp %convert_element_type3A_1476 : vector<8x256xi32> to vector<8x256xf32>
    %add3A_1478 = arith.addf %add3A_1472, %convert_element_type3A_1477 : vector<8x256xf32>
    %slice3A_1479 = vector.extract_strided_slice %select_n3A {offsets = [0, 245], sizes = [8, 1], strides = [1, 1]} : vector<8x256xf32> to vector<8x1xf32>
    %ge3A_1480 = vector.broadcast %slice3A_1479 : vector<8x1xf32> to vector<8x256xf32>
    %ge3A_1481 = arith.cmpf oge, %ge3A_1480, %get3A_1 : vector<8x256xf32>
    %convert_element_type3A_1482 = arith.extui %ge3A_1481 : vector<8x256xi1> to vector<8x256xi32>
    %convert_element_type3A_1483 = arith.sitofp %convert_element_type3A_1482 : vector<8x256xi32> to vector<8x256xf32>
    %add3A_1484 = arith.addf %add3A_1478, %convert_element_type3A_1483 : vector<8x256xf32>
    %slice3A_1485 = vector.extract_strided_slice %select_n3A {offsets = [0, 246], sizes = [8, 1], strides = [1, 1]} : vector<8x256xf32> to vector<8x1xf32>
    %ge3A_1486 = vector.broadcast %slice3A_1485 : vector<8x1xf32> to vector<8x256xf32>
    %ge3A_1487 = arith.cmpf oge, %ge3A_1486, %get3A_1 : vector<8x256xf32>
    %convert_element_type3A_1488 = arith.extui %ge3A_1487 : vector<8x256xi1> to vector<8x256xi32>
    %convert_element_type3A_1489 = arith.sitofp %convert_element_type3A_1488 : vector<8x256xi32> to vector<8x256xf32>
    %add3A_1490 = arith.addf %add3A_1484, %convert_element_type3A_1489 : vector<8x256xf32>
    %slice3A_1491 = vector.extract_strided_slice %select_n3A {offsets = [0, 247], sizes = [8, 1], strides = [1, 1]} : vector<8x256xf32> to vector<8x1xf32>
    %ge3A_1492 = vector.broadcast %slice3A_1491 : vector<8x1xf32> to vector<8x256xf32>
    %ge3A_1493 = arith.cmpf oge, %ge3A_1492, %get3A_1 : vector<8x256xf32>
    %convert_element_type3A_1494 = arith.extui %ge3A_1493 : vector<8x256xi1> to vector<8x256xi32>
    %convert_element_type3A_1495 = arith.sitofp %convert_element_type3A_1494 : vector<8x256xi32> to vector<8x256xf32>
    %add3A_1496 = arith.addf %add3A_1490, %convert_element_type3A_1495 : vector<8x256xf32>
    %slice3A_1497 = vector.extract_strided_slice %select_n3A {offsets = [0, 248], sizes = [8, 1], strides = [1, 1]} : vector<8x256xf32> to vector<8x1xf32>
    %ge3A_1498 = vector.broadcast %slice3A_1497 : vector<8x1xf32> to vector<8x256xf32>
    %ge3A_1499 = arith.cmpf oge, %ge3A_1498, %get3A_1 : vector<8x256xf32>
    %convert_element_type3A_1500 = arith.extui %ge3A_1499 : vector<8x256xi1> to vector<8x256xi32>
    %convert_element_type3A_1501 = arith.sitofp %convert_element_type3A_1500 : vector<8x256xi32> to vector<8x256xf32>
    %add3A_1502 = arith.addf %add3A_1496, %convert_element_type3A_1501 : vector<8x256xf32>
    %slice3A_1503 = vector.extract_strided_slice %select_n3A {offsets = [0, 249], sizes = [8, 1], strides = [1, 1]} : vector<8x256xf32> to vector<8x1xf32>
    %ge3A_1504 = vector.broadcast %slice3A_1503 : vector<8x1xf32> to vector<8x256xf32>
    %ge3A_1505 = arith.cmpf oge, %ge3A_1504, %get3A_1 : vector<8x256xf32>
    %convert_element_type3A_1506 = arith.extui %ge3A_1505 : vector<8x256xi1> to vector<8x256xi32>
    %convert_element_type3A_1507 = arith.sitofp %convert_element_type3A_1506 : vector<8x256xi32> to vector<8x256xf32>
    %add3A_1508 = arith.addf %add3A_1502, %convert_element_type3A_1507 : vector<8x256xf32>
    %slice3A_1509 = vector.extract_strided_slice %select_n3A {offsets = [0, 250], sizes = [8, 1], strides = [1, 1]} : vector<8x256xf32> to vector<8x1xf32>
    %ge3A_1510 = vector.broadcast %slice3A_1509 : vector<8x1xf32> to vector<8x256xf32>
    %ge3A_1511 = arith.cmpf oge, %ge3A_1510, %get3A_1 : vector<8x256xf32>
    %convert_element_type3A_1512 = arith.extui %ge3A_1511 : vector<8x256xi1> to vector<8x256xi32>
    %convert_element_type3A_1513 = arith.sitofp %convert_element_type3A_1512 : vector<8x256xi32> to vector<8x256xf32>
    %add3A_1514 = arith.addf %add3A_1508, %convert_element_type3A_1513 : vector<8x256xf32>
    %slice3A_1515 = vector.extract_strided_slice %select_n3A {offsets = [0, 251], sizes = [8, 1], strides = [1, 1]} : vector<8x256xf32> to vector<8x1xf32>
    %ge3A_1516 = vector.broadcast %slice3A_1515 : vector<8x1xf32> to vector<8x256xf32>
    %ge3A_1517 = arith.cmpf oge, %ge3A_1516, %get3A_1 : vector<8x256xf32>
    %convert_element_type3A_1518 = arith.extui %ge3A_1517 : vector<8x256xi1> to vector<8x256xi32>
    %convert_element_type3A_1519 = arith.sitofp %convert_element_type3A_1518 : vector<8x256xi32> to vector<8x256xf32>
    %add3A_1520 = arith.addf %add3A_1514, %convert_element_type3A_1519 : vector<8x256xf32>
    %slice3A_1521 = vector.extract_strided_slice %select_n3A {offsets = [0, 252], sizes = [8, 1], strides = [1, 1]} : vector<8x256xf32> to vector<8x1xf32>
    %ge3A_1522 = vector.broadcast %slice3A_1521 : vector<8x1xf32> to vector<8x256xf32>
    %ge3A_1523 = arith.cmpf oge, %ge3A_1522, %get3A_1 : vector<8x256xf32>
    %convert_element_type3A_1524 = arith.extui %ge3A_1523 : vector<8x256xi1> to vector<8x256xi32>
    %convert_element_type3A_1525 = arith.sitofp %convert_element_type3A_1524 : vector<8x256xi32> to vector<8x256xf32>
    %add3A_1526 = arith.addf %add3A_1520, %convert_element_type3A_1525 : vector<8x256xf32>
    %slice3A_1527 = vector.extract_strided_slice %select_n3A {offsets = [0, 253], sizes = [8, 1], strides = [1, 1]} : vector<8x256xf32> to vector<8x1xf32>
    %ge3A_1528 = vector.broadcast %slice3A_1527 : vector<8x1xf32> to vector<8x256xf32>
    %ge3A_1529 = arith.cmpf oge, %ge3A_1528, %get3A_1 : vector<8x256xf32>
    %convert_element_type3A_1530 = arith.extui %ge3A_1529 : vector<8x256xi1> to vector<8x256xi32>
    %convert_element_type3A_1531 = arith.sitofp %convert_element_type3A_1530 : vector<8x256xi32> to vector<8x256xf32>
    %add3A_1532 = arith.addf %add3A_1526, %convert_element_type3A_1531 : vector<8x256xf32>
    %slice3A_1533 = vector.extract_strided_slice %select_n3A {offsets = [0, 254], sizes = [8, 1], strides = [1, 1]} : vector<8x256xf32> to vector<8x1xf32>
    %ge3A_1534 = vector.broadcast %slice3A_1533 : vector<8x1xf32> to vector<8x256xf32>
    %ge3A_1535 = arith.cmpf oge, %ge3A_1534, %get3A_1 : vector<8x256xf32>
    %convert_element_type3A_1536 = arith.extui %ge3A_1535 : vector<8x256xi1> to vector<8x256xi32>
    %convert_element_type3A_1537 = arith.sitofp %convert_element_type3A_1536 : vector<8x256xi32> to vector<8x256xf32>
    %add3A_1538 = arith.addf %add3A_1532, %convert_element_type3A_1537 : vector<8x256xf32>
    %slice3A_1539 = vector.extract_strided_slice %select_n3A {offsets = [0, 255], sizes = [8, 1], strides = [1, 1]} : vector<8x256xf32> to vector<8x1xf32>
    %ge3A_1540 = vector.broadcast %slice3A_1539 : vector<8x1xf32> to vector<8x256xf32>
    %ge3A_1541 = arith.cmpf oge, %ge3A_1540, %get3A_1 : vector<8x256xf32>
    %convert_element_type3A_1542 = arith.extui %ge3A_1541 : vector<8x256xi1> to vector<8x256xi32>
    %convert_element_type3A_1543 = arith.sitofp %convert_element_type3A_1542 : vector<8x256xi32> to vector<8x256xf32>
    %add3A_1544 = arith.addf %add3A_1538, %convert_element_type3A_1543 : vector<8x256xf32>
    %max3A = arith.constant 1.000000e+00 : f32
    %max3A_1545 = vector.broadcast %max3A : f32 to vector<8x1xf32>
    %max3A_1546 = arith.maximumf %broadcast_in_dim3A_9, %max3A_1545 : vector<8x1xf32>
    %div3A = vector.broadcast %max3A_1546 : vector<8x1xf32> to vector<8x256xf32>
    %div3A_1547 = arith.divf %add3A_1544, %div3A : vector<8x256xf32>
    %sub3A = arith.constant 1.000000e+00 : f32
    %sub3A_1548 = vector.broadcast %sub3A : f32 to vector<8x256xf32>
    %sub3A_1549 = arith.subf %sub3A_1548, %div3A_1547 : vector<8x256xf32>
    %mul3A = arith.mulf %sub3A_1549, %sub3A_1549 : vector<8x256xf32>
    %mul3A_1550 = arith.mulf %mul3A, %sub3A_1549 : vector<8x256xf32>
    %mul3A_1551 = arith.mulf %mul3A, %mul3A : vector<8x256xf32>
    %mul3A_1552 = arith.mulf %mul3A_1551, %sub3A_1549 : vector<8x256xf32>
    %mul3A_1553 = arith.constant 8.28333377 : f32
    %mul3A_1554 = vector.broadcast %mul3A_1553 : f32 to vector<8x256xf32>
    %mul3A_1555 = arith.mulf %sub3A_1549, %mul3A_1554 : vector<8x256xf32>
    %add3A_1556 = arith.constant 13.9289684 : f32
    %add3A_1557 = vector.broadcast %add3A_1556 : f32 to vector<8x256xf32>
    %add3A_1558 = arith.addf %add3A_1557, %mul3A_1555 : vector<8x256xf32>
    %mul3A_1559 = arith.constant 5.83333349 : f32
    %mul3A_1560 = vector.broadcast %mul3A_1559 : f32 to vector<8x256xf32>
    %mul3A_1561 = arith.mulf %mul3A, %mul3A_1560 : vector<8x256xf32>
    %add3A_1562 = arith.addf %add3A_1558, %mul3A_1561 : vector<8x256xf32>
    %add3A_1563 = arith.addf %mul3A_1550, %mul3A_1551 : vector<8x256xf32>
    %mul3A_1564 = arith.constant 4.500000e+00 : f32
    %mul3A_1565 = vector.broadcast %mul3A_1564 : f32 to vector<8x256xf32>
    %mul3A_1566 = arith.mulf %add3A_1563, %mul3A_1565 : vector<8x256xf32>
    %add3A_1567 = arith.addf %add3A_1562, %mul3A_1566 : vector<8x256xf32>
    %mul3A_1568 = arith.mulf %div3A_1547, %add3A_1567 : vector<8x256xf32>
    %mul3A_1569 = arith.constant 3.000000e+00 : f32
    %mul3A_1570 = vector.broadcast %mul3A_1569 : f32 to vector<8x256xf32>
    %mul3A_1571 = arith.mulf %mul3A_1552, %mul3A_1570 : vector<8x256xf32>
    %add3A_1572 = arith.addf %mul3A_1568, %mul3A_1571 : vector<8x256xf32>
    %eq3A_1573 = arith.constant 1 : i32
    %eq3A_1574 = vector.broadcast %eq3A_1573 : i32 to vector<8x256xi32>
    %eq3A_1575 = arith.cmpi eq, %get3A_4, %eq3A_1574 : vector<8x256xi32>
    %jit3A_1576 = arith.constant 0.000000e+00 : f32
    %broadcast_in_dim3A_1577 = vector.broadcast %jit3A_1576 : f32 to vector<8x256xf32>
    %select_n3A_1578 = arith.select %eq3A_1575, %add3A_1572, %broadcast_in_dim3A_1577 : vector<8x256xi1>, vector<8x256xf32>
    %convert_element_type3A_1579 = arith.sitofp %get3A_4 : vector<8x256xi32> to vector<8x256xf32>
    %mul3A_1580 = arith.constant 2.000000e+00 : f32
    %mul3A_1581 = vector.broadcast %mul3A_1580 : f32 to vector<8x256xf32>
    %mul3A_1582 = arith.mulf %mul3A_1581, %convert_element_type3A_1579 : vector<8x256xf32>
    %sub3A_1583 = arith.constant 1.000000e+00 : f32
    %sub3A_1584 = vector.broadcast %sub3A_1583 : f32 to vector<8x256xf32>
    %sub3A_1585 = arith.subf %mul3A_1582, %sub3A_1584 : vector<8x256xf32>
    %mul3A_1586 = arith.mulf %get3A_1, %sub3A_1585 : vector<8x256xf32>
    %reduce_sum3A_1587 = arith.constant dense<0.000000e+00> : vector<8xf32>
    %reduce_sum3A_1588 = vector.multi_reduction <add>, %mul3A_1586, %reduce_sum3A_1587 [1] : vector<8x256xf32> to vector<8xf32>
    %sub3A_1589 = arith.constant 2.560000e+02 : f32
    %sub3A_1590 = vector.broadcast %sub3A_1589 : f32 to vector<8xf32>
    %sub3A_1591 = arith.subf %sub3A_1590, %reduce_sum3A_1588 : vector<8xf32>
    %reduce_sum3A_1592 = arith.constant dense<0.000000e+00> : vector<8xf32>
    %reduce_sum3A_1593 = vector.multi_reduction <add>, %select_n3A_1578, %reduce_sum3A_1592 [1] : vector<8x256xf32> to vector<8xf32>
    %mul3A_1594 = arith.mulf %sub3A_1591, %reduce_sum3A_1593 : vector<8xf32>
    %reduce_sum3A_1595 = vector.shape_cast %mul3A_1594 : vector<8xf32> to vector<1x8xf32>
    %reduce_sum3A_1596 = arith.constant dense<0.000000e+00> : vector<1xf32>
    %reduce_sum3A_1597 = vector.multi_reduction <add>, %reduce_sum3A_1595, %reduce_sum3A_1596 [1] : vector<1x8xf32> to vector<1xf32>
    %reduce_sum3A_1598 = vector.shape_cast %reduce_sum3A_1597 : vector<1xf32> to vector<1x1xf32>
    %reduce_sum3A_1599 = vector.extract %reduce_sum3A_1598[0, 0] : f32 from vector<1x1xf32>
    %eq3A_1600 = arith.constant 0 : i32
    %eq3A_1601 = arith.cmpi eq, %arg0, %eq3A_1600 : i32
    %convert_element_type3A_1602 = arith.extui %eq3A_1601 : i1 to i32
    %cond3A = arith.constant 0 : i32
    %cond3A_1603 = arith.cmpi ne, %convert_element_type3A_1602, %cond3A : i32
    scf.if %cond3A_1603 {
      %swap3A_1610 = arith.constant 0.000000e+00 : f32
      %swap3A_1611 = arith.constant 0 : index
      %swap3A_1612 = arith.constant 0 : index
      %swap3A_1613 = memref.load %arg3[%swap3A_1611, %swap3A_1612] : memref<1x1xf32, #tpu.memory_space<smem>>
      memref.store %swap3A_1610, %arg3[%swap3A_1611, %swap3A_1612] : memref<1x1xf32, #tpu.memory_space<smem>>
    } else {
    }
    %get3A_1604 = arith.constant 0 : index
    %get3A_1605 = arith.constant 0 : index
    %get3A_1606 = memref.load %arg3[%get3A_1604, %get3A_1605] : memref<1x1xf32, #tpu.memory_space<smem>>
    %add3A_1607 = arith.addf %get3A_1606, %reduce_sum3A_1599 : f32
    %swap3A = arith.constant 0 : index
    %swap3A_1608 = arith.constant 0 : index
    %swap3A_1609 = memref.load %arg3[%swap3A, %swap3A_1608] : memref<1x1xf32, #tpu.memory_space<smem>>
    memref.store %add3A_1607, %arg3[%swap3A, %swap3A_1608] : memref<1x1xf32, #tpu.memory_space<smem>>
    return
  }
  func.func @transform_0(%arg0: i32) -> (i32, i32) {
    %add3A = arith.constant 256 : i32
    %add3A_0 = arith.addi %arg0, %add3A : i32
    %c0_i32 = arith.constant 0 : i32
    %c0_i32_1 = arith.constant 0 : i32
    return %add3A_0, %c0_i32 : i32, i32
  }
  func.func @transform_1(%arg0: i32) -> (i32, i32) {
    %add3A = arith.constant 256 : i32
    %add3A_0 = arith.addi %arg0, %add3A : i32
    %c0_i32 = arith.constant 0 : i32
    %c0_i32_1 = arith.constant 0 : i32
    return %add3A_0, %c0_i32 : i32, i32
  }
  func.func @transform_2(%arg0: i32) -> (i32, i32) {
    %c0_i32 = arith.constant 0 : i32
    %c0_i32_0 = arith.constant 0 : i32
    %c0_i32_1 = arith.constant 0 : i32
    return %c0_i32, %c0_i32_0 : i32, i32
  }
}

</mosaic_0001>

<sc_bundles>
// kernel: kernel.5.cloned.1.call-start
scs
__scs_entry_jumppad:
0x0: {  	(pc) =	sbr.rel $0x88, $3  }
0x1: {  	(tag) =	ssettag $0x0;
	lr =	simm.s32 $0x1  }
0x2: {  	[smem:$0x3F9F] =	sst lr;
	_ =	strace $0xD0000000  }
0x3: {  	_ = 	snop  }
0x4: {  	_ = 	snop  }
0x5: {  	_ = 	snop  }
0x6: {  	_ = 	snop  }
0x7: {  	_ = 	snop  }
__scs_overlays_trampoline_lowered:
0x8: {  	[smem:$0x3FAE] =	sst s0  }
0x9: {  	[smem:$0x3FAF] =	sst s1  }
0xa: {  	[smem:$0x3FB0] =	sst s2  }
0xb: {  	[smem:$0x3FB1] =	sst s3  }
0xc: {  	[smem:$0x3FB2] =	sst s4  }
0xd: {  	[smem:$0x3FB3] =	sst s5  }
0xe: {  	[smem:$0x3FB4] =	sst s6  }
0xf: {  	[smem:$0x3FB5] =	sst s7  }
0x10: {  	[smem:$0x3FB6] =	sst s8  }
0x11: {  	[smem:$0x3FB7] =	sst s9;
	s0 =	simm.s32 @!p0 $0x0  }
0x12: {  	s1 =	sld [smem:$0x3F9D];
	s0 =	simm.s32 @p0 $0x1  }
0x13: {  	[smem:$0x3FB8] =	sst s0;
	s0 =	simm.s32 @!p1 $0x0  }
0x14: {  	s2 =	sld [smem:$0x3F9C];
	s0 =	simm.s32 @p1 $0x1  }
0x15: {  	[smem:$0x3FB9] =	sst s0;
	s0 =	simm.s32 @!p2 $0x0  }
0x16: {  	s3 =	sld [smem:$0x3FDB];
	s0 =	simm.s32 @p2 $0x1  }
0x17: {  	s4 =	simm.s32 $0x1BF5;
	[smem:$0x3FBB] =	sst s0  }
0x18: {  	s0 =	sld [smem:$0x3F9E];
	_ =	swait.ge [sflag:s4], $0x0  }
0x19: {  	s7 =	sld [smem:$0x3F9F]  }
0x1a: {  	s8 =	sadd.s32 $0xFFFFE003, lr  }
0x1b: {  	s9 =	sadd.s32 $0xFFFFFEF7, lr;
	s5 =	simm.s32 $0xFFFFFFFF;
	p2 =	slt.u32 s8, $0xFFFFF086  }
0x1c: {  	p1 =	slt.u32 s9, $0xF7A;
	s5 =	simm.s32 @!p2 $0x0  }
0x1d: {  	s5 =	simm.s32 @p1 $0x1;
	p0 =	seq.s32 s7, s2  }
0x1e: {  	s7 =	smul.u32 @!p0 $0xF7A, s2;
	p2 =	seq.s32 @!p0 s5, $0x0  }
0x1f: {  	s9 =	smul.u32 $0xF7A, s1;
	s8 =	simm.s32 @!p0 $0x1BF5;
	p2 =	por !p2, p0  }
0x20: {  	[sflag:s8] =	ssyncset.s32 @!p0 $0xFFFFF086;
	s6 =	sadd.s32 @!p0 s3, s7;
	s7 =	simm.s32 @!p0 $0x108  }
0x21: {  	s3 =	sadd.s32 s3, s9;
	s6 =	sadd.s32 @!p0 $0x88, s6;
	s7 =	simm.s32 @p2 $0x1082  }
0x22: {  	[simem:s7], [sflag:s8] =	dma.local @!p0 [hbm:s6], $0xF7A  }
0x23: {  	s9 =	sor.u32 $0xD0000000, s2;
	s6 =	simm.s32 $0x108;
	_ =	swait.ge @!p0 [sflag:s8], $0x0  }
0x24: {  	s3 =	sadd.s32 $0x88, s3;
	s6 =	simm.s32 @!p1 $0x1082;
	[sflag:s4] =	ssyncset.s32 $0xFFFFF086  }
0x25: {  	[simem:s6], [sflag:s4] =	dma.local [hbm:s3], $0xF7A  }
0x26: {  	[smem:$0x3F9F] =	sst s1;
	(tag) =	ssettag s2;
	_ =	strace s9  }
0x27: {  	s1 =	sld [smem:$0x3FAF]  }
0x28: {  	s2 =	sld [smem:$0x3FB0]  }
0x29: {  	s4 =	sld [smem:$0x3FB2]  }
0x2a: {  	p0 =	seq.s32 s5, $0x0;
	s5 =	sld [smem:$0x3FB3]  }
0x2b: {  	s6 =	sld [smem:$0x3FB4]  }
0x2c: {  	s7 =	sld [smem:$0x3FB5]  }
0x2d: {  	s3 =	simm.s32 $0x108;
	s8 =	sld [smem:$0x3FB6]  }
0x2e: {  	s3 =	simm.s32 @!p0 $0x1082;
	s9 =	sld [smem:$0x3FB7]  }
0x2f: {  	lr =	sadd.s32 s0, s3;
	s0 =	sld [smem:$0x3FAE]  }
0x30: {  	s3 =	sld [smem:$0x3FB1]  }
0x31: {  	[smem:$0x3FBA] =	sst s10  }
0x32: {  	s10 =	sld [smem:$0x3FB8];
	_ =	sdelay $0x3  }
0x33: {  	p0 =	seq.s32 s10, $0x1;
	s10 =	sld [smem:$0x3FBA];
	_ =	sdelay $0x3  }
0x34: {  	[smem:$0x3FBA] =	sst s10  }
0x35: {  	s10 =	sld [smem:$0x3FB9];
	_ =	sdelay $0x3  }
0x36: {  	p1 =	seq.s32 s10, $0x1;
	s10 =	sld [smem:$0x3FBA];
	_ =	sdelay $0x3  }
0x37: {  	[smem:$0x3FBA] =	sst s10  }
0x38: {  	s10 =	sld [smem:$0x3FBB]  }
0x39: {  	_ = 	snop;
	(pc) =	sbr.ind lr, $3  }
0x3a: {  	_ = 	snop  }
0x3b: {  	_ = 	snop  }
0x3c: {  	p2 =	seq.s32 s10, $0x1;
	s10 =	sld [smem:$0x3FBA]  }
0x3d: {  	_ =	shalt  }
0x3e: {  	_ =	shalt  }
0x3f: {  	_ =	shalt  }
0x40: {  	_ =	shalt  }
0x41: {  	_ =	shalt  }
0x42: {  	_ =	shalt  }
0x43: {  	_ =	shalt  }
0x44: {  	_ =	shalt  }
0x45: {  	_ =	shalt  }
0x46: {  	_ =	shalt  }
0x47: {  	_ =	shalt  }
0x48: {  	_ =	shalt  }
0x49: {  	_ =	shalt  }
0x4a: {  	_ =	shalt  }
0x4b: {  	_ =	shalt  }
0x4c: {  	_ =	shalt  }
0x4d: {  	_ =	shalt  }
0x4e: {  	_ =	shalt  }
0x4f: {  	_ =	shalt  }
0x50: {  	_ =	shalt  }
0x51: {  	_ =	shalt  }
0x52: {  	_ =	shalt  }
0x53: {  	_ =	shalt  }
0x54: {  	_ =	shalt  }
0x55: {  	_ =	shalt  }
0x56: {  	_ =	shalt  }
0x57: {  	_ =	shalt  }
0x58: {  	_ =	shalt  }
0x59: {  	_ =	shalt  }
0x5a: {  	_ =	shalt  }
0x5b: {  	_ =	shalt  }
0x5c: {  	_ =	shalt  }
0x5d: {  	_ =	shalt  }
0x5e: {  	_ =	shalt  }
0x5f: {  	_ =	shalt  }
0x60: {  	_ =	shalt  }
0x61: {  	_ =	shalt  }
0x62: {  	_ =	shalt  }
0x63: {  	_ =	shalt  }
0x64: {  	_ =	shalt  }
0x65: {  	_ =	shalt  }
0x66: {  	_ =	shalt  }
0x67: {  	_ =	shalt  }
0x68: {  	_ =	shalt  }
0x69: {  	_ =	shalt  }
0x6a: {  	_ =	shalt  }
0x6b: {  	_ =	shalt  }
0x6c: {  	_ =	shalt  }
0x6d: {  	_ =	shalt  }
0x6e: {  	_ =	shalt  }
0x6f: {  	_ =	shalt  }
0x70: {  	_ =	shalt  }
0x71: {  	_ =	shalt  }
0x72: {  	_ =	shalt  }
0x73: {  	_ =	shalt  }
0x74: {  	_ =	shalt  }
0x75: {  	_ =	shalt  }
0x76: {  	_ =	shalt  }
0x77: {  	_ =	shalt  }
0x78: {  	_ =	shalt  }
0x79: {  	_ =	shalt  }
0x7a: {  	_ =	shalt  }
0x7b: {  	_ =	shalt  }
0x7c: {  	_ =	shalt  }
0x7d: {  	_ =	shalt  }
0x7e: {  	_ =	shalt  }
0x7f: {  	_ =	shalt  }
0x80: {  	_ =	shalt  }
0x81: {  	_ =	shalt  }
0x82: {  	_ =	shalt  }
0x83: {  	_ =	shalt  }
0x84: {  	_ =	shalt  }
0x85: {  	_ =	shalt  }
0x86: {  	_ =	shalt  }
0x87: {  	_ =	shalt  }
.Lfunc_end0:
.L_simem_size_0:
called_computation_lowered:
.L_overlay_start_0:
0x88: {  	s2 =	sld [smem:$0x3FD9]  }
0x89: {  	s3 =	sld [smem:$0x3FFE];
	_ =	sdelay $0x1  }
0x8a: {  	s1 =	srdreg.scid  }
0x8b: {  	s0 =	sand.u32 $0x1, s1  }
0x8c: {  	s17 =	sshll.u32 s0, $0xA;
	s2 =	sadd.s32 s3, s2  }
0x8d: {  	s2 =	sadd.s32 s2, s17  }
0x8e: {  	[smem:$0x3FC6] =	sst s2  }
0x8f: {  	_ = 	snop  }
0x90: {  	s2 =	sld [smem:$0x3FC9]  }
0x91: {  	s18 =	sld [smem:$0x3FC8];
	(tm) =	ssettm $0x1  }
0x92: {  	s4 =	sld [smem:$0x3FFB];
	_ =	sdelay $0x3  }
0x93: {  	_ =	strace s4  }
0x94: {  	s4 =	sld [smem:$0x3FFC];
	_ =	sdelay $0x3  }
0x95: {  	_ =	strace s4  }
0x96: {  	s4 =	sld [smem:$0x3FFD];
	_ =	sdelay $0x3  }
0x97: {  	_ =	strace s4  }
0x98: {  	_ =	strace $0x8FFFFFFF  }
0x99: {  	s19 =	sld [smem:$0x3FDB];
	_ =	sdelay $0x1  }
0x9a: {  	s5 =	simm.s32 $_scs_section_size  }
0x9b: {  	s6 =	simm.s32 $_size__tile_overlayer_lowered;
	s7 =	simm.s32 $_tile_overlayer_lowered  }
0x9c: {  	s22 =	simm.s32 $0x1BFF;
	s21 =	sshll.u32 s7, $0x1;
	s4 =	sadd.s32 s5, s19  }
0x9d: {  	s8 =	simm.s32 $0x0;
	s20 =	sshll.u32 s6, $0x1;
	s6 =	sadd.s32 s21, s4  }
0x9e: {  	[timem:s8], [sflag:s22] =	dma.local [hbm:s6], s20  }
0x9f: {  	_ =	swait.ge [sflag:s22], s20  }
0xa0: {  	s5 =	ssub.s32 $0x0, s20;
	[sflag:s22] =	ssyncset.done $0x0  }
0xa1: {  	[sflag:s22] =	ssyncadd.s32 s5;
	_ =	sdelay $0x1  }
0xa2: {  	s23 =	simm.s32 $0x1B8B  }
0xa3: {  	_ =	swait.ge [sflag:s23], $0x1  }
0xa4: {  	[sflag:s23] =	ssyncset.done $0x0  }
0xa5: {  	s25 =	simm.s32 $0x1B8E;
	s24 =	sld [smem:$0x3FFE];
	[sflag:s23] =	ssyncadd.s32 $0xFFFFFFFF  }
0xa6: {  	s26 =	simm.s32 $execute0_lowered;
	[smem:$0x3FD2] =	sst s25  }
0xa7: {  	s6 =	sshll.u32 s26, $0x1;
	_ =	strace $0x80000046;
	[dreg:$0x1] =	wrdreg $0xFFFFFFFF  }
0xa8: {  	s28 =	simm.s32 $_size_execute0_lowered;
	s4 =	sadd.s32 s4, s6;
	[dreg:$0x0] =	wrdreg $0x0  }
0xa9: {  	s6 =	sshll.u32 s28, $0x1;
	[dreg:$0x2] =	wrdreg s4  }
0xaa: {  	[dreg:$0x3] =	wrdreg s6  }
0xab: {  	[dreg:$0x4] =	wrdreg $0xC0  }
0xac: {  	_ =	task [dreg:s8], $0x5FFFF  }
0xad: {  	[dreg:$0x1] =	wrdreg $0xFFFFFFFF  }
0xae: {  	[dreg:$0x0] =	wrdreg $0x60  }
0xaf: {  	[dreg:$0x2] =	wrdreg s2  }
0xb0: {  	[dreg:$0x3] =	wrdreg s18  }
0xb1: {  	[dreg:$0x4] =	wrdreg s24  }
0xb2: {  	[dreg:$0x5] =	wrdreg $0x9  }
0xb3: {  	_ =	task.clear_ibuf [dreg:s8], $0x6FFFF;
	_ =	strace $0x90000046  }
0xb4: {  	s29 =	simm.s32 $0x9;
	_ =	strace $0x80000048  }
0xb5: {  	_ =	swait.ge [sflag:s29], $0x1  }
0xb6: {  	[sflag:s29] =	ssyncadd.s32 $0xFFFFFFFF  }
0xb7: {  	_ =	strace $0x90000048  }
0xb8: {  	_ =	sfence  }
0xb9: {  	s30 =	sld [smem:$0x0];
	_ =	sdelay $0x2  }
0xba: {  	s31 =	sshll.u32 s1, $0xD;
	s1 =	sshrl.u32 s1, $0x2  }
0xbb: {  	s3 =	sand.u32 $0x4000, s31;
	s1 =	sadd.s32 s1, s30  }
0xbc: {  	s0 =	sor.u32 s3, s0;
	s1 =	sshll.u32 s1, $0x11  }
0xbd: {  	s0 =	sor.u32 s1, s0  }
0xbe: {  	s0 =	sadd.s32 $0x8F2B, s0  }
0xbf: {  	[sflag:s0] =	ssyncadd.remote.s32 $0x1  }
0xc0: {  	_ =	sfence.sel $0xFFFF  }
0xc1: {  	[dreg:$0x0] =	wrdreg $0xFFFFFFFF;
	(pc) =	sbr.abs _section_cstart, $3  }
0xc2: {  	[dreg:$0x1] =	wrdreg $0xFFFFFFFF  }
0xc3: {  	_ =	task.clear_ibuf [dreg:s8], $0x2FFFF;
	_ =	strace $0x9FFFFFFF  }
0xc4: {  	(tm) =	ssettm $0x7FFFFFFF  }
0xc5: {  	_ =	shalt  }
tec
execute0_lowered:
.L_overlay_start_1:
0x0: {  	(tag) =	ssettag $0x1  }
0x1: {  	s3 =	rddreg [dreg:$0x0]  }
0x2: {  	s4 =	rddreg [dreg:$0x1]  }
0x3: {  	s5 =	rddreg [dreg:$0x2]  }
0x4: {  	s0 =	rddreg [dreg:$0x3]  }
0x5: {  	s2 =	simm.s32 $0x0;
	s6 =	srdreg.scid;
	s1 =	stileid.u32  }
0x6: {  	s10 =	simm.s32 $0xA000;
	s11 =	simm.s32 $0xE000;
	s12 =	simm.s32 $0x0  }
0x7: {  	[smem:$0x7FF] =	sst s2;
	s6 =	sand.u32 $0x1, s6;
	s7 =	sshll.u32 s1, $0x1  }
0x8: {  	_ =	strace $0x80000047;
	s7 =	sor.u32 s6, s7;
	s6 =	ssub.s32 $0x2, s6  }
0x9: {  	s8 =	sshll.u32 s7, $0x4;
	s9 =	sshrl.u32 s6, $0x1;
	s7 =	sshll.u32 s7, $0xB  }
0xa: {  	s5 =	sadd.s32 s8, s5;
	s6 =	ssub.s32 s6, s9;
	s3 =	sadd.s32 s3, s7  }
0xb: {  	v0 =	vlaneseq.u32;
	v1 =	vimm.f32 $0.0e+00;
	s4 =	sadd.s32 s4, s7;
	s7 =	simm.s32 $0x1;
	s8 =	simm.s32 $0x4000  }
0xc: {  	v2 =	vimm.bf16 $0.0e+00;
	v3 =	vimm.bf16 $1.0000e+00;
	v0 =	vmul.u32 $0x20, v0;
	s9 =	simm.s32 $0x8000;
	s5 =	sadd.s32 $0xA00, s5;
	s6 =	smax.u32 s6, $0x1  }
.LBB2_1:
0xd: {  	[tilespmem:s2], [sflag:$0x1] =	stream.linear.gather [hbm4b:s3+s2], $0x4000, $0x38;
	[tilespmem:$0xE080] =	vst v63  }
0xe: {  	_ =	swait.ge [sflag:s7], $0x4000  }
0xf: {  	[sflag:s7] =	ssyncset.done $0x0  }
0x10: {  	[sflag:s7] =	ssyncadd.s32 $0xFFFFC000  }
0x11: {  	[tilespmem:s8], [sflag:$0x1] =	stream.linear.gather [hbm4b:s4+s2], $0x4000, $0x38;
	[tilespmem:$0xE080] =	vst v63  }
0x12: {  	_ =	swait.ge [sflag:s7], $0x4000  }
0x13: {  	[sflag:s7] =	ssyncset.done $0x0  }
0x14: {  	p1 =	por $0x1, $0x1;
	v4 =	vimm.f32 $0.0e+00;
	s13 =	simm.s32 $0x0;
	[sflag:s7] =	ssyncadd.s32 $0xFFFFC000  }
.LBB2_2:
0x15: {  	p0 =	por p1, p1;
	s14 =	simm.s32 $0x0;
	s15 =	simm.s32 $0x0  }
.LBB2_3:
0x16: {  	s16 =	sshll.u32 s15, $0x8  }
0x17: {  	s17 =	sshll.u32 s15, $0x7;
	s16 =	sand.u32 $0x1800, s16  }
0x18: {  	s17 =	sand.u32 $0x380, s17;
	s16 =	sor.u32 s13, s16  }
0x19: {  	s31 =	sand.u32 $0x400, s14;
	s16 =	sor.u32 s17, s16  }
0x1a: {  	s18 =	sand.u32 $0x70, s14;
	s17 =	sor.u32 s16, s31  }
0x1b: {  	s17 =	sor.u32 s18, s17  }
0x1c: {  	v7 =	vld [tilespmem:s17+$0x4000]  }
0x1d: {  	v5 =	vor.u32 s15, v0;
	v6 =	vld [tilespmem:s17+$0x0];
	_ =	sdelay $0x2  }
0x1e: {  	s20 =	simm.s32 $0x10;
	s18 =	simm.s32 $0x80  }
0x1f: {  	s19 =	simm.s32 $0x20;
	s21 =	sand.u32 $0x400, s18;
	s17 =	smov.u32 s15;
	vm0 =	veq.s32 v7, $0x0  }
.LBB2_4:
0x20: {  	p1 =	sne.s32 s19, $0xF0;
	s20 =	sand.u32 $0x70, s20;
	s21 =	sor.u32 s16, s21;
	v7 =	vnsel vm0, $0xFF61B1E6, v6;
	[tilespmem:v5+s9+$0x0] =	vst.idx.msk $0xffff, v6  }
0x21: {  	s21 =	sor.u32 s20, s21;
	[tilespmem:v5+s10+$0x0] =	vst.idx.msk $0xffff, v7;
	s20 =	smov.u32 s19  }
0x22: {  	s17 =	sadd.s32 $0x200, s17;
	v7 =	vld [tilespmem:s21+$0x4000]  }
.Ltmp0:
0x23: {  	v5 =	vor.u32 s17, v0;
	v6 =	vld [tilespmem:s21+$0x0];
	(pc) =	sbr.rel @p1 .LBB2_4-.Ltmp0, $3  }
0x24: {  	_ =	sdelay $0x1  }
0x25: {  	s18 =	sadd.s32 $0x80, s18  }
0x26: {  	s19 =	sadd.s32 $0x10, s19;
	s21 =	sand.u32 $0x400, s18;
	vm0 =	veq.s32 v7, $0x0  }
0x27: {  	_ =	sdelay $0x3  }
0x28: {  	s18 =	sand.u32 $0x70, s20;
	s16 =	sor.u32 s16, s21;
	v7 =	vnsel vm0, $0xFF61B1E6, v6;
	[tilespmem:v5+s9+$0x0] =	vst.idx.msk $0xffff, v6  }
0x29: {  	s16 =	sor.u32 s18, s16;
	[tilespmem:v5+s10+$0x0] =	vst.idx.msk $0xffff, v7  }
0x2a: {  	s17 =	sadd.s32 $0x200, s17;
	v5 =	vld [tilespmem:s16+$0x4000]  }
0x2b: {  	s15 =	sadd.s32 $0x1, s15;
	v7 =	vor.u32 s17, v0;
	v6 =	vld [tilespmem:s16+$0x0]  }
0x2c: {  	p1 =	sne.s32 s15, $0x20  }
.Ltmp1:
0x2d: {  	_ = 	snop;
	(pc) =	sbr.rel @p1 .LBB2_3-.Ltmp1, $4  }
0x2e: {  	_ = 	snop  }
0x2f: {  	vm15 =	veq.s32 v5, $0x0  }
0x30: {  	[tilespmem:v7+s9+$0x0] =	vst.idx.msk $0xffff, v6;
	v5 =	vnsel vm15, $0xFF61B1E6, v6  }
0x31: {  	[tilespmem:v7+s10+$0x0] =	vst.idx.msk $0xffff, v5  }
0x32: {  	s13 =	simm.s32 $0xA010  }
0x33: {  	s14 =	simm.s32 $0x8010;
	v5 =	vld [tilespmem:s13+$0xFFFFFFF0]  }
0x34: {  	v6 =	vld [tilespmem:s14+$0xFFFFFFF0]  }
0x35: {  	v7 =	vld [tilespmem:s13+$0x0]  }
0x36: {  	v8 =	vld [tilespmem:s14+$0x0];
	_ =	sdelay $0x3  }
0x37: {  	s16 =	simm.s32 $0x0;
	v7 =	vpack.i.f32.bf16 v7, v5  }
0x38: {  	s15 =	simm.s32 $0x40;
	v5 =	vpack.i.f32.bf16 v8, v6;
	[tilespmem:s16+$0xD000] =	vst v7  }
.LBB2_7:
0x39: {  	p1 =	sne.s32 s15, $0x3FC0;
	[tilespmem:s16+$0xC000] =	vst v5;
	s13 =	sadd.s32 $0x20, s13;
	s14 =	sadd.s32 $0x20, s14  }
0x3a: {  	s16 =	smov.u32 s15;
	s15 =	sadd.s32 $0x40, s15;
	v5 =	vld [tilespmem:s13+$0xFFFFFFF0]  }
0x3b: {  	v6 =	vld [tilespmem:s14+$0xFFFFFFF0]  }
0x3c: {  	v7 =	vld [tilespmem:s13+$0x0]  }
0x3d: {  	v8 =	vld [tilespmem:s14+$0x0]  }
.Ltmp2:
0x3e: {  	(pc) =	sbr.rel @p1 .LBB2_7-.Ltmp2, $3  }
0x3f: {  	_ =	sdelay $0x1  }
0x40: {  	s16 =	sshra.s32 s16, $0x2;
	v7 =	vpack.i.f32.bf16 v7, v5  }
0x41: {  	v5 =	vpack.i.f32.bf16 v8, v6;
	[tilespmem:s16+$0xD000] =	vst v7  }
0x42: {  	[tilespmem:s16+$0xC000] =	vst v5;
	s14 =	simm.s32 $0x0  }
0x43: {  	v6 =	vld [tilespmem:s14+$0x8010]  }
0x44: {  	v10 =	vld [tilespmem:s14+$0xA010]  }
0x45: {  	v7 =	vld [tilespmem:s14+$0x8000]  }
0x46: {  	v5 =	vimm.f32 $2.560000000e+02;
	v12 =	vld [tilespmem:s14+$0xA000]  }
0x47: {  	v9 =	vimm.f32 $0.0e+00;
	s13 =	simm.s32 $0x80;
	v11 =	vimm.f32 $0.0e+00;
	v8 =	vimm.f32 $2.560000000e+02  }
.LBB2_9:
0x48: {  	s14 =	sshra.s32 s13, $0x2;
	p1 =	sne.s32 s13, $0x7F80;
	s13 =	sadd.s32 $0x80, s13;
	v13 =	vsub.f32 $0.0e+00, v6;
	v17 =	vmov v6  }
.Ltmp3:
0x49: {  	v6 =	vld [tilespmem:s14+$0x8010];
	vm0 =	vge.f32 v10, $-9.999999680e+37;
	(pc) =	sbr.rel @p1 .LBB2_9-.Ltmp3, $4  }
0x4a: {  	v10 =	vld [tilespmem:s14+$0xA010];
	v15 =	vsel vm0, $0x3F800000, v1;
	v16 =	vsub.f32 $0.0e+00, v7;
	v13 =	vsel vm0, v17, v13;
	v14 =	vmovc v7  }
0x4b: {  	v7 =	vld [tilespmem:s14+$0x8000];
	vm0 =	vge.f32 v12, $-9.999999680e+37;
	v9 =	vadd.f32 v15, v9;
	v5 =	vadd.f32 v13, v5  }
0x4c: {  	v12 =	vld [tilespmem:s14+$0xA000];
	v13 =	vsel vm0, $0x3F800000, v1;
	v14 =	vsel vm0, v14, v16  }
0x4d: {  	v11 =	vadd.f32 v13, v11;
	v8 =	vadd.f32 v14, v8  }
0x4e: {  	_ =	sdelay $0x2  }
0x4f: {  	vm0 =	vge.f32 v12, $-9.999999680e+37  }
0x50: {  	vm1 =	vge.f32 v10, $-9.999999680e+37;
	v10 =	vsel vm0, $0x3F800000, v1  }
0x51: {  	v63 =	vsel vm1, $0x3F800000, v1;
	v10 =	vadd.f32 v10, v11  }
0x52: {  	v9 =	vadd.f32 v63, v9  }
0x53: {  	v10 =	vmax.f32 v10, $1.000000000e+00  }
0x54: {  	v9 =	vmax.f32 v9, $1.000000000e+00;
	(erf) = vrcp.f32 v10  }
0x55: {  	(erf) = vrcp.f32 v9;
	_ =	sdelay $0x5  }
0x56: {  	v10 =	vsub.f32 $0.0e+00, v7;
	v9 =	vsub.f32 $0.0e+00, v6;
	_ =	sdelay $0x1  }
0x57: {  	v7 =	vsel vm0, v7, v10;
	v10 =	vimm.f32 $0.0e+00;
	v9 =	vsel vm1, v6, v9;
	v6 =	vpop (erf)  }
0x58: {  	s13 =	simm.s32 $0x0;
	v7 =	vadd.f32 v7, v8;
	v5 =	vadd.f32 v9, v5;
	v9 =	vimm.f32 $0.0e+00;
	v8 =	vpop (erf)  }
.LBB2_11:
0x59: {  	s31 =	simm.s32 $0x0  }
0x5a: {  	s14 =	sshll.u32 s13, $0x7;
	v20 =	vld [tilespmem:s31+$0xD070]  }
0x5b: {  	s15 =	sand.u32 $0x3FFFFF80, s14;
	v21 =	vld [tilespmem:s31+$0xD060]  }
0x5c: {  	v11 =	vld [tilespmem:s15+$0xC000]  }
0x5d: {  	v12 =	vld [tilespmem:s15+$0xC010]  }
0x5e: {  	v13 =	vld [tilespmem:s15+$0xC020]  }
0x5f: {  	v14 =	vld [tilespmem:s15+$0xC030]  }
0x60: {  	v15 =	vld [tilespmem:s15+$0xC040]  }
0x61: {  	v16 =	vld [tilespmem:s15+$0xC050]  }
0x62: {  	v17 =	vld [tilespmem:s15+$0xC060]  }
0x63: {  	v18 =	vld [tilespmem:s15+$0xC070];
	_ =	sdelay $0x1  }
0x64: {  	v19 =	vimm.bf16 $0.0e+00;
	v23 =	vimm.s32 $0x0;
	v24 =	vimm.s32 $0x0;
	v28 =	vld [tilespmem:s31+$0xD020]  }
0x65: {  	v50 =	vld [tilespmem:s31+$0xD010];
	vm0 =	vge.bf16 v20, v11;
	vm1 =	vge.bf16 v20, v12;
	vm2 =	vge.bf16 v20, v13  }
0x66: {  	vm3 =	vge.bf16 v20, v14;
	vm4 =	vge.bf16 v20, v15;
	vm5 =	vge.bf16 v20, v16  }
0x67: {  	v22 =	vld [tilespmem:s31+$0xD050];
	vm6 =	vge.bf16 v20, v17;
	vm7 =	vge.bf16 v21, v12;
	vm8 =	vge.bf16 v20, v18  }
0x68: {  	v20 =	vimm.s32 $0x0;
	vm9 =	vge.bf16 v21, v14;
	vm10 =	vge.bf16 v21, v15  }
0x69: {  	vm11 =	vge.bf16 v21, v16;
	vm12 =	vge.bf16 v21, v17;
	vm14 =	vge.bf16 v28, v16  }
0x6a: {  	v26 =	vld [tilespmem:s31+$0xD040];
	vm15 =	vge.bf16 v50, v16;
	v23 =	vsel vm6, $0xFFFFFFFF, v23;
	vm6 =	vge.bf16 v21, v11  }
0x6b: {  	v20 =	vsel vm8, $0xFFFFFFFF, v20;
	vm8 =	vge.bf16 v21, v13;
	v30 =	vsel vm0, v3, v2  }
0x6c: {  	vm0 =	vge.bf16 v22, v11;
	v31 =	vsel vm1, v3, v2;
	vm1 =	vge.bf16 v22, v12  }
0x6d: {  	v29 =	vsel vm2, v3, v2;
	vm2 =	vge.bf16 v22, v13;
	v32 =	vsel vm3, v3, v2  }
0x6e: {  	v27 =	vld [tilespmem:s31+$0xD030];
	vm3 =	vge.bf16 v22, v14;
	v41 =	vsel vm7, v3, v2;
	vm7 =	vge.bf16 v22, v17  }
0x6f: {  	v42 =	vsel vm9, v3, v2;
	vm9 =	vge.bf16 v26, v14;
	[tilespmem:$0x1FF90] =	vst v20;
	v20 =	vimm.s32 $0x0  }
0x70: {  	[tilespmem:$0x1FF80] =	vst v23;
	v35 =	vsel vm6, v3, v2;
	vm6 =	vge.bf16 v26, v11;
	v23 =	vimm.s32 $0x0  }
0x71: {  	v36 =	vsel vm8, v3, v2;
	vm8 =	vge.bf16 v26, v13;
	v44 =	vsel vm0, v3, v2  }
0x72: {  	v45 =	vsel vm1, v3, v2;
	v43 =	vsel vm2, v3, v2;
	vm0 =	vge.bf16 v26, v17  }
0x73: {  	v52 =	vld [tilespmem:s31+$0xD000];
	v46 =	vsel vm3, v3, v2;
	vm3 =	vge.bf16 v27, v13;
	vm2 =	vge.bf16 v27, v14  }
0x74: {  	v51 =	vsel vm9, v3, v2;
	vm1 =	vge.bf16 v27, v16;
	vm9 =	vge.bf16 v28, v18  }
0x75: {  	v20 =	vsel vm12, $0xFFFFFFFF, v20;
	vm12 =	vge.bf16 v21, v18;
	v21 =	vsel vm4, v3, v2  }
0x76: {  	vm4 =	vge.bf16 v22, v15;
	v23 =	vsel vm7, $0xFFFFFFFF, v23;
	vm7 =	vge.bf16 v22, v18  }
0x77: {  	v24 =	vsel vm0, $0xFFFFFFFF, v24;
	vm0 =	vge.bf16 v26, v18;
	v39 =	vsel vm8, v3, v2  }
0x78: {  	vm8 =	vge.bf16 v27, v17;
	v63 =	vsel vm3, v3, v2;
	vm3 =	vge.bf16 v52, v16;
	[tilespmem:$0x1FFA0] =	vst v20  }
0x79: {  	v20 =	vimm.s32 $0x0;
	[tilespmem:$0x1FFC0] =	vst v23;
	v23 =	vsel vm11, v3, v2;
	vm11 =	vge.bf16 v26, v16  }
0x7a: {  	[tilespmem:$0x1FFE0] =	vst v24;
	v24 =	vsel vm4, v3, v2;
	vm4 =	vge.bf16 v27, v12;
	v20 =	vsel vm12, $0xFFFFFFFF, v20  }
0x7b: {  	vm12 =	vge.bf16 v27, v11;
	v34 =	vsel vm11, v3, v2;
	v40 =	vsel vm4, v3, v2  }
0x7c: {  	vm4 =	vge.bf16 v50, v12;
	[tilespmem:$0x1FFB0] =	vst v20;
	v20 =	vsel vm5, v3, v2;
	vm5 =	vge.bf16 v22, v16  }
0x7d: {  	v22 =	vimm.s32 $0x0;
	v48 =	vsel vm4, v3, v2;
	vm4 =	vge.bf16 v52, v11  }
0x7e: {  	v22 =	vsel vm7, $0xFFFFFFFF, v22;
	vm7 =	vge.bf16 v26, v12;
	v25 =	vsel vm5, v3, v2  }
0x7f: {  	vm5 =	vge.bf16 v28, v11;
	v53 =	vsel vm4, v3, v2;
	vm4 =	vge.bf16 v52, v13  }
0x80: {  	[tilespmem:$0x1FFD0] =	vst v22;
	v22 =	vsel vm10, v3, v2;
	vm10 =	vge.bf16 v26, v15;
	v26 =	vimm.s32 $0x0  }
0x81: {  	v38 =	vsel vm7, v3, v2;
	v37 =	vsel vm5, v3, v2;
	vm5 =	vge.bf16 v50, v11  }
0x82: {  	v55 =	vsel vm4, v3, v2;
	vm4 =	vge.bf16 v52, v14;
	v53 =	vadd.bf16 v53, v19  }
0x83: {  	vm7 =	vge.bf16 v50, v18;
	v26 =	vsel vm0, $0xFFFFFFFF, v26;
	vm0 =	vge.bf16 v27, v15  }
0x84: {  	v33 =	vsel vm10, v3, v2;
	v47 =	vsel vm5, v3, v2;
	vm5 =	vge.bf16 v28, v12  }
0x85: {  	v56 =	vsel vm4, v3, v2;
	vm4 =	vge.bf16 v50, v14;
	v55 =	vadd.bf16 v55, v19  }
0x86: {  	vm10 =	vge.bf16 v28, v17;
	[tilespmem:$0x1FFF0] =	vst v26;
	v26 =	vsel vm6, v3, v2;
	vm6 =	vge.bf16 v27, v18  }
0x87: {  	v27 =	vsel vm12, v3, v2;
	v49 =	vsel vm5, v3, v2;
	vm5 =	vge.bf16 v52, v12  }
0x88: {  	v58 =	vsel vm4, v3, v2;
	vm4 =	vge.bf16 v28, v14;
	v47 =	vadd.bf16 v47, v53  }
0x89: {  	v56 =	vadd.bf16 v56, v19;
	v54 =	vsel vm5, v3, v2;
	vm5 =	vge.bf16 v50, v13  }
0x8a: {  	v62 =	vsel vm4, v3, v2;
	vm4 =	vge.bf16 v52, v15;
	v57 =	vsel vm5, v3, v2  }
0x8b: {  	vm5 =	vge.bf16 v28, v13;
	v54 =	vadd.bf16 v54, v19;
	v56 =	vadd.bf16 v58, v56  }
0x8c: {  	v58 =	vsel vm2, v3, v2;
	vm2 =	vge.bf16 v52, v17;
	v61 =	vsel vm5, v3, v2  }
0x8d: {  	vm5 =	vge.bf16 v28, v15;
	v55 =	vadd.bf16 v57, v55;
	v48 =	vadd.bf16 v48, v54  }
0x8e: {  	v28 =	vadd.bf16 v37, v47;
	v47 =	vsel vm0, v3, v2;
	v62 =	vadd.bf16 v62, v56  }
0x8f: {  	vm0 =	vge.bf16 v50, v15;
	v61 =	vadd.bf16 v61, v55;
	v60 =	vadd.bf16 v49, v48  }
0x90: {  	v27 =	vadd.bf16 v27, v28;
	v48 =	vsel vm1, v3, v2;
	v53 =	vadd.bf16 v58, v62  }
0x91: {  	v49 =	vsel vm5, v3, v2;
	vm5 =	vge.bf16 v50, v17;
	v28 =	vadd.bf16 v40, v60  }
0x92: {  	vm1 =	vge.bf16 v52, v18;
	v63 =	vadd.bf16 v63, v61;
	v37 =	vadd.bf16 v26, v27  }
0x93: {  	v26 =	vimm.bf16 $0.0e+00;
	v27 =	vimm.bf16 $0.0e+00;
	v40 =	vadd.bf16 v38, v28  }
0x94: {  	s14 =	simm.s32 $0x200;
	v38 =	vadd.bf16 v39, v63;
	v39 =	vadd.bf16 v51, v53;
	v28 =	vimm.bf16 $0.0e+00  }
.LBB2_12:
0x95: {  	v37 =	vadd.bf16 v44, v37  }
0x96: {  	v38 =	vadd.bf16 v43, v38  }
0x97: {  	v39 =	vadd.bf16 v46, v39;
	v35 =	vadd.bf16 v35, v37  }
0x98: {  	v36 =	vadd.bf16 v36, v38  }
0x99: {  	v42 =	vadd.bf16 v42, v39;
	v37 =	vadd.bf16 v30, v35;
	v30 =	vsel vm2, v3, v2  }
0x9a: {  	v39 =	vadd.bf16 v29, v36;
	v29 =	vsel vm1, v3, v2;
	v27 =	vadd.bf16 v30, v27  }
0x9b: {  	v28 =	vadd.bf16 v29, v28;
	v29 =	vsel vm5, v3, v2  }
0x9c: {  	v27 =	vadd.bf16 v29, v27  }
0x9d: {  	v29 =	vsel vm10, v3, v2  }
0x9e: {  	v27 =	vadd.bf16 v29, v27  }
0x9f: {  	v29 =	vsel vm8, v3, v2  }
0xa0: {  	v27 =	vadd.bf16 v29, v27;
	v29 =	vld [tilespmem:$0x1FFE0]  }
0xa1: {  	v50 =	vsel vm14, v3, v2;
	v53 =	vsel vm4, v3, v2;
	v30 =	vsel vm7, v3, v2  }
0xa2: {  	v54 =	vsel vm3, v3, v2;
	v19 =	vadd.bf16 v53, v19;
	v28 =	vadd.bf16 v30, v28  }
0xa3: {  	v51 =	vsel vm0, v3, v2;
	v26 =	vadd.bf16 v54, v26;
	v30 =	vsel vm9, v3, v2  }
0xa4: {  	v52 =	vsel vm15, v3, v2;
	v19 =	vadd.bf16 v51, v19;
	v28 =	vadd.bf16 v30, v28  }
0xa5: {  	v26 =	vadd.bf16 v52, v26;
	v30 =	vsel vm6, v3, v2;
	vm0 =	vnez.u8 v29  }
0xa6: {  	v19 =	vadd.bf16 v49, v19;
	v28 =	vadd.bf16 v30, v28;
	v30 =	vld [tilespmem:$0x1FFF0];
	v29 =	vsel vm0, v3, v2  }
0xa7: {  	v26 =	vadd.bf16 v50, v26;
	v27 =	vadd.bf16 v29, v27;
	v29 =	vld [tilespmem:$0x1FFC0];
	_ =	sdelay $0x1  }
0xa8: {  	v19 =	vadd.bf16 v47, v19;
	v26 =	vadd.bf16 v48, v26;
	_ =	sdelay $0x1  }
0xa9: {  	v19 =	vadd.bf16 v33, v19;
	v26 =	vadd.bf16 v34, v26;
	vm0 =	vnez.u8 v30  }
0xaa: {  	v30 =	vsel vm0, v3, v2;
	vm0 =	vnez.u8 v29  }
0xab: {  	v19 =	vadd.bf16 v24, v19;
	v24 =	vadd.bf16 v25, v26;
	v25 =	vld [tilespmem:$0x1FFD0];
	v29 =	vsel vm0, v3, v2  }
0xac: {  	v26 =	vadd.bf16 v29, v27;
	v27 =	vld [tilespmem:$0x1FFA0]  }
0xad: {  	v19 =	vadd.bf16 v22, v19;
	v22 =	vadd.bf16 v23, v24;
	v23 =	vld [tilespmem:$0x1FFB0];
	_ =	sdelay $0x2  }
0xae: {  	v28 =	vadd.bf16 v30, v28;
	vm0 =	vnez.u8 v25  }
0xaf: {  	v25 =	vsel vm0, v3, v2;
	vm0 =	vnez.u8 v27  }
0xb0: {  	v25 =	vadd.bf16 v25, v28;
	v27 =	vsel vm0, v3, v2;
	vm0 =	vnez.u8 v23  }
0xb1: {  	v23 =	vsel vm0, v3, v2  }
0xb2: {  	v23 =	vadd.bf16 v23, v25;
	v25 =	vld [tilespmem:$0x1FF80]  }
0xb3: {  	s15 =	sshra.s32 s14, $0x2;
	v27 =	vadd.bf16 v27, v26;
	v26 =	vadd.bf16 v20, v22;
	v20 =	vld [tilespmem:$0x1FF90]  }
0xb4: {  	v30 =	vld [tilespmem:s15+$0xD070];
	_ =	sdelay $0x2  }
0xb5: {  	vm0 =	vnez.u8 v25  }
0xb6: {  	v19 =	vadd.bf16 v21, v19;
	v25 =	vsel vm0, v3, v2;
	vm0 =	vnez.u8 v20  }
0xb7: {  	v21 =	vimm.s32 $0x0;
	v20 =	vsel vm0, v3, v2;
	vm0 =	vge.bf16 v30, v11  }
0xb8: {  	v21 =	vsel vm0, $0xFFFFFFFF, v21  }
0xb9: {  	vm0 =	vge.bf16 v30, v12;
	[tilespmem:$0x1FCF0] =	vst v21;
	v21 =	vimm.s32 $0x0  }
0xba: {  	v21 =	vsel vm0, $0xFFFFFFFF, v21  }
0xbb: {  	vm0 =	vge.bf16 v30, v13;
	[tilespmem:$0x1FD00] =	vst v21;
	v21 =	vimm.s32 $0x0  }
0xbc: {  	v21 =	vsel vm0, $0xFFFFFFFF, v21  }
0xbd: {  	vm0 =	vge.bf16 v30, v14;
	[tilespmem:$0x1FD10] =	vst v21;
	v21 =	vimm.s32 $0x0  }
0xbe: {  	v21 =	vsel vm0, $0xFFFFFFFF, v21  }
0xbf: {  	v24 =	vld [tilespmem:s15+$0xD060];
	vm0 =	vge.bf16 v30, v15;
	[tilespmem:$0x1FD20] =	vst v21;
	v21 =	vimm.s32 $0x0  }
0xc0: {  	v21 =	vsel vm0, $0xFFFFFFFF, v21  }
0xc1: {  	vm0 =	vge.bf16 v30, v16;
	[tilespmem:$0x1FD30] =	vst v21;
	v21 =	vimm.s32 $0x0  }
0xc2: {  	v21 =	vsel vm0, $0xFFFFFFFF, v21  }
0xc3: {  	vm0 =	vge.bf16 v30, v17;
	[tilespmem:$0x1FD40] =	vst v21;
	v21 =	vimm.s32 $0x0  }
0xc4: {  	v22 =	vimm.s32 $0x0;
	v21 =	vsel vm0, $0xFFFFFFFF, v21;
	vm0 =	vge.bf16 v24, v11  }
0xc5: {  	v22 =	vsel vm0, $0xFFFFFFFF, v22  }
0xc6: {  	vm0 =	vge.bf16 v24, v12;
	[tilespmem:$0x1FD50] =	vst v22;
	v22 =	vimm.s32 $0x0  }
0xc7: {  	v22 =	vsel vm0, $0xFFFFFFFF, v22  }
0xc8: {  	vm0 =	vge.bf16 v30, v18;
	[tilespmem:$0x1FD60] =	vst v22;
	v22 =	vimm.s32 $0x0  }
0xc9: {  	v22 =	vsel vm0, $0xFFFFFFFF, v22  }
0xca: {  	vm0 =	vge.bf16 v24, v13;
	[tilespmem:$0x1FF90] =	vst v22;
	v22 =	vimm.s32 $0x0  }
0xcb: {  	v22 =	vsel vm0, $0xFFFFFFFF, v22  }
0xcc: {  	vm0 =	vge.bf16 v24, v14;
	[tilespmem:$0x1FD70] =	vst v22;
	v22 =	vimm.s32 $0x0  }
0xcd: {  	v22 =	vsel vm0, $0xFFFFFFFF, v22  }
0xce: {  	vm0 =	vge.bf16 v24, v15;
	[tilespmem:$0x1FD80] =	vst v22;
	v22 =	vimm.s32 $0x0  }
0xcf: {  	v22 =	vsel vm0, $0xFFFFFFFF, v22  }
0xd0: {  	v28 =	vadd.bf16 v20, v23;
	v20 =	vld [tilespmem:s15+$0xD050];
	vm0 =	vge.bf16 v24, v16;
	[tilespmem:$0x1FD90] =	vst v22;
	v22 =	vimm.s32 $0x0  }
0xd1: {  	v22 =	vsel vm0, $0xFFFFFFFF, v22  }
0xd2: {  	vm0 =	vge.bf16 v24, v17;
	[tilespmem:$0x1FDA0] =	vst v22;
	v22 =	vimm.s32 $0x0  }
0xd3: {  	v22 =	vsel vm0, $0xFFFFFFFF, v22  }
0xd4: {  	vm0 =	vge.bf16 v24, v18;
	[tilespmem:$0x1FFA0] =	vst v22;
	v22 =	vimm.s32 $0x0  }
0xd5: {  	v23 =	vimm.s32 $0x0;
	v22 =	vsel vm0, $0xFFFFFFFF, v22;
	vm0 =	vge.bf16 v20, v11  }
0xd6: {  	v23 =	vsel vm0, $0xFFFFFFFF, v23  }
0xd7: {  	vm0 =	vge.bf16 v20, v12;
	[tilespmem:$0x1FDB0] =	vst v23;
	v23 =	vimm.s32 $0x0  }
0xd8: {  	v23 =	vsel vm0, $0xFFFFFFFF, v23  }
0xd9: {  	vm0 =	vge.bf16 v20, v13;
	[tilespmem:$0x1FDC0] =	vst v23;
	v23 =	vimm.s32 $0x0  }
0xda: {  	v23 =	vsel vm0, $0xFFFFFFFF, v23  }
0xdb: {  	vm0 =	vge.bf16 v20, v14;
	[tilespmem:$0x1FDD0] =	vst v23;
	v23 =	vimm.s32 $0x0  }
0xdc: {  	[tilespmem:$0x1FF80] =	vst v21;
	v21 =	vld [tilespmem:s15+$0xD040];
	v23 =	vsel vm0, $0xFFFFFFFF, v23  }
0xdd: {  	vm0 =	vge.bf16 v20, v15;
	[tilespmem:$0x1FDE0] =	vst v23;
	v23 =	vimm.s32 $0x0  }
0xde: {  	v23 =	vsel vm0, $0xFFFFFFFF, v23  }
0xdf: {  	vm0 =	vge.bf16 v20, v16;
	[tilespmem:$0x1FDF0] =	vst v23;
	v23 =	vimm.s32 $0x0  }
0xe0: {  	v23 =	vsel vm0, $0xFFFFFFFF, v23  }
0xe1: {  	vm0 =	vge.bf16 v21, v11;
	[tilespmem:$0x1FE00] =	vst v23;
	v23 =	vimm.s32 $0x0  }
0xe2: {  	v23 =	vsel vm0, $0xFFFFFFFF, v23  }
0xe3: {  	vm0 =	vge.bf16 v20, v17;
	[tilespmem:$0x1FE10] =	vst v23;
	v23 =	vimm.s32 $0x0  }
0xe4: {  	v23 =	vsel vm0, $0xFFFFFFFF, v23;
	vm0 =	vge.bf16 v20, v18;
	v20 =	vimm.s32 $0x0  }
0xe5: {  	[tilespmem:$0x1FFC0] =	vst v23;
	v20 =	vsel vm0, $0xFFFFFFFF, v20;
	vm0 =	vge.bf16 v21, v12;
	v23 =	vimm.s32 $0x0  }
0xe6: {  	v23 =	vsel vm0, $0xFFFFFFFF, v23  }
0xe7: {  	vm0 =	vge.bf16 v21, v13;
	[tilespmem:$0x1FE20] =	vst v23;
	v23 =	vimm.s32 $0x0  }
0xe8: {  	v23 =	vsel vm0, $0xFFFFFFFF, v23  }
0xe9: {  	vm0 =	vge.bf16 v21, v14;
	[tilespmem:$0x1FE30] =	vst v23;
	v23 =	vimm.s32 $0x0  }
0xea: {  	[tilespmem:$0x1FFB0] =	vst v22;
	v23 =	vsel vm0, $0xFFFFFFFF, v23  }
0xeb: {  	v22 =	vld [tilespmem:s15+$0xD030];
	vm0 =	vge.bf16 v21, v15;
	[tilespmem:$0x1FE40] =	vst v23;
	v23 =	vimm.s32 $0x0  }
0xec: {  	v23 =	vsel vm0, $0xFFFFFFFF, v23  }
0xed: {  	vm0 =	vge.bf16 v21, v16;
	[tilespmem:$0x1FE50] =	vst v23;
	v23 =	vimm.s32 $0x0  }
0xee: {  	v23 =	vsel vm0, $0xFFFFFFFF, v23  }
0xef: {  	vm0 =	vge.bf16 v21, v17;
	[tilespmem:$0x1FE60] =	vst v23;
	v23 =	vimm.s32 $0x0  }
0xf0: {  	v24 =	vimm.s32 $0x0;
	v23 =	vsel vm0, $0xFFFFFFFF, v23;
	vm0 =	vge.bf16 v22, v11  }
0xf1: {  	v24 =	vsel vm0, $0xFFFFFFFF, v24  }
0xf2: {  	vm0 =	vge.bf16 v22, v12;
	[tilespmem:$0x1FE80] =	vst v24;
	v24 =	vimm.s32 $0x0  }
0xf3: {  	v24 =	vsel vm0, $0xFFFFFFFF, v24;
	vm0 =	vge.bf16 v21, v18;
	v21 =	vimm.s32 $0x0  }
0xf4: {  	v21 =	vsel vm0, $0xFFFFFFFF, v21  }
0xf5: {  	vm0 =	vge.bf16 v22, v13;
	[tilespmem:$0x1FFF0] =	vst v21;
	v21 =	vimm.s32 $0x0  }
0xf6: {  	v21 =	vsel vm0, $0xFFFFFFFF, v21  }
0xf7: {  	vm0 =	vge.bf16 v22, v14;
	[tilespmem:$0x1FF30] =	vst v21;
	v21 =	vimm.s32 $0x0  }
0xf8: {  	v21 =	vsel vm0, $0xFFFFFFFF, v21  }
0xf9: {  	vm0 =	vge.bf16 v22, v15;
	[tilespmem:$0x1FF40] =	vst v21;
	v21 =	vimm.s32 $0x0  }
0xfa: {  	[tilespmem:$0x1FFD0] =	vst v20;
	v21 =	vsel vm0, $0xFFFFFFFF, v21  }
0xfb: {  	v20 =	vld [tilespmem:s15+$0xD020];
	vm0 =	vge.bf16 v22, v16;
	[tilespmem:$0x1FF50] =	vst v21;
	v21 =	vimm.s32 $0x0  }
0xfc: {  	v21 =	vsel vm0, $0xFFFFFFFF, v21  }
0xfd: {  	vm0 =	vge.bf16 v22, v17;
	[tilespmem:$0x1FF60] =	vst v21;
	v21 =	vimm.s32 $0x0  }
0xfe: {  	v21 =	vsel vm0, $0xFFFFFFFF, v21  }
0xff: {  	vm0 =	vge.bf16 v22, v18;
	[tilespmem:$0x1FEC0] =	vst v21;
	v21 =	vimm.s32 $0x0  }
0x100: {  	v22 =	vimm.s32 $0x0;
	v21 =	vsel vm0, $0xFFFFFFFF, v21;
	vm0 =	vge.bf16 v20, v11  }
0x101: {  	v22 =	vsel vm0, $0xFFFFFFFF, v22  }
0x102: {  	vm0 =	vge.bf16 v20, v12;
	[tilespmem:$0x1FE70] =	vst v22;
	v22 =	vimm.s32 $0x0  }
0x103: {  	v22 =	vsel vm0, $0xFFFFFFFF, v22  }
0x104: {  	vm0 =	vge.bf16 v20, v13;
	[tilespmem:$0x1FEA0] =	vst v22;
	v22 =	vimm.s32 $0x0  }
0x105: {  	v22 =	vsel vm0, $0xFFFFFFFF, v22  }
0x106: {  	vm0 =	vge.bf16 v20, v14;
	[tilespmem:$0x1FF10] =	vst v22;
	v22 =	vimm.s32 $0x0  }
0x107: {  	[tilespmem:$0x1FFE0] =	vst v23;
	v22 =	vsel vm0, $0xFFFFFFFF, v22  }
0x108: {  	v23 =	vld [tilespmem:s15+$0xD010];
	vm0 =	vge.bf16 v20, v15;
	[tilespmem:$0x1FF20] =	vst v22;
	v22 =	vimm.s32 $0x0  }
0x109: {  	v22 =	vsel vm0, $0xFFFFFFFF, v22  }
0x10a: {  	vm14 =	vge.bf16 v20, v16;
	vm0 =	vge.bf16 v20, v17;
	[tilespmem:$0x1FF70] =	vst v22;
	v22 =	vimm.s32 $0x0  }
0x10b: {  	v22 =	vsel vm0, $0xFFFFFFFF, v22;
	vm0 =	vge.bf16 v20, v18;
	v20 =	vimm.s32 $0x0  }
0x10c: {  	v20 =	vsel vm0, $0xFFFFFFFF, v20  }
0x10d: {  	vm0 =	vge.bf16 v23, v13;
	[tilespmem:$0x1FEE0] =	vst v20;
	v20 =	vimm.s32 $0x0  }
0x10e: {  	v20 =	vsel vm0, $0xFFFFFFFF, v20  }
0x10f: {  	vm0 =	vge.bf16 v23, v14;
	[tilespmem:$0x1FEF0] =	vst v20;
	v20 =	vimm.s32 $0x0  }
0x110: {  	v20 =	vsel vm0, $0xFFFFFFFF, v20  }
0x111: {  	[tilespmem:$0x1FF00] =	vst v20;
	v20 =	vld [tilespmem:$0x1FCF0];
	_ =	sdelay $0x4  }
0x112: {  	vm13 =	vnez.u8 v20;
	v20 =	vld [tilespmem:$0x1FD00];
	_ =	sdelay $0x4  }
0x113: {  	v30 =	vsel vm13, v3, v2;
	vm13 =	vnez.u8 v20;
	v20 =	vld [tilespmem:$0x1FD10]  }
0x114: {  	v40 =	vadd.bf16 v45, v40;
	_ =	sdelay $0x1  }
0x115: {  	v40 =	vadd.bf16 v41, v40;
	_ =	sdelay $0x1  }
0x116: {  	v38 =	vadd.bf16 v31, v40;
	v31 =	vsel vm13, v3, v2;
	vm13 =	vnez.u8 v20;
	v20 =	vld [tilespmem:$0x1FD20];
	_ =	sdelay $0x4  }
0x117: {  	v29 =	vsel vm13, v3, v2;
	vm13 =	vnez.u8 v20;
	v20 =	vld [tilespmem:$0x1FD30];
	_ =	sdelay $0x1  }
0x118: {  	[tilespmem:$0x1FED0] =	vst v21;
	v21 =	vld [tilespmem:s15+$0xD000];
	_ =	sdelay $0x2  }
0x119: {  	v40 =	vadd.bf16 v32, v42;
	v32 =	vsel vm13, v3, v2;
	vm13 =	vnez.u8 v20;
	v20 =	vld [tilespmem:$0x1FD40]  }
0x11a: {  	[tilespmem:$0x1FEB0] =	vst v22;
	v22 =	vld [tilespmem:$0x1FD50]  }
0x11b: {  	vm10 =	vge.bf16 v21, v11  }
0x11c: {  	vm8 =	vge.bf16 v21, v12;
	vm6 =	vge.bf16 v21, v13;
	vm9 =	vge.bf16 v21, v14  }
0x11d: {  	vm4 =	vge.bf16 v21, v15;
	vm3 =	vge.bf16 v21, v16;
	vm2 =	vge.bf16 v21, v17  }
0x11e: {  	vm1 =	vge.bf16 v21, v18;
	v21 =	vsel vm13, v3, v2;
	vm13 =	vnez.u8 v20  }
0x11f: {  	v20 =	vsel vm13, v3, v2;
	vm13 =	vnez.u8 v22;
	v22 =	vld [tilespmem:$0x1FD60];
	_ =	sdelay $0x4  }
0x120: {  	v35 =	vsel vm13, v3, v2;
	vm13 =	vnez.u8 v22;
	v22 =	vld [tilespmem:$0x1FD70];
	_ =	sdelay $0x4  }
0x121: {  	v41 =	vsel vm13, v3, v2;
	vm13 =	vnez.u8 v22;
	v22 =	vld [tilespmem:$0x1FD80];
	_ =	sdelay $0x3  }
0x122: {  	vm12 =	vge.bf16 v23, v11;
	vm11 =	vge.bf16 v23, v12  }
0x123: {  	vm15 =	vge.bf16 v23, v16;
	v36 =	vsel vm13, v3, v2;
	vm13 =	vnez.u8 v22;
	v22 =	vld [tilespmem:$0x1FD90]  }
0x124: {  	vm5 =	vge.bf16 v23, v17;
	vm7 =	vge.bf16 v23, v18;
	vm0 =	vge.bf16 v23, v15;
	v23 =	vld [tilespmem:$0x1FDA0]  }
0x125: {  	[tilespmem:$0x1FE90] =	vst v24;
	v24 =	vld [tilespmem:$0x1FDB0];
	_ =	sdelay $0x2  }
0x126: {  	v42 =	vsel vm13, v3, v2;
	vm13 =	vnez.u8 v22  }
0x127: {  	v22 =	vsel vm13, v3, v2;
	vm13 =	vnez.u8 v23  }
0x128: {  	v23 =	vsel vm13, v3, v2;
	vm13 =	vnez.u8 v24;
	v24 =	vld [tilespmem:$0x1FDC0];
	_ =	sdelay $0x4  }
0x129: {  	v44 =	vsel vm13, v3, v2;
	vm13 =	vnez.u8 v24;
	v24 =	vld [tilespmem:$0x1FDD0];
	_ =	sdelay $0x4  }
0x12a: {  	v45 =	vsel vm13, v3, v2;
	vm13 =	vnez.u8 v24;
	v24 =	vld [tilespmem:$0x1FDE0];
	_ =	sdelay $0x4  }
0x12b: {  	v43 =	vsel vm13, v3, v2;
	vm13 =	vnez.u8 v24;
	v24 =	vld [tilespmem:$0x1FDF0]  }
0x12c: {  	v27 =	vadd.bf16 v25, v27;
	v25 =	vld [tilespmem:$0x1FE00]  }
0x12d: {  	v55 =	vld [tilespmem:$0x1FE10]  }
0x12e: {  	v56 =	vld [tilespmem:$0x1FE20]  }
0x12f: {  	v57 =	vld [tilespmem:$0x1FE30]  }
0x130: {  	v58 =	vld [tilespmem:$0x1FE40];
	v46 =	vsel vm13, v3, v2;
	vm13 =	vnez.u8 v24  }
0x131: {  	v59 =	vld [tilespmem:$0x1FE50];
	v24 =	vsel vm13, v3, v2;
	vm13 =	vnez.u8 v25  }
0x132: {  	v60 =	vld [tilespmem:$0x1FE60];
	v25 =	vsel vm13, v3, v2;
	vm13 =	vnez.u8 v55  }
0x133: {  	v61 =	vld [tilespmem:$0x1FE70];
	v49 =	vsel vm13, v3, v2;
	vm13 =	vnez.u8 v56  }
0x134: {  	v62 =	vld [tilespmem:$0x1FE80];
	v50 =	vsel vm13, v3, v2;
	vm13 =	vnez.u8 v57  }
0x135: {  	v56 =	vld [tilespmem:$0x1FEA0];
	v51 =	vsel vm13, v3, v2;
	vm13 =	vnez.u8 v58  }
0x136: {  	v63 =	vsel vm9, v3, v2;
	v58 =	vld [tilespmem:$0x1FEB0];
	v52 =	vsel vm13, v3, v2;
	vm13 =	vnez.u8 v59  }
0x137: {  	v57 =	vsel vm10, v3, v2;
	v59 =	vld [tilespmem:$0x1FEC0];
	v33 =	vsel vm13, v3, v2;
	vm13 =	vnez.u8 v60  }
0x138: {  	v37 =	vadd.bf16 v57, v37;
	v34 =	vsel vm13, v3, v2;
	vm13 =	vnez.u8 v61;
	v61 =	vld [tilespmem:$0x1FEF0]  }
0x139: {  	v54 =	vsel vm12, v3, v2;
	v40 =	vadd.bf16 v63, v40;
	v60 =	vld [tilespmem:$0x1FED0]  }
0x13a: {  	v55 =	vsel vm11, v3, v2;
	v37 =	vadd.bf16 v54, v37;
	vm11 =	vnez.u8 v56  }
0x13b: {  	v53 =	vld [tilespmem:$0x1FE90];
	v47 =	vsel vm13, v3, v2;
	vm13 =	vnez.u8 v62;
	vm10 =	vnez.u8 v58  }
0x13c: {  	v62 =	vld [tilespmem:$0x1FF00];
	v58 =	vsel vm8, v3, v2;
	vm8 =	vnez.u8 v59;
	v59 =	vsel vm6, v3, v2  }
0x13d: {  	v63 =	vld [tilespmem:$0x1FF10];
	v56 =	vsel vm11, v3, v2;
	v39 =	vadd.bf16 v59, v39;
	vm11 =	vnez.u8 v61  }
0x13e: {  	v37 =	vadd.bf16 v47, v37;
	vm6 =	vnez.u8 v60;
	v60 =	vld [tilespmem:$0x1FEE0];
	v57 =	vsel vm11, v3, v2  }
0x13f: {  	v48 =	vsel vm13, v3, v2;
	v38 =	vadd.bf16 v58, v38;
	v39 =	vadd.bf16 v57, v39;
	v57 =	vld [tilespmem:$0x1FF20]  }
0x140: {  	vm13 =	vnez.u8 v53;
	v58 =	vld [tilespmem:$0x1FF30];
	v37 =	vadd.bf16 v48, v37  }
0x141: {  	v53 =	vsel vm13, v3, v2;
	v59 =	vld [tilespmem:$0x1FF40];
	v38 =	vadd.bf16 v55, v38;
	vm11 =	vnez.u8 v62  }
0x142: {  	v61 =	vld [tilespmem:$0x1FF50];
	v37 =	vadd.bf16 v49, v37;
	v54 =	vsel vm11, v3, v2;
	vm11 =	vnez.u8 v63  }
0x143: {  	v62 =	vld [tilespmem:$0x1FF60];
	v38 =	vadd.bf16 v56, v38;
	v40 =	vadd.bf16 v54, v40;
	v54 =	vsel vm11, v3, v2  }
0x144: {  	v63 =	vld [tilespmem:$0x1FF70];
	vm9 =	vnez.u8 v60;
	v39 =	vadd.bf16 v54, v39;
	vm11 =	vnez.u8 v57  }
0x145: {  	p1 =	sne.s32 s14, $0x3E00;
	v38 =	vadd.bf16 v53, v38;
	v47 =	vsel vm11, v3, v2;
	vm11 =	vnez.u8 v58  }
.Ltmp4:
0x146: {  	v40 =	vadd.bf16 v47, v40;
	v47 =	vsel vm11, v3, v2;
	vm11 =	vnez.u8 v59;
	(pc) =	sbr.rel @p1 .LBB2_12-.Ltmp4, $4  }
0x147: {  	v48 =	vsel vm11, v3, v2;
	v39 =	vadd.bf16 v47, v39;
	vm11 =	vnez.u8 v61  }
0x148: {  	v60 =	vadd.bf16 v48, v40;
	v47 =	vsel vm11, v3, v2;
	vm11 =	vnez.u8 v62  }
0x149: {  	v40 =	vadd.bf16 v50, v38;
	v48 =	vsel vm11, v3, v2;
	vm11 =	vnez.u8 v63  }
0x14a: {  	s14 =	sadd.s32 $0x200, s14;
	v38 =	vadd.bf16 v51, v39;
	v49 =	vsel vm11, v3, v2;
	v39 =	vadd.bf16 v52, v60  }
0x14b: {  	v11 =	vsel vm14, v3, v2;
	v12 =	vsel vm0, v3, v2  }
0x14c: {  	v13 =	vsel vm15, v3, v2;
	v15 =	vsel vm4, v3, v2;
	v14 =	vadd.bf16 v44, v37  }
0x14d: {  	v16 =	vsel vm3, v3, v2;
	v17 =	vadd.bf16 v45, v40;
	v61 =	vadd.bf16 v43, v38  }
0x14e: {  	v18 =	vsel vm2, v3, v2;
	v62 =	vadd.bf16 v46, v39;
	v15 =	vadd.bf16 v15, v19  }
0x14f: {  	v63 =	vsel vm1, v3, v2;
	v16 =	vadd.bf16 v16, v26;
	v18 =	vadd.bf16 v18, v27  }
0x150: {  	v45 =	vsel vm7, v3, v2;
	v54 =	vld [tilespmem:$0x1FFE0];
	v52 =	vadd.bf16 v63, v28;
	v14 =	vadd.bf16 v35, v14  }
0x151: {  	v50 =	vsel vm9, v3, v2;
	v57 =	vld [tilespmem:$0x1FFF0];
	v17 =	vadd.bf16 v41, v17;
	v36 =	vadd.bf16 v36, v61  }
0x152: {  	v58 =	vld [tilespmem:$0x1FFC0];
	v43 =	vsel vm5, v3, v2;
	v44 =	vadd.bf16 v42, v62;
	v12 =	vadd.bf16 v12, v15  }
0x153: {  	v51 =	vsel vm8, v3, v2;
	v13 =	vadd.bf16 v13, v16;
	v55 =	vadd.bf16 v43, v18  }
0x154: {  	v53 =	vsel vm6, v3, v2;
	v56 =	vadd.bf16 v45, v52;
	v30 =	vadd.bf16 v30, v14  }
0x155: {  	v46 =	vsel vm10, v3, v2;
	v17 =	vadd.bf16 v31, v17;
	v29 =	vadd.bf16 v29, v36  }
0x156: {  	v61 =	vld [tilespmem:$0x1FFD0];
	v14 =	vadd.bf16 v32, v44;
	vm4 =	vnez.u8 v54;
	vm5 =	vnez.u8 v57  }
0x157: {  	v62 =	vld [tilespmem:$0x1FFA0];
	v12 =	vadd.bf16 v49, v12;
	v11 =	vadd.bf16 v11, v13;
	vm6 =	vnez.u8 v58  }
0x158: {  	v42 =	vld [tilespmem:$0x1FF80];
	v16 =	vadd.bf16 v46, v55;
	v18 =	vadd.bf16 v50, v56;
	v15 =	vsel vm4, v3, v2  }
0x159: {  	v52 =	vld [tilespmem:$0x1FF90];
	v26 =	vsel vm5, v3, v2;
	v13 =	vsel vm6, v3, v2;
	v59 =	vunpack.i.l.bf16.f32 v30  }
0x15a: {  	v35 =	vunpack.i.u.bf16.f32 v30;
	v12 =	vadd.bf16 v47, v12;
	v11 =	vadd.bf16 v48, v11  }
0x15b: {  	v16 =	vadd.bf16 v51, v16;
	v18 =	vadd.bf16 v53, v18;
	v60 =	vmul.f32 v59, v6  }
0x15c: {  	s14 =	sshll.u32 s13, $0x8;
	v48 =	vunpack.i.l.bf16.f32 v17;
	v17 =	vunpack.i.u.bf16.f32 v17;
	vm7 =	vnez.u8 v61  }
0x15d: {  	s14 =	sand.u32 $0x3FFFFF00, s14;
	vm8 =	vnez.u8 v62;
	vm10 =	vnez.u8 v42;
	v49 =	vmul.f32 v48, v6  }
0x15e: {  	v56 =	vld [tilespmem:s14+$0xA000];
	vm11 =	vnez.u8 v52;
	v17 =	vmul.f32 v17, v8;
	v48 =	vunpack.i.u.bf16.f32 v29  }
0x15f: {  	v27 =	vsel vm7, v3, v2;
	v12 =	vadd.bf16 v33, v12;
	v11 =	vadd.bf16 v34, v11  }
0x160: {  	v28 =	vsel vm8, v3, v2;
	v15 =	vadd.bf16 v15, v16;
	v63 =	vsub.f32 $1.000000000e+00, v60  }
0x161: {  	v18 =	vadd.bf16 v26, v18;
	v43 =	vsel vm10, v3, v2;
	v51 =	vsub.f32 $1.000000000e+00, v49  }
0x162: {  	v30 =	vsel vm11, v3, v2;
	v55 =	vsub.f32 $1.000000000e+00, v17;
	v12 =	vadd.bf16 v24, v12  }
0x163: {  	v33 =	vld [tilespmem:$0x1FFB0];
	vm12 =	vlt.f32 v56, $-9.999999680e+37;
	v11 =	vadd.bf16 v25, v11;
	v13 =	vadd.bf16 v13, v15  }
0x164: {  	v34 =	vmul.f32 v63, v63;
	v18 =	vadd.bf16 v27, v18;
	v39 =	vmul.f32 $8.283333770e+00, v63  }
0x165: {  	v54 =	vmul.f32 v51, v51;
	v58 =	vmul.f32 $8.283333770e+00, v51;
	v12 =	vadd.bf16 v22, v12  }
0x166: {  	v11 =	vadd.bf16 v23, v11;
	v36 =	vmul.f32 v34, v63;
	v22 =	vmul.f32 v35, v8  }
0x167: {  	v37 =	vadd.bf16 v28, v13;
	v38 =	vmul.f32 v34, v34;
	v25 =	vadd.f32 $1.392896840e+01, v39  }
0x168: {  	v41 =	vmul.f32 $5.833333490e+00, v34;
	vm9 =	vnez.u8 v33;
	v57 =	vmul.f32 v54, v51  }
0x169: {  	v59 =	vmul.f32 v54, v54;
	v31 =	vsel vm9, v3, v2;
	v40 =	vsub.f32 $1.000000000e+00, v22  }
0x16a: {  	v23 =	vadd.f32 v38, v36;
	v15 =	vadd.bf16 v21, v12;
	v16 =	vmul.f32 v38, v63  }
0x16b: {  	v45 =	vadd.f32 v41, v25;
	v13 =	vadd.bf16 v20, v11;
	v36 =	vmul.f32 $8.283333770e+00, v55;
	v38 =	vld [tilespmem:s14+$0xA010]  }
0x16c: {  	v18 =	vadd.bf16 v31, v18;
	v44 =	vmul.f32 v40, v40;
	v23 =	vmul.f32 $4.500000000e+00, v23  }
0x16d: {  	v31 =	vadd.f32 v59, v57;
	v47 =	vmul.f32 $8.283333770e+00, v40;
	v16 =	vmul.f32 $3.000000000e+00, v16  }
0x16e: {  	v33 =	vadd.f32 $1.392896840e+01, v36;
	v46 =	vmul.f32 v44, v40;
	v11 =	vmul.f32 v44, v44  }
0x16f: {  	v21 =	vadd.f32 v23, v45;
	v50 =	vadd.f32 $1.392896840e+01, v47;
	v12 =	vmul.f32 $5.833333490e+00, v44  }
0x170: {  	v23 =	vmul.f32 $5.833333490e+00, v54;
	v44 =	vunpack.i.l.bf16.f32 v29;
	vm13 =	vlt.f32 v38, $-9.999999680e+37  }
0x171: {  	v47 =	vld [tilespmem:s14+$0xA020];
	v25 =	vadd.f32 v11, v46;
	v19 =	vmul.f32 v21, v60;
	v11 =	vmul.f32 v11, v40  }
0x172: {  	v12 =	vadd.f32 v12, v50;
	v60 =	vmul.f32 v55, v55;
	v46 =	vmul.f32 v44, v6  }
0x173: {  	v53 =	vmul.f32 $4.500000000e+00, v25;
	v61 =	vmul.f32 $3.000000000e+00, v11;
	v11 =	vadd.f32 $1.392896840e+01, v58  }
0x174: {  	v62 =	vmul.f32 v60, v55;
	v16 =	vadd.f32 v19, v16;
	v63 =	vmul.f32 v60, v60  }
0x175: {  	v28 =	vmul.f32 $5.833333490e+00, v60;
	v24 =	vsub.f32 $1.000000000e+00, v46;
	v21 =	vadd.f32 v53, v12  }
0x176: {  	vm14 =	vlt.f32 v47, $-9.999999680e+37;
	v12 =	vadd.bf16 v43, v37;
	v23 =	vadd.f32 v23, v11  }
0x177: {  	v37 =	vmul.f32 $4.500000000e+00, v31;
	v32 =	vadd.f32 v63, v62;
	v11 =	vadd.bf16 v30, v18  }
0x178: {  	v16 =	vnsel vm12, $0x0, v16;
	v43 =	vmul.f32 v59, v51;
	v19 =	vmul.f32 v63, v55  }
0x179: {  	v54 =	vld [tilespmem:s14+$0xA030];
	v41 =	vadd.f32 v28, v33;
	v50 =	vmul.f32 $8.283333770e+00, v24;
	v21 =	vmul.f32 v21, v22  }
0x17a: {  	v30 =	vld [tilespmem:s14+$0xA040];
	v10 =	vadd.f32 v16, v10;
	v40 =	vadd.f32 v37, v23;
	v42 =	vmul.f32 $4.500000000e+00, v32  }
0x17b: {  	v16 =	vmul.f32 $3.000000000e+00, v43;
	v19 =	vmul.f32 $3.000000000e+00, v19;
	v39 =	vadd.f32 v21, v61  }
0x17c: {  	v20 =	vmul.f32 v40, v49;
	v45 =	vadd.f32 v42, v41;
	v21 =	vmul.f32 v48, v8  }
0x17d: {  	v49 =	vmul.f32 v24, v24;
	v61 =	vunpack.i.l.bf16.f32 v14;
	v14 =	vunpack.i.u.bf16.f32 v14  }
0x17e: {  	vm15 =	vlt.f32 v54, $-9.999999680e+37;
	v62 =	vmul.f32 v61, v6;
	v14 =	vmul.f32 v14, v8  }
0x17f: {  	vm4 =	vlt.f32 v30, $-9.999999680e+37;
	v17 =	vmul.f32 v45, v17;
	v18 =	vnsel vm13, $0x0, v39  }
0x180: {  	v16 =	vadd.f32 v20, v16;
	v51 =	vsub.f32 $1.000000000e+00, v21;
	v52 =	vmul.f32 v49, v24  }
0x181: {  	v40 =	vld [tilespmem:s14+$0xA050];
	v53 =	vmul.f32 v49, v49;
	v9 =	vadd.f32 v18, v9;
	v63 =	vsub.f32 $1.000000000e+00, v62  }
0x182: {  	v18 =	vmul.f32 $5.833333490e+00, v49;
	v33 =	vsub.f32 $1.000000000e+00, v14;
	v17 =	vadd.f32 v17, v19  }
0x183: {  	v16 =	vnsel vm14, $0x0, v16;
	v19 =	vadd.f32 $1.392896840e+01, v50;
	v55 =	vmul.f32 v51, v51  }
0x184: {  	v23 =	vadd.f32 v53, v52;
	v56 =	vmul.f32 $8.283333770e+00, v51;
	v24 =	vmul.f32 v53, v24  }
0x185: {  	v10 =	vadd.f32 v16, v10;
	v32 =	vmul.f32 v63, v63;
	v35 =	vmul.f32 $8.283333770e+00, v63  }
0x186: {  	v37 =	vmul.f32 v33, v33;
	v42 =	vmul.f32 $8.283333770e+00, v33;
	vm5 =	vlt.f32 v40, $-9.999999680e+37  }
0x187: {  	v57 =	vmul.f32 v55, v51;
	v58 =	vmul.f32 v55, v55;
	v18 =	vadd.f32 v18, v19  }
0x188: {  	v59 =	vmul.f32 $4.500000000e+00, v23;
	v60 =	vadd.f32 $1.392896840e+01, v56;
	v27 =	vmul.f32 $5.833333490e+00, v55  }
0x189: {  	v49 =	vld [tilespmem:s14+$0xA060];
	v17 =	vnsel vm15, $0x0, v17;
	v31 =	vmul.f32 $3.000000000e+00, v24;
	v34 =	vmul.f32 v32, v63  }
0x18a: {  	v9 =	vadd.f32 v17, v9;
	v36 =	vmul.f32 v32, v32;
	v24 =	vmul.f32 $5.833333490e+00, v32  }
0x18b: {  	v38 =	vadd.f32 $1.392896840e+01, v35;
	v39 =	vmul.f32 v37, v33;
	v41 =	vmul.f32 v37, v37  }
0x18c: {  	v45 =	vmul.f32 $5.833333490e+00, v37;
	v32 =	vunpack.i.l.bf16.f32 v13;
	v16 =	vadd.f32 v58, v57  }
0x18d: {  	v13 =	vunpack.i.u.bf16.f32 v13;
	v18 =	vadd.f32 v59, v18;
	v23 =	vadd.f32 v27, v60  }
0x18e: {  	v20 =	vmul.f32 v58, v51;
	vm6 =	vlt.f32 v49, $-9.999999680e+37;
	v13 =	vmul.f32 v13, v8  }
0x18f: {  	v49 =	vunpack.i.l.bf16.f32 v12;
	v12 =	vunpack.i.u.bf16.f32 v12;
	v17 =	vadd.f32 v36, v34  }
0x190: {  	v43 =	vadd.f32 v24, v38;
	v22 =	vmul.f32 v36, v63;
	v12 =	vmul.f32 v12, v8  }
0x191: {  	v59 =	vld [tilespmem:s14+$0xA070];
	v25 =	vadd.f32 v41, v39;
	v16 =	vmul.f32 $4.500000000e+00, v16;
	v18 =	vmul.f32 v18, v46  }
0x192: {  	v38 =	vld [tilespmem:s14+$0xA080];
	v20 =	vmul.f32 $3.000000000e+00, v20;
	v46 =	vunpack.i.l.bf16.f32 v15;
	v15 =	vunpack.i.u.bf16.f32 v15  }
0x193: {  	v44 =	vadd.f32 $1.392896840e+01, v42;
	v17 =	vmul.f32 $4.500000000e+00, v17;
	v15 =	vmul.f32 v15, v8  }
0x194: {  	v47 =	vmul.f32 $4.500000000e+00, v25;
	v16 =	vadd.f32 v16, v23;
	v18 =	vadd.f32 v18, v31  }
0x195: {  	v48 =	vmul.f32 $3.000000000e+00, v22;
	v17 =	vadd.f32 v17, v43;
	v54 =	vsub.f32 $1.000000000e+00, v15  }
0x196: {  	vm7 =	vlt.f32 v59, $-9.999999680e+37;
	v16 =	vmul.f32 v16, v21;
	v18 =	vnsel vm4, $0x0, v18  }
0x197: {  	v21 =	vmul.f32 v41, v33;
	v33 =	vmul.f32 v32, v6;
	vm8 =	vlt.f32 v38, $-9.999999680e+37  }
0x198: {  	v10 =	vadd.f32 v18, v10;
	v18 =	vmul.f32 v46, v6;
	v17 =	vmul.f32 v17, v62  }
0x199: {  	v57 =	vmul.f32 v54, v54;
	v58 =	vmul.f32 $8.283333770e+00, v54;
	v16 =	vadd.f32 v16, v20  }
0x19a: {  	v20 =	vadd.f32 v45, v44;
	v52 =	vmul.f32 $3.000000000e+00, v21;
	v37 =	vsub.f32 $1.000000000e+00, v33  }
0x19b: {  	v50 =	vsub.f32 $1.000000000e+00, v18;
	v17 =	vadd.f32 v17, v48;
	v60 =	vmul.f32 v57, v54  }
0x19c: {  	v61 =	vmul.f32 v57, v57;
	v62 =	vadd.f32 $1.392896840e+01, v58;
	v22 =	vmul.f32 $5.833333490e+00, v57  }
0x19d: {  	v48 =	vsub.f32 $1.000000000e+00, v13;
	v20 =	vadd.f32 v47, v20;
	v16 =	vnsel vm5, $0x0, v16  }
0x19e: {  	v41 =	vmul.f32 v37, v37;
	v45 =	vmul.f32 $8.283333770e+00, v37;
	v9 =	vadd.f32 v16, v9  }
0x19f: {  	v51 =	vmul.f32 v50, v50;
	v53 =	vmul.f32 $8.283333770e+00, v50;
	v17 =	vnsel vm6, $0x0, v17  }
0x1a0: {  	v63 =	vadd.f32 v61, v60;
	v39 =	vmul.f32 v61, v54;
	v14 =	vmul.f32 v20, v14  }
0x1a1: {  	v34 =	vadd.f32 v22, v62;
	v44 =	vmul.f32 v41, v37;
	v46 =	vmul.f32 v41, v41  }
0x1a2: {  	v47 =	vld [tilespmem:s14+$0xA090];
	v10 =	vadd.f32 v17, v10;
	v55 =	vmul.f32 v51, v50;
	v56 =	vmul.f32 v51, v51  }
0x1a3: {  	v21 =	vadd.f32 $1.392896840e+01, v53;
	v16 =	vmul.f32 $5.833333490e+00, v51;
	v35 =	vmul.f32 $4.500000000e+00, v63  }
0x1a4: {  	v43 =	vmul.f32 $3.000000000e+00, v39;
	v51 =	vmul.f32 v49, v6;
	v14 =	vadd.f32 v14, v52  }
0x1a5: {  	v52 =	vmul.f32 v48, v48;
	v53 =	vmul.f32 v46, v37;
	v19 =	vadd.f32 v56, v55  }
0x1a6: {  	v63 =	vld [tilespmem:s14+$0xA0A0];
	v16 =	vadd.f32 v16, v21;
	v36 =	vmul.f32 v56, v50;
	v21 =	vmul.f32 $5.833333490e+00, v41  }
0x1a7: {  	v54 =	vsub.f32 $1.000000000e+00, v51;
	v56 =	vmul.f32 $8.283333770e+00, v48;
	vm9 =	vlt.f32 v47, $-9.999999680e+37  }
0x1a8: {  	v14 =	vnsel vm7, $0x0, v14;
	v55 =	vmul.f32 v52, v48;
	v57 =	vmul.f32 v52, v52  }
0x1a9: {  	v41 =	vld [tilespmem:s14+$0xA0B0];
	v19 =	vmul.f32 $4.500000000e+00, v19;
	v40 =	vmul.f32 $3.000000000e+00, v36;
	v9 =	vadd.f32 v14, v9  }
0x1aa: {  	v58 =	vmul.f32 v54, v54;
	v59 =	vadd.f32 $1.392896840e+01, v56;
	v62 =	vmul.f32 $8.283333770e+00, v54  }
0x1ab: {  	v36 =	vsub.f32 $1.000000000e+00, v12;
	v23 =	vmul.f32 v57, v48;
	vm10 =	vlt.f32 v63, $-9.999999680e+37  }
0x1ac: {  	v16 =	vadd.f32 v19, v16;
	v19 =	vadd.f32 v35, v34;
	v60 =	vmul.f32 v58, v54  }
0x1ad: {  	v61 =	vmul.f32 v58, v58;
	v32 =	vadd.f32 $1.392896840e+01, v62;
	v25 =	vmul.f32 $5.833333490e+00, v58  }
0x1ae: {  	v38 =	vmul.f32 v36, v36;
	v35 =	vmul.f32 $3.000000000e+00, v23;
	vm11 =	vlt.f32 v41, $-9.999999680e+37  }
0x1af: {  	v16 =	vmul.f32 v16, v18;
	v42 =	vmul.f32 v19, v15;
	v19 =	vadd.f32 $1.392896840e+01, v45  }
0x1b0: {  	v18 =	vadd.f32 v46, v44;
	v15 =	vmul.f32 $3.000000000e+00, v53;
	v22 =	vadd.f32 v61, v60  }
0x1b1: {  	v39 =	vmul.f32 v61, v54;
	v44 =	vmul.f32 $8.283333770e+00, v36;
	v16 =	vadd.f32 v16, v40  }
0x1b2: {  	v14 =	vadd.f32 v42, v43;
	v19 =	vadd.f32 v21, v19;
	v18 =	vmul.f32 $4.500000000e+00, v18  }
0x1b3: {  	v60 =	vld [tilespmem:s14+$0xA0F0];
	v21 =	vmul.f32 $5.833333490e+00, v52;
	v34 =	vmul.f32 $4.500000000e+00, v22;
	v40 =	vunpack.i.l.bf16.f32 v11  }
0x1b4: {  	v42 =	vmul.f32 v38, v36;
	v11 =	vunpack.i.u.bf16.f32 v11;
	v43 =	vmul.f32 v38, v38  }
0x1b5: {  	v22 =	vadd.f32 $1.392896840e+01, v44;
	v11 =	vmul.f32 v11, v8;
	v50 =	vnsel vm8, $0x0, v16  }
0x1b6: {  	v18 =	vadd.f32 v18, v19;
	v19 =	vadd.f32 v57, v55;
	v14 =	vnsel vm9, $0x0, v14  }
0x1b7: {  	v16 =	vmul.f32 v40, v6;
	v10 =	vadd.f32 v50, v10;
	v9 =	vadd.f32 v14, v9  }
0x1b8: {  	v46 =	vsub.f32 $1.000000000e+00, v11;
	vm15 =	vlt.f32 v60, $-9.999999680e+37;
	v17 =	vmul.f32 v18, v33  }
0x1b9: {  	v18 =	vadd.f32 v21, v59;
	v19 =	vmul.f32 $4.500000000e+00, v19;
	v33 =	vadd.f32 v25, v32  }
0x1ba: {  	v55 =	vld [tilespmem:s14+$0xA0C0];
	v45 =	vsub.f32 $1.000000000e+00, v16;
	v21 =	vmul.f32 v43, v36;
	v48 =	vmul.f32 v46, v46  }
0x1bb: {  	v54 =	vmul.f32 $8.283333770e+00, v46;
	v15 =	vadd.f32 v17, v15;
	v17 =	vmul.f32 $5.833333490e+00, v38  }
0x1bc: {  	v18 =	vadd.f32 v19, v18;
	v47 =	vmul.f32 v45, v45;
	v21 =	vmul.f32 $3.000000000e+00, v21  }
0x1bd: {  	v37 =	vadd.f32 v34, v33;
	v52 =	vmul.f32 v48, v46;
	v53 =	vmul.f32 v48, v48  }
0x1be: {  	v28 =	vadd.f32 $1.392896840e+01, v54;
	v19 =	vmul.f32 $5.833333490e+00, v48;
	v13 =	vmul.f32 v18, v13  }
0x1bf: {  	vm12 =	vlt.f32 v55, $-9.999999680e+37;
	v14 =	vmul.f32 v37, v51;
	v18 =	vmul.f32 $3.000000000e+00, v39  }
0x1c0: {  	v15 =	vnsel vm10, $0x0, v15;
	v49 =	vmul.f32 v47, v45;
	v50 =	vmul.f32 v47, v47  }
0x1c1: {  	v51 =	vmul.f32 $8.283333770e+00, v45;
	v10 =	vadd.f32 v15, v10;
	v15 =	vadd.f32 v43, v42  }
0x1c2: {  	v17 =	vadd.f32 v17, v22;
	v24 =	vmul.f32 $5.833333490e+00, v47;
	v27 =	vadd.f32 v53, v52  }
0x1c3: {  	v26 =	vadd.f32 $1.392896840e+01, v51;
	v22 =	vadd.f32 v50, v49;
	v15 =	vmul.f32 $4.500000000e+00, v15  }
0x1c4: {  	v19 =	vadd.f32 v19, v28;
	v13 =	vadd.f32 v13, v35;
	v58 =	vmul.f32 $4.500000000e+00, v27  }
0x1c5: {  	v57 =	vld [tilespmem:s14+$0xA0D0];
	v56 =	vadd.f32 v24, v26;
	v22 =	vmul.f32 $4.500000000e+00, v22;
	v15 =	vadd.f32 v15, v17  }
0x1c6: {  	v14 =	vadd.f32 v14, v18;
	v23 =	vmul.f32 v50, v45;
	v19 =	vadd.f32 v58, v19  }
0x1c7: {  	v59 =	vld [tilespmem:s14+$0xA0E0];
	v17 =	vmul.f32 v53, v46;
	v12 =	vmul.f32 v15, v12;
	v15 =	vadd.f32 v22, v56  }
0x1c8: {  	s13 =	sadd.s32 $0x1, s13;
	v13 =	vnsel vm11, $0x0, v13;
	v61 =	vmul.f32 $3.000000000e+00, v23;
	v11 =	vmul.f32 v19, v11  }
0x1c9: {  	p1 =	sne.s32 s13, $0x20;
	v17 =	vmul.f32 $3.000000000e+00, v17;
	v12 =	vadd.f32 v12, v21;
	v15 =	vmul.f32 v15, v16  }
.Ltmp5:
0x1ca: {  	vm13 =	vlt.f32 v57, $-9.999999680e+37;
	v14 =	vnsel vm12, $0x0, v14;
	v9 =	vadd.f32 v13, v9;
	(pc) =	sbr.rel @p1 .LBB2_11-.Ltmp5, $4  }
0x1cb: {  	v11 =	vadd.f32 v11, v17;
	v12 =	vnsel vm13, $0x0, v12;
	v62 =	vadd.f32 v15, v61  }
0x1cc: {  	vm14 =	vlt.f32 v59, $-9.999999680e+37;
	v10 =	vadd.f32 v14, v10;
	v9 =	vadd.f32 v12, v9  }
0x1cd: {  	v11 =	vnsel vm15, $0x0, v11;
	v63 =	vnsel vm14, $0x0, v62  }
0x1ce: {  	v10 =	vadd.f32 v63, v10;
	v9 =	vadd.f32 v11, v9  }
0x1cf: {  	_ = 	snop  }
.Ltmp6:
0x1d0: {  	v6 =	vmul.f32 v10, v7;
	(pc) =	sbr.rel @p0 .LBB2_2-.Ltmp6, $3  }
0x1d1: {  	_ = 	snop  }
0x1d2: {  	v5 =	vmul.f32 v9, v5;
	v4 =	vadd.f32 v6, v4;
	_ =	sdelay $0x1  }
0x1d3: {  	s13 =	simm.s32 $0x2000;
	p1 =	por $0x0, $0x0;
	v4 =	vadd.f32 v5, v4  }
0x1d4: {  	s12 =	sadd.s32 $0x1, s12  }
0x1d5: {  	p0 =	sne.s32 s12, s6  }
.Ltmp7:
0x1d6: {  	[tilespmem:$0xE000] =	vst v4;
	(pc) =	sbr.rel @p0 .LBB2_1-.Ltmp7, $4  }
0x1d7: {  	[hbm4b:s5+s2] =	stream.linear.scatter [tilespmem:s11], [sflag:$0x1], $0x80, $0x38;
	[tilespmem:$0xE080] =	vst v63  }
0x1d8: {  	_ =	swait.ge [sflag:s7], $0x80  }
0x1d9: {  	[sflag:s7] =	ssyncset.done $0x0  }
0x1da: {  	[sflag:s7] =	ssyncadd.s32 $0xFFFFFF80  }
0x1db: {  	_ =	sfence.sel $0x180000  }
0x1dc: {  	[bflag:$0x0] =	sbarrier.arrive $0xFFFF  }
0x1dd: {  	p0 =	sne.s32 s1, $0x0;
	_ =	strace $0x90000047  }
0x1de: {  	s0 =	sadd.s32 @!p0 $0x100000, s0;
	[bflag:$0x2] =	sbarrier.arrive $0xFFFF  }
0x1df: {  	[sflag:s0] =	ssyncadd.tile.s32 @!p0 $0x1;
	_ =	shalt  }
.Lfunc_end2:
_tile_overlayer_lowered:
.L_overlay_start_2:
0x1e0: {  	(tag) =	ssettag $0x2  }
0x1e1: {  	s0 =	rddreg [dreg:$0x0];
	s2 =	stileid.u32  }
0x1e2: {  	s1 =	rddreg [dreg:$0x1];
	p0 =	sne.s32 s2, $0x0  }
0x1e3: {  	s3 =	rddreg [dreg:$0x2];
	[bflag:$0x3] =	sbarrier.arrive $0xFFFF;
	s2 =	simm.s32 @!p0 $0x1C01  }
0x1e4: {  	[timem:s3], [sflag:s2] =	dma.local @!p0 [hbm:s0], s1  }
0x1e5: {  	s0 =	simm.s32 @!p0 $0x1  }
0x1e6: {  	_ =	swait.ge @!p0 [sflag:s0], s1  }
0x1e7: {  	s1 =	ssub.s32 @!p0 $0x0, s1;
	[sflag:s0] =	ssyncset.done @!p0 $0x0  }
0x1e8: {  	[sflag:s0] =	ssyncadd.s32 @!p0 s1  }
0x1e9: {  	[bflag:$0x3] =	sbarrier.arrive $0xFFFF  }
0x1ea: {  	_ =	shalt  }

</sc_bundles>
